<compile_context>
chip_gen: v7x
topology: tpu7x:2x2x1
jax: 0.10.2.dev20260603
libtpu: 0.0.44.dev20260713+nightly
codegen_flags: <defaults>
</compile_context>

<pallas_src>
import jax
import jax.numpy as jnp
from jax import lax
from jax.experimental import pallas as pl
from jax.experimental.pallas import tpu as pltpu
from jax.experimental.pallas import tpu_sc as plsc

_NC = 2
_NS = 16
_NW = _NC * _NS
_CH = 64

_SLOPE = 0.2291666716337204
_EPS = 1e-12


def _round_up(x, m):
    return (x + m - 1) // m * m



def _normalize_body(x_ref, o_ref):
    x = x_ref[...]
    n = jnp.sqrt(jnp.sum(x * x, axis=1, keepdims=True))
    o_ref[...] = x / jnp.maximum(n, _EPS)


def _lstm_body(rp_ref, cp_ref, er_ref, wi_ref, wh_ref, b_ref, h0_ref):
    rel_sum = rp_ref[0] + rp_ref[1]
    cnt = cp_ref[...]
    x_input = rel_sum / jnp.maximum(cnt, 1.0)
    er = er_ref[...]
    inp = jnp.concatenate([er, x_input], axis=1)
    dn = (((1,), (1,)), ((), ()))
    gates = (lax.dot_general(inp, wi_ref[...], dn, preferred_element_type=jnp.float32)
             + lax.dot_general(er, wh_ref[...], dn, preferred_element_type=jnp.float32)
             + b_ref[...])
    H = er.shape[1]
    i_g = jax.nn.sigmoid(gates[:, 0:H])
    f_g = jax.nn.sigmoid(gates[:, H:2 * H])
    g_g = jnp.tanh(gates[:, 2 * H:3 * H])
    o_g = jax.nn.sigmoid(gates[:, 3 * H:4 * H])
    c0 = f_g * x_input + i_g * g_g
    h0 = o_g * jnp.tanh(c0)
    n = jnp.sqrt(jnp.sum(h0 * h0, axis=1, keepdims=True))
    h0_ref[...] = h0 / jnp.maximum(n, _EPS)


def _final_body(da_ref, deg_ref, h_ref, nw_ref, lw_ref,
                wgi_ref, wgh_ref, bgi_ref, bgh_ref, o_ref):
    s = da_ref[0] + da_ref[1]
    deg = deg_ref[...]
    hb = h_ref[...]
    agg = jnp.dot(s, nw_ref[...], preferred_element_type=jnp.float32)
    agg = agg / jnp.maximum(deg, 1.0)
    out = agg + jnp.dot(hb, lw_ref[...], preferred_element_type=jnp.float32)
    out = jnp.where(out >= 0, out, _SLOPE * out)
    n = jnp.sqrt(jnp.sum(out * out, axis=1, keepdims=True))
    cur = out / jnp.maximum(n, _EPS)
    dn = (((1,), (1,)), ((), ()))
    gi = lax.dot_general(cur, wgi_ref[...], dn, preferred_element_type=jnp.float32) + bgi_ref[...]
    gh = lax.dot_general(hb, wgh_ref[...], dn, preferred_element_type=jnp.float32) + bgh_ref[...]
    H = hb.shape[1]
    r = jax.nn.sigmoid(gi[:, 0:H] + gh[:, 0:H])
    z = jax.nn.sigmoid(gi[:, H:2 * H] + gh[:, H:2 * H])
    nn = jnp.tanh(gi[:, 2 * H:3 * H] + r * gh[:, 2 * H:3 * H])
    o_ref[...] = (1.0 - z) * nn + z * hb



def _zero_vmem_rows(buf, nrows, ncols):
    zv = jnp.zeros((16,), jnp.float32)

    def zrow(i, carry):
        for j in range(ncols // 16):
            buf[i, pl.ds(j * 16, 16)] = zv
        return carry

    lax.fori_loop(0, nrows, zrow, 0)


def _drain(src_ref, dst_ref, sem):
    pltpu.make_async_copy(src_ref, dst_ref, sem).wait()


def _spmem_stripe_copy(vbuf, acc, base, nrows, to_spmem):
    full, tail = nrows // _CH, nrows % _CH

    def piece(i, carry):
        dst = acc.at[pl.ds(base + i * _CH, _CH)]
        if to_spmem:
            pltpu.sync_copy(vbuf, dst)
        else:
            pltpu.sync_copy(dst, vbuf)
        return carry

    lax.fori_loop(0, full, piece, 0)
    if tail:
        dst = acc.at[pl.ds(base + full * _CH, tail)]
        if to_spmem:
            pltpu.sync_copy(vbuf.at[pl.ds(0, tail)], dst)
        else:
            pltpu.sync_copy(dst, vbuf.at[pl.ds(0, tail)])



def _make_pass1(N, H, NP, RP, CPW0, CPW1):
    mesh = plsc.VectorSubcoreMesh(core_axis_name="c", subcore_axis_name="s",
                                  num_cores=_NC, num_subcores=_NS)
    out_type = (
        jax.ShapeDtypeStruct((_NC, RP, H), jnp.float32),
        jax.ShapeDtypeStruct((_NC * RP,), jnp.float32),
        jax.ShapeDtypeStruct((_NC * NP,), jnp.float32),
    )
    rd = NP // _NS
    rr = RP // _NS
    scratch = [
        pltpu.VMEM((2, 3, _CH), jnp.int32),
        pltpu.VMEM((_CH, H), jnp.float32),
        pltpu.VMEM((_CH,), jnp.float32),
        pltpu.VMEM((_CH,), jnp.float32),
        pltpu.SemaphoreType.DMA,
        pltpu.SemaphoreType.DMA,
        pltpu.SemaphoreType.DMA,
        pltpu.SemaphoreType.DMA,
        pltpu.VMEM_SHARED((RP, H), jnp.float32),
        pltpu.VMEM_SHARED((RP,), jnp.float32),
        pltpu.VMEM_SHARED((NP,), jnp.float32),
    ]

    def body(h_hbm, e3_hbm, ones_hbm, z1_hbm,
             o_rel, o_cnt, o_deg,
             b3, rows, ones_v, zc,
             si0, si1, sg, ss, rel_acc, cnt_acc, deg_acc):
        cid = lax.axis_index("c")
        sid = lax.axis_index("s")
        wid = cid * _NS + sid
        si = (si0, si1)
        pltpu.sync_copy(ones_hbm, ones_v)
        pltpu.sync_copy(z1_hbm, zc)
        _zero_vmem_rows(rows, _CH, H)

        _spmem_stripe_copy(rows, rel_acc, sid * rr, rr, True)
        pltpu.sync_copy(zc.at[pl.ds(0, rr)], cnt_acc.at[pl.ds(sid * rr, rr)])
        full, tail = rd // _CH, rd % _CH

        def zpiece(i, carry):
            pltpu.sync_copy(zc, deg_acc.at[pl.ds(sid * rd + i * _CH, _CH)])
            return carry

        lax.fori_loop(0, full, zpiece, 0)
        if tail:
            pltpu.sync_copy(zc.at[pl.ds(0, tail)],
                            deg_acc.at[pl.ds(sid * rd + full * _CH, tail)])
        plsc.subcore_barrier()

        base = jnp.where(cid == 0, sid * CPW0, _NS * CPW0 + sid * CPW1)
        my_g = jnp.where(cid == 0, CPW0 // 2, CPW1 // 2)
        pltpu.async_copy(e3_hbm.at[base], b3.at[0], si[0])
        pltpu.async_copy(e3_hbm.at[base + 1], b3.at[1], si[1])

        def gstep(g, carry):
            for b in (0, 1):
                i = 2 * g + b
                c = base + i
                _drain(e3_hbm.at[0], b3.at[b], si[b])
                ca = pltpu.async_copy(h_hbm.at[b3.at[b, 0]], rows, sg)
                ca.wait()
                c1 = pltpu.async_copy(rows, rel_acc.at[b3.at[b, 2]], ss, add=True)
                c2 = pltpu.async_copy(ones_v, cnt_acc.at[b3.at[b, 2]], ss, add=True)
                c3 = pltpu.async_copy(ones_v, deg_acc.at[b3.at[b, 1]], ss, add=True)
                c1.wait()
                c2.wait()
                c3.wait()
                pltpu.async_copy(e3_hbm.at[c + 2], b3.at[b], si[b])
            return carry

        lax.fori_loop(0, my_g, gstep, 0)
        _drain(e3_hbm.at[0], b3.at[0], si[0])
        _drain(e3_hbm.at[0], b3.at[1], si[1])
        plsc.subcore_barrier()
        _spmem_stripe_copy(rows, rel_acc, sid * rr, rr, False)
        pltpu.sync_copy(rows.at[pl.ds(0, rr)], o_rel.at[cid, pl.ds(sid * rr, rr)])
        pltpu.sync_copy(cnt_acc.at[pl.ds(sid * rr, rr)], zc.at[pl.ds(0, rr)])
        pltpu.sync_copy(zc.at[pl.ds(0, rr)], o_cnt.at[pl.ds(cid * RP + sid * rr, rr)])

        def dpiece(i, carry):
            pltpu.sync_copy(deg_acc.at[pl.ds(sid * rd + i * _CH, _CH)], zc)
            pltpu.sync_copy(zc, o_deg.at[pl.ds(cid * NP + sid * rd + i * _CH, _CH)])
            return carry

        lax.fori_loop(0, full, dpiece, 0)
        if tail:
            pltpu.sync_copy(deg_acc.at[pl.ds(sid * rd + full * _CH, tail)],
                            zc.at[pl.ds(0, tail)])
            pltpu.sync_copy(zc.at[pl.ds(0, tail)],
                            o_deg.at[pl.ds(cid * NP + sid * rd + full * _CH, tail)])

    return pl.kernel(body, out_type=out_type, mesh=mesh, scratch_types=scratch)


def _make_pass2(N, H, NP, RP, CPW0, CPW1):
    mesh = plsc.VectorSubcoreMesh(core_axis_name="c", subcore_axis_name="s",
                                  num_cores=_NC, num_subcores=_NS)
    out_type = jax.ShapeDtypeStruct((_NC, NP, H), jnp.float32)
    rd = NP // _NS
    scratch = [
        pltpu.VMEM((2, 3, _CH), jnp.int32),
        pltpu.VMEM((2, _CH, H), jnp.float32),
        pltpu.VMEM((2, _CH, H), jnp.float32),
        pltpu.SemaphoreType.DMA,
        pltpu.SemaphoreType.DMA,
        pltpu.SemaphoreType.DMA,
        pltpu.SemaphoreType.DMA,
        pltpu.SemaphoreType.DMA,
        pltpu.SemaphoreType.DMA,
        pltpu.SemaphoreType.DMA,
        pltpu.VMEM_SHARED((NP, H), jnp.float32),
    ]

    def body(h_hbm, h0_hbm, e3_hbm, o_dst,
             b3, rows_a, rows_b, si0, si1, sa0, sa1, sb0, sb1, ss, dst_acc):
        cid = lax.axis_index("c")
        sid = lax.axis_index("s")
        wid = cid * _NS + sid
        si = (si0, si1)
        sa = (sa0, sa1)
        sb = (sb0, sb1)
        zv = jnp.zeros((16,), jnp.float32)

        def zrow(i, carry):
            for j in range(H // 16):
                rows_a[0, i, pl.ds(j * 16, 16)] = zv
            return carry

        lax.fori_loop(0, _CH, zrow, 0)
        _spmem_stripe_copy(rows_a.at[0], dst_acc, sid * rd, rd, True)
        plsc.subcore_barrier()

        base = jnp.where(cid == 0, sid * CPW0, _NS * CPW0 + sid * CPW1)
        my_g = jnp.where(cid == 0, CPW0 // 2, CPW1 // 2)
        pltpu.async_copy(e3_hbm.at[base], b3.at[0], si[0])
        pltpu.async_copy(e3_hbm.at[base + 1], b3.at[1], si[1])
        _drain(e3_hbm.at[0], b3.at[0], si[0])
        pltpu.async_copy(h_hbm.at[b3.at[0, 0]], rows_a.at[0], sa[0])
        pltpu.async_copy(h0_hbm.at[b3.at[0, 2]], rows_b.at[0], sb[0])

        def gstep(g, carry):
            for b in (0, 1):
                o = 1 - b
                i = 2 * g + b
                c = base + i
                _drain(h_hbm.at[b3.at[b, 0]], rows_a.at[b], sa[b])
                _drain(h0_hbm.at[b3.at[b, 2]], rows_b.at[b], sb[b])
                _drain(e3_hbm.at[0], b3.at[o], si[o])
                pltpu.async_copy(h_hbm.at[b3.at[o, 0]], rows_a.at[o], sa[o])
                pltpu.async_copy(h0_hbm.at[b3.at[o, 2]], rows_b.at[o], sb[o])
                c1 = pltpu.async_copy(rows_a.at[b], dst_acc.at[b3.at[b, 1]], ss, add=True)
                c2 = pltpu.async_copy(rows_b.at[b], dst_acc.at[b3.at[b, 1]], ss, add=True)
                c1.wait()
                c2.wait()
                pltpu.async_copy(e3_hbm.at[c + 2], b3.at[b], si[b])
            return carry

        lax.fori_loop(0, my_g, gstep, 0)
        _drain(h_hbm.at[b3.at[0, 0]], rows_a.at[0], sa[0])
        _drain(h0_hbm.at[b3.at[0, 2]], rows_b.at[0], sb[0])
        _drain(e3_hbm.at[0], b3.at[1], si[1])
        plsc.subcore_barrier()

        full, tail = rd // _CH, rd % _CH

        def dpiece(i, carry):
            pltpu.sync_copy(dst_acc.at[pl.ds(sid * rd + i * _CH, _CH)], rows_a.at[0])
            pltpu.sync_copy(rows_a.at[0], o_dst.at[cid, pl.ds(sid * rd + i * _CH, _CH)])
            return carry

        lax.fori_loop(0, full, dpiece, 0)
        if tail:
            pltpu.sync_copy(dst_acc.at[pl.ds(sid * rd + full * _CH, tail)],
                            rows_a.at[0, pl.ds(0, tail)])
            pltpu.sync_copy(rows_a.at[0, pl.ds(0, tail)],
                            o_dst.at[cid, pl.ds(sid * rd + full * _CH, tail)])

    return pl.kernel(body, out_type=out_type, mesh=mesh, scratch_types=scratch)



def kernel(edge_index, edge_type, dynamic_emb, emb_rel, W_lstm_i, W_lstm_h,
           b_lstm, neigh_w, loop_w, W_gru_i, W_gru_h, b_gru_i, b_gru_h):
    N, H = dynamic_emb.shape
    R2 = emb_rel.shape[0]
    E = edge_type.shape[0]

    NP = _round_up(N + 1, _NS * 8)
    RP = _round_up(R2 + 1, _NS * 8)
    CT = -(-E // _CH)
    CPW0 = 2 * (int(CT * 0.643) // (2 * _NS))
    CPW1 = 2 * (-(-(CT - _NS * CPW0) // (2 * _NS)))
    C = _NS * (CPW0 + CPW1)
    E_pad = C * _CH
    pad = E_pad - E

    src = edge_index[0].astype(jnp.int32)
    dst = edge_index[1].astype(jnp.int32)
    et = edge_type.astype(jnp.int32)
    src2 = jnp.concatenate([src, jnp.zeros((pad,), jnp.int32)]).reshape(C, _CH)
    dst2 = jnp.concatenate([dst, jnp.full((pad,), N, jnp.int32)]).reshape(C, _CH)
    et2 = jnp.concatenate([et, jnp.full((pad,), R2, jnp.int32)]).reshape(C, _CH)
    e3 = jnp.stack([src2, dst2, et2], axis=1)
    e3 = jnp.concatenate(
        [e3, jnp.broadcast_to(
            jnp.array([[0], [N], [R2]], jnp.int32)[None], (2, 3, _CH))], axis=0)

    h = pl.pallas_call(
        _normalize_body,
        out_shape=jax.ShapeDtypeStruct((N, H), jnp.float32),
    )(dynamic_emb)

    pass1 = _make_pass1(N, H, NP, RP, CPW0, CPW1)
    ones1 = jnp.ones((_CH,), jnp.float32)
    zeros1 = jnp.zeros((_CH,), jnp.float32)
    o_rel, o_cnt, o_deg = pass1(h, e3, ones1, zeros1)
    cnt2 = o_cnt.reshape(_NC, RP).sum(axis=0)[:, None]
    deg2 = o_deg.reshape(_NC, NP).sum(axis=0)[:N, None]

    er_p = jnp.pad(emb_rel, ((0, RP - R2), (0, 0)))
    h0 = pl.pallas_call(
        _lstm_body,
        out_shape=jax.ShapeDtypeStruct((RP, H), jnp.float32),
    )(o_rel, cnt2, er_p, W_lstm_i, W_lstm_h, b_lstm.reshape(1, 4 * H))

    pass2 = _make_pass2(N, H, NP, RP, CPW0, CPW1)
    o_dst = pass2(h, h0, e3)

    BN = 2000
    grid = N // BN
    h_new = pl.pallas_call(
        _final_body,
        grid=(grid,),
        in_specs=[
            pl.BlockSpec((_NC, BN, H), lambda i: (0, i, 0)),
            pl.BlockSpec((BN, 1), lambda i: (i, 0)),
            pl.BlockSpec((BN, H), lambda i: (i, 0)),
            pl.BlockSpec((H, H), lambda i: (0, 0)),
            pl.BlockSpec((H, H), lambda i: (0, 0)),
            pl.BlockSpec((3 * H, H), lambda i: (0, 0)),
            pl.BlockSpec((3 * H, H), lambda i: (0, 0)),
            pl.BlockSpec((1, 3 * H), lambda i: (0, 0)),
            pl.BlockSpec((1, 3 * H), lambda i: (0, 0)),
        ],
        out_specs=pl.BlockSpec((BN, H), lambda i: (i, 0)),
        out_shape=jax.ShapeDtypeStruct((N, H), jnp.float32),
    )(o_dst, deg2, h, neigh_w, loop_w, W_gru_i, W_gru_h,
      b_gru_i.reshape(1, 3 * H), b_gru_h.reshape(1, 3 * H))

    return h_new

# --- scband reference (transcript-rebuilt; emitter-appended) ---
"""Pipeline reference for scband-recurrent-rgcn-1142461300899 (READ-ONLY COPY).

The authoritative reference and input builder live on the scoring server;
editing this copy changes nothing except your own understanding.
"""

import jax, jax.numpy as jnp
import numpy as np

N = 10000
E = 320000
H = 128
R2 = 460  # num_rels * 2


def _normalize(x):
    n = jnp.linalg.norm(x, axis=-1, keepdims=True)
    return x / jnp.maximum(n, 1e-12)


def setup_inputs(seed: int = 0) -> dict:
    key = jax.random.key(seed)
    ks = jax.random.split(key, 13)
    edge_index = jax.random.randint(ks[0], (2, E), 0, N)
    edge_type = jax.random.randint(ks[1], (E,), 0, R2)
    dynamic_emb = jax.random.normal(ks[2], (N, H), dtype=jnp.float32)
    emb_rel = jax.random.normal(ks[3], (R2, H), dtype=jnp.float32) * 0.05
    W_lstm_i = jax.random.normal(ks[4], (4 * H, 2 * H), dtype=jnp.float32) * 0.05
    W_lstm_h = jax.random.normal(ks[5], (4 * H, H), dtype=jnp.float32) * 0.05
    b_lstm = jnp.zeros((4 * H,), dtype=jnp.float32)
    neigh_w = jax.random.normal(ks[6], (H, H), dtype=jnp.float32) * 0.05
    loop_w = jax.random.normal(ks[7], (H, H), dtype=jnp.float32) * 0.05
    W_gru_i = jax.random.normal(ks[8], (3 * H, H), dtype=jnp.float32) * 0.05
    W_gru_h = jax.random.normal(ks[9], (3 * H, H), dtype=jnp.float32) * 0.05
    b_gru_i = jnp.zeros((3 * H,), dtype=jnp.float32)
    b_gru_h = jnp.zeros((3 * H,), dtype=jnp.float32)
    return {
        'edge_index': edge_index,
        'edge_type': edge_type,
        'dynamic_emb': dynamic_emb,
        'emb_rel': emb_rel,
        'W_lstm_i': W_lstm_i,
        'W_lstm_h': W_lstm_h,
        'b_lstm': b_lstm,
        'neigh_w': neigh_w,
        'loop_w': loop_w,
        'W_gru_i': W_gru_i,
        'W_gru_h': W_gru_h,
        'b_gru_i': b_gru_i,
        'b_gru_h': b_gru_h,
    }


def reference(edge_index, edge_type, dynamic_emb, emb_rel, W_lstm_i, W_lstm_h,
              b_lstm, neigh_w, loop_w, W_gru_i, W_gru_h, b_gru_i, b_gru_h):
    # h = F.normalize(dynamic_emb)  (layer_norm=True path)
    h = _normalize(dynamic_emb)
    src = edge_index[0]
    dst = edge_index[1]

    # x_input: per-relation mean of incident entity embeddings (r_to_e / r_len spans)
    ones_e = jnp.ones((E,), dtype=h.dtype)
    rel_sums = jax.ops.segment_sum(h[src], edge_type, num_segments=R2)
    rel_cnt = jax.ops.segment_sum(ones_e, edge_type, num_segments=R2)
    x_input = rel_sums / jnp.maximum(rel_cnt, 1.0)[:, None]

    # relation LSTM cell: (h0, c0) = LSTMCell(cat(emb_rel, x_input), (emb_rel, x_input))
    inp = jnp.concatenate([emb_rel, x_input], axis=1)
    gates = inp @ W_lstm_i.T + emb_rel @ W_lstm_h.T + b_lstm
    i_g, f_g, g_g, o_g = jnp.split(gates, 4, axis=1)
    i_g = jax.nn.sigmoid(i_g)
    f_g = jax.nn.sigmoid(f_g)
    g_g = jnp.tanh(g_g)
    o_g = jax.nn.sigmoid(o_g)
    c0 = f_g * x_input + i_g * g_g
    h0 = o_g * jnp.tanh(c0)
    h0 = _normalize(h0)

    # UnionRGCNLayer: msg = (h[src] + rel_emb[edge_type]) @ W, mean-aggregated by dst, + self loop
    msg = (h[src] + h0[edge_type]) @ neigh_w
    agg = jax.ops.segment_sum(msg, dst, num_segments=N)
    deg = jax.ops.segment_sum(ones_e, dst, num_segments=N)
    agg = agg / jnp.maximum(deg, 1.0)[:, None]
    out = agg + h @ loop_w
    # rrelu in eval mode == leaky_relu with slope (lower+upper)/2 = (1/8 + 1/3)/2
    out = jnp.where(out >= 0, out, 0.2291666716337204 * out)
    cur_h = _normalize(out)

    # entity GRU cell: h_new = GRUCell(cur_h, h)
    gi = cur_h @ W_gru_i.T + b_gru_i
    gh = h @ W_gru_h.T + b_gru_h
    i_r, i_z, i_n = jnp.split(gi, 3, axis=1)
    h_r, h_z, h_n = jnp.split(gh, 3, axis=1)
    r = jax.nn.sigmoid(i_r + h_r)
    z = jax.nn.sigmoid(i_z + h_z)
    n = jnp.tanh(i_n + r * h_n)
    h_new = (1.0 - z) * n + z * h
    return h_new

if __name__ == "__main__":
    import jax
    _d = setup_inputs()
    print(jax.jit(kernel)(*tuple(_d.values())))

</pallas_src>

<mosaic_0001>
#map = affine_map<(d0, d1) -> (0, 0)>
#map1 = affine_map<(d0, d1) -> (0, 0, 0)>
#map2 = affine_map<(d0, d1) -> (0)>
module attributes {stable_mosaic.version = 14 : i64} {
  func.func @body(%arg0: i32, %arg1: i32, %arg2: memref<10000x128xf32, #tpu.memory_space<hbm>>, %arg3: memref<5026x3x64xi32, #tpu.memory_space<hbm>>, %arg4: memref<64xf32, #tpu.memory_space<hbm>>, %arg5: memref<64xf32, #tpu.memory_space<hbm>>, %arg6: memref<2x512x128xf32, #tpu.memory_space<hbm>>, %arg7: memref<1024xf32, #tpu.memory_space<hbm>>, %arg8: memref<20224xf32, #tpu.memory_space<hbm>>, %arg9: memref<2x3x64xi32, #tpu.memory_space<vmem>>, %arg10: memref<64x128xf32, #tpu.memory_space<vmem>>, %arg11: memref<64xf32, #tpu.memory_space<vmem>>, %arg12: memref<64xf32, #tpu.memory_space<vmem>>, %arg13: memref<!tpu.dma_semaphore, #tpu.memory_space<semaphore_mem>>, %arg14: memref<!tpu.dma_semaphore, #tpu.memory_space<semaphore_mem>>, %arg15: memref<!tpu.dma_semaphore, #tpu.memory_space<semaphore_mem>>, %arg16: memref<!tpu.dma_semaphore, #tpu.memory_space<semaphore_mem>>, %arg17: memref<512x128xf32, #tpu.memory_space<vmem_shared>>, %arg18: memref<512xf32, #tpu.memory_space<vmem_shared>>, %arg19: memref<10112xf32, #tpu.memory_space<vmem_shared>>) attributes {dimension_semantics = [#tpu.dimension_semantics<core_parallel>, #tpu.dimension_semantics<subcore_parallel>], iteration_bounds = array<i64: 2, 16>, scalar_prefetch = 0 : i64, scratch_operands = 11 : i64, tpu.core_type = #tpu.core_type<sc_vector_subcore>, window_params = [{transform_indices = #map}, {transform_indices = #map1}, {transform_indices = #map2}, {transform_indices = #map2}, {transform_indices = #map1}, {transform_indices = #map2}, {transform_indices = #map2}]} {
    %mul3A = arith.constant 16 : i32
    %mul3A_0 = arith.muli %arg0, %mul3A : i32
    %add3A = arith.addi %mul3A_0, %arg1 : i32
    "tpu.region"() ({
      %run_scoped3A = tpu.sem_alloc : memref<!tpu.dma_semaphore, #tpu.memory_space<semaphore_mem>>
      tpu.enqueue_dma source(%arg4 : memref<64xf32, #tpu.memory_space<hbm>>) target(%arg11 : memref<64xf32, #tpu.memory_space<vmem>>) target_semaphore(%run_scoped3A : memref<!tpu.dma_semaphore, #tpu.memory_space<semaphore_mem>>)
      tpu.wait_dma2 semaphore(%run_scoped3A : memref<!tpu.dma_semaphore, #tpu.memory_space<semaphore_mem>>) src(%arg4 : memref<64xf32, #tpu.memory_space<hbm>>) dst(%arg11 : memref<64xf32, #tpu.memory_space<vmem>>)
      tpu.yield
    }) : () -> ()
    "tpu.region"() ({
      %run_scoped3A = tpu.sem_alloc : memref<!tpu.dma_semaphore, #tpu.memory_space<semaphore_mem>>
      tpu.enqueue_dma source(%arg5 : memref<64xf32, #tpu.memory_space<hbm>>) target(%arg12 : memref<64xf32, #tpu.memory_space<vmem>>) target_semaphore(%run_scoped3A : memref<!tpu.dma_semaphore, #tpu.memory_space<semaphore_mem>>)
      tpu.wait_dma2 semaphore(%run_scoped3A : memref<!tpu.dma_semaphore, #tpu.memory_space<semaphore_mem>>) src(%arg5 : memref<64xf32, #tpu.memory_space<hbm>>) dst(%arg12 : memref<64xf32, #tpu.memory_space<vmem>>)
      tpu.yield
    }) : () -> ()
    %broadcast_in_dim3A = arith.constant 0.000000e+00 : f32
    %broadcast_in_dim3A_1 = vector.broadcast %broadcast_in_dim3A : f32 to vector<16xf32>
    %scan3A = arith.constant 0 : i32
    %scan3A_2 = arith.constant 0 : i32
    %scan3A_3 = arith.constant 64 : i32
    %scan3A_4 = arith.addi %scan3A_2, %scan3A_3 : i32
    %scan3A_5 = arith.constant 1 : i32
    scf.for %scan3A_154 = %scan3A_2 to %scan3A_4 step %scan3A_5  : i32 {
      %swap3A = arith.index_cast %scan3A_154 : i32 to index
      %swap3A_155 = arith.constant 0 : index
      %swap3A_156 = tpu.vector_load %arg10[%swap3A, %swap3A_155] {strides = array<i32>} : memref<64x128xf32, #tpu.memory_space<vmem>>, vector<1x16xf32>,
      %swap3A_157 = vector.shape_cast %swap3A_156 : vector<1x16xf32> to vector<16xf32>
      %swap3A_158 = vector.shape_cast %broadcast_in_dim3A_1 : vector<16xf32> to vector<1x16xf32>
      tpu.vector_store %arg10[%swap3A, %swap3A_155], %swap3A_158 {strides = array<i32>} : memref<64x128xf32, #tpu.memory_space<vmem>>, vector<1x16xf32>,
      %swap3A_159 = arith.index_cast %scan3A_154 : i32 to index
      %swap3A_160 = arith.constant 16 : index
      %swap3A_161 = tpu.vector_load %arg10[%swap3A_159, %swap3A_160] {strides = array<i32>} : memref<64x128xf32, #tpu.memory_space<vmem>>, vector<1x16xf32>,
      %swap3A_162 = vector.shape_cast %swap3A_161 : vector<1x16xf32> to vector<16xf32>
      %swap3A_163 = vector.shape_cast %broadcast_in_dim3A_1 : vector<16xf32> to vector<1x16xf32>
      tpu.vector_store %arg10[%swap3A_159, %swap3A_160], %swap3A_163 {strides = array<i32>} : memref<64x128xf32, #tpu.memory_space<vmem>>, vector<1x16xf32>,
      %swap3A_164 = arith.index_cast %scan3A_154 : i32 to index
      %swap3A_165 = arith.constant 32 : index
      %swap3A_166 = tpu.vector_load %arg10[%swap3A_164, %swap3A_165] {strides = array<i32>} : memref<64x128xf32, #tpu.memory_space<vmem>>, vector<1x16xf32>,
      %swap3A_167 = vector.shape_cast %swap3A_166 : vector<1x16xf32> to vector<16xf32>
      %swap3A_168 = vector.shape_cast %broadcast_in_dim3A_1 : vector<16xf32> to vector<1x16xf32>
      tpu.vector_store %arg10[%swap3A_164, %swap3A_165], %swap3A_168 {strides = array<i32>} : memref<64x128xf32, #tpu.memory_space<vmem>>, vector<1x16xf32>,
      %swap3A_169 = arith.index_cast %scan3A_154 : i32 to index
      %swap3A_170 = arith.constant 48 : index
      %swap3A_171 = tpu.vector_load %arg10[%swap3A_169, %swap3A_170] {strides = array<i32>} : memref<64x128xf32, #tpu.memory_space<vmem>>, vector<1x16xf32>,
      %swap3A_172 = vector.shape_cast %swap3A_171 : vector<1x16xf32> to vector<16xf32>
      %swap3A_173 = vector.shape_cast %broadcast_in_dim3A_1 : vector<16xf32> to vector<1x16xf32>
      tpu.vector_store %arg10[%swap3A_169, %swap3A_170], %swap3A_173 {strides = array<i32>} : memref<64x128xf32, #tpu.memory_space<vmem>>, vector<1x16xf32>,
      %swap3A_174 = arith.index_cast %scan3A_154 : i32 to index
      %swap3A_175 = arith.constant 64 : index
      %swap3A_176 = tpu.vector_load %arg10[%swap3A_174, %swap3A_175] {strides = array<i32>} : memref<64x128xf32, #tpu.memory_space<vmem>>, vector<1x16xf32>,
      %swap3A_177 = vector.shape_cast %swap3A_176 : vector<1x16xf32> to vector<16xf32>
      %swap3A_178 = vector.shape_cast %broadcast_in_dim3A_1 : vector<16xf32> to vector<1x16xf32>
      tpu.vector_store %arg10[%swap3A_174, %swap3A_175], %swap3A_178 {strides = array<i32>} : memref<64x128xf32, #tpu.memory_space<vmem>>, vector<1x16xf32>,
      %swap3A_179 = arith.index_cast %scan3A_154 : i32 to index
      %swap3A_180 = arith.constant 80 : index
      %swap3A_181 = tpu.vector_load %arg10[%swap3A_179, %swap3A_180] {strides = array<i32>} : memref<64x128xf32, #tpu.memory_space<vmem>>, vector<1x16xf32>,
      %swap3A_182 = vector.shape_cast %swap3A_181 : vector<1x16xf32> to vector<16xf32>
      %swap3A_183 = vector.shape_cast %broadcast_in_dim3A_1 : vector<16xf32> to vector<1x16xf32>
      tpu.vector_store %arg10[%swap3A_179, %swap3A_180], %swap3A_183 {strides = array<i32>} : memref<64x128xf32, #tpu.memory_space<vmem>>, vector<1x16xf32>,
      %swap3A_184 = arith.index_cast %scan3A_154 : i32 to index
      %swap3A_185 = arith.constant 96 : index
      %swap3A_186 = tpu.vector_load %arg10[%swap3A_184, %swap3A_185] {strides = array<i32>} : memref<64x128xf32, #tpu.memory_space<vmem>>, vector<1x16xf32>,
      %swap3A_187 = vector.shape_cast %swap3A_186 : vector<1x16xf32> to vector<16xf32>
      %swap3A_188 = vector.shape_cast %broadcast_in_dim3A_1 : vector<16xf32> to vector<1x16xf32>
      tpu.vector_store %arg10[%swap3A_184, %swap3A_185], %swap3A_188 {strides = array<i32>} : memref<64x128xf32, #tpu.memory_space<vmem>>, vector<1x16xf32>,
      %swap3A_189 = arith.index_cast %scan3A_154 : i32 to index
      %swap3A_190 = arith.constant 112 : index
      %swap3A_191 = tpu.vector_load %arg10[%swap3A_189, %swap3A_190] {strides = array<i32>} : memref<64x128xf32, #tpu.memory_space<vmem>>, vector<1x16xf32>,
      %swap3A_192 = vector.shape_cast %swap3A_191 : vector<1x16xf32> to vector<16xf32>
      %swap3A_193 = vector.shape_cast %broadcast_in_dim3A_1 : vector<16xf32> to vector<1x16xf32>
      tpu.vector_store %arg10[%swap3A_189, %swap3A_190], %swap3A_193 {strides = array<i32>} : memref<64x128xf32, #tpu.memory_space<vmem>>, vector<1x16xf32>,
    }
    %scan3A_6 = arith.constant 64 : i32
    %mul3A_7 = arith.constant 32 : i32
    %mul3A_8 = arith.muli %arg1, %mul3A_7 : i32
    %scan3A_9 = arith.constant 0 : i32
    %scan3A_10 = arith.constant 0 : i32
    %scan3A_11 = arith.constant 0 : i32
    %scan3A_12 = arith.addi %scan3A_10, %scan3A_11 : i32
    %scan3A_13 = arith.constant 0 : i32
    %add3A_14 = arith.constant 0 : i32
    %add3A_15 = arith.addi %mul3A_8, %add3A_14 : i32
    "tpu.region"() ({
      %run_scoped3A = tpu.sem_alloc : memref<!tpu.dma_semaphore, #tpu.memory_space<semaphore_mem>>
      %dma_start3A_154 = arith.constant 0 : i32
      %dma_start3A_155 = arith.constant 0 : i32
      %dma_start3A_156 = tpu.memref_slice %arg10[%dma_start3A_154, %dma_start3A_155] : memref<64x128xf32, #tpu.memory_space<vmem>> -> memref<32x128xf32, #tpu.memory_space<vmem>>
      %dma_start3A_157 = arith.constant 0 : i32
      %dma_start3A_158 = tpu.memref_slice %arg17[%add3A_15, %dma_start3A_157] : memref<512x128xf32, #tpu.memory_space<vmem_shared>> -> memref<32x128xf32, #tpu.memory_space<vmem_shared>>
      %dma_start3A_159 = arith.constant 0 : i32
      %dma_start3A_160 = tpu.memref_slice %arg17[%add3A_15, %dma_start3A_159] : memref<512x128xf32, #tpu.memory_space<vmem_shared>> -> memref<32x128xf32, #tpu.memory_space<vmem_shared>>
      %dma_start3A_161 = arith.constant 0 : i32
      %dma_start3A_162 = arith.constant 0 : i32
      %dma_start3A_163 = tpu.memref_slice %arg10[%dma_start3A_161, %dma_start3A_162] : memref<64x128xf32, #tpu.memory_space<vmem>> -> memref<32x128xf32, #tpu.memory_space<vmem>>
      tpu.enqueue_dma source(%dma_start3A_163 : memref<32x128xf32, #tpu.memory_space<vmem>>) target(%dma_start3A_160 : memref<32x128xf32, #tpu.memory_space<vmem_shared>>) target_semaphore(%run_scoped3A : memref<!tpu.dma_semaphore, #tpu.memory_space<semaphore_mem>>)
      %dma_wait3A_164 = arith.constant 0 : i32
      %dma_wait3A_165 = arith.constant 0 : i32
      %dma_wait3A_166 = tpu.memref_slice %arg10[%dma_wait3A_164, %dma_wait3A_165] : memref<64x128xf32, #tpu.memory_space<vmem>> -> memref<32x128xf32, #tpu.memory_space<vmem>>
      %dma_wait3A_167 = arith.constant 0 : i32
      %dma_wait3A_168 = tpu.memref_slice %arg17[%add3A_15, %dma_wait3A_167] : memref<512x128xf32, #tpu.memory_space<vmem_shared>> -> memref<32x128xf32, #tpu.memory_space<vmem_shared>>
      %dma_wait3A_169 = arith.constant 0 : i32
      %dma_wait3A_170 = tpu.memref_slice %arg17[%add3A_15, %dma_wait3A_169] : memref<512x128xf32, #tpu.memory_space<vmem_shared>> -> memref<32x128xf32, #tpu.memory_space<vmem_shared>>
      %dma_wait3A_171 = arith.constant 0 : i32
      %dma_wait3A_172 = arith.constant 0 : i32
      %dma_wait3A_173 = tpu.memref_slice %arg10[%dma_wait3A_171, %dma_wait3A_172] : memref<64x128xf32, #tpu.memory_space<vmem>> -> memref<32x128xf32, #tpu.memory_space<vmem>>
      tpu.wait_dma2 semaphore(%run_scoped3A : memref<!tpu.dma_semaphore, #tpu.memory_space<semaphore_mem>>) src(%dma_wait3A_173 : memref<32x128xf32, #tpu.memory_space<vmem>>) dst(%dma_wait3A_170 : memref<32x128xf32, #tpu.memory_space<vmem_shared>>)
      tpu.yield
    }) : () -> ()
    %mul3A_16 = arith.constant 32 : i32
    %mul3A_17 = arith.muli %arg1, %mul3A_16 : i32
    "tpu.region"() ({
      %run_scoped3A = tpu.sem_alloc : memref<!tpu.dma_semaphore, #tpu.memory_space<semaphore_mem>>
      %dma_start3A_154 = arith.constant 0 : i32
      %dma_start3A_155 = tpu.memref_slice %arg12[%dma_start3A_154] : memref<64xf32, #tpu.memory_space<vmem>> -> memref<32xf32, #tpu.memory_space<vmem>>
      %dma_start3A_156 = tpu.memref_slice %arg18[%mul3A_17] : memref<512xf32, #tpu.memory_space<vmem_shared>> -> memref<32xf32, #tpu.memory_space<vmem_shared>>
      %dma_start3A_157 = tpu.memref_slice %arg18[%mul3A_17] : memref<512xf32, #tpu.memory_space<vmem_shared>> -> memref<32xf32, #tpu.memory_space<vmem_shared>>
      %dma_start3A_158 = arith.constant 0 : i32
      %dma_start3A_159 = tpu.memref_slice %arg12[%dma_start3A_158] : memref<64xf32, #tpu.memory_space<vmem>> -> memref<32xf32, #tpu.memory_space<vmem>>
      tpu.enqueue_dma source(%dma_start3A_159 : memref<32xf32, #tpu.memory_space<vmem>>) target(%dma_start3A_157 : memref<32xf32, #tpu.memory_space<vmem_shared>>) target_semaphore(%run_scoped3A : memref<!tpu.dma_semaphore, #tpu.memory_space<semaphore_mem>>)
      %dma_wait3A_160 = arith.constant 0 : i32
      %dma_wait3A_161 = tpu.memref_slice %arg12[%dma_wait3A_160] : memref<64xf32, #tpu.memory_space<vmem>> -> memref<32xf32, #tpu.memory_space<vmem>>
      %dma_wait3A_162 = tpu.memref_slice %arg18[%mul3A_17] : memref<512xf32, #tpu.memory_space<vmem_shared>> -> memref<32xf32, #tpu.memory_space<vmem_shared>>
      %dma_wait3A_163 = tpu.memref_slice %arg18[%mul3A_17] : memref<512xf32, #tpu.memory_space<vmem_shared>> -> memref<32xf32, #tpu.memory_space<vmem_shared>>
      %dma_wait3A_164 = arith.constant 0 : i32
      %dma_wait3A_165 = tpu.memref_slice %arg12[%dma_wait3A_164] : memref<64xf32, #tpu.memory_space<vmem>> -> memref<32xf32, #tpu.memory_space<vmem>>
      tpu.wait_dma2 semaphore(%run_scoped3A : memref<!tpu.dma_semaphore, #tpu.memory_space<semaphore_mem>>) src(%dma_wait3A_165 : memref<32xf32, #tpu.memory_space<vmem>>) dst(%dma_wait3A_163 : memref<32xf32, #tpu.memory_space<vmem_shared>>)
      tpu.yield
    }) : () -> ()
    %scan3A_18 = arith.constant 0 : i32
    %scan3A_19 = arith.constant 0 : i32
    %scan3A_20 = arith.constant 9 : i32
    %scan3A_21 = arith.addi %scan3A_19, %scan3A_20 : i32
    %scan3A_22 = arith.constant 1 : i32
    scf.for %scan3A_154 = %scan3A_19 to %scan3A_21 step %scan3A_22  : i32 {
      %mul3A_155 = arith.constant 632 : i32
      %mul3A_156 = arith.muli %arg1, %mul3A_155 : i32
      %mul3A_157 = arith.constant 64 : i32
      %mul3A_158 = arith.muli %scan3A_154, %mul3A_157 : i32
      %add3A_159 = arith.addi %mul3A_156, %mul3A_158 : i32
      "tpu.region"() ({
        %run_scoped3A = tpu.sem_alloc : memref<!tpu.dma_semaphore, #tpu.memory_space<semaphore_mem>>
        %dma_start3A_160 = tpu.memref_slice %arg19[%add3A_159] : memref<10112xf32, #tpu.memory_space<vmem_shared>> -> memref<64xf32, #tpu.memory_space<vmem_shared>>
        %dma_start3A_161 = tpu.memref_slice %arg19[%add3A_159] : memref<10112xf32, #tpu.memory_space<vmem_shared>> -> memref<64xf32, #tpu.memory_space<vmem_shared>>
        tpu.enqueue_dma source(%arg12 : memref<64xf32, #tpu.memory_space<vmem>>) target(%dma_start3A_161 : memref<64xf32, #tpu.memory_space<vmem_shared>>) target_semaphore(%run_scoped3A : memref<!tpu.dma_semaphore, #tpu.memory_space<semaphore_mem>>)
        %dma_wait3A_162 = tpu.memref_slice %arg19[%add3A_159] : memref<10112xf32, #tpu.memory_space<vmem_shared>> -> memref<64xf32, #tpu.memory_space<vmem_shared>>
        %dma_wait3A_163 = tpu.memref_slice %arg19[%add3A_159] : memref<10112xf32, #tpu.memory_space<vmem_shared>> -> memref<64xf32, #tpu.memory_space<vmem_shared>>
        tpu.wait_dma2 semaphore(%run_scoped3A : memref<!tpu.dma_semaphore, #tpu.memory_space<semaphore_mem>>) src(%arg12 : memref<64xf32, #tpu.memory_space<vmem>>) dst(%dma_wait3A_163 : memref<64xf32, #tpu.memory_space<vmem_shared>>)
        tpu.yield
      }) : () -> ()
    }
    %scan3A_23 = arith.constant 9 : i32
    %mul3A_24 = arith.constant 632 : i32
    %mul3A_25 = arith.muli %arg1, %mul3A_24 : i32
    %add3A_26 = arith.constant 576 : i32
    %add3A_27 = arith.addi %mul3A_25, %add3A_26 : i32
    "tpu.region"() ({
      %run_scoped3A = tpu.sem_alloc : memref<!tpu.dma_semaphore, #tpu.memory_space<semaphore_mem>>
      %dma_start3A_154 = arith.constant 0 : i32
      %dma_start3A_155 = tpu.memref_slice %arg12[%dma_start3A_154] : memref<64xf32, #tpu.memory_space<vmem>> -> memref<56xf32, #tpu.memory_space<vmem>>
      %dma_start3A_156 = tpu.memref_slice %arg19[%add3A_27] : memref<10112xf32, #tpu.memory_space<vmem_shared>> -> memref<56xf32, #tpu.memory_space<vmem_shared>>
      %dma_start3A_157 = tpu.memref_slice %arg19[%add3A_27] : memref<10112xf32, #tpu.memory_space<vmem_shared>> -> memref<56xf32, #tpu.memory_space<vmem_shared>>
      %dma_start3A_158 = arith.constant 0 : i32
      %dma_start3A_159 = tpu.memref_slice %arg12[%dma_start3A_158] : memref<64xf32, #tpu.memory_space<vmem>> -> memref<56xf32, #tpu.memory_space<vmem>>
      tpu.enqueue_dma source(%dma_start3A_159 : memref<56xf32, #tpu.memory_space<vmem>>) target(%dma_start3A_157 : memref<56xf32, #tpu.memory_space<vmem_shared>>) target_semaphore(%run_scoped3A : memref<!tpu.dma_semaphore, #tpu.memory_space<semaphore_mem>>)
      %dma_wait3A_160 = arith.constant 0 : i32
      %dma_wait3A_161 = tpu.memref_slice %arg12[%dma_wait3A_160] : memref<64xf32, #tpu.memory_space<vmem>> -> memref<56xf32, #tpu.memory_space<vmem>>
      %dma_wait3A_162 = tpu.memref_slice %arg19[%add3A_27] : memref<10112xf32, #tpu.memory_space<vmem_shared>> -> memref<56xf32, #tpu.memory_space<vmem_shared>>
      %dma_wait3A_163 = tpu.memref_slice %arg19[%add3A_27] : memref<10112xf32, #tpu.memory_space<vmem_shared>> -> memref<56xf32, #tpu.memory_space<vmem_shared>>
      %dma_wait3A_164 = arith.constant 0 : i32
      %dma_wait3A_165 = tpu.memref_slice %arg12[%dma_wait3A_164] : memref<64xf32, #tpu.memory_space<vmem>> -> memref<56xf32, #tpu.memory_space<vmem>>
      tpu.wait_dma2 semaphore(%run_scoped3A : memref<!tpu.dma_semaphore, #tpu.memory_space<semaphore_mem>>) src(%dma_wait3A_165 : memref<56xf32, #tpu.memory_space<vmem>>) dst(%dma_wait3A_163 : memref<56xf32, #tpu.memory_space<vmem_shared>>)
      tpu.yield
    }) : () -> ()
    %barrier3A = arith.constant 0 : index
    tpu.barrier barrier_id(%barrier3A)
    %eq3A = arith.constant 0 : i32
    %eq3A_28 = arith.cmpi eq, %arg0, %eq3A : i32
    %mul3A_29 = arith.constant 200 : i32
    %mul3A_30 = arith.muli %arg1, %mul3A_29 : i32
    %mul3A_31 = arith.constant 114 : i32
    %mul3A_32 = arith.muli %arg1, %mul3A_31 : i32
    %add3A_33 = arith.constant 3200 : i32
    %add3A_34 = arith.addi %add3A_33, %mul3A_32 : i32
    %select_n3A = arith.select %eq3A_28, %mul3A_30, %add3A_34 : i32
    %eq3A_35 = arith.constant 0 : i32
    %eq3A_36 = arith.cmpi eq, %arg0, %eq3A_35 : i32
    %jit3A = arith.constant 100 : i32
    %jit3A_37 = arith.constant 57 : i32
    %select_n3A_38 = arith.select %eq3A_36, %jit3A, %jit3A_37 : i32
    %dma_start3A = arith.constant 0 : i32
    %dma_start3A_39 = arith.constant 0 : i32
    %dma_start3A_40 = arith.constant 0 : i32
    %dma_start3A_41 = tpu.memref_slice %arg9[%dma_start3A, %dma_start3A_39, %dma_start3A_40] : memref<2x3x64xi32, #tpu.memory_space<vmem>> -> memref<1x3x64xi32, #tpu.memory_space<vmem>>
    %dma_start3A_42 = tpu.memref_squeeze %dma_start3A_41 : memref<1x3x64xi32, #tpu.memory_space<vmem>> -> memref<3x64xi32, #tpu.memory_space<vmem>>
    %dma_start3A_43 = arith.constant 0 : i32
    %dma_start3A_44 = arith.constant 0 : i32
    %dma_start3A_45 = tpu.memref_slice %arg3[%select_n3A, %dma_start3A_43, %dma_start3A_44] : memref<5026x3x64xi32, #tpu.memory_space<hbm>> -> memref<1x3x64xi32, #tpu.memory_space<hbm>>
    %dma_start3A_46 = tpu.memref_squeeze %dma_start3A_45 : memref<1x3x64xi32, #tpu.memory_space<hbm>> -> memref<3x64xi32, #tpu.memory_space<hbm>>
    %dma_start3A_47 = arith.constant 0 : i32
    %dma_start3A_48 = arith.constant 0 : i32
    %dma_start3A_49 = tpu.memref_slice %arg9[%dma_start3A, %dma_start3A_47, %dma_start3A_48] : memref<2x3x64xi32, #tpu.memory_space<vmem>> -> memref<1x3x64xi32, #tpu.memory_space<vmem>>
    %dma_start3A_50 = tpu.memref_squeeze %dma_start3A_49 : memref<1x3x64xi32, #tpu.memory_space<vmem>> -> memref<3x64xi32, #tpu.memory_space<vmem>>
    %dma_start3A_51 = arith.constant 0 : i32
    %dma_start3A_52 = arith.constant 0 : i32
    %dma_start3A_53 = tpu.memref_slice %arg3[%select_n3A, %dma_start3A_51, %dma_start3A_52] : memref<5026x3x64xi32, #tpu.memory_space<hbm>> -> memref<1x3x64xi32, #tpu.memory_space<hbm>>
    %dma_start3A_54 = tpu.memref_squeeze %dma_start3A_53 : memref<1x3x64xi32, #tpu.memory_space<hbm>> -> memref<3x64xi32, #tpu.memory_space<hbm>>
    tpu.enqueue_dma source(%dma_start3A_54 : memref<3x64xi32, #tpu.memory_space<hbm>>) target(%dma_start3A_50 : memref<3x64xi32, #tpu.memory_space<vmem>>) target_semaphore(%arg13 : memref<!tpu.dma_semaphore, #tpu.memory_space<semaphore_mem>>)
    %add3A_55 = arith.constant 1 : i32
    %add3A_56 = arith.addi %select_n3A, %add3A_55 : i32
    %dma_start3A_57 = arith.constant 1 : i32
    %dma_start3A_58 = arith.constant 0 : i32
    %dma_start3A_59 = arith.constant 0 : i32
    %dma_start3A_60 = tpu.memref_slice %arg9[%dma_start3A_57, %dma_start3A_58, %dma_start3A_59] : memref<2x3x64xi32, #tpu.memory_space<vmem>> -> memref<1x3x64xi32, #tpu.memory_space<vmem>>
    %dma_start3A_61 = tpu.memref_squeeze %dma_start3A_60 : memref<1x3x64xi32, #tpu.memory_space<vmem>> -> memref<3x64xi32, #tpu.memory_space<vmem>>
    %dma_start3A_62 = arith.constant 0 : i32
    %dma_start3A_63 = arith.constant 0 : i32
    %dma_start3A_64 = tpu.memref_slice %arg3[%add3A_56, %dma_start3A_62, %dma_start3A_63] : memref<5026x3x64xi32, #tpu.memory_space<hbm>> -> memref<1x3x64xi32, #tpu.memory_space<hbm>>
    %dma_start3A_65 = tpu.memref_squeeze %dma_start3A_64 : memref<1x3x64xi32, #tpu.memory_space<hbm>> -> memref<3x64xi32, #tpu.memory_space<hbm>>
    %dma_start3A_66 = arith.constant 0 : i32
    %dma_start3A_67 = arith.constant 0 : i32
    %dma_start3A_68 = tpu.memref_slice %arg9[%dma_start3A_57, %dma_start3A_66, %dma_start3A_67] : memref<2x3x64xi32, #tpu.memory_space<vmem>> -> memref<1x3x64xi32, #tpu.memory_space<vmem>>
    %dma_start3A_69 = tpu.memref_squeeze %dma_start3A_68 : memref<1x3x64xi32, #tpu.memory_space<vmem>> -> memref<3x64xi32, #tpu.memory_space<vmem>>
    %dma_start3A_70 = arith.constant 0 : i32
    %dma_start3A_71 = arith.constant 0 : i32
    %dma_start3A_72 = tpu.memref_slice %arg3[%add3A_56, %dma_start3A_70, %dma_start3A_71] : memref<5026x3x64xi32, #tpu.memory_space<hbm>> -> memref<1x3x64xi32, #tpu.memory_space<hbm>>
    %dma_start3A_73 = tpu.memref_squeeze %dma_start3A_72 : memref<1x3x64xi32, #tpu.memory_space<hbm>> -> memref<3x64xi32, #tpu.memory_space<hbm>>
    tpu.enqueue_dma source(%dma_start3A_73 : memref<3x64xi32, #tpu.memory_space<hbm>>) target(%dma_start3A_69 : memref<3x64xi32, #tpu.memory_space<vmem>>) target_semaphore(%arg14 : memref<!tpu.dma_semaphore, #tpu.memory_space<semaphore_mem>>)
    %while3A = arith.constant 0 : i32
    %while3A_74 = arith.constant 0 : i32
    %while3A_75 = arith.subi %select_n3A_38, %while3A_74 : i32
    %while3A_76 = arith.addi %while3A_74, %while3A_75 : i32
    %while3A_77 = arith.constant 1 : i32
    %while3A_78 = arith.divsi %while3A_75, %while3A_77 : i32
    %while3A_79 = arith.muli %while3A_78, %while3A_77 : i32
    %while3A_80 = arith.addi %while3A_74, %while3A_79 : i32
    %while3A_81 = arith.constant 1 : i32
    scf.for %while3A_154 = %while3A_74 to %while3A_80 step %while3A_81  : i32 {
      %mul3A_155 = arith.constant 2 : i32
      %mul3A_156 = arith.muli %mul3A_155, %while3A_154 : i32
      %add3A_157 = arith.constant 0 : i32
      %add3A_158 = arith.addi %mul3A_156, %add3A_157 : i32
      %add3A_159 = arith.addi %select_n3A, %add3A_158 : i32
      %dma_wait3A_160 = arith.constant 0 : i32
      %dma_wait3A_161 = arith.constant 0 : i32
      %dma_wait3A_162 = arith.constant 0 : i32
      %dma_wait3A_163 = arith.constant 0 : i32
      %dma_wait3A_164 = tpu.memref_slice %arg9[%dma_wait3A_161, %dma_wait3A_162, %dma_wait3A_163] : memref<2x3x64xi32, #tpu.memory_space<vmem>> -> memref<1x3x64xi32, #tpu.memory_space<vmem>>
      %dma_wait3A_165 = tpu.memref_squeeze %dma_wait3A_164 : memref<1x3x64xi32, #tpu.memory_space<vmem>> -> memref<3x64xi32, #tpu.memory_space<vmem>>
      %dma_wait3A_166 = arith.constant 0 : i32
      %dma_wait3A_167 = arith.constant 0 : i32
      %dma_wait3A_168 = tpu.memref_slice %arg3[%dma_wait3A_160, %dma_wait3A_166, %dma_wait3A_167] : memref<5026x3x64xi32, #tpu.memory_space<hbm>> -> memref<1x3x64xi32, #tpu.memory_space<hbm>>
      %dma_wait3A_169 = tpu.memref_squeeze %dma_wait3A_168 : memref<1x3x64xi32, #tpu.memory_space<hbm>> -> memref<3x64xi32, #tpu.memory_space<hbm>>
      %dma_wait3A_170 = arith.constant 0 : i32
      %dma_wait3A_171 = arith.constant 0 : i32
      %dma_wait3A_172 = tpu.memref_slice %arg9[%dma_wait3A_161, %dma_wait3A_170, %dma_wait3A_171] : memref<2x3x64xi32, #tpu.memory_space<vmem>> -> memref<1x3x64xi32, #tpu.memory_space<vmem>>
      %dma_wait3A_173 = tpu.memref_squeeze %dma_wait3A_172 : memref<1x3x64xi32, #tpu.memory_space<vmem>> -> memref<3x64xi32, #tpu.memory_space<vmem>>
      %dma_wait3A_174 = arith.constant 0 : i32
      %dma_wait3A_175 = arith.constant 0 : i32
      %dma_wait3A_176 = tpu.memref_slice %arg3[%dma_wait3A_160, %dma_wait3A_174, %dma_wait3A_175] : memref<5026x3x64xi32, #tpu.memory_space<hbm>> -> memref<1x3x64xi32, #tpu.memory_space<hbm>>
      %dma_wait3A_177 = tpu.memref_squeeze %dma_wait3A_176 : memref<1x3x64xi32, #tpu.memory_space<hbm>> -> memref<3x64xi32, #tpu.memory_space<hbm>>
      tpu.wait_dma2 semaphore(%arg13 : memref<!tpu.dma_semaphore, #tpu.memory_space<semaphore_mem>>) src(%dma_wait3A_177 : memref<3x64xi32, #tpu.memory_space<hbm>>) dst(%dma_wait3A_173 : memref<3x64xi32, #tpu.memory_space<vmem>>)
      %dma_start3A_178 = arith.constant 0 : i32
      %dma_start3A_179 = arith.constant 0 : i32
      %dma_start3A_180 = arith.constant 0 : i32
      %dma_start3A_181 = tpu.memref_slice %arg9[%dma_start3A_178, %dma_start3A_179, %dma_start3A_180] : memref<2x3x64xi32, #tpu.memory_space<vmem>> -> memref<1x1x64xi32, #tpu.memory_space<vmem>>
      %dma_start3A_182 = tpu.memref_squeeze %dma_start3A_181 : memref<1x1x64xi32, #tpu.memory_space<vmem>> -> memref<64xi32, #tpu.memory_space<vmem>>
      %dma_start3A_183 = arith.constant 0 : i32
      %dma_start3A_184 = arith.constant 0 : i32
      %dma_start3A_185 = tpu.memref_slice %arg2[%dma_start3A_183, %dma_start3A_184] : memref<10000x128xf32, #tpu.memory_space<hbm>> -> memref<10000x128xf32, #tpu.memory_space<hbm>>
      tpu.enqueue_indirect_dma source(%dma_start3A_185 : memref<10000x128xf32, #tpu.memory_space<hbm>>) target(%arg10 : memref<64x128xf32, #tpu.memory_space<vmem>>) offsets(%dma_start3A_182 : memref<64xi32, #tpu.memory_space<vmem>>) semaphore(%arg15 : memref<!tpu.dma_semaphore, #tpu.memory_space<semaphore_mem>>)
      %dma_wait3A_186 = arith.constant 0 : i32
      %dma_wait3A_187 = arith.constant 0 : i32
      %dma_wait3A_188 = arith.constant 0 : i32
      %dma_wait3A_189 = tpu.memref_slice %arg9[%dma_wait3A_186, %dma_wait3A_187, %dma_wait3A_188] : memref<2x3x64xi32, #tpu.memory_space<vmem>> -> memref<1x1x64xi32, #tpu.memory_space<vmem>>
      %dma_wait3A_190 = tpu.memref_squeeze %dma_wait3A_189 : memref<1x1x64xi32, #tpu.memory_space<vmem>> -> memref<64xi32, #tpu.memory_space<vmem>>
      %dma_wait3A_191 = arith.constant 0 : i32
      %dma_wait3A_192 = arith.constant 0 : i32
      %dma_wait3A_193 = tpu.memref_slice %arg2[%dma_wait3A_191, %dma_wait3A_192] : memref<10000x128xf32, #tpu.memory_space<hbm>> -> memref<10000x128xf32, #tpu.memory_space<hbm>>
      tpu.wait_indirect_dma semaphore(%arg15 : memref<!tpu.dma_semaphore, #tpu.memory_space<semaphore_mem>>) src(%dma_wait3A_193 : memref<10000x128xf32, #tpu.memory_space<hbm>>) dst(%arg10 : memref<64x128xf32, #tpu.memory_space<vmem>>)
      %dma_start3A_194 = arith.constant 0 : i32
      %dma_start3A_195 = arith.constant 2 : i32
      %dma_start3A_196 = arith.constant 0 : i32
      %dma_start3A_197 = tpu.memref_slice %arg9[%dma_start3A_194, %dma_start3A_195, %dma_start3A_196] : memref<2x3x64xi32, #tpu.memory_space<vmem>> -> memref<1x1x64xi32, #tpu.memory_space<vmem>>
      %dma_start3A_198 = tpu.memref_squeeze %dma_start3A_197 : memref<1x1x64xi32, #tpu.memory_space<vmem>> -> memref<64xi32, #tpu.memory_space<vmem>>
      %dma_start3A_199 = arith.constant 0 : i32
      %dma_start3A_200 = arith.constant 0 : i32
      %dma_start3A_201 = tpu.memref_slice %arg17[%dma_start3A_199, %dma_start3A_200] : memref<512x128xf32, #tpu.memory_space<vmem_shared>> -> memref<512x128xf32, #tpu.memory_space<vmem_shared>>
      tpu.enqueue_indirect_dma source(%arg10 : memref<64x128xf32, #tpu.memory_space<vmem>>) target(%dma_start3A_201 : memref<512x128xf32, #tpu.memory_space<vmem_shared>>) offsets(%dma_start3A_198 : memref<64xi32, #tpu.memory_space<vmem>>) semaphore(%arg16 : memref<!tpu.dma_semaphore, #tpu.memory_space<semaphore_mem>>) {add = true}
      %dma_start3A_202 = arith.constant 0 : i32
      %dma_start3A_203 = arith.constant 2 : i32
      %dma_start3A_204 = arith.constant 0 : i32
      %dma_start3A_205 = tpu.memref_slice %arg9[%dma_start3A_202, %dma_start3A_203, %dma_start3A_204] : memref<2x3x64xi32, #tpu.memory_space<vmem>> -> memref<1x1x64xi32, #tpu.memory_space<vmem>>
      %dma_start3A_206 = tpu.memref_squeeze %dma_start3A_205 : memref<1x1x64xi32, #tpu.memory_space<vmem>> -> memref<64xi32, #tpu.memory_space<vmem>>
      %dma_start3A_207 = arith.constant 0 : i32
      %dma_start3A_208 = tpu.memref_slice %arg18[%dma_start3A_207] : memref<512xf32, #tpu.memory_space<vmem_shared>> -> memref<512xf32, #tpu.memory_space<vmem_shared>>
      tpu.enqueue_indirect_dma source(%arg11 : memref<64xf32, #tpu.memory_space<vmem>>) target(%dma_start3A_208 : memref<512xf32, #tpu.memory_space<vmem_shared>>) offsets(%dma_start3A_206 : memref<64xi32, #tpu.memory_space<vmem>>) semaphore(%arg16 : memref<!tpu.dma_semaphore, #tpu.memory_space<semaphore_mem>>) {add = true}
      %dma_start3A_209 = arith.constant 0 : i32
      %dma_start3A_210 = arith.constant 1 : i32
      %dma_start3A_211 = arith.constant 0 : i32
      %dma_start3A_212 = tpu.memref_slice %arg9[%dma_start3A_209, %dma_start3A_210, %dma_start3A_211] : memref<2x3x64xi32, #tpu.memory_space<vmem>> -> memref<1x1x64xi32, #tpu.memory_space<vmem>>
      %dma_start3A_213 = tpu.memref_squeeze %dma_start3A_212 : memref<1x1x64xi32, #tpu.memory_space<vmem>> -> memref<64xi32, #tpu.memory_space<vmem>>
      %dma_start3A_214 = arith.constant 0 : i32
      %dma_start3A_215 = tpu.memref_slice %arg19[%dma_start3A_214] : memref<10112xf32, #tpu.memory_space<vmem_shared>> -> memref<10112xf32, #tpu.memory_space<vmem_shared>>
      tpu.enqueue_indirect_dma source(%arg11 : memref<64xf32, #tpu.memory_space<vmem>>) target(%dma_start3A_215 : memref<10112xf32, #tpu.memory_space<vmem_shared>>) offsets(%dma_start3A_213 : memref<64xi32, #tpu.memory_space<vmem>>) semaphore(%arg16 : memref<!tpu.dma_semaphore, #tpu.memory_space<semaphore_mem>>) {add = true}
      %dma_wait3A_216 = arith.constant 0 : i32
      %dma_wait3A_217 = arith.constant 2 : i32
      %dma_wait3A_218 = arith.constant 0 : i32
      %dma_wait3A_219 = tpu.memref_slice %arg9[%dma_wait3A_216, %dma_wait3A_217, %dma_wait3A_218] : memref<2x3x64xi32, #tpu.memory_space<vmem>> -> memref<1x1x64xi32, #tpu.memory_space<vmem>>
      %dma_wait3A_220 = tpu.memref_squeeze %dma_wait3A_219 : memref<1x1x64xi32, #tpu.memory_space<vmem>> -> memref<64xi32, #tpu.memory_space<vmem>>
      %dma_wait3A_221 = arith.constant 0 : i32
      %dma_wait3A_222 = arith.constant 0 : i32
      %dma_wait3A_223 = tpu.memref_slice %arg17[%dma_wait3A_221, %dma_wait3A_222] : memref<512x128xf32, #tpu.memory_space<vmem_shared>> -> memref<512x128xf32, #tpu.memory_space<vmem_shared>>
      tpu.wait_indirect_dma semaphore(%arg16 : memref<!tpu.dma_semaphore, #tpu.memory_space<semaphore_mem>>) src(%arg10 : memref<64x128xf32, #tpu.memory_space<vmem>>) dst(%dma_wait3A_223 : memref<512x128xf32, #tpu.memory_space<vmem_shared>>)
      %dma_wait3A_224 = arith.constant 0 : i32
      %dma_wait3A_225 = arith.constant 2 : i32
      %dma_wait3A_226 = arith.constant 0 : i32
      %dma_wait3A_227 = tpu.memref_slice %arg9[%dma_wait3A_224, %dma_wait3A_225, %dma_wait3A_226] : memref<2x3x64xi32, #tpu.memory_space<vmem>> -> memref<1x1x64xi32, #tpu.memory_space<vmem>>
      %dma_wait3A_228 = tpu.memref_squeeze %dma_wait3A_227 : memref<1x1x64xi32, #tpu.memory_space<vmem>> -> memref<64xi32, #tpu.memory_space<vmem>>
      %dma_wait3A_229 = arith.constant 0 : i32
      %dma_wait3A_230 = tpu.memref_slice %arg18[%dma_wait3A_229] : memref<512xf32, #tpu.memory_space<vmem_shared>> -> memref<512xf32, #tpu.memory_space<vmem_shared>>
      tpu.wait_indirect_dma semaphore(%arg16 : memref<!tpu.dma_semaphore, #tpu.memory_space<semaphore_mem>>) src(%arg11 : memref<64xf32, #tpu.memory_space<vmem>>) dst(%dma_wait3A_230 : memref<512xf32, #tpu.memory_space<vmem_shared>>)
      %dma_wait3A_231 = arith.constant 0 : i32
      %dma_wait3A_232 = arith.constant 1 : i32
      %dma_wait3A_233 = arith.constant 0 : i32
      %dma_wait3A_234 = tpu.memref_slice %arg9[%dma_wait3A_231, %dma_wait3A_232, %dma_wait3A_233] : memref<2x3x64xi32, #tpu.memory_space<vmem>> -> memref<1x1x64xi32, #tpu.memory_space<vmem>>
      %dma_wait3A_235 = tpu.memref_squeeze %dma_wait3A_234 : memref<1x1x64xi32, #tpu.memory_space<vmem>> -> memref<64xi32, #tpu.memory_space<vmem>>
      %dma_wait3A_236 = arith.constant 0 : i32
      %dma_wait3A_237 = tpu.memref_slice %arg19[%dma_wait3A_236] : memref<10112xf32, #tpu.memory_space<vmem_shared>> -> memref<10112xf32, #tpu.memory_space<vmem_shared>>
      tpu.wait_indirect_dma semaphore(%arg16 : memref<!tpu.dma_semaphore, #tpu.memory_space<semaphore_mem>>) src(%arg11 : memref<64xf32, #tpu.memory_space<vmem>>) dst(%dma_wait3A_237 : memref<10112xf32, #tpu.memory_space<vmem_shared>>)
      %add3A_238 = arith.constant 2 : i32
      %add3A_239 = arith.addi %add3A_159, %add3A_238 : i32
      %dma_start3A_240 = arith.constant 0 : i32
      %dma_start3A_241 = arith.constant 0 : i32
      %dma_start3A_242 = arith.constant 0 : i32
      %dma_start3A_243 = tpu.memref_slice %arg9[%dma_start3A_240, %dma_start3A_241, %dma_start3A_242] : memref<2x3x64xi32, #tpu.memory_space<vmem>> -> memref<1x3x64xi32, #tpu.memory_space<vmem>>
      %dma_start3A_244 = tpu.memref_squeeze %dma_start3A_243 : memref<1x3x64xi32, #tpu.memory_space<vmem>> -> memref<3x64xi32, #tpu.memory_space<vmem>>
      %dma_start3A_245 = arith.constant 0 : i32
      %dma_start3A_246 = arith.constant 0 : i32
      %dma_start3A_247 = tpu.memref_slice %arg3[%add3A_239, %dma_start3A_245, %dma_start3A_246] : memref<5026x3x64xi32, #tpu.memory_space<hbm>> -> memref<1x3x64xi32, #tpu.memory_space<hbm>>
      %dma_start3A_248 = tpu.memref_squeeze %dma_start3A_247 : memref<1x3x64xi32, #tpu.memory_space<hbm>> -> memref<3x64xi32, #tpu.memory_space<hbm>>
      %dma_start3A_249 = arith.constant 0 : i32
      %dma_start3A_250 = arith.constant 0 : i32
      %dma_start3A_251 = tpu.memref_slice %arg9[%dma_start3A_240, %dma_start3A_249, %dma_start3A_250] : memref<2x3x64xi32, #tpu.memory_space<vmem>> -> memref<1x3x64xi32, #tpu.memory_space<vmem>>
      %dma_start3A_252 = tpu.memref_squeeze %dma_start3A_251 : memref<1x3x64xi32, #tpu.memory_space<vmem>> -> memref<3x64xi32, #tpu.memory_space<vmem>>
      %dma_start3A_253 = arith.constant 0 : i32
      %dma_start3A_254 = arith.constant 0 : i32
      %dma_start3A_255 = tpu.memref_slice %arg3[%add3A_239, %dma_start3A_253, %dma_start3A_254] : memref<5026x3x64xi32, #tpu.memory_space<hbm>> -> memref<1x3x64xi32, #tpu.memory_space<hbm>>
      %dma_start3A_256 = tpu.memref_squeeze %dma_start3A_255 : memref<1x3x64xi32, #tpu.memory_space<hbm>> -> memref<3x64xi32, #tpu.memory_space<hbm>>
      tpu.enqueue_dma source(%dma_start3A_256 : memref<3x64xi32, #tpu.memory_space<hbm>>) target(%dma_start3A_252 : memref<3x64xi32, #tpu.memory_space<vmem>>) target_semaphore(%arg13 : memref<!tpu.dma_semaphore, #tpu.memory_space<semaphore_mem>>)
      %mul3A_257 = arith.constant 2 : i32
      %mul3A_258 = arith.muli %mul3A_257, %while3A_154 : i32
      %add3A_259 = arith.constant 1 : i32
      %add3A_260 = arith.addi %mul3A_258, %add3A_259 : i32
      %add3A_261 = arith.addi %select_n3A, %add3A_260 : i32
      %dma_wait3A_262 = arith.constant 0 : i32
      %dma_wait3A_263 = arith.constant 1 : i32
      %dma_wait3A_264 = arith.constant 0 : i32
      %dma_wait3A_265 = arith.constant 0 : i32
      %dma_wait3A_266 = tpu.memref_slice %arg9[%dma_wait3A_263, %dma_wait3A_264, %dma_wait3A_265] : memref<2x3x64xi32, #tpu.memory_space<vmem>> -> memref<1x3x64xi32, #tpu.memory_space<vmem>>
      %dma_wait3A_267 = tpu.memref_squeeze %dma_wait3A_266 : memref<1x3x64xi32, #tpu.memory_space<vmem>> -> memref<3x64xi32, #tpu.memory_space<vmem>>
      %dma_wait3A_268 = arith.constant 0 : i32
      %dma_wait3A_269 = arith.constant 0 : i32
      %dma_wait3A_270 = tpu.memref_slice %arg3[%dma_wait3A_262, %dma_wait3A_268, %dma_wait3A_269] : memref<5026x3x64xi32, #tpu.memory_space<hbm>> -> memref<1x3x64xi32, #tpu.memory_space<hbm>>
      %dma_wait3A_271 = tpu.memref_squeeze %dma_wait3A_270 : memref<1x3x64xi32, #tpu.memory_space<hbm>> -> memref<3x64xi32, #tpu.memory_space<hbm>>
      %dma_wait3A_272 = arith.constant 0 : i32
      %dma_wait3A_273 = arith.constant 0 : i32
      %dma_wait3A_274 = tpu.memref_slice %arg9[%dma_wait3A_263, %dma_wait3A_272, %dma_wait3A_273] : memref<2x3x64xi32, #tpu.memory_space<vmem>> -> memref<1x3x64xi32, #tpu.memory_space<vmem>>
      %dma_wait3A_275 = tpu.memref_squeeze %dma_wait3A_274 : memref<1x3x64xi32, #tpu.memory_space<vmem>> -> memref<3x64xi32, #tpu.memory_space<vmem>>
      %dma_wait3A_276 = arith.constant 0 : i32
      %dma_wait3A_277 = arith.constant 0 : i32
      %dma_wait3A_278 = tpu.memref_slice %arg3[%dma_wait3A_262, %dma_wait3A_276, %dma_wait3A_277] : memref<5026x3x64xi32, #tpu.memory_space<hbm>> -> memref<1x3x64xi32, #tpu.memory_space<hbm>>
      %dma_wait3A_279 = tpu.memref_squeeze %dma_wait3A_278 : memref<1x3x64xi32, #tpu.memory_space<hbm>> -> memref<3x64xi32, #tpu.memory_space<hbm>>
      tpu.wait_dma2 semaphore(%arg14 : memref<!tpu.dma_semaphore, #tpu.memory_space<semaphore_mem>>) src(%dma_wait3A_279 : memref<3x64xi32, #tpu.memory_space<hbm>>) dst(%dma_wait3A_275 : memref<3x64xi32, #tpu.memory_space<vmem>>)
      %dma_start3A_280 = arith.constant 1 : i32
      %dma_start3A_281 = arith.constant 0 : i32
      %dma_start3A_282 = arith.constant 0 : i32
      %dma_start3A_283 = tpu.memref_slice %arg9[%dma_start3A_280, %dma_start3A_281, %dma_start3A_282] : memref<2x3x64xi32, #tpu.memory_space<vmem>> -> memref<1x1x64xi32, #tpu.memory_space<vmem>>
      %dma_start3A_284 = tpu.memref_squeeze %dma_start3A_283 : memref<1x1x64xi32, #tpu.memory_space<vmem>> -> memref<64xi32, #tpu.memory_space<vmem>>
      %dma_start3A_285 = arith.constant 0 : i32
      %dma_start3A_286 = arith.constant 0 : i32
      %dma_start3A_287 = tpu.memref_slice %arg2[%dma_start3A_285, %dma_start3A_286] : memref<10000x128xf32, #tpu.memory_space<hbm>> -> memref<10000x128xf32, #tpu.memory_space<hbm>>
      tpu.enqueue_indirect_dma source(%dma_start3A_287 : memref<10000x128xf32, #tpu.memory_space<hbm>>) target(%arg10 : memref<64x128xf32, #tpu.memory_space<vmem>>) offsets(%dma_start3A_284 : memref<64xi32, #tpu.memory_space<vmem>>) semaphore(%arg15 : memref<!tpu.dma_semaphore, #tpu.memory_space<semaphore_mem>>)
      %dma_wait3A_288 = arith.constant 1 : i32
      %dma_wait3A_289 = arith.constant 0 : i32
      %dma_wait3A_290 = arith.constant 0 : i32
      %dma_wait3A_291 = tpu.memref_slice %arg9[%dma_wait3A_288, %dma_wait3A_289, %dma_wait3A_290] : memref<2x3x64xi32, #tpu.memory_space<vmem>> -> memref<1x1x64xi32, #tpu.memory_space<vmem>>
      %dma_wait3A_292 = tpu.memref_squeeze %dma_wait3A_291 : memref<1x1x64xi32, #tpu.memory_space<vmem>> -> memref<64xi32, #tpu.memory_space<vmem>>
      %dma_wait3A_293 = arith.constant 0 : i32
      %dma_wait3A_294 = arith.constant 0 : i32
      %dma_wait3A_295 = tpu.memref_slice %arg2[%dma_wait3A_293, %dma_wait3A_294] : memref<10000x128xf32, #tpu.memory_space<hbm>> -> memref<10000x128xf32, #tpu.memory_space<hbm>>
      tpu.wait_indirect_dma semaphore(%arg15 : memref<!tpu.dma_semaphore, #tpu.memory_space<semaphore_mem>>) src(%dma_wait3A_295 : memref<10000x128xf32, #tpu.memory_space<hbm>>) dst(%arg10 : memref<64x128xf32, #tpu.memory_space<vmem>>)
      %dma_start3A_296 = arith.constant 1 : i32
      %dma_start3A_297 = arith.constant 2 : i32
      %dma_start3A_298 = arith.constant 0 : i32
      %dma_start3A_299 = tpu.memref_slice %arg9[%dma_start3A_296, %dma_start3A_297, %dma_start3A_298] : memref<2x3x64xi32, #tpu.memory_space<vmem>> -> memref<1x1x64xi32, #tpu.memory_space<vmem>>
      %dma_start3A_300 = tpu.memref_squeeze %dma_start3A_299 : memref<1x1x64xi32, #tpu.memory_space<vmem>> -> memref<64xi32, #tpu.memory_space<vmem>>
      %dma_start3A_301 = arith.constant 0 : i32
      %dma_start3A_302 = arith.constant 0 : i32
      %dma_start3A_303 = tpu.memref_slice %arg17[%dma_start3A_301, %dma_start3A_302] : memref<512x128xf32, #tpu.memory_space<vmem_shared>> -> memref<512x128xf32, #tpu.memory_space<vmem_shared>>
      tpu.enqueue_indirect_dma source(%arg10 : memref<64x128xf32, #tpu.memory_space<vmem>>) target(%dma_start3A_303 : memref<512x128xf32, #tpu.memory_space<vmem_shared>>) offsets(%dma_start3A_300 : memref<64xi32, #tpu.memory_space<vmem>>) semaphore(%arg16 : memref<!tpu.dma_semaphore, #tpu.memory_space<semaphore_mem>>) {add = true}
      %dma_start3A_304 = arith.constant 1 : i32
      %dma_start3A_305 = arith.constant 2 : i32
      %dma_start3A_306 = arith.constant 0 : i32
      %dma_start3A_307 = tpu.memref_slice %arg9[%dma_start3A_304, %dma_start3A_305, %dma_start3A_306] : memref<2x3x64xi32, #tpu.memory_space<vmem>> -> memref<1x1x64xi32, #tpu.memory_space<vmem>>
      %dma_start3A_308 = tpu.memref_squeeze %dma_start3A_307 : memref<1x1x64xi32, #tpu.memory_space<vmem>> -> memref<64xi32, #tpu.memory_space<vmem>>
      %dma_start3A_309 = arith.constant 0 : i32
      %dma_start3A_310 = tpu.memref_slice %arg18[%dma_start3A_309] : memref<512xf32, #tpu.memory_space<vmem_shared>> -> memref<512xf32, #tpu.memory_space<vmem_shared>>
      tpu.enqueue_indirect_dma source(%arg11 : memref<64xf32, #tpu.memory_space<vmem>>) target(%dma_start3A_310 : memref<512xf32, #tpu.memory_space<vmem_shared>>) offsets(%dma_start3A_308 : memref<64xi32, #tpu.memory_space<vmem>>) semaphore(%arg16 : memref<!tpu.dma_semaphore, #tpu.memory_space<semaphore_mem>>) {add = true}
      %dma_start3A_311 = arith.constant 1 : i32
      %dma_start3A_312 = arith.constant 1 : i32
      %dma_start3A_313 = arith.constant 0 : i32
      %dma_start3A_314 = tpu.memref_slice %arg9[%dma_start3A_311, %dma_start3A_312, %dma_start3A_313] : memref<2x3x64xi32, #tpu.memory_space<vmem>> -> memref<1x1x64xi32, #tpu.memory_space<vmem>>
      %dma_start3A_315 = tpu.memref_squeeze %dma_start3A_314 : memref<1x1x64xi32, #tpu.memory_space<vmem>> -> memref<64xi32, #tpu.memory_space<vmem>>
      %dma_start3A_316 = arith.constant 0 : i32
      %dma_start3A_317 = tpu.memref_slice %arg19[%dma_start3A_316] : memref<10112xf32, #tpu.memory_space<vmem_shared>> -> memref<10112xf32, #tpu.memory_space<vmem_shared>>
      tpu.enqueue_indirect_dma source(%arg11 : memref<64xf32, #tpu.memory_space<vmem>>) target(%dma_start3A_317 : memref<10112xf32, #tpu.memory_space<vmem_shared>>) offsets(%dma_start3A_315 : memref<64xi32, #tpu.memory_space<vmem>>) semaphore(%arg16 : memref<!tpu.dma_semaphore, #tpu.memory_space<semaphore_mem>>) {add = true}
      %dma_wait3A_318 = arith.constant 1 : i32
      %dma_wait3A_319 = arith.constant 2 : i32
      %dma_wait3A_320 = arith.constant 0 : i32
      %dma_wait3A_321 = tpu.memref_slice %arg9[%dma_wait3A_318, %dma_wait3A_319, %dma_wait3A_320] : memref<2x3x64xi32, #tpu.memory_space<vmem>> -> memref<1x1x64xi32, #tpu.memory_space<vmem>>
      %dma_wait3A_322 = tpu.memref_squeeze %dma_wait3A_321 : memref<1x1x64xi32, #tpu.memory_space<vmem>> -> memref<64xi32, #tpu.memory_space<vmem>>
      %dma_wait3A_323 = arith.constant 0 : i32
      %dma_wait3A_324 = arith.constant 0 : i32
      %dma_wait3A_325 = tpu.memref_slice %arg17[%dma_wait3A_323, %dma_wait3A_324] : memref<512x128xf32, #tpu.memory_space<vmem_shared>> -> memref<512x128xf32, #tpu.memory_space<vmem_shared>>
      tpu.wait_indirect_dma semaphore(%arg16 : memref<!tpu.dma_semaphore, #tpu.memory_space<semaphore_mem>>) src(%arg10 : memref<64x128xf32, #tpu.memory_space<vmem>>) dst(%dma_wait3A_325 : memref<512x128xf32, #tpu.memory_space<vmem_shared>>)
      %dma_wait3A_326 = arith.constant 1 : i32
      %dma_wait3A_327 = arith.constant 2 : i32
      %dma_wait3A_328 = arith.constant 0 : i32
      %dma_wait3A_329 = tpu.memref_slice %arg9[%dma_wait3A_326, %dma_wait3A_327, %dma_wait3A_328] : memref<2x3x64xi32, #tpu.memory_space<vmem>> -> memref<1x1x64xi32, #tpu.memory_space<vmem>>
      %dma_wait3A_330 = tpu.memref_squeeze %dma_wait3A_329 : memref<1x1x64xi32, #tpu.memory_space<vmem>> -> memref<64xi32, #tpu.memory_space<vmem>>
      %dma_wait3A_331 = arith.constant 0 : i32
      %dma_wait3A_332 = tpu.memref_slice %arg18[%dma_wait3A_331] : memref<512xf32, #tpu.memory_space<vmem_shared>> -> memref<512xf32, #tpu.memory_space<vmem_shared>>
      tpu.wait_indirect_dma semaphore(%arg16 : memref<!tpu.dma_semaphore, #tpu.memory_space<semaphore_mem>>) src(%arg11 : memref<64xf32, #tpu.memory_space<vmem>>) dst(%dma_wait3A_332 : memref<512xf32, #tpu.memory_space<vmem_shared>>)
      %dma_wait3A_333 = arith.constant 1 : i32
      %dma_wait3A_334 = arith.constant 1 : i32
      %dma_wait3A_335 = arith.constant 0 : i32
      %dma_wait3A_336 = tpu.memref_slice %arg9[%dma_wait3A_333, %dma_wait3A_334, %dma_wait3A_335] : memref<2x3x64xi32, #tpu.memory_space<vmem>> -> memref<1x1x64xi32, #tpu.memory_space<vmem>>
      %dma_wait3A_337 = tpu.memref_squeeze %dma_wait3A_336 : memref<1x1x64xi32, #tpu.memory_space<vmem>> -> memref<64xi32, #tpu.memory_space<vmem>>
      %dma_wait3A_338 = arith.constant 0 : i32
      %dma_wait3A_339 = tpu.memref_slice %arg19[%dma_wait3A_338] : memref<10112xf32, #tpu.memory_space<vmem_shared>> -> memref<10112xf32, #tpu.memory_space<vmem_shared>>
      tpu.wait_indirect_dma semaphore(%arg16 : memref<!tpu.dma_semaphore, #tpu.memory_space<semaphore_mem>>) src(%arg11 : memref<64xf32, #tpu.memory_space<vmem>>) dst(%dma_wait3A_339 : memref<10112xf32, #tpu.memory_space<vmem_shared>>)
      %add3A_340 = arith.constant 2 : i32
      %add3A_341 = arith.addi %add3A_261, %add3A_340 : i32
      %dma_start3A_342 = arith.constant 1 : i32
      %dma_start3A_343 = arith.constant 0 : i32
      %dma_start3A_344 = arith.constant 0 : i32
      %dma_start3A_345 = tpu.memref_slice %arg9[%dma_start3A_342, %dma_start3A_343, %dma_start3A_344] : memref<2x3x64xi32, #tpu.memory_space<vmem>> -> memref<1x3x64xi32, #tpu.memory_space<vmem>>
      %dma_start3A_346 = tpu.memref_squeeze %dma_start3A_345 : memref<1x3x64xi32, #tpu.memory_space<vmem>> -> memref<3x64xi32, #tpu.memory_space<vmem>>
      %dma_start3A_347 = arith.constant 0 : i32
      %dma_start3A_348 = arith.constant 0 : i32
      %dma_start3A_349 = tpu.memref_slice %arg3[%add3A_341, %dma_start3A_347, %dma_start3A_348] : memref<5026x3x64xi32, #tpu.memory_space<hbm>> -> memref<1x3x64xi32, #tpu.memory_space<hbm>>
      %dma_start3A_350 = tpu.memref_squeeze %dma_start3A_349 : memref<1x3x64xi32, #tpu.memory_space<hbm>> -> memref<3x64xi32, #tpu.memory_space<hbm>>
      %dma_start3A_351 = arith.constant 0 : i32
      %dma_start3A_352 = arith.constant 0 : i32
      %dma_start3A_353 = tpu.memref_slice %arg9[%dma_start3A_342, %dma_start3A_351, %dma_start3A_352] : memref<2x3x64xi32, #tpu.memory_space<vmem>> -> memref<1x3x64xi32, #tpu.memory_space<vmem>>
      %dma_start3A_354 = tpu.memref_squeeze %dma_start3A_353 : memref<1x3x64xi32, #tpu.memory_space<vmem>> -> memref<3x64xi32, #tpu.memory_space<vmem>>
      %dma_start3A_355 = arith.constant 0 : i32
      %dma_start3A_356 = arith.constant 0 : i32
      %dma_start3A_357 = tpu.memref_slice %arg3[%add3A_341, %dma_start3A_355, %dma_start3A_356] : memref<5026x3x64xi32, #tpu.memory_space<hbm>> -> memref<1x3x64xi32, #tpu.memory_space<hbm>>
      %dma_start3A_358 = tpu.memref_squeeze %dma_start3A_357 : memref<1x3x64xi32, #tpu.memory_space<hbm>> -> memref<3x64xi32, #tpu.memory_space<hbm>>
      tpu.enqueue_dma source(%dma_start3A_358 : memref<3x64xi32, #tpu.memory_space<hbm>>) target(%dma_start3A_354 : memref<3x64xi32, #tpu.memory_space<vmem>>) target_semaphore(%arg14 : memref<!tpu.dma_semaphore, #tpu.memory_space<semaphore_mem>>)
    }
    %while3A_82 = arith.constant 1 : i32
    scf.for %while3A_154 = %while3A_80 to %while3A_76 step %while3A_82  : i32 {
      %mul3A_155 = arith.constant 2 : i32
      %mul3A_156 = arith.muli %mul3A_155, %while3A_154 : i32
      %add3A_157 = arith.constant 0 : i32
      %add3A_158 = arith.addi %mul3A_156, %add3A_157 : i32
      %add3A_159 = arith.addi %select_n3A, %add3A_158 : i32
      %dma_wait3A_160 = arith.constant 0 : i32
      %dma_wait3A_161 = arith.constant 0 : i32
      %dma_wait3A_162 = arith.constant 0 : i32
      %dma_wait3A_163 = arith.constant 0 : i32
      %dma_wait3A_164 = tpu.memref_slice %arg9[%dma_wait3A_161, %dma_wait3A_162, %dma_wait3A_163] : memref<2x3x64xi32, #tpu.memory_space<vmem>> -> memref<1x3x64xi32, #tpu.memory_space<vmem>>
      %dma_wait3A_165 = tpu.memref_squeeze %dma_wait3A_164 : memref<1x3x64xi32, #tpu.memory_space<vmem>> -> memref<3x64xi32, #tpu.memory_space<vmem>>
      %dma_wait3A_166 = arith.constant 0 : i32
      %dma_wait3A_167 = arith.constant 0 : i32
      %dma_wait3A_168 = tpu.memref_slice %arg3[%dma_wait3A_160, %dma_wait3A_166, %dma_wait3A_167] : memref<5026x3x64xi32, #tpu.memory_space<hbm>> -> memref<1x3x64xi32, #tpu.memory_space<hbm>>
      %dma_wait3A_169 = tpu.memref_squeeze %dma_wait3A_168 : memref<1x3x64xi32, #tpu.memory_space<hbm>> -> memref<3x64xi32, #tpu.memory_space<hbm>>
      %dma_wait3A_170 = arith.constant 0 : i32
      %dma_wait3A_171 = arith.constant 0 : i32
      %dma_wait3A_172 = tpu.memref_slice %arg9[%dma_wait3A_161, %dma_wait3A_170, %dma_wait3A_171] : memref<2x3x64xi32, #tpu.memory_space<vmem>> -> memref<1x3x64xi32, #tpu.memory_space<vmem>>
      %dma_wait3A_173 = tpu.memref_squeeze %dma_wait3A_172 : memref<1x3x64xi32, #tpu.memory_space<vmem>> -> memref<3x64xi32, #tpu.memory_space<vmem>>
      %dma_wait3A_174 = arith.constant 0 : i32
      %dma_wait3A_175 = arith.constant 0 : i32
      %dma_wait3A_176 = tpu.memref_slice %arg3[%dma_wait3A_160, %dma_wait3A_174, %dma_wait3A_175] : memref<5026x3x64xi32, #tpu.memory_space<hbm>> -> memref<1x3x64xi32, #tpu.memory_space<hbm>>
      %dma_wait3A_177 = tpu.memref_squeeze %dma_wait3A_176 : memref<1x3x64xi32, #tpu.memory_space<hbm>> -> memref<3x64xi32, #tpu.memory_space<hbm>>
      tpu.wait_dma2 semaphore(%arg13 : memref<!tpu.dma_semaphore, #tpu.memory_space<semaphore_mem>>) src(%dma_wait3A_177 : memref<3x64xi32, #tpu.memory_space<hbm>>) dst(%dma_wait3A_173 : memref<3x64xi32, #tpu.memory_space<vmem>>)
      %dma_start3A_178 = arith.constant 0 : i32
      %dma_start3A_179 = arith.constant 0 : i32
      %dma_start3A_180 = arith.constant 0 : i32
      %dma_start3A_181 = tpu.memref_slice %arg9[%dma_start3A_178, %dma_start3A_179, %dma_start3A_180] : memref<2x3x64xi32, #tpu.memory_space<vmem>> -> memref<1x1x64xi32, #tpu.memory_space<vmem>>
      %dma_start3A_182 = tpu.memref_squeeze %dma_start3A_181 : memref<1x1x64xi32, #tpu.memory_space<vmem>> -> memref<64xi32, #tpu.memory_space<vmem>>
      %dma_start3A_183 = arith.constant 0 : i32
      %dma_start3A_184 = arith.constant 0 : i32
      %dma_start3A_185 = tpu.memref_slice %arg2[%dma_start3A_183, %dma_start3A_184] : memref<10000x128xf32, #tpu.memory_space<hbm>> -> memref<10000x128xf32, #tpu.memory_space<hbm>>
      tpu.enqueue_indirect_dma source(%dma_start3A_185 : memref<10000x128xf32, #tpu.memory_space<hbm>>) target(%arg10 : memref<64x128xf32, #tpu.memory_space<vmem>>) offsets(%dma_start3A_182 : memref<64xi32, #tpu.memory_space<vmem>>) semaphore(%arg15 : memref<!tpu.dma_semaphore, #tpu.memory_space<semaphore_mem>>)
      %dma_wait3A_186 = arith.constant 0 : i32
      %dma_wait3A_187 = arith.constant 0 : i32
      %dma_wait3A_188 = arith.constant 0 : i32
      %dma_wait3A_189 = tpu.memref_slice %arg9[%dma_wait3A_186, %dma_wait3A_187, %dma_wait3A_188] : memref<2x3x64xi32, #tpu.memory_space<vmem>> -> memref<1x1x64xi32, #tpu.memory_space<vmem>>
      %dma_wait3A_190 = tpu.memref_squeeze %dma_wait3A_189 : memref<1x1x64xi32, #tpu.memory_space<vmem>> -> memref<64xi32, #tpu.memory_space<vmem>>
      %dma_wait3A_191 = arith.constant 0 : i32
      %dma_wait3A_192 = arith.constant 0 : i32
      %dma_wait3A_193 = tpu.memref_slice %arg2[%dma_wait3A_191, %dma_wait3A_192] : memref<10000x128xf32, #tpu.memory_space<hbm>> -> memref<10000x128xf32, #tpu.memory_space<hbm>>
      tpu.wait_indirect_dma semaphore(%arg15 : memref<!tpu.dma_semaphore, #tpu.memory_space<semaphore_mem>>) src(%dma_wait3A_193 : memref<10000x128xf32, #tpu.memory_space<hbm>>) dst(%arg10 : memref<64x128xf32, #tpu.memory_space<vmem>>)
      %dma_start3A_194 = arith.constant 0 : i32
      %dma_start3A_195 = arith.constant 2 : i32
      %dma_start3A_196 = arith.constant 0 : i32
      %dma_start3A_197 = tpu.memref_slice %arg9[%dma_start3A_194, %dma_start3A_195, %dma_start3A_196] : memref<2x3x64xi32, #tpu.memory_space<vmem>> -> memref<1x1x64xi32, #tpu.memory_space<vmem>>
      %dma_start3A_198 = tpu.memref_squeeze %dma_start3A_197 : memref<1x1x64xi32, #tpu.memory_space<vmem>> -> memref<64xi32, #tpu.memory_space<vmem>>
      %dma_start3A_199 = arith.constant 0 : i32
      %dma_start3A_200 = arith.constant 0 : i32
      %dma_start3A_201 = tpu.memref_slice %arg17[%dma_start3A_199, %dma_start3A_200] : memref<512x128xf32, #tpu.memory_space<vmem_shared>> -> memref<512x128xf32, #tpu.memory_space<vmem_shared>>
      tpu.enqueue_indirect_dma source(%arg10 : memref<64x128xf32, #tpu.memory_space<vmem>>) target(%dma_start3A_201 : memref<512x128xf32, #tpu.memory_space<vmem_shared>>) offsets(%dma_start3A_198 : memref<64xi32, #tpu.memory_space<vmem>>) semaphore(%arg16 : memref<!tpu.dma_semaphore, #tpu.memory_space<semaphore_mem>>) {add = true}
      %dma_start3A_202 = arith.constant 0 : i32
      %dma_start3A_203 = arith.constant 2 : i32
      %dma_start3A_204 = arith.constant 0 : i32
      %dma_start3A_205 = tpu.memref_slice %arg9[%dma_start3A_202, %dma_start3A_203, %dma_start3A_204] : memref<2x3x64xi32, #tpu.memory_space<vmem>> -> memref<1x1x64xi32, #tpu.memory_space<vmem>>
      %dma_start3A_206 = tpu.memref_squeeze %dma_start3A_205 : memref<1x1x64xi32, #tpu.memory_space<vmem>> -> memref<64xi32, #tpu.memory_space<vmem>>
      %dma_start3A_207 = arith.constant 0 : i32
      %dma_start3A_208 = tpu.memref_slice %arg18[%dma_start3A_207] : memref<512xf32, #tpu.memory_space<vmem_shared>> -> memref<512xf32, #tpu.memory_space<vmem_shared>>
      tpu.enqueue_indirect_dma source(%arg11 : memref<64xf32, #tpu.memory_space<vmem>>) target(%dma_start3A_208 : memref<512xf32, #tpu.memory_space<vmem_shared>>) offsets(%dma_start3A_206 : memref<64xi32, #tpu.memory_space<vmem>>) semaphore(%arg16 : memref<!tpu.dma_semaphore, #tpu.memory_space<semaphore_mem>>) {add = true}
      %dma_start3A_209 = arith.constant 0 : i32
      %dma_start3A_210 = arith.constant 1 : i32
      %dma_start3A_211 = arith.constant 0 : i32
      %dma_start3A_212 = tpu.memref_slice %arg9[%dma_start3A_209, %dma_start3A_210, %dma_start3A_211] : memref<2x3x64xi32, #tpu.memory_space<vmem>> -> memref<1x1x64xi32, #tpu.memory_space<vmem>>
      %dma_start3A_213 = tpu.memref_squeeze %dma_start3A_212 : memref<1x1x64xi32, #tpu.memory_space<vmem>> -> memref<64xi32, #tpu.memory_space<vmem>>
      %dma_start3A_214 = arith.constant 0 : i32
      %dma_start3A_215 = tpu.memref_slice %arg19[%dma_start3A_214] : memref<10112xf32, #tpu.memory_space<vmem_shared>> -> memref<10112xf32, #tpu.memory_space<vmem_shared>>
      tpu.enqueue_indirect_dma source(%arg11 : memref<64xf32, #tpu.memory_space<vmem>>) target(%dma_start3A_215 : memref<10112xf32, #tpu.memory_space<vmem_shared>>) offsets(%dma_start3A_213 : memref<64xi32, #tpu.memory_space<vmem>>) semaphore(%arg16 : memref<!tpu.dma_semaphore, #tpu.memory_space<semaphore_mem>>) {add = true}
      %dma_wait3A_216 = arith.constant 0 : i32
      %dma_wait3A_217 = arith.constant 2 : i32
      %dma_wait3A_218 = arith.constant 0 : i32
      %dma_wait3A_219 = tpu.memref_slice %arg9[%dma_wait3A_216, %dma_wait3A_217, %dma_wait3A_218] : memref<2x3x64xi32, #tpu.memory_space<vmem>> -> memref<1x1x64xi32, #tpu.memory_space<vmem>>
      %dma_wait3A_220 = tpu.memref_squeeze %dma_wait3A_219 : memref<1x1x64xi32, #tpu.memory_space<vmem>> -> memref<64xi32, #tpu.memory_space<vmem>>
      %dma_wait3A_221 = arith.constant 0 : i32
      %dma_wait3A_222 = arith.constant 0 : i32
      %dma_wait3A_223 = tpu.memref_slice %arg17[%dma_wait3A_221, %dma_wait3A_222] : memref<512x128xf32, #tpu.memory_space<vmem_shared>> -> memref<512x128xf32, #tpu.memory_space<vmem_shared>>
      tpu.wait_indirect_dma semaphore(%arg16 : memref<!tpu.dma_semaphore, #tpu.memory_space<semaphore_mem>>) src(%arg10 : memref<64x128xf32, #tpu.memory_space<vmem>>) dst(%dma_wait3A_223 : memref<512x128xf32, #tpu.memory_space<vmem_shared>>)
      %dma_wait3A_224 = arith.constant 0 : i32
      %dma_wait3A_225 = arith.constant 2 : i32
      %dma_wait3A_226 = arith.constant 0 : i32
      %dma_wait3A_227 = tpu.memref_slice %arg9[%dma_wait3A_224, %dma_wait3A_225, %dma_wait3A_226] : memref<2x3x64xi32, #tpu.memory_space<vmem>> -> memref<1x1x64xi32, #tpu.memory_space<vmem>>
      %dma_wait3A_228 = tpu.memref_squeeze %dma_wait3A_227 : memref<1x1x64xi32, #tpu.memory_space<vmem>> -> memref<64xi32, #tpu.memory_space<vmem>>
      %dma_wait3A_229 = arith.constant 0 : i32
      %dma_wait3A_230 = tpu.memref_slice %arg18[%dma_wait3A_229] : memref<512xf32, #tpu.memory_space<vmem_shared>> -> memref<512xf32, #tpu.memory_space<vmem_shared>>
      tpu.wait_indirect_dma semaphore(%arg16 : memref<!tpu.dma_semaphore, #tpu.memory_space<semaphore_mem>>) src(%arg11 : memref<64xf32, #tpu.memory_space<vmem>>) dst(%dma_wait3A_230 : memref<512xf32, #tpu.memory_space<vmem_shared>>)
      %dma_wait3A_231 = arith.constant 0 : i32
      %dma_wait3A_232 = arith.constant 1 : i32
      %dma_wait3A_233 = arith.constant 0 : i32
      %dma_wait3A_234 = tpu.memref_slice %arg9[%dma_wait3A_231, %dma_wait3A_232, %dma_wait3A_233] : memref<2x3x64xi32, #tpu.memory_space<vmem>> -> memref<1x1x64xi32, #tpu.memory_space<vmem>>
      %dma_wait3A_235 = tpu.memref_squeeze %dma_wait3A_234 : memref<1x1x64xi32, #tpu.memory_space<vmem>> -> memref<64xi32, #tpu.memory_space<vmem>>
      %dma_wait3A_236 = arith.constant 0 : i32
      %dma_wait3A_237 = tpu.memref_slice %arg19[%dma_wait3A_236] : memref<10112xf32, #tpu.memory_space<vmem_shared>> -> memref<10112xf32, #tpu.memory_space<vmem_shared>>
      tpu.wait_indirect_dma semaphore(%arg16 : memref<!tpu.dma_semaphore, #tpu.memory_space<semaphore_mem>>) src(%arg11 : memref<64xf32, #tpu.memory_space<vmem>>) dst(%dma_wait3A_237 : memref<10112xf32, #tpu.memory_space<vmem_shared>>)
      %add3A_238 = arith.constant 2 : i32
      %add3A_239 = arith.addi %add3A_159, %add3A_238 : i32
      %dma_start3A_240 = arith.constant 0 : i32
      %dma_start3A_241 = arith.constant 0 : i32
      %dma_start3A_242 = arith.constant 0 : i32
      %dma_start3A_243 = tpu.memref_slice %arg9[%dma_start3A_240, %dma_start3A_241, %dma_start3A_242] : memref<2x3x64xi32, #tpu.memory_space<vmem>> -> memref<1x3x64xi32, #tpu.memory_space<vmem>>
      %dma_start3A_244 = tpu.memref_squeeze %dma_start3A_243 : memref<1x3x64xi32, #tpu.memory_space<vmem>> -> memref<3x64xi32, #tpu.memory_space<vmem>>
      %dma_start3A_245 = arith.constant 0 : i32
      %dma_start3A_246 = arith.constant 0 : i32
      %dma_start3A_247 = tpu.memref_slice %arg3[%add3A_239, %dma_start3A_245, %dma_start3A_246] : memref<5026x3x64xi32, #tpu.memory_space<hbm>> -> memref<1x3x64xi32, #tpu.memory_space<hbm>>
      %dma_start3A_248 = tpu.memref_squeeze %dma_start3A_247 : memref<1x3x64xi32, #tpu.memory_space<hbm>> -> memref<3x64xi32, #tpu.memory_space<hbm>>
      %dma_start3A_249 = arith.constant 0 : i32
      %dma_start3A_250 = arith.constant 0 : i32
      %dma_start3A_251 = tpu.memref_slice %arg9[%dma_start3A_240, %dma_start3A_249, %dma_start3A_250] : memref<2x3x64xi32, #tpu.memory_space<vmem>> -> memref<1x3x64xi32, #tpu.memory_space<vmem>>
      %dma_start3A_252 = tpu.memref_squeeze %dma_start3A_251 : memref<1x3x64xi32, #tpu.memory_space<vmem>> -> memref<3x64xi32, #tpu.memory_space<vmem>>
      %dma_start3A_253 = arith.constant 0 : i32
      %dma_start3A_254 = arith.constant 0 : i32
      %dma_start3A_255 = tpu.memref_slice %arg3[%add3A_239, %dma_start3A_253, %dma_start3A_254] : memref<5026x3x64xi32, #tpu.memory_space<hbm>> -> memref<1x3x64xi32, #tpu.memory_space<hbm>>
      %dma_start3A_256 = tpu.memref_squeeze %dma_start3A_255 : memref<1x3x64xi32, #tpu.memory_space<hbm>> -> memref<3x64xi32, #tpu.memory_space<hbm>>
      tpu.enqueue_dma source(%dma_start3A_256 : memref<3x64xi32, #tpu.memory_space<hbm>>) target(%dma_start3A_252 : memref<3x64xi32, #tpu.memory_space<vmem>>) target_semaphore(%arg13 : memref<!tpu.dma_semaphore, #tpu.memory_space<semaphore_mem>>)
      %mul3A_257 = arith.constant 2 : i32
      %mul3A_258 = arith.muli %mul3A_257, %while3A_154 : i32
      %add3A_259 = arith.constant 1 : i32
      %add3A_260 = arith.addi %mul3A_258, %add3A_259 : i32
      %add3A_261 = arith.addi %select_n3A, %add3A_260 : i32
      %dma_wait3A_262 = arith.constant 0 : i32
      %dma_wait3A_263 = arith.constant 1 : i32
      %dma_wait3A_264 = arith.constant 0 : i32
      %dma_wait3A_265 = arith.constant 0 : i32
      %dma_wait3A_266 = tpu.memref_slice %arg9[%dma_wait3A_263, %dma_wait3A_264, %dma_wait3A_265] : memref<2x3x64xi32, #tpu.memory_space<vmem>> -> memref<1x3x64xi32, #tpu.memory_space<vmem>>
      %dma_wait3A_267 = tpu.memref_squeeze %dma_wait3A_266 : memref<1x3x64xi32, #tpu.memory_space<vmem>> -> memref<3x64xi32, #tpu.memory_space<vmem>>
      %dma_wait3A_268 = arith.constant 0 : i32
      %dma_wait3A_269 = arith.constant 0 : i32
      %dma_wait3A_270 = tpu.memref_slice %arg3[%dma_wait3A_262, %dma_wait3A_268, %dma_wait3A_269] : memref<5026x3x64xi32, #tpu.memory_space<hbm>> -> memref<1x3x64xi32, #tpu.memory_space<hbm>>
      %dma_wait3A_271 = tpu.memref_squeeze %dma_wait3A_270 : memref<1x3x64xi32, #tpu.memory_space<hbm>> -> memref<3x64xi32, #tpu.memory_space<hbm>>
      %dma_wait3A_272 = arith.constant 0 : i32
      %dma_wait3A_273 = arith.constant 0 : i32
      %dma_wait3A_274 = tpu.memref_slice %arg9[%dma_wait3A_263, %dma_wait3A_272, %dma_wait3A_273] : memref<2x3x64xi32, #tpu.memory_space<vmem>> -> memref<1x3x64xi32, #tpu.memory_space<vmem>>
      %dma_wait3A_275 = tpu.memref_squeeze %dma_wait3A_274 : memref<1x3x64xi32, #tpu.memory_space<vmem>> -> memref<3x64xi32, #tpu.memory_space<vmem>>
      %dma_wait3A_276 = arith.constant 0 : i32
      %dma_wait3A_277 = arith.constant 0 : i32
      %dma_wait3A_278 = tpu.memref_slice %arg3[%dma_wait3A_262, %dma_wait3A_276, %dma_wait3A_277] : memref<5026x3x64xi32, #tpu.memory_space<hbm>> -> memref<1x3x64xi32, #tpu.memory_space<hbm>>
      %dma_wait3A_279 = tpu.memref_squeeze %dma_wait3A_278 : memref<1x3x64xi32, #tpu.memory_space<hbm>> -> memref<3x64xi32, #tpu.memory_space<hbm>>
      tpu.wait_dma2 semaphore(%arg14 : memref<!tpu.dma_semaphore, #tpu.memory_space<semaphore_mem>>) src(%dma_wait3A_279 : memref<3x64xi32, #tpu.memory_space<hbm>>) dst(%dma_wait3A_275 : memref<3x64xi32, #tpu.memory_space<vmem>>)
      %dma_start3A_280 = arith.constant 1 : i32
      %dma_start3A_281 = arith.constant 0 : i32
      %dma_start3A_282 = arith.constant 0 : i32
      %dma_start3A_283 = tpu.memref_slice %arg9[%dma_start3A_280, %dma_start3A_281, %dma_start3A_282] : memref<2x3x64xi32, #tpu.memory_space<vmem>> -> memref<1x1x64xi32, #tpu.memory_space<vmem>>
      %dma_start3A_284 = tpu.memref_squeeze %dma_start3A_283 : memref<1x1x64xi32, #tpu.memory_space<vmem>> -> memref<64xi32, #tpu.memory_space<vmem>>
      %dma_start3A_285 = arith.constant 0 : i32
      %dma_start3A_286 = arith.constant 0 : i32
      %dma_start3A_287 = tpu.memref_slice %arg2[%dma_start3A_285, %dma_start3A_286] : memref<10000x128xf32, #tpu.memory_space<hbm>> -> memref<10000x128xf32, #tpu.memory_space<hbm>>
      tpu.enqueue_indirect_dma source(%dma_start3A_287 : memref<10000x128xf32, #tpu.memory_space<hbm>>) target(%arg10 : memref<64x128xf32, #tpu.memory_space<vmem>>) offsets(%dma_start3A_284 : memref<64xi32, #tpu.memory_space<vmem>>) semaphore(%arg15 : memref<!tpu.dma_semaphore, #tpu.memory_space<semaphore_mem>>)
      %dma_wait3A_288 = arith.constant 1 : i32
      %dma_wait3A_289 = arith.constant 0 : i32
      %dma_wait3A_290 = arith.constant 0 : i32
      %dma_wait3A_291 = tpu.memref_slice %arg9[%dma_wait3A_288, %dma_wait3A_289, %dma_wait3A_290] : memref<2x3x64xi32, #tpu.memory_space<vmem>> -> memref<1x1x64xi32, #tpu.memory_space<vmem>>
      %dma_wait3A_292 = tpu.memref_squeeze %dma_wait3A_291 : memref<1x1x64xi32, #tpu.memory_space<vmem>> -> memref<64xi32, #tpu.memory_space<vmem>>
      %dma_wait3A_293 = arith.constant 0 : i32
      %dma_wait3A_294 = arith.constant 0 : i32
      %dma_wait3A_295 = tpu.memref_slice %arg2[%dma_wait3A_293, %dma_wait3A_294] : memref<10000x128xf32, #tpu.memory_space<hbm>> -> memref<10000x128xf32, #tpu.memory_space<hbm>>
      tpu.wait_indirect_dma semaphore(%arg15 : memref<!tpu.dma_semaphore, #tpu.memory_space<semaphore_mem>>) src(%dma_wait3A_295 : memref<10000x128xf32, #tpu.memory_space<hbm>>) dst(%arg10 : memref<64x128xf32, #tpu.memory_space<vmem>>)
      %dma_start3A_296 = arith.constant 1 : i32
      %dma_start3A_297 = arith.constant 2 : i32
      %dma_start3A_298 = arith.constant 0 : i32
      %dma_start3A_299 = tpu.memref_slice %arg9[%dma_start3A_296, %dma_start3A_297, %dma_start3A_298] : memref<2x3x64xi32, #tpu.memory_space<vmem>> -> memref<1x1x64xi32, #tpu.memory_space<vmem>>
      %dma_start3A_300 = tpu.memref_squeeze %dma_start3A_299 : memref<1x1x64xi32, #tpu.memory_space<vmem>> -> memref<64xi32, #tpu.memory_space<vmem>>
      %dma_start3A_301 = arith.constant 0 : i32
      %dma_start3A_302 = arith.constant 0 : i32
      %dma_start3A_303 = tpu.memref_slice %arg17[%dma_start3A_301, %dma_start3A_302] : memref<512x128xf32, #tpu.memory_space<vmem_shared>> -> memref<512x128xf32, #tpu.memory_space<vmem_shared>>
      tpu.enqueue_indirect_dma source(%arg10 : memref<64x128xf32, #tpu.memory_space<vmem>>) target(%dma_start3A_303 : memref<512x128xf32, #tpu.memory_space<vmem_shared>>) offsets(%dma_start3A_300 : memref<64xi32, #tpu.memory_space<vmem>>) semaphore(%arg16 : memref<!tpu.dma_semaphore, #tpu.memory_space<semaphore_mem>>) {add = true}
      %dma_start3A_304 = arith.constant 1 : i32
      %dma_start3A_305 = arith.constant 2 : i32
      %dma_start3A_306 = arith.constant 0 : i32
      %dma_start3A_307 = tpu.memref_slice %arg9[%dma_start3A_304, %dma_start3A_305, %dma_start3A_306] : memref<2x3x64xi32, #tpu.memory_space<vmem>> -> memref<1x1x64xi32, #tpu.memory_space<vmem>>
      %dma_start3A_308 = tpu.memref_squeeze %dma_start3A_307 : memref<1x1x64xi32, #tpu.memory_space<vmem>> -> memref<64xi32, #tpu.memory_space<vmem>>
      %dma_start3A_309 = arith.constant 0 : i32
      %dma_start3A_310 = tpu.memref_slice %arg18[%dma_start3A_309] : memref<512xf32, #tpu.memory_space<vmem_shared>> -> memref<512xf32, #tpu.memory_space<vmem_shared>>
      tpu.enqueue_indirect_dma source(%arg11 : memref<64xf32, #tpu.memory_space<vmem>>) target(%dma_start3A_310 : memref<512xf32, #tpu.memory_space<vmem_shared>>) offsets(%dma_start3A_308 : memref<64xi32, #tpu.memory_space<vmem>>) semaphore(%arg16 : memref<!tpu.dma_semaphore, #tpu.memory_space<semaphore_mem>>) {add = true}
      %dma_start3A_311 = arith.constant 1 : i32
      %dma_start3A_312 = arith.constant 1 : i32
      %dma_start3A_313 = arith.constant 0 : i32
      %dma_start3A_314 = tpu.memref_slice %arg9[%dma_start3A_311, %dma_start3A_312, %dma_start3A_313] : memref<2x3x64xi32, #tpu.memory_space<vmem>> -> memref<1x1x64xi32, #tpu.memory_space<vmem>>
      %dma_start3A_315 = tpu.memref_squeeze %dma_start3A_314 : memref<1x1x64xi32, #tpu.memory_space<vmem>> -> memref<64xi32, #tpu.memory_space<vmem>>
      %dma_start3A_316 = arith.constant 0 : i32
      %dma_start3A_317 = tpu.memref_slice %arg19[%dma_start3A_316] : memref<10112xf32, #tpu.memory_space<vmem_shared>> -> memref<10112xf32, #tpu.memory_space<vmem_shared>>
      tpu.enqueue_indirect_dma source(%arg11 : memref<64xf32, #tpu.memory_space<vmem>>) target(%dma_start3A_317 : memref<10112xf32, #tpu.memory_space<vmem_shared>>) offsets(%dma_start3A_315 : memref<64xi32, #tpu.memory_space<vmem>>) semaphore(%arg16 : memref<!tpu.dma_semaphore, #tpu.memory_space<semaphore_mem>>) {add = true}
      %dma_wait3A_318 = arith.constant 1 : i32
      %dma_wait3A_319 = arith.constant 2 : i32
      %dma_wait3A_320 = arith.constant 0 : i32
      %dma_wait3A_321 = tpu.memref_slice %arg9[%dma_wait3A_318, %dma_wait3A_319, %dma_wait3A_320] : memref<2x3x64xi32, #tpu.memory_space<vmem>> -> memref<1x1x64xi32, #tpu.memory_space<vmem>>
      %dma_wait3A_322 = tpu.memref_squeeze %dma_wait3A_321 : memref<1x1x64xi32, #tpu.memory_space<vmem>> -> memref<64xi32, #tpu.memory_space<vmem>>
      %dma_wait3A_323 = arith.constant 0 : i32
      %dma_wait3A_324 = arith.constant 0 : i32
      %dma_wait3A_325 = tpu.memref_slice %arg17[%dma_wait3A_323, %dma_wait3A_324] : memref<512x128xf32, #tpu.memory_space<vmem_shared>> -> memref<512x128xf32, #tpu.memory_space<vmem_shared>>
      tpu.wait_indirect_dma semaphore(%arg16 : memref<!tpu.dma_semaphore, #tpu.memory_space<semaphore_mem>>) src(%arg10 : memref<64x128xf32, #tpu.memory_space<vmem>>) dst(%dma_wait3A_325 : memref<512x128xf32, #tpu.memory_space<vmem_shared>>)
      %dma_wait3A_326 = arith.constant 1 : i32
      %dma_wait3A_327 = arith.constant 2 : i32
      %dma_wait3A_328 = arith.constant 0 : i32
      %dma_wait3A_329 = tpu.memref_slice %arg9[%dma_wait3A_326, %dma_wait3A_327, %dma_wait3A_328] : memref<2x3x64xi32, #tpu.memory_space<vmem>> -> memref<1x1x64xi32, #tpu.memory_space<vmem>>
      %dma_wait3A_330 = tpu.memref_squeeze %dma_wait3A_329 : memref<1x1x64xi32, #tpu.memory_space<vmem>> -> memref<64xi32, #tpu.memory_space<vmem>>
      %dma_wait3A_331 = arith.constant 0 : i32
      %dma_wait3A_332 = tpu.memref_slice %arg18[%dma_wait3A_331] : memref<512xf32, #tpu.memory_space<vmem_shared>> -> memref<512xf32, #tpu.memory_space<vmem_shared>>
      tpu.wait_indirect_dma semaphore(%arg16 : memref<!tpu.dma_semaphore, #tpu.memory_space<semaphore_mem>>) src(%arg11 : memref<64xf32, #tpu.memory_space<vmem>>) dst(%dma_wait3A_332 : memref<512xf32, #tpu.memory_space<vmem_shared>>)
      %dma_wait3A_333 = arith.constant 1 : i32
      %dma_wait3A_334 = arith.constant 1 : i32
      %dma_wait3A_335 = arith.constant 0 : i32
      %dma_wait3A_336 = tpu.memref_slice %arg9[%dma_wait3A_333, %dma_wait3A_334, %dma_wait3A_335] : memref<2x3x64xi32, #tpu.memory_space<vmem>> -> memref<1x1x64xi32, #tpu.memory_space<vmem>>
      %dma_wait3A_337 = tpu.memref_squeeze %dma_wait3A_336 : memref<1x1x64xi32, #tpu.memory_space<vmem>> -> memref<64xi32, #tpu.memory_space<vmem>>
      %dma_wait3A_338 = arith.constant 0 : i32
      %dma_wait3A_339 = tpu.memref_slice %arg19[%dma_wait3A_338] : memref<10112xf32, #tpu.memory_space<vmem_shared>> -> memref<10112xf32, #tpu.memory_space<vmem_shared>>
      tpu.wait_indirect_dma semaphore(%arg16 : memref<!tpu.dma_semaphore, #tpu.memory_space<semaphore_mem>>) src(%arg11 : memref<64xf32, #tpu.memory_space<vmem>>) dst(%dma_wait3A_339 : memref<10112xf32, #tpu.memory_space<vmem_shared>>)
      %add3A_340 = arith.constant 2 : i32
      %add3A_341 = arith.addi %add3A_261, %add3A_340 : i32
      %dma_start3A_342 = arith.constant 1 : i32
      %dma_start3A_343 = arith.constant 0 : i32
      %dma_start3A_344 = arith.constant 0 : i32
      %dma_start3A_345 = tpu.memref_slice %arg9[%dma_start3A_342, %dma_start3A_343, %dma_start3A_344] : memref<2x3x64xi32, #tpu.memory_space<vmem>> -> memref<1x3x64xi32, #tpu.memory_space<vmem>>
      %dma_start3A_346 = tpu.memref_squeeze %dma_start3A_345 : memref<1x3x64xi32, #tpu.memory_space<vmem>> -> memref<3x64xi32, #tpu.memory_space<vmem>>
      %dma_start3A_347 = arith.constant 0 : i32
      %dma_start3A_348 = arith.constant 0 : i32
      %dma_start3A_349 = tpu.memref_slice %arg3[%add3A_341, %dma_start3A_347, %dma_start3A_348] : memref<5026x3x64xi32, #tpu.memory_space<hbm>> -> memref<1x3x64xi32, #tpu.memory_space<hbm>>
      %dma_start3A_350 = tpu.memref_squeeze %dma_start3A_349 : memref<1x3x64xi32, #tpu.memory_space<hbm>> -> memref<3x64xi32, #tpu.memory_space<hbm>>
      %dma_start3A_351 = arith.constant 0 : i32
      %dma_start3A_352 = arith.constant 0 : i32
      %dma_start3A_353 = tpu.memref_slice %arg9[%dma_start3A_342, %dma_start3A_351, %dma_start3A_352] : memref<2x3x64xi32, #tpu.memory_space<vmem>> -> memref<1x3x64xi32, #tpu.memory_space<vmem>>
      %dma_start3A_354 = tpu.memref_squeeze %dma_start3A_353 : memref<1x3x64xi32, #tpu.memory_space<vmem>> -> memref<3x64xi32, #tpu.memory_space<vmem>>
      %dma_start3A_355 = arith.constant 0 : i32
      %dma_start3A_356 = arith.constant 0 : i32
      %dma_start3A_357 = tpu.memref_slice %arg3[%add3A_341, %dma_start3A_355, %dma_start3A_356] : memref<5026x3x64xi32, #tpu.memory_space<hbm>> -> memref<1x3x64xi32, #tpu.memory_space<hbm>>
      %dma_start3A_358 = tpu.memref_squeeze %dma_start3A_357 : memref<1x3x64xi32, #tpu.memory_space<hbm>> -> memref<3x64xi32, #tpu.memory_space<hbm>>
      tpu.enqueue_dma source(%dma_start3A_358 : memref<3x64xi32, #tpu.memory_space<hbm>>) target(%dma_start3A_354 : memref<3x64xi32, #tpu.memory_space<vmem>>) target_semaphore(%arg14 : memref<!tpu.dma_semaphore, #tpu.memory_space<semaphore_mem>>)
    }
    %dma_wait3A = arith.constant 0 : i32
    %dma_wait3A_83 = arith.constant 0 : i32
    %dma_wait3A_84 = arith.constant 0 : i32
    %dma_wait3A_85 = arith.constant 0 : i32
    %dma_wait3A_86 = tpu.memref_slice %arg9[%dma_wait3A_83, %dma_wait3A_84, %dma_wait3A_85] : memref<2x3x64xi32, #tpu.memory_space<vmem>> -> memref<1x3x64xi32, #tpu.memory_space<vmem>>
    %dma_wait3A_87 = tpu.memref_squeeze %dma_wait3A_86 : memref<1x3x64xi32, #tpu.memory_space<vmem>> -> memref<3x64xi32, #tpu.memory_space<vmem>>
    %dma_wait3A_88 = arith.constant 0 : i32
    %dma_wait3A_89 = arith.constant 0 : i32
    %dma_wait3A_90 = tpu.memref_slice %arg3[%dma_wait3A, %dma_wait3A_88, %dma_wait3A_89] : memref<5026x3x64xi32, #tpu.memory_space<hbm>> -> memref<1x3x64xi32, #tpu.memory_space<hbm>>
    %dma_wait3A_91 = tpu.memref_squeeze %dma_wait3A_90 : memref<1x3x64xi32, #tpu.memory_space<hbm>> -> memref<3x64xi32, #tpu.memory_space<hbm>>
    %dma_wait3A_92 = arith.constant 0 : i32
    %dma_wait3A_93 = arith.constant 0 : i32
    %dma_wait3A_94 = tpu.memref_slice %arg9[%dma_wait3A_83, %dma_wait3A_92, %dma_wait3A_93] : memref<2x3x64xi32, #tpu.memory_space<vmem>> -> memref<1x3x64xi32, #tpu.memory_space<vmem>>
    %dma_wait3A_95 = tpu.memref_squeeze %dma_wait3A_94 : memref<1x3x64xi32, #tpu.memory_space<vmem>> -> memref<3x64xi32, #tpu.memory_space<vmem>>
    %dma_wait3A_96 = arith.constant 0 : i32
    %dma_wait3A_97 = arith.constant 0 : i32
    %dma_wait3A_98 = tpu.memref_slice %arg3[%dma_wait3A, %dma_wait3A_96, %dma_wait3A_97] : memref<5026x3x64xi32, #tpu.memory_space<hbm>> -> memref<1x3x64xi32, #tpu.memory_space<hbm>>
    %dma_wait3A_99 = tpu.memref_squeeze %dma_wait3A_98 : memref<1x3x64xi32, #tpu.memory_space<hbm>> -> memref<3x64xi32, #tpu.memory_space<hbm>>
    tpu.wait_dma2 semaphore(%arg13 : memref<!tpu.dma_semaphore, #tpu.memory_space<semaphore_mem>>) src(%dma_wait3A_99 : memref<3x64xi32, #tpu.memory_space<hbm>>) dst(%dma_wait3A_95 : memref<3x64xi32, #tpu.memory_space<vmem>>)
    %dma_wait3A_100 = arith.constant 0 : i32
    %dma_wait3A_101 = arith.constant 1 : i32
    %dma_wait3A_102 = arith.constant 0 : i32
    %dma_wait3A_103 = arith.constant 0 : i32
    %dma_wait3A_104 = tpu.memref_slice %arg9[%dma_wait3A_101, %dma_wait3A_102, %dma_wait3A_103] : memref<2x3x64xi32, #tpu.memory_space<vmem>> -> memref<1x3x64xi32, #tpu.memory_space<vmem>>
    %dma_wait3A_105 = tpu.memref_squeeze %dma_wait3A_104 : memref<1x3x64xi32, #tpu.memory_space<vmem>> -> memref<3x64xi32, #tpu.memory_space<vmem>>
    %dma_wait3A_106 = arith.constant 0 : i32
    %dma_wait3A_107 = arith.constant 0 : i32
    %dma_wait3A_108 = tpu.memref_slice %arg3[%dma_wait3A_100, %dma_wait3A_106, %dma_wait3A_107] : memref<5026x3x64xi32, #tpu.memory_space<hbm>> -> memref<1x3x64xi32, #tpu.memory_space<hbm>>
    %dma_wait3A_109 = tpu.memref_squeeze %dma_wait3A_108 : memref<1x3x64xi32, #tpu.memory_space<hbm>> -> memref<3x64xi32, #tpu.memory_space<hbm>>
    %dma_wait3A_110 = arith.constant 0 : i32
    %dma_wait3A_111 = arith.constant 0 : i32
    %dma_wait3A_112 = tpu.memref_slice %arg9[%dma_wait3A_101, %dma_wait3A_110, %dma_wait3A_111] : memref<2x3x64xi32, #tpu.memory_space<vmem>> -> memref<1x3x64xi32, #tpu.memory_space<vmem>>
    %dma_wait3A_113 = tpu.memref_squeeze %dma_wait3A_112 : memref<1x3x64xi32, #tpu.memory_space<vmem>> -> memref<3x64xi32, #tpu.memory_space<vmem>>
    %dma_wait3A_114 = arith.constant 0 : i32
    %dma_wait3A_115 = arith.constant 0 : i32
    %dma_wait3A_116 = tpu.memref_slice %arg3[%dma_wait3A_100, %dma_wait3A_114, %dma_wait3A_115] : memref<5026x3x64xi32, #tpu.memory_space<hbm>> -> memref<1x3x64xi32, #tpu.memory_space<hbm>>
    %dma_wait3A_117 = tpu.memref_squeeze %dma_wait3A_116 : memref<1x3x64xi32, #tpu.memory_space<hbm>> -> memref<3x64xi32, #tpu.memory_space<hbm>>
    tpu.wait_dma2 semaphore(%arg14 : memref<!tpu.dma_semaphore, #tpu.memory_space<semaphore_mem>>) src(%dma_wait3A_117 : memref<3x64xi32, #tpu.memory_space<hbm>>) dst(%dma_wait3A_113 : memref<3x64xi32, #tpu.memory_space<vmem>>)
    %barrier3A_118 = arith.constant 0 : index
    tpu.barrier barrier_id(%barrier3A_118)
    %mul3A_119 = arith.constant 32 : i32
    %mul3A_120 = arith.muli %arg1, %mul3A_119 : i32
    %scan3A_121 = arith.constant 0 : i32
    %scan3A_122 = arith.constant 0 : i32
    %scan3A_123 = arith.constant 0 : i32
    %scan3A_124 = arith.addi %scan3A_122, %scan3A_123 : i32
    %scan3A_125 = arith.constant 0 : i32
    %add3A_126 = arith.constant 0 : i32
    %add3A_127 = arith.addi %mul3A_120, %add3A_126 : i32
    "tpu.region"() ({
      %run_scoped3A = tpu.sem_alloc : memref<!tpu.dma_semaphore, #tpu.memory_space<semaphore_mem>>
      %dma_start3A_154 = arith.constant 0 : i32
      %dma_start3A_155 = arith.constant 0 : i32
      %dma_start3A_156 = tpu.memref_slice %arg10[%dma_start3A_154, %dma_start3A_155] : memref<64x128xf32, #tpu.memory_space<vmem>> -> memref<32x128xf32, #tpu.memory_space<vmem>>
      %dma_start3A_157 = arith.constant 0 : i32
      %dma_start3A_158 = tpu.memref_slice %arg17[%add3A_127, %dma_start3A_157] : memref<512x128xf32, #tpu.memory_space<vmem_shared>> -> memref<32x128xf32, #tpu.memory_space<vmem_shared>>
      %dma_start3A_159 = arith.constant 0 : i32
      %dma_start3A_160 = arith.constant 0 : i32
      %dma_start3A_161 = tpu.memref_slice %arg10[%dma_start3A_159, %dma_start3A_160] : memref<64x128xf32, #tpu.memory_space<vmem>> -> memref<32x128xf32, #tpu.memory_space<vmem>>
      %dma_start3A_162 = arith.constant 0 : i32
      %dma_start3A_163 = tpu.memref_slice %arg17[%add3A_127, %dma_start3A_162] : memref<512x128xf32, #tpu.memory_space<vmem_shared>> -> memref<32x128xf32, #tpu.memory_space<vmem_shared>>
      tpu.enqueue_dma source(%dma_start3A_163 : memref<32x128xf32, #tpu.memory_space<vmem_shared>>) target(%dma_start3A_161 : memref<32x128xf32, #tpu.memory_space<vmem>>) target_semaphore(%run_scoped3A : memref<!tpu.dma_semaphore, #tpu.memory_space<semaphore_mem>>)
      %dma_wait3A_164 = arith.constant 0 : i32
      %dma_wait3A_165 = arith.constant 0 : i32
      %dma_wait3A_166 = tpu.memref_slice %arg10[%dma_wait3A_164, %dma_wait3A_165] : memref<64x128xf32, #tpu.memory_space<vmem>> -> memref<32x128xf32, #tpu.memory_space<vmem>>
      %dma_wait3A_167 = arith.constant 0 : i32
      %dma_wait3A_168 = tpu.memref_slice %arg17[%add3A_127, %dma_wait3A_167] : memref<512x128xf32, #tpu.memory_space<vmem_shared>> -> memref<32x128xf32, #tpu.memory_space<vmem_shared>>
      %dma_wait3A_169 = arith.constant 0 : i32
      %dma_wait3A_170 = arith.constant 0 : i32
      %dma_wait3A_171 = tpu.memref_slice %arg10[%dma_wait3A_169, %dma_wait3A_170] : memref<64x128xf32, #tpu.memory_space<vmem>> -> memref<32x128xf32, #tpu.memory_space<vmem>>
      %dma_wait3A_172 = arith.constant 0 : i32
      %dma_wait3A_173 = tpu.memref_slice %arg17[%add3A_127, %dma_wait3A_172] : memref<512x128xf32, #tpu.memory_space<vmem_shared>> -> memref<32x128xf32, #tpu.memory_space<vmem_shared>>
      tpu.wait_dma2 semaphore(%run_scoped3A : memref<!tpu.dma_semaphore, #tpu.memory_space<semaphore_mem>>) src(%dma_wait3A_173 : memref<32x128xf32, #tpu.memory_space<vmem_shared>>) dst(%dma_wait3A_171 : memref<32x128xf32, #tpu.memory_space<vmem>>)
      tpu.yield
    }) : () -> ()
    %mul3A_128 = arith.constant 32 : i32
    %mul3A_129 = arith.muli %arg1, %mul3A_128 : i32
    "tpu.region"() ({
      %run_scoped3A = tpu.sem_alloc : memref<!tpu.dma_semaphore, #tpu.memory_space<semaphore_mem>>
      %dma_start3A_154 = arith.constant 0 : i32
      %dma_start3A_155 = arith.constant 0 : i32
      %dma_start3A_156 = tpu.memref_slice %arg10[%dma_start3A_154, %dma_start3A_155] : memref<64x128xf32, #tpu.memory_space<vmem>> -> memref<32x128xf32, #tpu.memory_space<vmem>>
      %dma_start3A_157 = arith.constant 0 : i32
      %dma_start3A_158 = tpu.memref_slice %arg6[%arg0, %mul3A_129, %dma_start3A_157] : memref<2x512x128xf32, #tpu.memory_space<hbm>> -> memref<1x32x128xf32, #tpu.memory_space<hbm>>
      %dma_start3A_159 = tpu.memref_squeeze %dma_start3A_158 : memref<1x32x128xf32, #tpu.memory_space<hbm>> -> memref<32x128xf32, #tpu.memory_space<hbm>>
      %dma_start3A_160 = arith.constant 0 : i32
      %dma_start3A_161 = tpu.memref_slice %arg6[%arg0, %mul3A_129, %dma_start3A_160] : memref<2x512x128xf32, #tpu.memory_space<hbm>> -> memref<1x32x128xf32, #tpu.memory_space<hbm>>
      %dma_start3A_162 = tpu.memref_squeeze %dma_start3A_161 : memref<1x32x128xf32, #tpu.memory_space<hbm>> -> memref<32x128xf32, #tpu.memory_space<hbm>>
      %dma_start3A_163 = arith.constant 0 : i32
      %dma_start3A_164 = arith.constant 0 : i32
      %dma_start3A_165 = tpu.memref_slice %arg10[%dma_start3A_163, %dma_start3A_164] : memref<64x128xf32, #tpu.memory_space<vmem>> -> memref<32x128xf32, #tpu.memory_space<vmem>>
      tpu.enqueue_dma source(%dma_start3A_165 : memref<32x128xf32, #tpu.memory_space<vmem>>) target(%dma_start3A_162 : memref<32x128xf32, #tpu.memory_space<hbm>>) target_semaphore(%run_scoped3A : memref<!tpu.dma_semaphore, #tpu.memory_space<semaphore_mem>>)
      %dma_wait3A_166 = arith.constant 0 : i32
      %dma_wait3A_167 = arith.constant 0 : i32
      %dma_wait3A_168 = tpu.memref_slice %arg10[%dma_wait3A_166, %dma_wait3A_167] : memref<64x128xf32, #tpu.memory_space<vmem>> -> memref<32x128xf32, #tpu.memory_space<vmem>>
      %dma_wait3A_169 = arith.constant 0 : i32
      %dma_wait3A_170 = tpu.memref_slice %arg6[%arg0, %mul3A_129, %dma_wait3A_169] : memref<2x512x128xf32, #tpu.memory_space<hbm>> -> memref<1x32x128xf32, #tpu.memory_space<hbm>>
      %dma_wait3A_171 = tpu.memref_squeeze %dma_wait3A_170 : memref<1x32x128xf32, #tpu.memory_space<hbm>> -> memref<32x128xf32, #tpu.memory_space<hbm>>
      %dma_wait3A_172 = arith.constant 0 : i32
      %dma_wait3A_173 = tpu.memref_slice %arg6[%arg0, %mul3A_129, %dma_wait3A_172] : memref<2x512x128xf32, #tpu.memory_space<hbm>> -> memref<1x32x128xf32, #tpu.memory_space<hbm>>
      %dma_wait3A_174 = tpu.memref_squeeze %dma_wait3A_173 : memref<1x32x128xf32, #tpu.memory_space<hbm>> -> memref<32x128xf32, #tpu.memory_space<hbm>>
      %dma_wait3A_175 = arith.constant 0 : i32
      %dma_wait3A_176 = arith.constant 0 : i32
      %dma_wait3A_177 = tpu.memref_slice %arg10[%dma_wait3A_175, %dma_wait3A_176] : memref<64x128xf32, #tpu.memory_space<vmem>> -> memref<32x128xf32, #tpu.memory_space<vmem>>
      tpu.wait_dma2 semaphore(%run_scoped3A : memref<!tpu.dma_semaphore, #tpu.memory_space<semaphore_mem>>) src(%dma_wait3A_177 : memref<32x128xf32, #tpu.memory_space<vmem>>) dst(%dma_wait3A_174 : memref<32x128xf32, #tpu.memory_space<hbm>>)
      tpu.yield
    }) : () -> ()
    %mul3A_130 = arith.constant 32 : i32
    %mul3A_131 = arith.muli %arg1, %mul3A_130 : i32
    "tpu.region"() ({
      %run_scoped3A = tpu.sem_alloc : memref<!tpu.dma_semaphore, #tpu.memory_space<semaphore_mem>>
      %dma_start3A_154 = arith.constant 0 : i32
      %dma_start3A_155 = tpu.memref_slice %arg12[%dma_start3A_154] : memref<64xf32, #tpu.memory_space<vmem>> -> memref<32xf32, #tpu.memory_space<vmem>>
      %dma_start3A_156 = tpu.memref_slice %arg18[%mul3A_131] : memref<512xf32, #tpu.memory_space<vmem_shared>> -> memref<32xf32, #tpu.memory_space<vmem_shared>>
      %dma_start3A_157 = arith.constant 0 : i32
      %dma_start3A_158 = tpu.memref_slice %arg12[%dma_start3A_157] : memref<64xf32, #tpu.memory_space<vmem>> -> memref<32xf32, #tpu.memory_space<vmem>>
      %dma_start3A_159 = tpu.memref_slice %arg18[%mul3A_131] : memref<512xf32, #tpu.memory_space<vmem_shared>> -> memref<32xf32, #tpu.memory_space<vmem_shared>>
      tpu.enqueue_dma source(%dma_start3A_159 : memref<32xf32, #tpu.memory_space<vmem_shared>>) target(%dma_start3A_158 : memref<32xf32, #tpu.memory_space<vmem>>) target_semaphore(%run_scoped3A : memref<!tpu.dma_semaphore, #tpu.memory_space<semaphore_mem>>)
      %dma_wait3A_160 = arith.constant 0 : i32
      %dma_wait3A_161 = tpu.memref_slice %arg12[%dma_wait3A_160] : memref<64xf32, #tpu.memory_space<vmem>> -> memref<32xf32, #tpu.memory_space<vmem>>
      %dma_wait3A_162 = tpu.memref_slice %arg18[%mul3A_131] : memref<512xf32, #tpu.memory_space<vmem_shared>> -> memref<32xf32, #tpu.memory_space<vmem_shared>>
      %dma_wait3A_163 = arith.constant 0 : i32
      %dma_wait3A_164 = tpu.memref_slice %arg12[%dma_wait3A_163] : memref<64xf32, #tpu.memory_space<vmem>> -> memref<32xf32, #tpu.memory_space<vmem>>
      %dma_wait3A_165 = tpu.memref_slice %arg18[%mul3A_131] : memref<512xf32, #tpu.memory_space<vmem_shared>> -> memref<32xf32, #tpu.memory_space<vmem_shared>>
      tpu.wait_dma2 semaphore(%run_scoped3A : memref<!tpu.dma_semaphore, #tpu.memory_space<semaphore_mem>>) src(%dma_wait3A_165 : memref<32xf32, #tpu.memory_space<vmem_shared>>) dst(%dma_wait3A_164 : memref<32xf32, #tpu.memory_space<vmem>>)
      tpu.yield
    }) : () -> ()
    %mul3A_132 = arith.constant 512 : i32
    %mul3A_133 = arith.muli %arg0, %mul3A_132 : i32
    %mul3A_134 = arith.constant 32 : i32
    %mul3A_135 = arith.muli %arg1, %mul3A_134 : i32
    %add3A_136 = arith.addi %mul3A_133, %mul3A_135 : i32
    "tpu.region"() ({
      %run_scoped3A = tpu.sem_alloc : memref<!tpu.dma_semaphore, #tpu.memory_space<semaphore_mem>>
      %dma_start3A_154 = arith.constant 0 : i32
      %dma_start3A_155 = tpu.memref_slice %arg12[%dma_start3A_154] : memref<64xf32, #tpu.memory_space<vmem>> -> memref<32xf32, #tpu.memory_space<vmem>>
      %dma_start3A_156 = tpu.memref_slice %arg7[%add3A_136] : memref<1024xf32, #tpu.memory_space<hbm>> -> memref<32xf32, #tpu.memory_space<hbm>>
      %dma_start3A_157 = tpu.memref_slice %arg7[%add3A_136] : memref<1024xf32, #tpu.memory_space<hbm>> -> memref<32xf32, #tpu.memory_space<hbm>>
      %dma_start3A_158 = arith.constant 0 : i32
      %dma_start3A_159 = tpu.memref_slice %arg12[%dma_start3A_158] : memref<64xf32, #tpu.memory_space<vmem>> -> memref<32xf32, #tpu.memory_space<vmem>>
      tpu.enqueue_dma source(%dma_start3A_159 : memref<32xf32, #tpu.memory_space<vmem>>) target(%dma_start3A_157 : memref<32xf32, #tpu.memory_space<hbm>>) target_semaphore(%run_scoped3A : memref<!tpu.dma_semaphore, #tpu.memory_space<semaphore_mem>>)
      %dma_wait3A_160 = arith.constant 0 : i32
      %dma_wait3A_161 = tpu.memref_slice %arg12[%dma_wait3A_160] : memref<64xf32, #tpu.memory_space<vmem>> -> memref<32xf32, #tpu.memory_space<vmem>>
      %dma_wait3A_162 = tpu.memref_slice %arg7[%add3A_136] : memref<1024xf32, #tpu.memory_space<hbm>> -> memref<32xf32, #tpu.memory_space<hbm>>
      %dma_wait3A_163 = tpu.memref_slice %arg7[%add3A_136] : memref<1024xf32, #tpu.memory_space<hbm>> -> memref<32xf32, #tpu.memory_space<hbm>>
      %dma_wait3A_164 = arith.constant 0 : i32
      %dma_wait3A_165 = tpu.memref_slice %arg12[%dma_wait3A_164] : memref<64xf32, #tpu.memory_space<vmem>> -> memref<32xf32, #tpu.memory_space<vmem>>
      tpu.wait_dma2 semaphore(%run_scoped3A : memref<!tpu.dma_semaphore, #tpu.memory_space<semaphore_mem>>) src(%dma_wait3A_165 : memref<32xf32, #tpu.memory_space<vmem>>) dst(%dma_wait3A_163 : memref<32xf32, #tpu.memory_space<hbm>>)
      tpu.yield
    }) : () -> ()
    %scan3A_137 = arith.constant 0 : i32
    %scan3A_138 = arith.constant 0 : i32
    %scan3A_139 = arith.constant 9 : i32
    %scan3A_140 = arith.addi %scan3A_138, %scan3A_139 : i32
    %scan3A_141 = arith.constant 1 : i32
    scf.for %scan3A_154 = %scan3A_138 to %scan3A_140 step %scan3A_141  : i32 {
      %mul3A_155 = arith.constant 632 : i32
      %mul3A_156 = arith.muli %arg1, %mul3A_155 : i32
      %mul3A_157 = arith.constant 64 : i32
      %mul3A_158 = arith.muli %scan3A_154, %mul3A_157 : i32
      %add3A_159 = arith.addi %mul3A_156, %mul3A_158 : i32
      "tpu.region"() ({
        %run_scoped3A = tpu.sem_alloc : memref<!tpu.dma_semaphore, #tpu.memory_space<semaphore_mem>>
        %dma_start3A_168 = tpu.memref_slice %arg19[%add3A_159] : memref<10112xf32, #tpu.memory_space<vmem_shared>> -> memref<64xf32, #tpu.memory_space<vmem_shared>>
        %dma_start3A_169 = tpu.memref_slice %arg19[%add3A_159] : memref<10112xf32, #tpu.memory_space<vmem_shared>> -> memref<64xf32, #tpu.memory_space<vmem_shared>>
        tpu.enqueue_dma source(%dma_start3A_169 : memref<64xf32, #tpu.memory_space<vmem_shared>>) target(%arg12 : memref<64xf32, #tpu.memory_space<vmem>>) target_semaphore(%run_scoped3A : memref<!tpu.dma_semaphore, #tpu.memory_space<semaphore_mem>>)
        %dma_wait3A_170 = tpu.memref_slice %arg19[%add3A_159] : memref<10112xf32, #tpu.memory_space<vmem_shared>> -> memref<64xf32, #tpu.memory_space<vmem_shared>>
        %dma_wait3A_171 = tpu.memref_slice %arg19[%add3A_159] : memref<10112xf32, #tpu.memory_space<vmem_shared>> -> memref<64xf32, #tpu.memory_space<vmem_shared>>
        tpu.wait_dma2 semaphore(%run_scoped3A : memref<!tpu.dma_semaphore, #tpu.memory_space<semaphore_mem>>) src(%dma_wait3A_171 : memref<64xf32, #tpu.memory_space<vmem_shared>>) dst(%arg12 : memref<64xf32, #tpu.memory_space<vmem>>)
        tpu.yield
      }) : () -> ()
      %mul3A_160 = arith.constant 10112 : i32
      %mul3A_161 = arith.muli %arg0, %mul3A_160 : i32
      %mul3A_162 = arith.constant 632 : i32
      %mul3A_163 = arith.muli %arg1, %mul3A_162 : i32
      %add3A_164 = arith.addi %mul3A_161, %mul3A_163 : i32
      %mul3A_165 = arith.constant 64 : i32
      %mul3A_166 = arith.muli %scan3A_154, %mul3A_165 : i32
      %add3A_167 = arith.addi %add3A_164, %mul3A_166 : i32
      "tpu.region"() ({
        %run_scoped3A = tpu.sem_alloc : memref<!tpu.dma_semaphore, #tpu.memory_space<semaphore_mem>>
        %dma_start3A_168 = tpu.memref_slice %arg8[%add3A_167] : memref<20224xf32, #tpu.memory_space<hbm>> -> memref<64xf32, #tpu.memory_space<hbm>>
        %dma_start3A_169 = tpu.memref_slice %arg8[%add3A_167] : memref<20224xf32, #tpu.memory_space<hbm>> -> memref<64xf32, #tpu.memory_space<hbm>>
        tpu.enqueue_dma source(%arg12 : memref<64xf32, #tpu.memory_space<vmem>>) target(%dma_start3A_169 : memref<64xf32, #tpu.memory_space<hbm>>) target_semaphore(%run_scoped3A : memref<!tpu.dma_semaphore, #tpu.memory_space<semaphore_mem>>)
        %dma_wait3A_170 = tpu.memref_slice %arg8[%add3A_167] : memref<20224xf32, #tpu.memory_space<hbm>> -> memref<64xf32, #tpu.memory_space<hbm>>
        %dma_wait3A_171 = tpu.memref_slice %arg8[%add3A_167] : memref<20224xf32, #tpu.memory_space<hbm>> -> memref<64xf32, #tpu.memory_space<hbm>>
        tpu.wait_dma2 semaphore(%run_scoped3A : memref<!tpu.dma_semaphore, #tpu.memory_space<semaphore_mem>>) src(%arg12 : memref<64xf32, #tpu.memory_space<vmem>>) dst(%dma_wait3A_171 : memref<64xf32, #tpu.memory_space<hbm>>)
        tpu.yield
      }) : () -> ()
    }
    %scan3A_142 = arith.constant 9 : i32
    %mul3A_143 = arith.constant 632 : i32
    %mul3A_144 = arith.muli %arg1, %mul3A_143 : i32
    %add3A_145 = arith.constant 576 : i32
    %add3A_146 = arith.addi %mul3A_144, %add3A_145 : i32
    "tpu.region"() ({
      %run_scoped3A = tpu.sem_alloc : memref<!tpu.dma_semaphore, #tpu.memory_space<semaphore_mem>>
      %dma_start3A_154 = arith.constant 0 : i32
      %dma_start3A_155 = tpu.memref_slice %arg12[%dma_start3A_154] : memref<64xf32, #tpu.memory_space<vmem>> -> memref<56xf32, #tpu.memory_space<vmem>>
      %dma_start3A_156 = tpu.memref_slice %arg19[%add3A_146] : memref<10112xf32, #tpu.memory_space<vmem_shared>> -> memref<56xf32, #tpu.memory_space<vmem_shared>>
      %dma_start3A_157 = arith.constant 0 : i32
      %dma_start3A_158 = tpu.memref_slice %arg12[%dma_start3A_157] : memref<64xf32, #tpu.memory_space<vmem>> -> memref<56xf32, #tpu.memory_space<vmem>>
      %dma_start3A_159 = tpu.memref_slice %arg19[%add3A_146] : memref<10112xf32, #tpu.memory_space<vmem_shared>> -> memref<56xf32, #tpu.memory_space<vmem_shared>>
      tpu.enqueue_dma source(%dma_start3A_159 : memref<56xf32, #tpu.memory_space<vmem_shared>>) target(%dma_start3A_158 : memref<56xf32, #tpu.memory_space<vmem>>) target_semaphore(%run_scoped3A : memref<!tpu.dma_semaphore, #tpu.memory_space<semaphore_mem>>)
      %dma_wait3A_160 = arith.constant 0 : i32
      %dma_wait3A_161 = tpu.memref_slice %arg12[%dma_wait3A_160] : memref<64xf32, #tpu.memory_space<vmem>> -> memref<56xf32, #tpu.memory_space<vmem>>
      %dma_wait3A_162 = tpu.memref_slice %arg19[%add3A_146] : memref<10112xf32, #tpu.memory_space<vmem_shared>> -> memref<56xf32, #tpu.memory_space<vmem_shared>>
      %dma_wait3A_163 = arith.constant 0 : i32
      %dma_wait3A_164 = tpu.memref_slice %arg12[%dma_wait3A_163] : memref<64xf32, #tpu.memory_space<vmem>> -> memref<56xf32, #tpu.memory_space<vmem>>
      %dma_wait3A_165 = tpu.memref_slice %arg19[%add3A_146] : memref<10112xf32, #tpu.memory_space<vmem_shared>> -> memref<56xf32, #tpu.memory_space<vmem_shared>>
      tpu.wait_dma2 semaphore(%run_scoped3A : memref<!tpu.dma_semaphore, #tpu.memory_space<semaphore_mem>>) src(%dma_wait3A_165 : memref<56xf32, #tpu.memory_space<vmem_shared>>) dst(%dma_wait3A_164 : memref<56xf32, #tpu.memory_space<vmem>>)
      tpu.yield
    }) : () -> ()
    %mul3A_147 = arith.constant 10112 : i32
    %mul3A_148 = arith.muli %arg0, %mul3A_147 : i32
    %mul3A_149 = arith.constant 632 : i32
    %mul3A_150 = arith.muli %arg1, %mul3A_149 : i32
    %add3A_151 = arith.addi %mul3A_148, %mul3A_150 : i32
    %add3A_152 = arith.constant 576 : i32
    %add3A_153 = arith.addi %add3A_151, %add3A_152 : i32
    "tpu.region"() ({
      %run_scoped3A = tpu.sem_alloc : memref<!tpu.dma_semaphore, #tpu.memory_space<semaphore_mem>>
      %dma_start3A_154 = arith.constant 0 : i32
      %dma_start3A_155 = tpu.memref_slice %arg12[%dma_start3A_154] : memref<64xf32, #tpu.memory_space<vmem>> -> memref<56xf32, #tpu.memory_space<vmem>>
      %dma_start3A_156 = tpu.memref_slice %arg8[%add3A_153] : memref<20224xf32, #tpu.memory_space<hbm>> -> memref<56xf32, #tpu.memory_space<hbm>>
      %dma_start3A_157 = tpu.memref_slice %arg8[%add3A_153] : memref<20224xf32, #tpu.memory_space<hbm>> -> memref<56xf32, #tpu.memory_space<hbm>>
      %dma_start3A_158 = arith.constant 0 : i32
      %dma_start3A_159 = tpu.memref_slice %arg12[%dma_start3A_158] : memref<64xf32, #tpu.memory_space<vmem>> -> memref<56xf32, #tpu.memory_space<vmem>>
      tpu.enqueue_dma source(%dma_start3A_159 : memref<56xf32, #tpu.memory_space<vmem>>) target(%dma_start3A_157 : memref<56xf32, #tpu.memory_space<hbm>>) target_semaphore(%run_scoped3A : memref<!tpu.dma_semaphore, #tpu.memory_space<semaphore_mem>>)
      %dma_wait3A_160 = arith.constant 0 : i32
      %dma_wait3A_161 = tpu.memref_slice %arg12[%dma_wait3A_160] : memref<64xf32, #tpu.memory_space<vmem>> -> memref<56xf32, #tpu.memory_space<vmem>>
      %dma_wait3A_162 = tpu.memref_slice %arg8[%add3A_153] : memref<20224xf32, #tpu.memory_space<hbm>> -> memref<56xf32, #tpu.memory_space<hbm>>
      %dma_wait3A_163 = tpu.memref_slice %arg8[%add3A_153] : memref<20224xf32, #tpu.memory_space<hbm>> -> memref<56xf32, #tpu.memory_space<hbm>>
      %dma_wait3A_164 = arith.constant 0 : i32
      %dma_wait3A_165 = tpu.memref_slice %arg12[%dma_wait3A_164] : memref<64xf32, #tpu.memory_space<vmem>> -> memref<56xf32, #tpu.memory_space<vmem>>
      tpu.wait_dma2 semaphore(%run_scoped3A : memref<!tpu.dma_semaphore, #tpu.memory_space<semaphore_mem>>) src(%dma_wait3A_165 : memref<56xf32, #tpu.memory_space<vmem>>) dst(%dma_wait3A_163 : memref<56xf32, #tpu.memory_space<hbm>>)
      tpu.yield
    }) : () -> ()
    return
  }
}

#map = affine_map<(d0, d1) -> (0, 0)>
#map1 = affine_map<(d0, d1) -> (0, 0, 0)>
module attributes {stable_mosaic.version = 14 : i64} {
  func.func @body(%arg0: i32, %arg1: i32, %arg2: memref<10000x128xf32, #tpu.memory_space<hbm>>, %arg3: memref<512x128xf32, #tpu.memory_space<hbm>>, %arg4: memref<5026x3x64xi32, #tpu.memory_space<hbm>>, %arg5: memref<2x10112x128xf32, #tpu.memory_space<hbm>>, %arg6: memref<2x3x64xi32, #tpu.memory_space<vmem>>, %arg7: memref<2x64x128xf32, #tpu.memory_space<vmem>>, %arg8: memref<2x64x128xf32, #tpu.memory_space<vmem>>, %arg9: memref<!tpu.dma_semaphore, #tpu.memory_space<semaphore_mem>>, %arg10: memref<!tpu.dma_semaphore, #tpu.memory_space<semaphore_mem>>, %arg11: memref<!tpu.dma_semaphore, #tpu.memory_space<semaphore_mem>>, %arg12: memref<!tpu.dma_semaphore, #tpu.memory_space<semaphore_mem>>, %arg13: memref<!tpu.dma_semaphore, #tpu.memory_space<semaphore_mem>>, %arg14: memref<!tpu.dma_semaphore, #tpu.memory_space<semaphore_mem>>, %arg15: memref<!tpu.dma_semaphore, #tpu.memory_space<semaphore_mem>>, %arg16: memref<10112x128xf32, #tpu.memory_space<vmem_shared>>) attributes {dimension_semantics = [#tpu.dimension_semantics<core_parallel>, #tpu.dimension_semantics<subcore_parallel>], iteration_bounds = array<i64: 2, 16>, scalar_prefetch = 0 : i64, scratch_operands = 11 : i64, tpu.core_type = #tpu.core_type<sc_vector_subcore>, window_params = [{transform_indices = #map}, {transform_indices = #map}, {transform_indices = #map1}, {transform_indices = #map1}]} {
    %mul3A = arith.constant 16 : i32
    %mul3A_0 = arith.muli %arg0, %mul3A : i32
    %add3A = arith.addi %mul3A_0, %arg1 : i32
    %broadcast_in_dim3A = arith.constant 0.000000e+00 : f32
    %broadcast_in_dim3A_1 = vector.broadcast %broadcast_in_dim3A : f32 to vector<16xf32>
    %scan3A = arith.constant 0 : i32
    %scan3A_2 = arith.constant 0 : i32
    %scan3A_3 = arith.constant 64 : i32
    %scan3A_4 = arith.addi %scan3A_2, %scan3A_3 : i32
    %scan3A_5 = arith.constant 1 : i32
    scf.for %scan3A_177 = %scan3A_2 to %scan3A_4 step %scan3A_5  : i32 {
      %swap3A = arith.constant 0 : i32
      %swap3A_178 = arith.index_cast %swap3A : i32 to index
      %swap3A_179 = arith.index_cast %scan3A_177 : i32 to index
      %swap3A_180 = arith.constant 0 : index
      %swap3A_181 = tpu.vector_load %arg7[%swap3A_178, %swap3A_179, %swap3A_180] {strides = array<i32>} : memref<2x64x128xf32, #tpu.memory_space<vmem>>, vector<1x1x16xf32>,
      %swap3A_182 = vector.shape_cast %swap3A_181 : vector<1x1x16xf32> to vector<16xf32>
      %swap3A_183 = vector.shape_cast %broadcast_in_dim3A_1 : vector<16xf32> to vector<1x1x16xf32>
      tpu.vector_store %arg7[%swap3A_178, %swap3A_179, %swap3A_180], %swap3A_183 {strides = array<i32>} : memref<2x64x128xf32, #tpu.memory_space<vmem>>, vector<1x1x16xf32>,
      %swap3A_184 = arith.constant 0 : i32
      %swap3A_185 = arith.index_cast %swap3A_184 : i32 to index
      %swap3A_186 = arith.index_cast %scan3A_177 : i32 to index
      %swap3A_187 = arith.constant 16 : index
      %swap3A_188 = tpu.vector_load %arg7[%swap3A_185, %swap3A_186, %swap3A_187] {strides = array<i32>} : memref<2x64x128xf32, #tpu.memory_space<vmem>>, vector<1x1x16xf32>,
      %swap3A_189 = vector.shape_cast %swap3A_188 : vector<1x1x16xf32> to vector<16xf32>
      %swap3A_190 = vector.shape_cast %broadcast_in_dim3A_1 : vector<16xf32> to vector<1x1x16xf32>
      tpu.vector_store %arg7[%swap3A_185, %swap3A_186, %swap3A_187], %swap3A_190 {strides = array<i32>} : memref<2x64x128xf32, #tpu.memory_space<vmem>>, vector<1x1x16xf32>,
      %swap3A_191 = arith.constant 0 : i32
      %swap3A_192 = arith.index_cast %swap3A_191 : i32 to index
      %swap3A_193 = arith.index_cast %scan3A_177 : i32 to index
      %swap3A_194 = arith.constant 32 : index
      %swap3A_195 = tpu.vector_load %arg7[%swap3A_192, %swap3A_193, %swap3A_194] {strides = array<i32>} : memref<2x64x128xf32, #tpu.memory_space<vmem>>, vector<1x1x16xf32>,
      %swap3A_196 = vector.shape_cast %swap3A_195 : vector<1x1x16xf32> to vector<16xf32>
      %swap3A_197 = vector.shape_cast %broadcast_in_dim3A_1 : vector<16xf32> to vector<1x1x16xf32>
      tpu.vector_store %arg7[%swap3A_192, %swap3A_193, %swap3A_194], %swap3A_197 {strides = array<i32>} : memref<2x64x128xf32, #tpu.memory_space<vmem>>, vector<1x1x16xf32>,
      %swap3A_198 = arith.constant 0 : i32
      %swap3A_199 = arith.index_cast %swap3A_198 : i32 to index
      %swap3A_200 = arith.index_cast %scan3A_177 : i32 to index
      %swap3A_201 = arith.constant 48 : index
      %swap3A_202 = tpu.vector_load %arg7[%swap3A_199, %swap3A_200, %swap3A_201] {strides = array<i32>} : memref<2x64x128xf32, #tpu.memory_space<vmem>>, vector<1x1x16xf32>,
      %swap3A_203 = vector.shape_cast %swap3A_202 : vector<1x1x16xf32> to vector<16xf32>
      %swap3A_204 = vector.shape_cast %broadcast_in_dim3A_1 : vector<16xf32> to vector<1x1x16xf32>
      tpu.vector_store %arg7[%swap3A_199, %swap3A_200, %swap3A_201], %swap3A_204 {strides = array<i32>} : memref<2x64x128xf32, #tpu.memory_space<vmem>>, vector<1x1x16xf32>,
      %swap3A_205 = arith.constant 0 : i32
      %swap3A_206 = arith.index_cast %swap3A_205 : i32 to index
      %swap3A_207 = arith.index_cast %scan3A_177 : i32 to index
      %swap3A_208 = arith.constant 64 : index
      %swap3A_209 = tpu.vector_load %arg7[%swap3A_206, %swap3A_207, %swap3A_208] {strides = array<i32>} : memref<2x64x128xf32, #tpu.memory_space<vmem>>, vector<1x1x16xf32>,
      %swap3A_210 = vector.shape_cast %swap3A_209 : vector<1x1x16xf32> to vector<16xf32>
      %swap3A_211 = vector.shape_cast %broadcast_in_dim3A_1 : vector<16xf32> to vector<1x1x16xf32>
      tpu.vector_store %arg7[%swap3A_206, %swap3A_207, %swap3A_208], %swap3A_211 {strides = array<i32>} : memref<2x64x128xf32, #tpu.memory_space<vmem>>, vector<1x1x16xf32>,
      %swap3A_212 = arith.constant 0 : i32
      %swap3A_213 = arith.index_cast %swap3A_212 : i32 to index
      %swap3A_214 = arith.index_cast %scan3A_177 : i32 to index
      %swap3A_215 = arith.constant 80 : index
      %swap3A_216 = tpu.vector_load %arg7[%swap3A_213, %swap3A_214, %swap3A_215] {strides = array<i32>} : memref<2x64x128xf32, #tpu.memory_space<vmem>>, vector<1x1x16xf32>,
      %swap3A_217 = vector.shape_cast %swap3A_216 : vector<1x1x16xf32> to vector<16xf32>
      %swap3A_218 = vector.shape_cast %broadcast_in_dim3A_1 : vector<16xf32> to vector<1x1x16xf32>
      tpu.vector_store %arg7[%swap3A_213, %swap3A_214, %swap3A_215], %swap3A_218 {strides = array<i32>} : memref<2x64x128xf32, #tpu.memory_space<vmem>>, vector<1x1x16xf32>,
      %swap3A_219 = arith.constant 0 : i32
      %swap3A_220 = arith.index_cast %swap3A_219 : i32 to index
      %swap3A_221 = arith.index_cast %scan3A_177 : i32 to index
      %swap3A_222 = arith.constant 96 : index
      %swap3A_223 = tpu.vector_load %arg7[%swap3A_220, %swap3A_221, %swap3A_222] {strides = array<i32>} : memref<2x64x128xf32, #tpu.memory_space<vmem>>, vector<1x1x16xf32>,
      %swap3A_224 = vector.shape_cast %swap3A_223 : vector<1x1x16xf32> to vector<16xf32>
      %swap3A_225 = vector.shape_cast %broadcast_in_dim3A_1 : vector<16xf32> to vector<1x1x16xf32>
      tpu.vector_store %arg7[%swap3A_220, %swap3A_221, %swap3A_222], %swap3A_225 {strides = array<i32>} : memref<2x64x128xf32, #tpu.memory_space<vmem>>, vector<1x1x16xf32>,
      %swap3A_226 = arith.constant 0 : i32
      %swap3A_227 = arith.index_cast %swap3A_226 : i32 to index
      %swap3A_228 = arith.index_cast %scan3A_177 : i32 to index
      %swap3A_229 = arith.constant 112 : index
      %swap3A_230 = tpu.vector_load %arg7[%swap3A_227, %swap3A_228, %swap3A_229] {strides = array<i32>} : memref<2x64x128xf32, #tpu.memory_space<vmem>>, vector<1x1x16xf32>,
      %swap3A_231 = vector.shape_cast %swap3A_230 : vector<1x1x16xf32> to vector<16xf32>
      %swap3A_232 = vector.shape_cast %broadcast_in_dim3A_1 : vector<16xf32> to vector<1x1x16xf32>
      tpu.vector_store %arg7[%swap3A_227, %swap3A_228, %swap3A_229], %swap3A_232 {strides = array<i32>} : memref<2x64x128xf32, #tpu.memory_space<vmem>>, vector<1x1x16xf32>,
    }
    %scan3A_6 = arith.constant 64 : i32
    %mul3A_7 = arith.constant 632 : i32
    %mul3A_8 = arith.muli %arg1, %mul3A_7 : i32
    %scan3A_9 = arith.constant 0 : i32
    %scan3A_10 = arith.constant 0 : i32
    %scan3A_11 = arith.constant 0 : i32
    %scan3A_12 = arith.constant 9 : i32
    %scan3A_13 = arith.addi %scan3A_11, %scan3A_12 : i32
    %scan3A_14 = arith.constant 1 : i32
    scf.for %scan3A_177 = %scan3A_11 to %scan3A_13 step %scan3A_14  : i32 {
      %mul3A_178 = arith.constant 64 : i32
      %mul3A_179 = arith.muli %scan3A_177, %mul3A_178 : i32
      %add3A_180 = arith.addi %mul3A_8, %mul3A_179 : i32
      "tpu.region"() ({
        %run_scoped3A_181 = tpu.sem_alloc : memref<!tpu.dma_semaphore, #tpu.memory_space<semaphore_mem>>
        %dma_start3A_182 = arith.constant 0 : i32
        %dma_start3A_183 = arith.constant 0 : i32
        %dma_start3A_184 = tpu.memref_slice %arg7[%scan3A_10, %dma_start3A_182, %dma_start3A_183] : memref<2x64x128xf32, #tpu.memory_space<vmem>> -> memref<1x64x128xf32, #tpu.memory_space<vmem>>
        %dma_start3A_185 = tpu.memref_squeeze %dma_start3A_184 : memref<1x64x128xf32, #tpu.memory_space<vmem>> -> memref<64x128xf32, #tpu.memory_space<vmem>>
        %dma_start3A_186 = arith.constant 0 : i32
        %dma_start3A_187 = tpu.memref_slice %arg16[%add3A_180, %dma_start3A_186] : memref<10112x128xf32, #tpu.memory_space<vmem_shared>> -> memref<64x128xf32, #tpu.memory_space<vmem_shared>>
        %dma_start3A_188 = arith.constant 0 : i32
        %dma_start3A_189 = tpu.memref_slice %arg16[%add3A_180, %dma_start3A_188] : memref<10112x128xf32, #tpu.memory_space<vmem_shared>> -> memref<64x128xf32, #tpu.memory_space<vmem_shared>>
        %dma_start3A_190 = arith.constant 0 : i32
        %dma_start3A_191 = arith.constant 0 : i32
        %dma_start3A_192 = tpu.memref_slice %arg7[%scan3A_10, %dma_start3A_190, %dma_start3A_191] : memref<2x64x128xf32, #tpu.memory_space<vmem>> -> memref<1x64x128xf32, #tpu.memory_space<vmem>>
        %dma_start3A_193 = tpu.memref_squeeze %dma_start3A_192 : memref<1x64x128xf32, #tpu.memory_space<vmem>> -> memref<64x128xf32, #tpu.memory_space<vmem>>
        tpu.enqueue_dma source(%dma_start3A_193 : memref<64x128xf32, #tpu.memory_space<vmem>>) target(%dma_start3A_189 : memref<64x128xf32, #tpu.memory_space<vmem_shared>>) target_semaphore(%run_scoped3A_181 : memref<!tpu.dma_semaphore, #tpu.memory_space<semaphore_mem>>)
        %dma_wait3A_194 = arith.constant 0 : i32
        %dma_wait3A_195 = arith.constant 0 : i32
        %dma_wait3A_196 = tpu.memref_slice %arg7[%scan3A_10, %dma_wait3A_194, %dma_wait3A_195] : memref<2x64x128xf32, #tpu.memory_space<vmem>> -> memref<1x64x128xf32, #tpu.memory_space<vmem>>
        %dma_wait3A_197 = tpu.memref_squeeze %dma_wait3A_196 : memref<1x64x128xf32, #tpu.memory_space<vmem>> -> memref<64x128xf32, #tpu.memory_space<vmem>>
        %dma_wait3A_198 = arith.constant 0 : i32
        %dma_wait3A_199 = tpu.memref_slice %arg16[%add3A_180, %dma_wait3A_198] : memref<10112x128xf32, #tpu.memory_space<vmem_shared>> -> memref<64x128xf32, #tpu.memory_space<vmem_shared>>
        %dma_wait3A_200 = arith.constant 0 : i32
        %dma_wait3A_201 = tpu.memref_slice %arg16[%add3A_180, %dma_wait3A_200] : memref<10112x128xf32, #tpu.memory_space<vmem_shared>> -> memref<64x128xf32, #tpu.memory_space<vmem_shared>>
        %dma_wait3A_202 = arith.constant 0 : i32
        %dma_wait3A_203 = arith.constant 0 : i32
        %dma_wait3A_204 = tpu.memref_slice %arg7[%scan3A_10, %dma_wait3A_202, %dma_wait3A_203] : memref<2x64x128xf32, #tpu.memory_space<vmem>> -> memref<1x64x128xf32, #tpu.memory_space<vmem>>
        %dma_wait3A_205 = tpu.memref_squeeze %dma_wait3A_204 : memref<1x64x128xf32, #tpu.memory_space<vmem>> -> memref<64x128xf32, #tpu.memory_space<vmem>>
        tpu.wait_dma2 semaphore(%run_scoped3A_181 : memref<!tpu.dma_semaphore, #tpu.memory_space<semaphore_mem>>) src(%dma_wait3A_205 : memref<64x128xf32, #tpu.memory_space<vmem>>) dst(%dma_wait3A_201 : memref<64x128xf32, #tpu.memory_space<vmem_shared>>)
        tpu.yield
      }) : () -> ()
    }
    %scan3A_15 = arith.constant 9 : i32
    %add3A_16 = arith.constant 576 : i32
    %add3A_17 = arith.addi %mul3A_8, %add3A_16 : i32
    %run_scoped3A = arith.constant 0 : i32
    "tpu.region"() ({
      %run_scoped3A_177 = tpu.sem_alloc : memref<!tpu.dma_semaphore, #tpu.memory_space<semaphore_mem>>
      %dma_start3A_178 = arith.constant 0 : i32
      %dma_start3A_179 = arith.constant 0 : i32
      %dma_start3A_180 = tpu.memref_slice %arg7[%run_scoped3A, %dma_start3A_178, %dma_start3A_179] : memref<2x64x128xf32, #tpu.memory_space<vmem>> -> memref<1x64x128xf32, #tpu.memory_space<vmem>>
      %dma_start3A_181 = tpu.memref_squeeze %dma_start3A_180 : memref<1x64x128xf32, #tpu.memory_space<vmem>> -> memref<64x128xf32, #tpu.memory_space<vmem>>
      %dma_start3A_182 = arith.constant 0 : i32
      %dma_start3A_183 = arith.constant 0 : i32
      %dma_start3A_184 = tpu.memref_slice %dma_start3A_181[%dma_start3A_182, %dma_start3A_183] : memref<64x128xf32, #tpu.memory_space<vmem>> -> memref<56x128xf32, #tpu.memory_space<vmem>>
      %dma_start3A_185 = arith.constant 0 : i32
      %dma_start3A_186 = tpu.memref_slice %arg16[%add3A_17, %dma_start3A_185] : memref<10112x128xf32, #tpu.memory_space<vmem_shared>> -> memref<56x128xf32, #tpu.memory_space<vmem_shared>>
      %dma_start3A_187 = arith.constant 0 : i32
      %dma_start3A_188 = tpu.memref_slice %arg16[%add3A_17, %dma_start3A_187] : memref<10112x128xf32, #tpu.memory_space<vmem_shared>> -> memref<56x128xf32, #tpu.memory_space<vmem_shared>>
      %dma_start3A_189 = arith.constant 0 : i32
      %dma_start3A_190 = arith.constant 0 : i32
      %dma_start3A_191 = tpu.memref_slice %arg7[%run_scoped3A, %dma_start3A_189, %dma_start3A_190] : memref<2x64x128xf32, #tpu.memory_space<vmem>> -> memref<1x64x128xf32, #tpu.memory_space<vmem>>
      %dma_start3A_192 = tpu.memref_squeeze %dma_start3A_191 : memref<1x64x128xf32, #tpu.memory_space<vmem>> -> memref<64x128xf32, #tpu.memory_space<vmem>>
      %dma_start3A_193 = arith.constant 0 : i32
      %dma_start3A_194 = arith.constant 0 : i32
      %dma_start3A_195 = tpu.memref_slice %dma_start3A_192[%dma_start3A_193, %dma_start3A_194] : memref<64x128xf32, #tpu.memory_space<vmem>> -> memref<56x128xf32, #tpu.memory_space<vmem>>
      tpu.enqueue_dma source(%dma_start3A_195 : memref<56x128xf32, #tpu.memory_space<vmem>>) target(%dma_start3A_188 : memref<56x128xf32, #tpu.memory_space<vmem_shared>>) target_semaphore(%run_scoped3A_177 : memref<!tpu.dma_semaphore, #tpu.memory_space<semaphore_mem>>)
      %dma_wait3A_196 = arith.constant 0 : i32
      %dma_wait3A_197 = arith.constant 0 : i32
      %dma_wait3A_198 = tpu.memref_slice %arg7[%run_scoped3A, %dma_wait3A_196, %dma_wait3A_197] : memref<2x64x128xf32, #tpu.memory_space<vmem>> -> memref<1x64x128xf32, #tpu.memory_space<vmem>>
      %dma_wait3A_199 = tpu.memref_squeeze %dma_wait3A_198 : memref<1x64x128xf32, #tpu.memory_space<vmem>> -> memref<64x128xf32, #tpu.memory_space<vmem>>
      %dma_wait3A_200 = arith.constant 0 : i32
      %dma_wait3A_201 = arith.constant 0 : i32
      %dma_wait3A_202 = tpu.memref_slice %dma_wait3A_199[%dma_wait3A_200, %dma_wait3A_201] : memref<64x128xf32, #tpu.memory_space<vmem>> -> memref<56x128xf32, #tpu.memory_space<vmem>>
      %dma_wait3A_203 = arith.constant 0 : i32
      %dma_wait3A_204 = tpu.memref_slice %arg16[%add3A_17, %dma_wait3A_203] : memref<10112x128xf32, #tpu.memory_space<vmem_shared>> -> memref<56x128xf32, #tpu.memory_space<vmem_shared>>
      %dma_wait3A_205 = arith.constant 0 : i32
      %dma_wait3A_206 = tpu.memref_slice %arg16[%add3A_17, %dma_wait3A_205] : memref<10112x128xf32, #tpu.memory_space<vmem_shared>> -> memref<56x128xf32, #tpu.memory_space<vmem_shared>>
      %dma_wait3A_207 = arith.constant 0 : i32
      %dma_wait3A_208 = arith.constant 0 : i32
      %dma_wait3A_209 = tpu.memref_slice %arg7[%run_scoped3A, %dma_wait3A_207, %dma_wait3A_208] : memref<2x64x128xf32, #tpu.memory_space<vmem>> -> memref<1x64x128xf32, #tpu.memory_space<vmem>>
      %dma_wait3A_210 = tpu.memref_squeeze %dma_wait3A_209 : memref<1x64x128xf32, #tpu.memory_space<vmem>> -> memref<64x128xf32, #tpu.memory_space<vmem>>
      %dma_wait3A_211 = arith.constant 0 : i32
      %dma_wait3A_212 = arith.constant 0 : i32
      %dma_wait3A_213 = tpu.memref_slice %dma_wait3A_210[%dma_wait3A_211, %dma_wait3A_212] : memref<64x128xf32, #tpu.memory_space<vmem>> -> memref<56x128xf32, #tpu.memory_space<vmem>>
      tpu.wait_dma2 semaphore(%run_scoped3A_177 : memref<!tpu.dma_semaphore, #tpu.memory_space<semaphore_mem>>) src(%dma_wait3A_213 : memref<56x128xf32, #tpu.memory_space<vmem>>) dst(%dma_wait3A_206 : memref<56x128xf32, #tpu.memory_space<vmem_shared>>)
      tpu.yield
    }) : () -> ()
    %barrier3A = arith.constant 0 : index
    tpu.barrier barrier_id(%barrier3A)
    %eq3A = arith.constant 0 : i32
    %eq3A_18 = arith.cmpi eq, %arg0, %eq3A : i32
    %mul3A_19 = arith.constant 200 : i32
    %mul3A_20 = arith.muli %arg1, %mul3A_19 : i32
    %mul3A_21 = arith.constant 114 : i32
    %mul3A_22 = arith.muli %arg1, %mul3A_21 : i32
    %add3A_23 = arith.constant 3200 : i32
    %add3A_24 = arith.addi %add3A_23, %mul3A_22 : i32
    %select_n3A = arith.select %eq3A_18, %mul3A_20, %add3A_24 : i32
    %eq3A_25 = arith.constant 0 : i32
    %eq3A_26 = arith.cmpi eq, %arg0, %eq3A_25 : i32
    %jit3A = arith.constant 100 : i32
    %jit3A_27 = arith.constant 57 : i32
    %select_n3A_28 = arith.select %eq3A_26, %jit3A, %jit3A_27 : i32
    %dma_start3A = arith.constant 0 : i32
    %dma_start3A_29 = arith.constant 0 : i32
    %dma_start3A_30 = arith.constant 0 : i32
    %dma_start3A_31 = tpu.memref_slice %arg6[%dma_start3A, %dma_start3A_29, %dma_start3A_30] : memref<2x3x64xi32, #tpu.memory_space<vmem>> -> memref<1x3x64xi32, #tpu.memory_space<vmem>>
    %dma_start3A_32 = tpu.memref_squeeze %dma_start3A_31 : memref<1x3x64xi32, #tpu.memory_space<vmem>> -> memref<3x64xi32, #tpu.memory_space<vmem>>
    %dma_start3A_33 = arith.constant 0 : i32
    %dma_start3A_34 = arith.constant 0 : i32
    %dma_start3A_35 = tpu.memref_slice %arg4[%select_n3A, %dma_start3A_33, %dma_start3A_34] : memref<5026x3x64xi32, #tpu.memory_space<hbm>> -> memref<1x3x64xi32, #tpu.memory_space<hbm>>
    %dma_start3A_36 = tpu.memref_squeeze %dma_start3A_35 : memref<1x3x64xi32, #tpu.memory_space<hbm>> -> memref<3x64xi32, #tpu.memory_space<hbm>>
    %dma_start3A_37 = arith.constant 0 : i32
    %dma_start3A_38 = arith.constant 0 : i32
    %dma_start3A_39 = tpu.memref_slice %arg6[%dma_start3A, %dma_start3A_37, %dma_start3A_38] : memref<2x3x64xi32, #tpu.memory_space<vmem>> -> memref<1x3x64xi32, #tpu.memory_space<vmem>>
    %dma_start3A_40 = tpu.memref_squeeze %dma_start3A_39 : memref<1x3x64xi32, #tpu.memory_space<vmem>> -> memref<3x64xi32, #tpu.memory_space<vmem>>
    %dma_start3A_41 = arith.constant 0 : i32
    %dma_start3A_42 = arith.constant 0 : i32
    %dma_start3A_43 = tpu.memref_slice %arg4[%select_n3A, %dma_start3A_41, %dma_start3A_42] : memref<5026x3x64xi32, #tpu.memory_space<hbm>> -> memref<1x3x64xi32, #tpu.memory_space<hbm>>
    %dma_start3A_44 = tpu.memref_squeeze %dma_start3A_43 : memref<1x3x64xi32, #tpu.memory_space<hbm>> -> memref<3x64xi32, #tpu.memory_space<hbm>>
    tpu.enqueue_dma source(%dma_start3A_44 : memref<3x64xi32, #tpu.memory_space<hbm>>) target(%dma_start3A_40 : memref<3x64xi32, #tpu.memory_space<vmem>>) target_semaphore(%arg9 : memref<!tpu.dma_semaphore, #tpu.memory_space<semaphore_mem>>)
    %add3A_45 = arith.constant 1 : i32
    %add3A_46 = arith.addi %select_n3A, %add3A_45 : i32
    %dma_start3A_47 = arith.constant 1 : i32
    %dma_start3A_48 = arith.constant 0 : i32
    %dma_start3A_49 = arith.constant 0 : i32
    %dma_start3A_50 = tpu.memref_slice %arg6[%dma_start3A_47, %dma_start3A_48, %dma_start3A_49] : memref<2x3x64xi32, #tpu.memory_space<vmem>> -> memref<1x3x64xi32, #tpu.memory_space<vmem>>
    %dma_start3A_51 = tpu.memref_squeeze %dma_start3A_50 : memref<1x3x64xi32, #tpu.memory_space<vmem>> -> memref<3x64xi32, #tpu.memory_space<vmem>>
    %dma_start3A_52 = arith.constant 0 : i32
    %dma_start3A_53 = arith.constant 0 : i32
    %dma_start3A_54 = tpu.memref_slice %arg4[%add3A_46, %dma_start3A_52, %dma_start3A_53] : memref<5026x3x64xi32, #tpu.memory_space<hbm>> -> memref<1x3x64xi32, #tpu.memory_space<hbm>>
    %dma_start3A_55 = tpu.memref_squeeze %dma_start3A_54 : memref<1x3x64xi32, #tpu.memory_space<hbm>> -> memref<3x64xi32, #tpu.memory_space<hbm>>
    %dma_start3A_56 = arith.constant 0 : i32
    %dma_start3A_57 = arith.constant 0 : i32
    %dma_start3A_58 = tpu.memref_slice %arg6[%dma_start3A_47, %dma_start3A_56, %dma_start3A_57] : memref<2x3x64xi32, #tpu.memory_space<vmem>> -> memref<1x3x64xi32, #tpu.memory_space<vmem>>
    %dma_start3A_59 = tpu.memref_squeeze %dma_start3A_58 : memref<1x3x64xi32, #tpu.memory_space<vmem>> -> memref<3x64xi32, #tpu.memory_space<vmem>>
    %dma_start3A_60 = arith.constant 0 : i32
    %dma_start3A_61 = arith.constant 0 : i32
    %dma_start3A_62 = tpu.memref_slice %arg4[%add3A_46, %dma_start3A_60, %dma_start3A_61] : memref<5026x3x64xi32, #tpu.memory_space<hbm>> -> memref<1x3x64xi32, #tpu.memory_space<hbm>>
    %dma_start3A_63 = tpu.memref_squeeze %dma_start3A_62 : memref<1x3x64xi32, #tpu.memory_space<hbm>> -> memref<3x64xi32, #tpu.memory_space<hbm>>
    tpu.enqueue_dma source(%dma_start3A_63 : memref<3x64xi32, #tpu.memory_space<hbm>>) target(%dma_start3A_59 : memref<3x64xi32, #tpu.memory_space<vmem>>) target_semaphore(%arg10 : memref<!tpu.dma_semaphore, #tpu.memory_space<semaphore_mem>>)
    %dma_wait3A = arith.constant 0 : i32
    %dma_wait3A_64 = arith.constant 0 : i32
    %dma_wait3A_65 = arith.constant 0 : i32
    %dma_wait3A_66 = arith.constant 0 : i32
    %dma_wait3A_67 = tpu.memref_slice %arg6[%dma_wait3A_64, %dma_wait3A_65, %dma_wait3A_66] : memref<2x3x64xi32, #tpu.memory_space<vmem>> -> memref<1x3x64xi32, #tpu.memory_space<vmem>>
    %dma_wait3A_68 = tpu.memref_squeeze %dma_wait3A_67 : memref<1x3x64xi32, #tpu.memory_space<vmem>> -> memref<3x64xi32, #tpu.memory_space<vmem>>
    %dma_wait3A_69 = arith.constant 0 : i32
    %dma_wait3A_70 = arith.constant 0 : i32
    %dma_wait3A_71 = tpu.memref_slice %arg4[%dma_wait3A, %dma_wait3A_69, %dma_wait3A_70] : memref<5026x3x64xi32, #tpu.memory_space<hbm>> -> memref<1x3x64xi32, #tpu.memory_space<hbm>>
    %dma_wait3A_72 = tpu.memref_squeeze %dma_wait3A_71 : memref<1x3x64xi32, #tpu.memory_space<hbm>> -> memref<3x64xi32, #tpu.memory_space<hbm>>
    %dma_wait3A_73 = arith.constant 0 : i32
    %dma_wait3A_74 = arith.constant 0 : i32
    %dma_wait3A_75 = tpu.memref_slice %arg6[%dma_wait3A_64, %dma_wait3A_73, %dma_wait3A_74] : memref<2x3x64xi32, #tpu.memory_space<vmem>> -> memref<1x3x64xi32, #tpu.memory_space<vmem>>
    %dma_wait3A_76 = tpu.memref_squeeze %dma_wait3A_75 : memref<1x3x64xi32, #tpu.memory_space<vmem>> -> memref<3x64xi32, #tpu.memory_space<vmem>>
    %dma_wait3A_77 = arith.constant 0 : i32
    %dma_wait3A_78 = arith.constant 0 : i32
    %dma_wait3A_79 = tpu.memref_slice %arg4[%dma_wait3A, %dma_wait3A_77, %dma_wait3A_78] : memref<5026x3x64xi32, #tpu.memory_space<hbm>> -> memref<1x3x64xi32, #tpu.memory_space<hbm>>
    %dma_wait3A_80 = tpu.memref_squeeze %dma_wait3A_79 : memref<1x3x64xi32, #tpu.memory_space<hbm>> -> memref<3x64xi32, #tpu.memory_space<hbm>>
    tpu.wait_dma2 semaphore(%arg9 : memref<!tpu.dma_semaphore, #tpu.memory_space<semaphore_mem>>) src(%dma_wait3A_80 : memref<3x64xi32, #tpu.memory_space<hbm>>) dst(%dma_wait3A_76 : memref<3x64xi32, #tpu.memory_space<vmem>>)
    %dma_start3A_81 = arith.constant 0 : i32
    %dma_start3A_82 = arith.constant 0 : i32
    %dma_start3A_83 = arith.constant 0 : i32
    %dma_start3A_84 = arith.constant 0 : i32
    %dma_start3A_85 = arith.constant 0 : i32
    %dma_start3A_86 = tpu.memref_slice %arg7[%dma_start3A_83, %dma_start3A_84, %dma_start3A_85] : memref<2x64x128xf32, #tpu.memory_space<vmem>> -> memref<1x64x128xf32, #tpu.memory_space<vmem>>
    %dma_start3A_87 = tpu.memref_squeeze %dma_start3A_86 : memref<1x64x128xf32, #tpu.memory_space<vmem>> -> memref<64x128xf32, #tpu.memory_space<vmem>>
    %dma_start3A_88 = arith.constant 0 : i32
    %dma_start3A_89 = tpu.memref_slice %arg6[%dma_start3A_81, %dma_start3A_82, %dma_start3A_88] : memref<2x3x64xi32, #tpu.memory_space<vmem>> -> memref<1x1x64xi32, #tpu.memory_space<vmem>>
    %dma_start3A_90 = tpu.memref_squeeze %dma_start3A_89 : memref<1x1x64xi32, #tpu.memory_space<vmem>> -> memref<64xi32, #tpu.memory_space<vmem>>
    %dma_start3A_91 = arith.constant 0 : i32
    %dma_start3A_92 = arith.constant 0 : i32
    %dma_start3A_93 = tpu.memref_slice %arg2[%dma_start3A_91, %dma_start3A_92] : memref<10000x128xf32, #tpu.memory_space<hbm>> -> memref<10000x128xf32, #tpu.memory_space<hbm>>
    tpu.enqueue_indirect_dma source(%dma_start3A_93 : memref<10000x128xf32, #tpu.memory_space<hbm>>) target(%dma_start3A_87 : memref<64x128xf32, #tpu.memory_space<vmem>>) offsets(%dma_start3A_90 : memref<64xi32, #tpu.memory_space<vmem>>) semaphore(%arg11 : memref<!tpu.dma_semaphore, #tpu.memory_space<semaphore_mem>>)
    %dma_start3A_94 = arith.constant 0 : i32
    %dma_start3A_95 = arith.constant 2 : i32
    %dma_start3A_96 = arith.constant 0 : i32
    %dma_start3A_97 = arith.constant 0 : i32
    %dma_start3A_98 = arith.constant 0 : i32
    %dma_start3A_99 = tpu.memref_slice %arg8[%dma_start3A_96, %dma_start3A_97, %dma_start3A_98] : memref<2x64x128xf32, #tpu.memory_space<vmem>> -> memref<1x64x128xf32, #tpu.memory_space<vmem>>
    %dma_start3A_100 = tpu.memref_squeeze %dma_start3A_99 : memref<1x64x128xf32, #tpu.memory_space<vmem>> -> memref<64x128xf32, #tpu.memory_space<vmem>>
    %dma_start3A_101 = arith.constant 0 : i32
    %dma_start3A_102 = tpu.memref_slice %arg6[%dma_start3A_94, %dma_start3A_95, %dma_start3A_101] : memref<2x3x64xi32, #tpu.memory_space<vmem>> -> memref<1x1x64xi32, #tpu.memory_space<vmem>>
    %dma_start3A_103 = tpu.memref_squeeze %dma_start3A_102 : memref<1x1x64xi32, #tpu.memory_space<vmem>> -> memref<64xi32, #tpu.memory_space<vmem>>
    %dma_start3A_104 = arith.constant 0 : i32
    %dma_start3A_105 = arith.constant 0 : i32
    %dma_start3A_106 = tpu.memref_slice %arg3[%dma_start3A_104, %dma_start3A_105] : memref<512x128xf32, #tpu.memory_space<hbm>> -> memref<512x128xf32, #tpu.memory_space<hbm>>
    tpu.enqueue_indirect_dma source(%dma_start3A_106 : memref<512x128xf32, #tpu.memory_space<hbm>>) target(%dma_start3A_100 : memref<64x128xf32, #tpu.memory_space<vmem>>) offsets(%dma_start3A_103 : memref<64xi32, #tpu.memory_space<vmem>>) semaphore(%arg13 : memref<!tpu.dma_semaphore, #tpu.memory_space<semaphore_mem>>)
    %while3A = arith.constant 0 : i32
    %while3A_107 = arith.constant 0 : i32
    %while3A_108 = arith.subi %select_n3A_28, %while3A_107 : i32
    %while3A_109 = arith.addi %while3A_107, %while3A_108 : i32
    %while3A_110 = arith.constant 1 : i32
    %while3A_111 = arith.divsi %while3A_108, %while3A_110 : i32
    %while3A_112 = arith.muli %while3A_111, %while3A_110 : i32
    %while3A_113 = arith.addi %while3A_107, %while3A_112 : i32
    %while3A_114 = arith.constant 1 : i32
    scf.for %while3A_177 = %while3A_107 to %while3A_113 step %while3A_114  : i32 {
      %mul3A_178 = arith.constant 2 : i32
      %mul3A_179 = arith.muli %mul3A_178, %while3A_177 : i32
      %add3A_180 = arith.constant 0 : i32
      %add3A_181 = arith.addi %mul3A_179, %add3A_180 : i32
      %add3A_182 = arith.addi %select_n3A, %add3A_181 : i32
      %dma_wait3A_183 = arith.constant 0 : i32
      %dma_wait3A_184 = arith.constant 0 : i32
      %dma_wait3A_185 = arith.constant 0 : i32
      %dma_wait3A_186 = arith.constant 0 : i32
      %dma_wait3A_187 = arith.constant 0 : i32
      %dma_wait3A_188 = tpu.memref_slice %arg7[%dma_wait3A_185, %dma_wait3A_186, %dma_wait3A_187] : memref<2x64x128xf32, #tpu.memory_space<vmem>> -> memref<1x64x128xf32, #tpu.memory_space<vmem>>
      %dma_wait3A_189 = tpu.memref_squeeze %dma_wait3A_188 : memref<1x64x128xf32, #tpu.memory_space<vmem>> -> memref<64x128xf32, #tpu.memory_space<vmem>>
      %dma_wait3A_190 = arith.constant 0 : i32
      %dma_wait3A_191 = tpu.memref_slice %arg6[%dma_wait3A_183, %dma_wait3A_184, %dma_wait3A_190] : memref<2x3x64xi32, #tpu.memory_space<vmem>> -> memref<1x1x64xi32, #tpu.memory_space<vmem>>
      %dma_wait3A_192 = tpu.memref_squeeze %dma_wait3A_191 : memref<1x1x64xi32, #tpu.memory_space<vmem>> -> memref<64xi32, #tpu.memory_space<vmem>>
      %dma_wait3A_193 = arith.constant 0 : i32
      %dma_wait3A_194 = arith.constant 0 : i32
      %dma_wait3A_195 = tpu.memref_slice %arg2[%dma_wait3A_193, %dma_wait3A_194] : memref<10000x128xf32, #tpu.memory_space<hbm>> -> memref<10000x128xf32, #tpu.memory_space<hbm>>
      tpu.wait_indirect_dma semaphore(%arg11 : memref<!tpu.dma_semaphore, #tpu.memory_space<semaphore_mem>>) src(%dma_wait3A_195 : memref<10000x128xf32, #tpu.memory_space<hbm>>) dst(%dma_wait3A_189 : memref<64x128xf32, #tpu.memory_space<vmem>>)
      %dma_wait3A_196 = arith.constant 0 : i32
      %dma_wait3A_197 = arith.constant 2 : i32
      %dma_wait3A_198 = arith.constant 0 : i32
      %dma_wait3A_199 = arith.constant 0 : i32
      %dma_wait3A_200 = arith.constant 0 : i32
      %dma_wait3A_201 = tpu.memref_slice %arg8[%dma_wait3A_198, %dma_wait3A_199, %dma_wait3A_200] : memref<2x64x128xf32, #tpu.memory_space<vmem>> -> memref<1x64x128xf32, #tpu.memory_space<vmem>>
      %dma_wait3A_202 = tpu.memref_squeeze %dma_wait3A_201 : memref<1x64x128xf32, #tpu.memory_space<vmem>> -> memref<64x128xf32, #tpu.memory_space<vmem>>
      %dma_wait3A_203 = arith.constant 0 : i32
      %dma_wait3A_204 = tpu.memref_slice %arg6[%dma_wait3A_196, %dma_wait3A_197, %dma_wait3A_203] : memref<2x3x64xi32, #tpu.memory_space<vmem>> -> memref<1x1x64xi32, #tpu.memory_space<vmem>>
      %dma_wait3A_205 = tpu.memref_squeeze %dma_wait3A_204 : memref<1x1x64xi32, #tpu.memory_space<vmem>> -> memref<64xi32, #tpu.memory_space<vmem>>
      %dma_wait3A_206 = arith.constant 0 : i32
      %dma_wait3A_207 = arith.constant 0 : i32
      %dma_wait3A_208 = tpu.memref_slice %arg3[%dma_wait3A_206, %dma_wait3A_207] : memref<512x128xf32, #tpu.memory_space<hbm>> -> memref<512x128xf32, #tpu.memory_space<hbm>>
      tpu.wait_indirect_dma semaphore(%arg13 : memref<!tpu.dma_semaphore, #tpu.memory_space<semaphore_mem>>) src(%dma_wait3A_208 : memref<512x128xf32, #tpu.memory_space<hbm>>) dst(%dma_wait3A_202 : memref<64x128xf32, #tpu.memory_space<vmem>>)
      %dma_wait3A_209 = arith.constant 0 : i32
      %dma_wait3A_210 = arith.constant 1 : i32
      %dma_wait3A_211 = arith.constant 0 : i32
      %dma_wait3A_212 = arith.constant 0 : i32
      %dma_wait3A_213 = tpu.memref_slice %arg6[%dma_wait3A_210, %dma_wait3A_211, %dma_wait3A_212] : memref<2x3x64xi32, #tpu.memory_space<vmem>> -> memref<1x3x64xi32, #tpu.memory_space<vmem>>
      %dma_wait3A_214 = tpu.memref_squeeze %dma_wait3A_213 : memref<1x3x64xi32, #tpu.memory_space<vmem>> -> memref<3x64xi32, #tpu.memory_space<vmem>>
      %dma_wait3A_215 = arith.constant 0 : i32
      %dma_wait3A_216 = arith.constant 0 : i32
      %dma_wait3A_217 = tpu.memref_slice %arg4[%dma_wait3A_209, %dma_wait3A_215, %dma_wait3A_216] : memref<5026x3x64xi32, #tpu.memory_space<hbm>> -> memref<1x3x64xi32, #tpu.memory_space<hbm>>
      %dma_wait3A_218 = tpu.memref_squeeze %dma_wait3A_217 : memref<1x3x64xi32, #tpu.memory_space<hbm>> -> memref<3x64xi32, #tpu.memory_space<hbm>>
      %dma_wait3A_219 = arith.constant 0 : i32
      %dma_wait3A_220 = arith.constant 0 : i32
      %dma_wait3A_221 = tpu.memref_slice %arg6[%dma_wait3A_210, %dma_wait3A_219, %dma_wait3A_220] : memref<2x3x64xi32, #tpu.memory_space<vmem>> -> memref<1x3x64xi32, #tpu.memory_space<vmem>>
      %dma_wait3A_222 = tpu.memref_squeeze %dma_wait3A_221 : memref<1x3x64xi32, #tpu.memory_space<vmem>> -> memref<3x64xi32, #tpu.memory_space<vmem>>
      %dma_wait3A_223 = arith.constant 0 : i32
      %dma_wait3A_224 = arith.constant 0 : i32
      %dma_wait3A_225 = tpu.memref_slice %arg4[%dma_wait3A_209, %dma_wait3A_223, %dma_wait3A_224] : memref<5026x3x64xi32, #tpu.memory_space<hbm>> -> memref<1x3x64xi32, #tpu.memory_space<hbm>>
      %dma_wait3A_226 = tpu.memref_squeeze %dma_wait3A_225 : memref<1x3x64xi32, #tpu.memory_space<hbm>> -> memref<3x64xi32, #tpu.memory_space<hbm>>
      tpu.wait_dma2 semaphore(%arg10 : memref<!tpu.dma_semaphore, #tpu.memory_space<semaphore_mem>>) src(%dma_wait3A_226 : memref<3x64xi32, #tpu.memory_space<hbm>>) dst(%dma_wait3A_222 : memref<3x64xi32, #tpu.memory_space<vmem>>)
      %dma_start3A_227 = arith.constant 1 : i32
      %dma_start3A_228 = arith.constant 0 : i32
      %dma_start3A_229 = arith.constant 1 : i32
      %dma_start3A_230 = arith.constant 0 : i32
      %dma_start3A_231 = arith.constant 0 : i32
      %dma_start3A_232 = tpu.memref_slice %arg7[%dma_start3A_229, %dma_start3A_230, %dma_start3A_231] : memref<2x64x128xf32, #tpu.memory_space<vmem>> -> memref<1x64x128xf32, #tpu.memory_space<vmem>>
      %dma_start3A_233 = tpu.memref_squeeze %dma_start3A_232 : memref<1x64x128xf32, #tpu.memory_space<vmem>> -> memref<64x128xf32, #tpu.memory_space<vmem>>
      %dma_start3A_234 = arith.constant 0 : i32
      %dma_start3A_235 = tpu.memref_slice %arg6[%dma_start3A_227, %dma_start3A_228, %dma_start3A_234] : memref<2x3x64xi32, #tpu.memory_space<vmem>> -> memref<1x1x64xi32, #tpu.memory_space<vmem>>
      %dma_start3A_236 = tpu.memref_squeeze %dma_start3A_235 : memref<1x1x64xi32, #tpu.memory_space<vmem>> -> memref<64xi32, #tpu.memory_space<vmem>>
      %dma_start3A_237 = arith.constant 0 : i32
      %dma_start3A_238 = arith.constant 0 : i32
      %dma_start3A_239 = tpu.memref_slice %arg2[%dma_start3A_237, %dma_start3A_238] : memref<10000x128xf32, #tpu.memory_space<hbm>> -> memref<10000x128xf32, #tpu.memory_space<hbm>>
      tpu.enqueue_indirect_dma source(%dma_start3A_239 : memref<10000x128xf32, #tpu.memory_space<hbm>>) target(%dma_start3A_233 : memref<64x128xf32, #tpu.memory_space<vmem>>) offsets(%dma_start3A_236 : memref<64xi32, #tpu.memory_space<vmem>>) semaphore(%arg12 : memref<!tpu.dma_semaphore, #tpu.memory_space<semaphore_mem>>)
      %dma_start3A_240 = arith.constant 1 : i32
      %dma_start3A_241 = arith.constant 2 : i32
      %dma_start3A_242 = arith.constant 1 : i32
      %dma_start3A_243 = arith.constant 0 : i32
      %dma_start3A_244 = arith.constant 0 : i32
      %dma_start3A_245 = tpu.memref_slice %arg8[%dma_start3A_242, %dma_start3A_243, %dma_start3A_244] : memref<2x64x128xf32, #tpu.memory_space<vmem>> -> memref<1x64x128xf32, #tpu.memory_space<vmem>>
      %dma_start3A_246 = tpu.memref_squeeze %dma_start3A_245 : memref<1x64x128xf32, #tpu.memory_space<vmem>> -> memref<64x128xf32, #tpu.memory_space<vmem>>
      %dma_start3A_247 = arith.constant 0 : i32
      %dma_start3A_248 = tpu.memref_slice %arg6[%dma_start3A_240, %dma_start3A_241, %dma_start3A_247] : memref<2x3x64xi32, #tpu.memory_space<vmem>> -> memref<1x1x64xi32, #tpu.memory_space<vmem>>
      %dma_start3A_249 = tpu.memref_squeeze %dma_start3A_248 : memref<1x1x64xi32, #tpu.memory_space<vmem>> -> memref<64xi32, #tpu.memory_space<vmem>>
      %dma_start3A_250 = arith.constant 0 : i32
      %dma_start3A_251 = arith.constant 0 : i32
      %dma_start3A_252 = tpu.memref_slice %arg3[%dma_start3A_250, %dma_start3A_251] : memref<512x128xf32, #tpu.memory_space<hbm>> -> memref<512x128xf32, #tpu.memory_space<hbm>>
      tpu.enqueue_indirect_dma source(%dma_start3A_252 : memref<512x128xf32, #tpu.memory_space<hbm>>) target(%dma_start3A_246 : memref<64x128xf32, #tpu.memory_space<vmem>>) offsets(%dma_start3A_249 : memref<64xi32, #tpu.memory_space<vmem>>) semaphore(%arg14 : memref<!tpu.dma_semaphore, #tpu.memory_space<semaphore_mem>>)
      %dma_start3A_253 = arith.constant 0 : i32
      %dma_start3A_254 = arith.constant 0 : i32
      %dma_start3A_255 = arith.constant 1 : i32
      %dma_start3A_256 = arith.constant 0 : i32
      %dma_start3A_257 = arith.constant 0 : i32
      %dma_start3A_258 = tpu.memref_slice %arg7[%dma_start3A_253, %dma_start3A_256, %dma_start3A_257] : memref<2x64x128xf32, #tpu.memory_space<vmem>> -> memref<1x64x128xf32, #tpu.memory_space<vmem>>
      %dma_start3A_259 = tpu.memref_squeeze %dma_start3A_258 : memref<1x64x128xf32, #tpu.memory_space<vmem>> -> memref<64x128xf32, #tpu.memory_space<vmem>>
      %dma_start3A_260 = arith.constant 0 : i32
      %dma_start3A_261 = tpu.memref_slice %arg6[%dma_start3A_254, %dma_start3A_255, %dma_start3A_260] : memref<2x3x64xi32, #tpu.memory_space<vmem>> -> memref<1x1x64xi32, #tpu.memory_space<vmem>>
      %dma_start3A_262 = tpu.memref_squeeze %dma_start3A_261 : memref<1x1x64xi32, #tpu.memory_space<vmem>> -> memref<64xi32, #tpu.memory_space<vmem>>
      %dma_start3A_263 = arith.constant 0 : i32
      %dma_start3A_264 = arith.constant 0 : i32
      %dma_start3A_265 = tpu.memref_slice %arg16[%dma_start3A_263, %dma_start3A_264] : memref<10112x128xf32, #tpu.memory_space<vmem_shared>> -> memref<10112x128xf32, #tpu.memory_space<vmem_shared>>
      tpu.enqueue_indirect_dma source(%dma_start3A_259 : memref<64x128xf32, #tpu.memory_space<vmem>>) target(%dma_start3A_265 : memref<10112x128xf32, #tpu.memory_space<vmem_shared>>) offsets(%dma_start3A_262 : memref<64xi32, #tpu.memory_space<vmem>>) semaphore(%arg15 : memref<!tpu.dma_semaphore, #tpu.memory_space<semaphore_mem>>) {add = true}
      %dma_start3A_266 = arith.constant 0 : i32
      %dma_start3A_267 = arith.constant 0 : i32
      %dma_start3A_268 = arith.constant 1 : i32
      %dma_start3A_269 = arith.constant 0 : i32
      %dma_start3A_270 = arith.constant 0 : i32
      %dma_start3A_271 = tpu.memref_slice %arg8[%dma_start3A_266, %dma_start3A_269, %dma_start3A_270] : memref<2x64x128xf32, #tpu.memory_space<vmem>> -> memref<1x64x128xf32, #tpu.memory_space<vmem>>
      %dma_start3A_272 = tpu.memref_squeeze %dma_start3A_271 : memref<1x64x128xf32, #tpu.memory_space<vmem>> -> memref<64x128xf32, #tpu.memory_space<vmem>>
      %dma_start3A_273 = arith.constant 0 : i32
      %dma_start3A_274 = tpu.memref_slice %arg6[%dma_start3A_267, %dma_start3A_268, %dma_start3A_273] : memref<2x3x64xi32, #tpu.memory_space<vmem>> -> memref<1x1x64xi32, #tpu.memory_space<vmem>>
      %dma_start3A_275 = tpu.memref_squeeze %dma_start3A_274 : memref<1x1x64xi32, #tpu.memory_space<vmem>> -> memref<64xi32, #tpu.memory_space<vmem>>
      %dma_start3A_276 = arith.constant 0 : i32
      %dma_start3A_277 = arith.constant 0 : i32
      %dma_start3A_278 = tpu.memref_slice %arg16[%dma_start3A_276, %dma_start3A_277] : memref<10112x128xf32, #tpu.memory_space<vmem_shared>> -> memref<10112x128xf32, #tpu.memory_space<vmem_shared>>
      tpu.enqueue_indirect_dma source(%dma_start3A_272 : memref<64x128xf32, #tpu.memory_space<vmem>>) target(%dma_start3A_278 : memref<10112x128xf32, #tpu.memory_space<vmem_shared>>) offsets(%dma_start3A_275 : memref<64xi32, #tpu.memory_space<vmem>>) semaphore(%arg15 : memref<!tpu.dma_semaphore, #tpu.memory_space<semaphore_mem>>) {add = true}
      %dma_wait3A_279 = arith.constant 0 : i32
      %dma_wait3A_280 = arith.constant 0 : i32
      %dma_wait3A_281 = arith.constant 1 : i32
      %dma_wait3A_282 = arith.constant 0 : i32
      %dma_wait3A_283 = arith.constant 0 : i32
      %dma_wait3A_284 = tpu.memref_slice %arg7[%dma_wait3A_279, %dma_wait3A_282, %dma_wait3A_283] : memref<2x64x128xf32, #tpu.memory_space<vmem>> -> memref<1x64x128xf32, #tpu.memory_space<vmem>>
      %dma_wait3A_285 = tpu.memref_squeeze %dma_wait3A_284 : memref<1x64x128xf32, #tpu.memory_space<vmem>> -> memref<64x128xf32, #tpu.memory_space<vmem>>
      %dma_wait3A_286 = arith.constant 0 : i32
      %dma_wait3A_287 = tpu.memref_slice %arg6[%dma_wait3A_280, %dma_wait3A_281, %dma_wait3A_286] : memref<2x3x64xi32, #tpu.memory_space<vmem>> -> memref<1x1x64xi32, #tpu.memory_space<vmem>>
      %dma_wait3A_288 = tpu.memref_squeeze %dma_wait3A_287 : memref<1x1x64xi32, #tpu.memory_space<vmem>> -> memref<64xi32, #tpu.memory_space<vmem>>
      %dma_wait3A_289 = arith.constant 0 : i32
      %dma_wait3A_290 = arith.constant 0 : i32
      %dma_wait3A_291 = tpu.memref_slice %arg16[%dma_wait3A_289, %dma_wait3A_290] : memref<10112x128xf32, #tpu.memory_space<vmem_shared>> -> memref<10112x128xf32, #tpu.memory_space<vmem_shared>>
      tpu.wait_indirect_dma semaphore(%arg15 : memref<!tpu.dma_semaphore, #tpu.memory_space<semaphore_mem>>) src(%dma_wait3A_285 : memref<64x128xf32, #tpu.memory_space<vmem>>) dst(%dma_wait3A_291 : memref<10112x128xf32, #tpu.memory_space<vmem_shared>>)
      %dma_wait3A_292 = arith.constant 0 : i32
      %dma_wait3A_293 = arith.constant 0 : i32
      %dma_wait3A_294 = arith.constant 1 : i32
      %dma_wait3A_295 = arith.constant 0 : i32
      %dma_wait3A_296 = arith.constant 0 : i32
      %dma_wait3A_297 = tpu.memref_slice %arg8[%dma_wait3A_292, %dma_wait3A_295, %dma_wait3A_296] : memref<2x64x128xf32, #tpu.memory_space<vmem>> -> memref<1x64x128xf32, #tpu.memory_space<vmem>>
      %dma_wait3A_298 = tpu.memref_squeeze %dma_wait3A_297 : memref<1x64x128xf32, #tpu.memory_space<vmem>> -> memref<64x128xf32, #tpu.memory_space<vmem>>
      %dma_wait3A_299 = arith.constant 0 : i32
      %dma_wait3A_300 = tpu.memref_slice %arg6[%dma_wait3A_293, %dma_wait3A_294, %dma_wait3A_299] : memref<2x3x64xi32, #tpu.memory_space<vmem>> -> memref<1x1x64xi32, #tpu.memory_space<vmem>>
      %dma_wait3A_301 = tpu.memref_squeeze %dma_wait3A_300 : memref<1x1x64xi32, #tpu.memory_space<vmem>> -> memref<64xi32, #tpu.memory_space<vmem>>
      %dma_wait3A_302 = arith.constant 0 : i32
      %dma_wait3A_303 = arith.constant 0 : i32
      %dma_wait3A_304 = tpu.memref_slice %arg16[%dma_wait3A_302, %dma_wait3A_303] : memref<10112x128xf32, #tpu.memory_space<vmem_shared>> -> memref<10112x128xf32, #tpu.memory_space<vmem_shared>>
      tpu.wait_indirect_dma semaphore(%arg15 : memref<!tpu.dma_semaphore, #tpu.memory_space<semaphore_mem>>) src(%dma_wait3A_298 : memref<64x128xf32, #tpu.memory_space<vmem>>) dst(%dma_wait3A_304 : memref<10112x128xf32, #tpu.memory_space<vmem_shared>>)
      %add3A_305 = arith.constant 2 : i32
      %add3A_306 = arith.addi %add3A_182, %add3A_305 : i32
      %dma_start3A_307 = arith.constant 0 : i32
      %dma_start3A_308 = arith.constant 0 : i32
      %dma_start3A_309 = arith.constant 0 : i32
      %dma_start3A_310 = tpu.memref_slice %arg6[%dma_start3A_307, %dma_start3A_308, %dma_start3A_309] : memref<2x3x64xi32, #tpu.memory_space<vmem>> -> memref<1x3x64xi32, #tpu.memory_space<vmem>>
      %dma_start3A_311 = tpu.memref_squeeze %dma_start3A_310 : memref<1x3x64xi32, #tpu.memory_space<vmem>> -> memref<3x64xi32, #tpu.memory_space<vmem>>
      %dma_start3A_312 = arith.constant 0 : i32
      %dma_start3A_313 = arith.constant 0 : i32
      %dma_start3A_314 = tpu.memref_slice %arg4[%add3A_306, %dma_start3A_312, %dma_start3A_313] : memref<5026x3x64xi32, #tpu.memory_space<hbm>> -> memref<1x3x64xi32, #tpu.memory_space<hbm>>
      %dma_start3A_315 = tpu.memref_squeeze %dma_start3A_314 : memref<1x3x64xi32, #tpu.memory_space<hbm>> -> memref<3x64xi32, #tpu.memory_space<hbm>>
      %dma_start3A_316 = arith.constant 0 : i32
      %dma_start3A_317 = arith.constant 0 : i32
      %dma_start3A_318 = tpu.memref_slice %arg6[%dma_start3A_307, %dma_start3A_316, %dma_start3A_317] : memref<2x3x64xi32, #tpu.memory_space<vmem>> -> memref<1x3x64xi32, #tpu.memory_space<vmem>>
      %dma_start3A_319 = tpu.memref_squeeze %dma_start3A_318 : memref<1x3x64xi32, #tpu.memory_space<vmem>> -> memref<3x64xi32, #tpu.memory_space<vmem>>
      %dma_start3A_320 = arith.constant 0 : i32
      %dma_start3A_321 = arith.constant 0 : i32
      %dma_start3A_322 = tpu.memref_slice %arg4[%add3A_306, %dma_start3A_320, %dma_start3A_321] : memref<5026x3x64xi32, #tpu.memory_space<hbm>> -> memref<1x3x64xi32, #tpu.memory_space<hbm>>
      %dma_start3A_323 = tpu.memref_squeeze %dma_start3A_322 : memref<1x3x64xi32, #tpu.memory_space<hbm>> -> memref<3x64xi32, #tpu.memory_space<hbm>>
      tpu.enqueue_dma source(%dma_start3A_323 : memref<3x64xi32, #tpu.memory_space<hbm>>) target(%dma_start3A_319 : memref<3x64xi32, #tpu.memory_space<vmem>>) target_semaphore(%arg9 : memref<!tpu.dma_semaphore, #tpu.memory_space<semaphore_mem>>)
      %mul3A_324 = arith.constant 2 : i32
      %mul3A_325 = arith.muli %mul3A_324, %while3A_177 : i32
      %add3A_326 = arith.constant 1 : i32
      %add3A_327 = arith.addi %mul3A_325, %add3A_326 : i32
      %add3A_328 = arith.addi %select_n3A, %add3A_327 : i32
      %dma_wait3A_329 = arith.constant 1 : i32
      %dma_wait3A_330 = arith.constant 0 : i32
      %dma_wait3A_331 = arith.constant 1 : i32
      %dma_wait3A_332 = arith.constant 0 : i32
      %dma_wait3A_333 = arith.constant 0 : i32
      %dma_wait3A_334 = tpu.memref_slice %arg7[%dma_wait3A_331, %dma_wait3A_332, %dma_wait3A_333] : memref<2x64x128xf32, #tpu.memory_space<vmem>> -> memref<1x64x128xf32, #tpu.memory_space<vmem>>
      %dma_wait3A_335 = tpu.memref_squeeze %dma_wait3A_334 : memref<1x64x128xf32, #tpu.memory_space<vmem>> -> memref<64x128xf32, #tpu.memory_space<vmem>>
      %dma_wait3A_336 = arith.constant 0 : i32
      %dma_wait3A_337 = tpu.memref_slice %arg6[%dma_wait3A_329, %dma_wait3A_330, %dma_wait3A_336] : memref<2x3x64xi32, #tpu.memory_space<vmem>> -> memref<1x1x64xi32, #tpu.memory_space<vmem>>
      %dma_wait3A_338 = tpu.memref_squeeze %dma_wait3A_337 : memref<1x1x64xi32, #tpu.memory_space<vmem>> -> memref<64xi32, #tpu.memory_space<vmem>>
      %dma_wait3A_339 = arith.constant 0 : i32
      %dma_wait3A_340 = arith.constant 0 : i32
      %dma_wait3A_341 = tpu.memref_slice %arg2[%dma_wait3A_339, %dma_wait3A_340] : memref<10000x128xf32, #tpu.memory_space<hbm>> -> memref<10000x128xf32, #tpu.memory_space<hbm>>
      tpu.wait_indirect_dma semaphore(%arg12 : memref<!tpu.dma_semaphore, #tpu.memory_space<semaphore_mem>>) src(%dma_wait3A_341 : memref<10000x128xf32, #tpu.memory_space<hbm>>) dst(%dma_wait3A_335 : memref<64x128xf32, #tpu.memory_space<vmem>>)
      %dma_wait3A_342 = arith.constant 1 : i32
      %dma_wait3A_343 = arith.constant 2 : i32
      %dma_wait3A_344 = arith.constant 1 : i32
      %dma_wait3A_345 = arith.constant 0 : i32
      %dma_wait3A_346 = arith.constant 0 : i32
      %dma_wait3A_347 = tpu.memref_slice %arg8[%dma_wait3A_344, %dma_wait3A_345, %dma_wait3A_346] : memref<2x64x128xf32, #tpu.memory_space<vmem>> -> memref<1x64x128xf32, #tpu.memory_space<vmem>>
      %dma_wait3A_348 = tpu.memref_squeeze %dma_wait3A_347 : memref<1x64x128xf32, #tpu.memory_space<vmem>> -> memref<64x128xf32, #tpu.memory_space<vmem>>
      %dma_wait3A_349 = arith.constant 0 : i32
      %dma_wait3A_350 = tpu.memref_slice %arg6[%dma_wait3A_342, %dma_wait3A_343, %dma_wait3A_349] : memref<2x3x64xi32, #tpu.memory_space<vmem>> -> memref<1x1x64xi32, #tpu.memory_space<vmem>>
      %dma_wait3A_351 = tpu.memref_squeeze %dma_wait3A_350 : memref<1x1x64xi32, #tpu.memory_space<vmem>> -> memref<64xi32, #tpu.memory_space<vmem>>
      %dma_wait3A_352 = arith.constant 0 : i32
      %dma_wait3A_353 = arith.constant 0 : i32
      %dma_wait3A_354 = tpu.memref_slice %arg3[%dma_wait3A_352, %dma_wait3A_353] : memref<512x128xf32, #tpu.memory_space<hbm>> -> memref<512x128xf32, #tpu.memory_space<hbm>>
      tpu.wait_indirect_dma semaphore(%arg14 : memref<!tpu.dma_semaphore, #tpu.memory_space<semaphore_mem>>) src(%dma_wait3A_354 : memref<512x128xf32, #tpu.memory_space<hbm>>) dst(%dma_wait3A_348 : memref<64x128xf32, #tpu.memory_space<vmem>>)
      %dma_wait3A_355 = arith.constant 0 : i32
      %dma_wait3A_356 = arith.constant 0 : i32
      %dma_wait3A_357 = arith.constant 0 : i32
      %dma_wait3A_358 = arith.constant 0 : i32
      %dma_wait3A_359 = tpu.memref_slice %arg6[%dma_wait3A_356, %dma_wait3A_357, %dma_wait3A_358] : memref<2x3x64xi32, #tpu.memory_space<vmem>> -> memref<1x3x64xi32, #tpu.memory_space<vmem>>
      %dma_wait3A_360 = tpu.memref_squeeze %dma_wait3A_359 : memref<1x3x64xi32, #tpu.memory_space<vmem>> -> memref<3x64xi32, #tpu.memory_space<vmem>>
      %dma_wait3A_361 = arith.constant 0 : i32
      %dma_wait3A_362 = arith.constant 0 : i32
      %dma_wait3A_363 = tpu.memref_slice %arg4[%dma_wait3A_355, %dma_wait3A_361, %dma_wait3A_362] : memref<5026x3x64xi32, #tpu.memory_space<hbm>> -> memref<1x3x64xi32, #tpu.memory_space<hbm>>
      %dma_wait3A_364 = tpu.memref_squeeze %dma_wait3A_363 : memref<1x3x64xi32, #tpu.memory_space<hbm>> -> memref<3x64xi32, #tpu.memory_space<hbm>>
      %dma_wait3A_365 = arith.constant 0 : i32
      %dma_wait3A_366 = arith.constant 0 : i32
      %dma_wait3A_367 = tpu.memref_slice %arg6[%dma_wait3A_356, %dma_wait3A_365, %dma_wait3A_366] : memref<2x3x64xi32, #tpu.memory_space<vmem>> -> memref<1x3x64xi32, #tpu.memory_space<vmem>>
      %dma_wait3A_368 = tpu.memref_squeeze %dma_wait3A_367 : memref<1x3x64xi32, #tpu.memory_space<vmem>> -> memref<3x64xi32, #tpu.memory_space<vmem>>
      %dma_wait3A_369 = arith.constant 0 : i32
      %dma_wait3A_370 = arith.constant 0 : i32
      %dma_wait3A_371 = tpu.memref_slice %arg4[%dma_wait3A_355, %dma_wait3A_369, %dma_wait3A_370] : memref<5026x3x64xi32, #tpu.memory_space<hbm>> -> memref<1x3x64xi32, #tpu.memory_space<hbm>>
      %dma_wait3A_372 = tpu.memref_squeeze %dma_wait3A_371 : memref<1x3x64xi32, #tpu.memory_space<hbm>> -> memref<3x64xi32, #tpu.memory_space<hbm>>
      tpu.wait_dma2 semaphore(%arg9 : memref<!tpu.dma_semaphore, #tpu.memory_space<semaphore_mem>>) src(%dma_wait3A_372 : memref<3x64xi32, #tpu.memory_space<hbm>>) dst(%dma_wait3A_368 : memref<3x64xi32, #tpu.memory_space<vmem>>)
      %dma_start3A_373 = arith.constant 0 : i32
      %dma_start3A_374 = arith.constant 0 : i32
      %dma_start3A_375 = arith.constant 0 : i32
      %dma_start3A_376 = arith.constant 0 : i32
      %dma_start3A_377 = arith.constant 0 : i32
      %dma_start3A_378 = tpu.memref_slice %arg7[%dma_start3A_375, %dma_start3A_376, %dma_start3A_377] : memref<2x64x128xf32, #tpu.memory_space<vmem>> -> memref<1x64x128xf32, #tpu.memory_space<vmem>>
      %dma_start3A_379 = tpu.memref_squeeze %dma_start3A_378 : memref<1x64x128xf32, #tpu.memory_space<vmem>> -> memref<64x128xf32, #tpu.memory_space<vmem>>
      %dma_start3A_380 = arith.constant 0 : i32
      %dma_start3A_381 = tpu.memref_slice %arg6[%dma_start3A_373, %dma_start3A_374, %dma_start3A_380] : memref<2x3x64xi32, #tpu.memory_space<vmem>> -> memref<1x1x64xi32, #tpu.memory_space<vmem>>
      %dma_start3A_382 = tpu.memref_squeeze %dma_start3A_381 : memref<1x1x64xi32, #tpu.memory_space<vmem>> -> memref<64xi32, #tpu.memory_space<vmem>>
      %dma_start3A_383 = arith.constant 0 : i32
      %dma_start3A_384 = arith.constant 0 : i32
      %dma_start3A_385 = tpu.memref_slice %arg2[%dma_start3A_383, %dma_start3A_384] : memref<10000x128xf32, #tpu.memory_space<hbm>> -> memref<10000x128xf32, #tpu.memory_space<hbm>>
      tpu.enqueue_indirect_dma source(%dma_start3A_385 : memref<10000x128xf32, #tpu.memory_space<hbm>>) target(%dma_start3A_379 : memref<64x128xf32, #tpu.memory_space<vmem>>) offsets(%dma_start3A_382 : memref<64xi32, #tpu.memory_space<vmem>>) semaphore(%arg11 : memref<!tpu.dma_semaphore, #tpu.memory_space<semaphore_mem>>)
      %dma_start3A_386 = arith.constant 0 : i32
      %dma_start3A_387 = arith.constant 2 : i32
      %dma_start3A_388 = arith.constant 0 : i32
      %dma_start3A_389 = arith.constant 0 : i32
      %dma_start3A_390 = arith.constant 0 : i32
      %dma_start3A_391 = tpu.memref_slice %arg8[%dma_start3A_388, %dma_start3A_389, %dma_start3A_390] : memref<2x64x128xf32, #tpu.memory_space<vmem>> -> memref<1x64x128xf32, #tpu.memory_space<vmem>>
      %dma_start3A_392 = tpu.memref_squeeze %dma_start3A_391 : memref<1x64x128xf32, #tpu.memory_space<vmem>> -> memref<64x128xf32, #tpu.memory_space<vmem>>
      %dma_start3A_393 = arith.constant 0 : i32
      %dma_start3A_394 = tpu.memref_slice %arg6[%dma_start3A_386, %dma_start3A_387, %dma_start3A_393] : memref<2x3x64xi32, #tpu.memory_space<vmem>> -> memref<1x1x64xi32, #tpu.memory_space<vmem>>
      %dma_start3A_395 = tpu.memref_squeeze %dma_start3A_394 : memref<1x1x64xi32, #tpu.memory_space<vmem>> -> memref<64xi32, #tpu.memory_space<vmem>>
      %dma_start3A_396 = arith.constant 0 : i32
      %dma_start3A_397 = arith.constant 0 : i32
      %dma_start3A_398 = tpu.memref_slice %arg3[%dma_start3A_396, %dma_start3A_397] : memref<512x128xf32, #tpu.memory_space<hbm>> -> memref<512x128xf32, #tpu.memory_space<hbm>>
      tpu.enqueue_indirect_dma source(%dma_start3A_398 : memref<512x128xf32, #tpu.memory_space<hbm>>) target(%dma_start3A_392 : memref<64x128xf32, #tpu.memory_space<vmem>>) offsets(%dma_start3A_395 : memref<64xi32, #tpu.memory_space<vmem>>) semaphore(%arg13 : memref<!tpu.dma_semaphore, #tpu.memory_space<semaphore_mem>>)
      %dma_start3A_399 = arith.constant 1 : i32
      %dma_start3A_400 = arith.constant 1 : i32
      %dma_start3A_401 = arith.constant 1 : i32
      %dma_start3A_402 = arith.constant 0 : i32
      %dma_start3A_403 = arith.constant 0 : i32
      %dma_start3A_404 = tpu.memref_slice %arg7[%dma_start3A_399, %dma_start3A_402, %dma_start3A_403] : memref<2x64x128xf32, #tpu.memory_space<vmem>> -> memref<1x64x128xf32, #tpu.memory_space<vmem>>
      %dma_start3A_405 = tpu.memref_squeeze %dma_start3A_404 : memref<1x64x128xf32, #tpu.memory_space<vmem>> -> memref<64x128xf32, #tpu.memory_space<vmem>>
      %dma_start3A_406 = arith.constant 0 : i32
      %dma_start3A_407 = tpu.memref_slice %arg6[%dma_start3A_400, %dma_start3A_401, %dma_start3A_406] : memref<2x3x64xi32, #tpu.memory_space<vmem>> -> memref<1x1x64xi32, #tpu.memory_space<vmem>>
      %dma_start3A_408 = tpu.memref_squeeze %dma_start3A_407 : memref<1x1x64xi32, #tpu.memory_space<vmem>> -> memref<64xi32, #tpu.memory_space<vmem>>
      %dma_start3A_409 = arith.constant 0 : i32
      %dma_start3A_410 = arith.constant 0 : i32
      %dma_start3A_411 = tpu.memref_slice %arg16[%dma_start3A_409, %dma_start3A_410] : memref<10112x128xf32, #tpu.memory_space<vmem_shared>> -> memref<10112x128xf32, #tpu.memory_space<vmem_shared>>
      tpu.enqueue_indirect_dma source(%dma_start3A_405 : memref<64x128xf32, #tpu.memory_space<vmem>>) target(%dma_start3A_411 : memref<10112x128xf32, #tpu.memory_space<vmem_shared>>) offsets(%dma_start3A_408 : memref<64xi32, #tpu.memory_space<vmem>>) semaphore(%arg15 : memref<!tpu.dma_semaphore, #tpu.memory_space<semaphore_mem>>) {add = true}
      %dma_start3A_412 = arith.constant 1 : i32
      %dma_start3A_413 = arith.constant 1 : i32
      %dma_start3A_414 = arith.constant 1 : i32
      %dma_start3A_415 = arith.constant 0 : i32
      %dma_start3A_416 = arith.constant 0 : i32
      %dma_start3A_417 = tpu.memref_slice %arg8[%dma_start3A_412, %dma_start3A_415, %dma_start3A_416] : memref<2x64x128xf32, #tpu.memory_space<vmem>> -> memref<1x64x128xf32, #tpu.memory_space<vmem>>
      %dma_start3A_418 = tpu.memref_squeeze %dma_start3A_417 : memref<1x64x128xf32, #tpu.memory_space<vmem>> -> memref<64x128xf32, #tpu.memory_space<vmem>>
      %dma_start3A_419 = arith.constant 0 : i32
      %dma_start3A_420 = tpu.memref_slice %arg6[%dma_start3A_413, %dma_start3A_414, %dma_start3A_419] : memref<2x3x64xi32, #tpu.memory_space<vmem>> -> memref<1x1x64xi32, #tpu.memory_space<vmem>>
      %dma_start3A_421 = tpu.memref_squeeze %dma_start3A_420 : memref<1x1x64xi32, #tpu.memory_space<vmem>> -> memref<64xi32, #tpu.memory_space<vmem>>
      %dma_start3A_422 = arith.constant 0 : i32
      %dma_start3A_423 = arith.constant 0 : i32
      %dma_start3A_424 = tpu.memref_slice %arg16[%dma_start3A_422, %dma_start3A_423] : memref<10112x128xf32, #tpu.memory_space<vmem_shared>> -> memref<10112x128xf32, #tpu.memory_space<vmem_shared>>
      tpu.enqueue_indirect_dma source(%dma_start3A_418 : memref<64x128xf32, #tpu.memory_space<vmem>>) target(%dma_start3A_424 : memref<10112x128xf32, #tpu.memory_space<vmem_shared>>) offsets(%dma_start3A_421 : memref<64xi32, #tpu.memory_space<vmem>>) semaphore(%arg15 : memref<!tpu.dma_semaphore, #tpu.memory_space<semaphore_mem>>) {add = true}
      %dma_wait3A_425 = arith.constant 1 : i32
      %dma_wait3A_426 = arith.constant 1 : i32
      %dma_wait3A_427 = arith.constant 1 : i32
      %dma_wait3A_428 = arith.constant 0 : i32
      %dma_wait3A_429 = arith.constant 0 : i32
      %dma_wait3A_430 = tpu.memref_slice %arg7[%dma_wait3A_425, %dma_wait3A_428, %dma_wait3A_429] : memref<2x64x128xf32, #tpu.memory_space<vmem>> -> memref<1x64x128xf32, #tpu.memory_space<vmem>>
      %dma_wait3A_431 = tpu.memref_squeeze %dma_wait3A_430 : memref<1x64x128xf32, #tpu.memory_space<vmem>> -> memref<64x128xf32, #tpu.memory_space<vmem>>
      %dma_wait3A_432 = arith.constant 0 : i32
      %dma_wait3A_433 = tpu.memref_slice %arg6[%dma_wait3A_426, %dma_wait3A_427, %dma_wait3A_432] : memref<2x3x64xi32, #tpu.memory_space<vmem>> -> memref<1x1x64xi32, #tpu.memory_space<vmem>>
      %dma_wait3A_434 = tpu.memref_squeeze %dma_wait3A_433 : memref<1x1x64xi32, #tpu.memory_space<vmem>> -> memref<64xi32, #tpu.memory_space<vmem>>
      %dma_wait3A_435 = arith.constant 0 : i32
      %dma_wait3A_436 = arith.constant 0 : i32
      %dma_wait3A_437 = tpu.memref_slice %arg16[%dma_wait3A_435, %dma_wait3A_436] : memref<10112x128xf32, #tpu.memory_space<vmem_shared>> -> memref<10112x128xf32, #tpu.memory_space<vmem_shared>>
      tpu.wait_indirect_dma semaphore(%arg15 : memref<!tpu.dma_semaphore, #tpu.memory_space<semaphore_mem>>) src(%dma_wait3A_431 : memref<64x128xf32, #tpu.memory_space<vmem>>) dst(%dma_wait3A_437 : memref<10112x128xf32, #tpu.memory_space<vmem_shared>>)
      %dma_wait3A_438 = arith.constant 1 : i32
      %dma_wait3A_439 = arith.constant 1 : i32
      %dma_wait3A_440 = arith.constant 1 : i32
      %dma_wait3A_441 = arith.constant 0 : i32
      %dma_wait3A_442 = arith.constant 0 : i32
      %dma_wait3A_443 = tpu.memref_slice %arg8[%dma_wait3A_438, %dma_wait3A_441, %dma_wait3A_442] : memref<2x64x128xf32, #tpu.memory_space<vmem>> -> memref<1x64x128xf32, #tpu.memory_space<vmem>>
      %dma_wait3A_444 = tpu.memref_squeeze %dma_wait3A_443 : memref<1x64x128xf32, #tpu.memory_space<vmem>> -> memref<64x128xf32, #tpu.memory_space<vmem>>
      %dma_wait3A_445 = arith.constant 0 : i32
      %dma_wait3A_446 = tpu.memref_slice %arg6[%dma_wait3A_439, %dma_wait3A_440, %dma_wait3A_445] : memref<2x3x64xi32, #tpu.memory_space<vmem>> -> memref<1x1x64xi32, #tpu.memory_space<vmem>>
      %dma_wait3A_447 = tpu.memref_squeeze %dma_wait3A_446 : memref<1x1x64xi32, #tpu.memory_space<vmem>> -> memref<64xi32, #tpu.memory_space<vmem>>
      %dma_wait3A_448 = arith.constant 0 : i32
      %dma_wait3A_449 = arith.constant 0 : i32
      %dma_wait3A_450 = tpu.memref_slice %arg16[%dma_wait3A_448, %dma_wait3A_449] : memref<10112x128xf32, #tpu.memory_space<vmem_shared>> -> memref<10112x128xf32, #tpu.memory_space<vmem_shared>>
      tpu.wait_indirect_dma semaphore(%arg15 : memref<!tpu.dma_semaphore, #tpu.memory_space<semaphore_mem>>) src(%dma_wait3A_444 : memref<64x128xf32, #tpu.memory_space<vmem>>) dst(%dma_wait3A_450 : memref<10112x128xf32, #tpu.memory_space<vmem_shared>>)
      %add3A_451 = arith.constant 2 : i32
      %add3A_452 = arith.addi %add3A_328, %add3A_451 : i32
      %dma_start3A_453 = arith.constant 1 : i32
      %dma_start3A_454 = arith.constant 0 : i32
      %dma_start3A_455 = arith.constant 0 : i32
      %dma_start3A_456 = tpu.memref_slice %arg6[%dma_start3A_453, %dma_start3A_454, %dma_start3A_455] : memref<2x3x64xi32, #tpu.memory_space<vmem>> -> memref<1x3x64xi32, #tpu.memory_space<vmem>>
      %dma_start3A_457 = tpu.memref_squeeze %dma_start3A_456 : memref<1x3x64xi32, #tpu.memory_space<vmem>> -> memref<3x64xi32, #tpu.memory_space<vmem>>
      %dma_start3A_458 = arith.constant 0 : i32
      %dma_start3A_459 = arith.constant 0 : i32
      %dma_start3A_460 = tpu.memref_slice %arg4[%add3A_452, %dma_start3A_458, %dma_start3A_459] : memref<5026x3x64xi32, #tpu.memory_space<hbm>> -> memref<1x3x64xi32, #tpu.memory_space<hbm>>
      %dma_start3A_461 = tpu.memref_squeeze %dma_start3A_460 : memref<1x3x64xi32, #tpu.memory_space<hbm>> -> memref<3x64xi32, #tpu.memory_space<hbm>>
      %dma_start3A_462 = arith.constant 0 : i32
      %dma_start3A_463 = arith.constant 0 : i32
      %dma_start3A_464 = tpu.memref_slice %arg6[%dma_start3A_453, %dma_start3A_462, %dma_start3A_463] : memref<2x3x64xi32, #tpu.memory_space<vmem>> -> memref<1x3x64xi32, #tpu.memory_space<vmem>>
      %dma_start3A_465 = tpu.memref_squeeze %dma_start3A_464 : memref<1x3x64xi32, #tpu.memory_space<vmem>> -> memref<3x64xi32, #tpu.memory_space<vmem>>
      %dma_start3A_466 = arith.constant 0 : i32
      %dma_start3A_467 = arith.constant 0 : i32
      %dma_start3A_468 = tpu.memref_slice %arg4[%add3A_452, %dma_start3A_466, %dma_start3A_467] : memref<5026x3x64xi32, #tpu.memory_space<hbm>> -> memref<1x3x64xi32, #tpu.memory_space<hbm>>
      %dma_start3A_469 = tpu.memref_squeeze %dma_start3A_468 : memref<1x3x64xi32, #tpu.memory_space<hbm>> -> memref<3x64xi32, #tpu.memory_space<hbm>>
      tpu.enqueue_dma source(%dma_start3A_469 : memref<3x64xi32, #tpu.memory_space<hbm>>) target(%dma_start3A_465 : memref<3x64xi32, #tpu.memory_space<vmem>>) target_semaphore(%arg10 : memref<!tpu.dma_semaphore, #tpu.memory_space<semaphore_mem>>)
    }
    %while3A_115 = arith.constant 1 : i32
    scf.for %while3A_177 = %while3A_113 to %while3A_109 step %while3A_115  : i32 {
      %mul3A_178 = arith.constant 2 : i32
      %mul3A_179 = arith.muli %mul3A_178, %while3A_177 : i32
      %add3A_180 = arith.constant 0 : i32
      %add3A_181 = arith.addi %mul3A_179, %add3A_180 : i32
      %add3A_182 = arith.addi %select_n3A, %add3A_181 : i32
      %dma_wait3A_183 = arith.constant 0 : i32
      %dma_wait3A_184 = arith.constant 0 : i32
      %dma_wait3A_185 = arith.constant 0 : i32
      %dma_wait3A_186 = arith.constant 0 : i32
      %dma_wait3A_187 = arith.constant 0 : i32
      %dma_wait3A_188 = tpu.memref_slice %arg7[%dma_wait3A_185, %dma_wait3A_186, %dma_wait3A_187] : memref<2x64x128xf32, #tpu.memory_space<vmem>> -> memref<1x64x128xf32, #tpu.memory_space<vmem>>
      %dma_wait3A_189 = tpu.memref_squeeze %dma_wait3A_188 : memref<1x64x128xf32, #tpu.memory_space<vmem>> -> memref<64x128xf32, #tpu.memory_space<vmem>>
      %dma_wait3A_190 = arith.constant 0 : i32
      %dma_wait3A_191 = tpu.memref_slice %arg6[%dma_wait3A_183, %dma_wait3A_184, %dma_wait3A_190] : memref<2x3x64xi32, #tpu.memory_space<vmem>> -> memref<1x1x64xi32, #tpu.memory_space<vmem>>
      %dma_wait3A_192 = tpu.memref_squeeze %dma_wait3A_191 : memref<1x1x64xi32, #tpu.memory_space<vmem>> -> memref<64xi32, #tpu.memory_space<vmem>>
      %dma_wait3A_193 = arith.constant 0 : i32
      %dma_wait3A_194 = arith.constant 0 : i32
      %dma_wait3A_195 = tpu.memref_slice %arg2[%dma_wait3A_193, %dma_wait3A_194] : memref<10000x128xf32, #tpu.memory_space<hbm>> -> memref<10000x128xf32, #tpu.memory_space<hbm>>
      tpu.wait_indirect_dma semaphore(%arg11 : memref<!tpu.dma_semaphore, #tpu.memory_space<semaphore_mem>>) src(%dma_wait3A_195 : memref<10000x128xf32, #tpu.memory_space<hbm>>) dst(%dma_wait3A_189 : memref<64x128xf32, #tpu.memory_space<vmem>>)
      %dma_wait3A_196 = arith.constant 0 : i32
      %dma_wait3A_197 = arith.constant 2 : i32
      %dma_wait3A_198 = arith.constant 0 : i32
      %dma_wait3A_199 = arith.constant 0 : i32
      %dma_wait3A_200 = arith.constant 0 : i32
      %dma_wait3A_201 = tpu.memref_slice %arg8[%dma_wait3A_198, %dma_wait3A_199, %dma_wait3A_200] : memref<2x64x128xf32, #tpu.memory_space<vmem>> -> memref<1x64x128xf32, #tpu.memory_space<vmem>>
      %dma_wait3A_202 = tpu.memref_squeeze %dma_wait3A_201 : memref<1x64x128xf32, #tpu.memory_space<vmem>> -> memref<64x128xf32, #tpu.memory_space<vmem>>
      %dma_wait3A_203 = arith.constant 0 : i32
      %dma_wait3A_204 = tpu.memref_slice %arg6[%dma_wait3A_196, %dma_wait3A_197, %dma_wait3A_203] : memref<2x3x64xi32, #tpu.memory_space<vmem>> -> memref<1x1x64xi32, #tpu.memory_space<vmem>>
      %dma_wait3A_205 = tpu.memref_squeeze %dma_wait3A_204 : memref<1x1x64xi32, #tpu.memory_space<vmem>> -> memref<64xi32, #tpu.memory_space<vmem>>
      %dma_wait3A_206 = arith.constant 0 : i32
      %dma_wait3A_207 = arith.constant 0 : i32
      %dma_wait3A_208 = tpu.memref_slice %arg3[%dma_wait3A_206, %dma_wait3A_207] : memref<512x128xf32, #tpu.memory_space<hbm>> -> memref<512x128xf32, #tpu.memory_space<hbm>>
      tpu.wait_indirect_dma semaphore(%arg13 : memref<!tpu.dma_semaphore, #tpu.memory_space<semaphore_mem>>) src(%dma_wait3A_208 : memref<512x128xf32, #tpu.memory_space<hbm>>) dst(%dma_wait3A_202 : memref<64x128xf32, #tpu.memory_space<vmem>>)
      %dma_wait3A_209 = arith.constant 0 : i32
      %dma_wait3A_210 = arith.constant 1 : i32
      %dma_wait3A_211 = arith.constant 0 : i32
      %dma_wait3A_212 = arith.constant 0 : i32
      %dma_wait3A_213 = tpu.memref_slice %arg6[%dma_wait3A_210, %dma_wait3A_211, %dma_wait3A_212] : memref<2x3x64xi32, #tpu.memory_space<vmem>> -> memref<1x3x64xi32, #tpu.memory_space<vmem>>
      %dma_wait3A_214 = tpu.memref_squeeze %dma_wait3A_213 : memref<1x3x64xi32, #tpu.memory_space<vmem>> -> memref<3x64xi32, #tpu.memory_space<vmem>>
      %dma_wait3A_215 = arith.constant 0 : i32
      %dma_wait3A_216 = arith.constant 0 : i32
      %dma_wait3A_217 = tpu.memref_slice %arg4[%dma_wait3A_209, %dma_wait3A_215, %dma_wait3A_216] : memref<5026x3x64xi32, #tpu.memory_space<hbm>> -> memref<1x3x64xi32, #tpu.memory_space<hbm>>
      %dma_wait3A_218 = tpu.memref_squeeze %dma_wait3A_217 : memref<1x3x64xi32, #tpu.memory_space<hbm>> -> memref<3x64xi32, #tpu.memory_space<hbm>>
      %dma_wait3A_219 = arith.constant 0 : i32
      %dma_wait3A_220 = arith.constant 0 : i32
      %dma_wait3A_221 = tpu.memref_slice %arg6[%dma_wait3A_210, %dma_wait3A_219, %dma_wait3A_220] : memref<2x3x64xi32, #tpu.memory_space<vmem>> -> memref<1x3x64xi32, #tpu.memory_space<vmem>>
      %dma_wait3A_222 = tpu.memref_squeeze %dma_wait3A_221 : memref<1x3x64xi32, #tpu.memory_space<vmem>> -> memref<3x64xi32, #tpu.memory_space<vmem>>
      %dma_wait3A_223 = arith.constant 0 : i32
      %dma_wait3A_224 = arith.constant 0 : i32
      %dma_wait3A_225 = tpu.memref_slice %arg4[%dma_wait3A_209, %dma_wait3A_223, %dma_wait3A_224] : memref<5026x3x64xi32, #tpu.memory_space<hbm>> -> memref<1x3x64xi32, #tpu.memory_space<hbm>>
      %dma_wait3A_226 = tpu.memref_squeeze %dma_wait3A_225 : memref<1x3x64xi32, #tpu.memory_space<hbm>> -> memref<3x64xi32, #tpu.memory_space<hbm>>
      tpu.wait_dma2 semaphore(%arg10 : memref<!tpu.dma_semaphore, #tpu.memory_space<semaphore_mem>>) src(%dma_wait3A_226 : memref<3x64xi32, #tpu.memory_space<hbm>>) dst(%dma_wait3A_222 : memref<3x64xi32, #tpu.memory_space<vmem>>)
      %dma_start3A_227 = arith.constant 1 : i32
      %dma_start3A_228 = arith.constant 0 : i32
      %dma_start3A_229 = arith.constant 1 : i32
      %dma_start3A_230 = arith.constant 0 : i32
      %dma_start3A_231 = arith.constant 0 : i32
      %dma_start3A_232 = tpu.memref_slice %arg7[%dma_start3A_229, %dma_start3A_230, %dma_start3A_231] : memref<2x64x128xf32, #tpu.memory_space<vmem>> -> memref<1x64x128xf32, #tpu.memory_space<vmem>>
      %dma_start3A_233 = tpu.memref_squeeze %dma_start3A_232 : memref<1x64x128xf32, #tpu.memory_space<vmem>> -> memref<64x128xf32, #tpu.memory_space<vmem>>
      %dma_start3A_234 = arith.constant 0 : i32
      %dma_start3A_235 = tpu.memref_slice %arg6[%dma_start3A_227, %dma_start3A_228, %dma_start3A_234] : memref<2x3x64xi32, #tpu.memory_space<vmem>> -> memref<1x1x64xi32, #tpu.memory_space<vmem>>
      %dma_start3A_236 = tpu.memref_squeeze %dma_start3A_235 : memref<1x1x64xi32, #tpu.memory_space<vmem>> -> memref<64xi32, #tpu.memory_space<vmem>>
      %dma_start3A_237 = arith.constant 0 : i32
      %dma_start3A_238 = arith.constant 0 : i32
      %dma_start3A_239 = tpu.memref_slice %arg2[%dma_start3A_237, %dma_start3A_238] : memref<10000x128xf32, #tpu.memory_space<hbm>> -> memref<10000x128xf32, #tpu.memory_space<hbm>>
      tpu.enqueue_indirect_dma source(%dma_start3A_239 : memref<10000x128xf32, #tpu.memory_space<hbm>>) target(%dma_start3A_233 : memref<64x128xf32, #tpu.memory_space<vmem>>) offsets(%dma_start3A_236 : memref<64xi32, #tpu.memory_space<vmem>>) semaphore(%arg12 : memref<!tpu.dma_semaphore, #tpu.memory_space<semaphore_mem>>)
      %dma_start3A_240 = arith.constant 1 : i32
      %dma_start3A_241 = arith.constant 2 : i32
      %dma_start3A_242 = arith.constant 1 : i32
      %dma_start3A_243 = arith.constant 0 : i32
      %dma_start3A_244 = arith.constant 0 : i32
      %dma_start3A_245 = tpu.memref_slice %arg8[%dma_start3A_242, %dma_start3A_243, %dma_start3A_244] : memref<2x64x128xf32, #tpu.memory_space<vmem>> -> memref<1x64x128xf32, #tpu.memory_space<vmem>>
      %dma_start3A_246 = tpu.memref_squeeze %dma_start3A_245 : memref<1x64x128xf32, #tpu.memory_space<vmem>> -> memref<64x128xf32, #tpu.memory_space<vmem>>
      %dma_start3A_247 = arith.constant 0 : i32
      %dma_start3A_248 = tpu.memref_slice %arg6[%dma_start3A_240, %dma_start3A_241, %dma_start3A_247] : memref<2x3x64xi32, #tpu.memory_space<vmem>> -> memref<1x1x64xi32, #tpu.memory_space<vmem>>
      %dma_start3A_249 = tpu.memref_squeeze %dma_start3A_248 : memref<1x1x64xi32, #tpu.memory_space<vmem>> -> memref<64xi32, #tpu.memory_space<vmem>>
      %dma_start3A_250 = arith.constant 0 : i32
      %dma_start3A_251 = arith.constant 0 : i32
      %dma_start3A_252 = tpu.memref_slice %arg3[%dma_start3A_250, %dma_start3A_251] : memref<512x128xf32, #tpu.memory_space<hbm>> -> memref<512x128xf32, #tpu.memory_space<hbm>>
      tpu.enqueue_indirect_dma source(%dma_start3A_252 : memref<512x128xf32, #tpu.memory_space<hbm>>) target(%dma_start3A_246 : memref<64x128xf32, #tpu.memory_space<vmem>>) offsets(%dma_start3A_249 : memref<64xi32, #tpu.memory_space<vmem>>) semaphore(%arg14 : memref<!tpu.dma_semaphore, #tpu.memory_space<semaphore_mem>>)
      %dma_start3A_253 = arith.constant 0 : i32
      %dma_start3A_254 = arith.constant 0 : i32
      %dma_start3A_255 = arith.constant 1 : i32
      %dma_start3A_256 = arith.constant 0 : i32
      %dma_start3A_257 = arith.constant 0 : i32
      %dma_start3A_258 = tpu.memref_slice %arg7[%dma_start3A_253, %dma_start3A_256, %dma_start3A_257] : memref<2x64x128xf32, #tpu.memory_space<vmem>> -> memref<1x64x128xf32, #tpu.memory_space<vmem>>
      %dma_start3A_259 = tpu.memref_squeeze %dma_start3A_258 : memref<1x64x128xf32, #tpu.memory_space<vmem>> -> memref<64x128xf32, #tpu.memory_space<vmem>>
      %dma_start3A_260 = arith.constant 0 : i32
      %dma_start3A_261 = tpu.memref_slice %arg6[%dma_start3A_254, %dma_start3A_255, %dma_start3A_260] : memref<2x3x64xi32, #tpu.memory_space<vmem>> -> memref<1x1x64xi32, #tpu.memory_space<vmem>>
      %dma_start3A_262 = tpu.memref_squeeze %dma_start3A_261 : memref<1x1x64xi32, #tpu.memory_space<vmem>> -> memref<64xi32, #tpu.memory_space<vmem>>
      %dma_start3A_263 = arith.constant 0 : i32
      %dma_start3A_264 = arith.constant 0 : i32
      %dma_start3A_265 = tpu.memref_slice %arg16[%dma_start3A_263, %dma_start3A_264] : memref<10112x128xf32, #tpu.memory_space<vmem_shared>> -> memref<10112x128xf32, #tpu.memory_space<vmem_shared>>
      tpu.enqueue_indirect_dma source(%dma_start3A_259 : memref<64x128xf32, #tpu.memory_space<vmem>>) target(%dma_start3A_265 : memref<10112x128xf32, #tpu.memory_space<vmem_shared>>) offsets(%dma_start3A_262 : memref<64xi32, #tpu.memory_space<vmem>>) semaphore(%arg15 : memref<!tpu.dma_semaphore, #tpu.memory_space<semaphore_mem>>) {add = true}
      %dma_start3A_266 = arith.constant 0 : i32
      %dma_start3A_267 = arith.constant 0 : i32
      %dma_start3A_268 = arith.constant 1 : i32
      %dma_start3A_269 = arith.constant 0 : i32
      %dma_start3A_270 = arith.constant 0 : i32
      %dma_start3A_271 = tpu.memref_slice %arg8[%dma_start3A_266, %dma_start3A_269, %dma_start3A_270] : memref<2x64x128xf32, #tpu.memory_space<vmem>> -> memref<1x64x128xf32, #tpu.memory_space<vmem>>
      %dma_start3A_272 = tpu.memref_squeeze %dma_start3A_271 : memref<1x64x128xf32, #tpu.memory_space<vmem>> -> memref<64x128xf32, #tpu.memory_space<vmem>>
      %dma_start3A_273 = arith.constant 0 : i32
      %dma_start3A_274 = tpu.memref_slice %arg6[%dma_start3A_267, %dma_start3A_268, %dma_start3A_273] : memref<2x3x64xi32, #tpu.memory_space<vmem>> -> memref<1x1x64xi32, #tpu.memory_space<vmem>>
      %dma_start3A_275 = tpu.memref_squeeze %dma_start3A_274 : memref<1x1x64xi32, #tpu.memory_space<vmem>> -> memref<64xi32, #tpu.memory_space<vmem>>
      %dma_start3A_276 = arith.constant 0 : i32
      %dma_start3A_277 = arith.constant 0 : i32
      %dma_start3A_278 = tpu.memref_slice %arg16[%dma_start3A_276, %dma_start3A_277] : memref<10112x128xf32, #tpu.memory_space<vmem_shared>> -> memref<10112x128xf32, #tpu.memory_space<vmem_shared>>
      tpu.enqueue_indirect_dma source(%dma_start3A_272 : memref<64x128xf32, #tpu.memory_space<vmem>>) target(%dma_start3A_278 : memref<10112x128xf32, #tpu.memory_space<vmem_shared>>) offsets(%dma_start3A_275 : memref<64xi32, #tpu.memory_space<vmem>>) semaphore(%arg15 : memref<!tpu.dma_semaphore, #tpu.memory_space<semaphore_mem>>) {add = true}
      %dma_wait3A_279 = arith.constant 0 : i32
      %dma_wait3A_280 = arith.constant 0 : i32
      %dma_wait3A_281 = arith.constant 1 : i32
      %dma_wait3A_282 = arith.constant 0 : i32
      %dma_wait3A_283 = arith.constant 0 : i32
      %dma_wait3A_284 = tpu.memref_slice %arg7[%dma_wait3A_279, %dma_wait3A_282, %dma_wait3A_283] : memref<2x64x128xf32, #tpu.memory_space<vmem>> -> memref<1x64x128xf32, #tpu.memory_space<vmem>>
      %dma_wait3A_285 = tpu.memref_squeeze %dma_wait3A_284 : memref<1x64x128xf32, #tpu.memory_space<vmem>> -> memref<64x128xf32, #tpu.memory_space<vmem>>
      %dma_wait3A_286 = arith.constant 0 : i32
      %dma_wait3A_287 = tpu.memref_slice %arg6[%dma_wait3A_280, %dma_wait3A_281, %dma_wait3A_286] : memref<2x3x64xi32, #tpu.memory_space<vmem>> -> memref<1x1x64xi32, #tpu.memory_space<vmem>>
      %dma_wait3A_288 = tpu.memref_squeeze %dma_wait3A_287 : memref<1x1x64xi32, #tpu.memory_space<vmem>> -> memref<64xi32, #tpu.memory_space<vmem>>
      %dma_wait3A_289 = arith.constant 0 : i32
      %dma_wait3A_290 = arith.constant 0 : i32
      %dma_wait3A_291 = tpu.memref_slice %arg16[%dma_wait3A_289, %dma_wait3A_290] : memref<10112x128xf32, #tpu.memory_space<vmem_shared>> -> memref<10112x128xf32, #tpu.memory_space<vmem_shared>>
      tpu.wait_indirect_dma semaphore(%arg15 : memref<!tpu.dma_semaphore, #tpu.memory_space<semaphore_mem>>) src(%dma_wait3A_285 : memref<64x128xf32, #tpu.memory_space<vmem>>) dst(%dma_wait3A_291 : memref<10112x128xf32, #tpu.memory_space<vmem_shared>>)
      %dma_wait3A_292 = arith.constant 0 : i32
      %dma_wait3A_293 = arith.constant 0 : i32
      %dma_wait3A_294 = arith.constant 1 : i32
      %dma_wait3A_295 = arith.constant 0 : i32
      %dma_wait3A_296 = arith.constant 0 : i32
      %dma_wait3A_297 = tpu.memref_slice %arg8[%dma_wait3A_292, %dma_wait3A_295, %dma_wait3A_296] : memref<2x64x128xf32, #tpu.memory_space<vmem>> -> memref<1x64x128xf32, #tpu.memory_space<vmem>>
      %dma_wait3A_298 = tpu.memref_squeeze %dma_wait3A_297 : memref<1x64x128xf32, #tpu.memory_space<vmem>> -> memref<64x128xf32, #tpu.memory_space<vmem>>
      %dma_wait3A_299 = arith.constant 0 : i32
      %dma_wait3A_300 = tpu.memref_slice %arg6[%dma_wait3A_293, %dma_wait3A_294, %dma_wait3A_299] : memref<2x3x64xi32, #tpu.memory_space<vmem>> -> memref<1x1x64xi32, #tpu.memory_space<vmem>>
      %dma_wait3A_301 = tpu.memref_squeeze %dma_wait3A_300 : memref<1x1x64xi32, #tpu.memory_space<vmem>> -> memref<64xi32, #tpu.memory_space<vmem>>
      %dma_wait3A_302 = arith.constant 0 : i32
      %dma_wait3A_303 = arith.constant 0 : i32
      %dma_wait3A_304 = tpu.memref_slice %arg16[%dma_wait3A_302, %dma_wait3A_303] : memref<10112x128xf32, #tpu.memory_space<vmem_shared>> -> memref<10112x128xf32, #tpu.memory_space<vmem_shared>>
      tpu.wait_indirect_dma semaphore(%arg15 : memref<!tpu.dma_semaphore, #tpu.memory_space<semaphore_mem>>) src(%dma_wait3A_298 : memref<64x128xf32, #tpu.memory_space<vmem>>) dst(%dma_wait3A_304 : memref<10112x128xf32, #tpu.memory_space<vmem_shared>>)
      %add3A_305 = arith.constant 2 : i32
      %add3A_306 = arith.addi %add3A_182, %add3A_305 : i32
      %dma_start3A_307 = arith.constant 0 : i32
      %dma_start3A_308 = arith.constant 0 : i32
      %dma_start3A_309 = arith.constant 0 : i32
      %dma_start3A_310 = tpu.memref_slice %arg6[%dma_start3A_307, %dma_start3A_308, %dma_start3A_309] : memref<2x3x64xi32, #tpu.memory_space<vmem>> -> memref<1x3x64xi32, #tpu.memory_space<vmem>>
      %dma_start3A_311 = tpu.memref_squeeze %dma_start3A_310 : memref<1x3x64xi32, #tpu.memory_space<vmem>> -> memref<3x64xi32, #tpu.memory_space<vmem>>
      %dma_start3A_312 = arith.constant 0 : i32
      %dma_start3A_313 = arith.constant 0 : i32
      %dma_start3A_314 = tpu.memref_slice %arg4[%add3A_306, %dma_start3A_312, %dma_start3A_313] : memref<5026x3x64xi32, #tpu.memory_space<hbm>> -> memref<1x3x64xi32, #tpu.memory_space<hbm>>
      %dma_start3A_315 = tpu.memref_squeeze %dma_start3A_314 : memref<1x3x64xi32, #tpu.memory_space<hbm>> -> memref<3x64xi32, #tpu.memory_space<hbm>>
      %dma_start3A_316 = arith.constant 0 : i32
      %dma_start3A_317 = arith.constant 0 : i32
      %dma_start3A_318 = tpu.memref_slice %arg6[%dma_start3A_307, %dma_start3A_316, %dma_start3A_317] : memref<2x3x64xi32, #tpu.memory_space<vmem>> -> memref<1x3x64xi32, #tpu.memory_space<vmem>>
      %dma_start3A_319 = tpu.memref_squeeze %dma_start3A_318 : memref<1x3x64xi32, #tpu.memory_space<vmem>> -> memref<3x64xi32, #tpu.memory_space<vmem>>
      %dma_start3A_320 = arith.constant 0 : i32
      %dma_start3A_321 = arith.constant 0 : i32
      %dma_start3A_322 = tpu.memref_slice %arg4[%add3A_306, %dma_start3A_320, %dma_start3A_321] : memref<5026x3x64xi32, #tpu.memory_space<hbm>> -> memref<1x3x64xi32, #tpu.memory_space<hbm>>
      %dma_start3A_323 = tpu.memref_squeeze %dma_start3A_322 : memref<1x3x64xi32, #tpu.memory_space<hbm>> -> memref<3x64xi32, #tpu.memory_space<hbm>>
      tpu.enqueue_dma source(%dma_start3A_323 : memref<3x64xi32, #tpu.memory_space<hbm>>) target(%dma_start3A_319 : memref<3x64xi32, #tpu.memory_space<vmem>>) target_semaphore(%arg9 : memref<!tpu.dma_semaphore, #tpu.memory_space<semaphore_mem>>)
      %mul3A_324 = arith.constant 2 : i32
      %mul3A_325 = arith.muli %mul3A_324, %while3A_177 : i32
      %add3A_326 = arith.constant 1 : i32
      %add3A_327 = arith.addi %mul3A_325, %add3A_326 : i32
      %add3A_328 = arith.addi %select_n3A, %add3A_327 : i32
      %dma_wait3A_329 = arith.constant 1 : i32
      %dma_wait3A_330 = arith.constant 0 : i32
      %dma_wait3A_331 = arith.constant 1 : i32
      %dma_wait3A_332 = arith.constant 0 : i32
      %dma_wait3A_333 = arith.constant 0 : i32
      %dma_wait3A_334 = tpu.memref_slice %arg7[%dma_wait3A_331, %dma_wait3A_332, %dma_wait3A_333] : memref<2x64x128xf32, #tpu.memory_space<vmem>> -> memref<1x64x128xf32, #tpu.memory_space<vmem>>
      %dma_wait3A_335 = tpu.memref_squeeze %dma_wait3A_334 : memref<1x64x128xf32, #tpu.memory_space<vmem>> -> memref<64x128xf32, #tpu.memory_space<vmem>>
      %dma_wait3A_336 = arith.constant 0 : i32
      %dma_wait3A_337 = tpu.memref_slice %arg6[%dma_wait3A_329, %dma_wait3A_330, %dma_wait3A_336] : memref<2x3x64xi32, #tpu.memory_space<vmem>> -> memref<1x1x64xi32, #tpu.memory_space<vmem>>
      %dma_wait3A_338 = tpu.memref_squeeze %dma_wait3A_337 : memref<1x1x64xi32, #tpu.memory_space<vmem>> -> memref<64xi32, #tpu.memory_space<vmem>>
      %dma_wait3A_339 = arith.constant 0 : i32
      %dma_wait3A_340 = arith.constant 0 : i32
      %dma_wait3A_341 = tpu.memref_slice %arg2[%dma_wait3A_339, %dma_wait3A_340] : memref<10000x128xf32, #tpu.memory_space<hbm>> -> memref<10000x128xf32, #tpu.memory_space<hbm>>
      tpu.wait_indirect_dma semaphore(%arg12 : memref<!tpu.dma_semaphore, #tpu.memory_space<semaphore_mem>>) src(%dma_wait3A_341 : memref<10000x128xf32, #tpu.memory_space<hbm>>) dst(%dma_wait3A_335 : memref<64x128xf32, #tpu.memory_space<vmem>>)
      %dma_wait3A_342 = arith.constant 1 : i32
      %dma_wait3A_343 = arith.constant 2 : i32
      %dma_wait3A_344 = arith.constant 1 : i32
      %dma_wait3A_345 = arith.constant 0 : i32
      %dma_wait3A_346 = arith.constant 0 : i32
      %dma_wait3A_347 = tpu.memref_slice %arg8[%dma_wait3A_344, %dma_wait3A_345, %dma_wait3A_346] : memref<2x64x128xf32, #tpu.memory_space<vmem>> -> memref<1x64x128xf32, #tpu.memory_space<vmem>>
      %dma_wait3A_348 = tpu.memref_squeeze %dma_wait3A_347 : memref<1x64x128xf32, #tpu.memory_space<vmem>> -> memref<64x128xf32, #tpu.memory_space<vmem>>
      %dma_wait3A_349 = arith.constant 0 : i32
      %dma_wait3A_350 = tpu.memref_slice %arg6[%dma_wait3A_342, %dma_wait3A_343, %dma_wait3A_349] : memref<2x3x64xi32, #tpu.memory_space<vmem>> -> memref<1x1x64xi32, #tpu.memory_space<vmem>>
      %dma_wait3A_351 = tpu.memref_squeeze %dma_wait3A_350 : memref<1x1x64xi32, #tpu.memory_space<vmem>> -> memref<64xi32, #tpu.memory_space<vmem>>
      %dma_wait3A_352 = arith.constant 0 : i32
      %dma_wait3A_353 = arith.constant 0 : i32
      %dma_wait3A_354 = tpu.memref_slice %arg3[%dma_wait3A_352, %dma_wait3A_353] : memref<512x128xf32, #tpu.memory_space<hbm>> -> memref<512x128xf32, #tpu.memory_space<hbm>>
      tpu.wait_indirect_dma semaphore(%arg14 : memref<!tpu.dma_semaphore, #tpu.memory_space<semaphore_mem>>) src(%dma_wait3A_354 : memref<512x128xf32, #tpu.memory_space<hbm>>) dst(%dma_wait3A_348 : memref<64x128xf32, #tpu.memory_space<vmem>>)
      %dma_wait3A_355 = arith.constant 0 : i32
      %dma_wait3A_356 = arith.constant 0 : i32
      %dma_wait3A_357 = arith.constant 0 : i32
      %dma_wait3A_358 = arith.constant 0 : i32
      %dma_wait3A_359 = tpu.memref_slice %arg6[%dma_wait3A_356, %dma_wait3A_357, %dma_wait3A_358] : memref<2x3x64xi32, #tpu.memory_space<vmem>> -> memref<1x3x64xi32, #tpu.memory_space<vmem>>
      %dma_wait3A_360 = tpu.memref_squeeze %dma_wait3A_359 : memref<1x3x64xi32, #tpu.memory_space<vmem>> -> memref<3x64xi32, #tpu.memory_space<vmem>>
      %dma_wait3A_361 = arith.constant 0 : i32
      %dma_wait3A_362 = arith.constant 0 : i32
      %dma_wait3A_363 = tpu.memref_slice %arg4[%dma_wait3A_355, %dma_wait3A_361, %dma_wait3A_362] : memref<5026x3x64xi32, #tpu.memory_space<hbm>> -> memref<1x3x64xi32, #tpu.memory_space<hbm>>
      %dma_wait3A_364 = tpu.memref_squeeze %dma_wait3A_363 : memref<1x3x64xi32, #tpu.memory_space<hbm>> -> memref<3x64xi32, #tpu.memory_space<hbm>>
      %dma_wait3A_365 = arith.constant 0 : i32
      %dma_wait3A_366 = arith.constant 0 : i32
      %dma_wait3A_367 = tpu.memref_slice %arg6[%dma_wait3A_356, %dma_wait3A_365, %dma_wait3A_366] : memref<2x3x64xi32, #tpu.memory_space<vmem>> -> memref<1x3x64xi32, #tpu.memory_space<vmem>>
      %dma_wait3A_368 = tpu.memref_squeeze %dma_wait3A_367 : memref<1x3x64xi32, #tpu.memory_space<vmem>> -> memref<3x64xi32, #tpu.memory_space<vmem>>
      %dma_wait3A_369 = arith.constant 0 : i32
      %dma_wait3A_370 = arith.constant 0 : i32
      %dma_wait3A_371 = tpu.memref_slice %arg4[%dma_wait3A_355, %dma_wait3A_369, %dma_wait3A_370] : memref<5026x3x64xi32, #tpu.memory_space<hbm>> -> memref<1x3x64xi32, #tpu.memory_space<hbm>>
      %dma_wait3A_372 = tpu.memref_squeeze %dma_wait3A_371 : memref<1x3x64xi32, #tpu.memory_space<hbm>> -> memref<3x64xi32, #tpu.memory_space<hbm>>
      tpu.wait_dma2 semaphore(%arg9 : memref<!tpu.dma_semaphore, #tpu.memory_space<semaphore_mem>>) src(%dma_wait3A_372 : memref<3x64xi32, #tpu.memory_space<hbm>>) dst(%dma_wait3A_368 : memref<3x64xi32, #tpu.memory_space<vmem>>)
      %dma_start3A_373 = arith.constant 0 : i32
      %dma_start3A_374 = arith.constant 0 : i32
      %dma_start3A_375 = arith.constant 0 : i32
      %dma_start3A_376 = arith.constant 0 : i32
      %dma_start3A_377 = arith.constant 0 : i32
      %dma_start3A_378 = tpu.memref_slice %arg7[%dma_start3A_375, %dma_start3A_376, %dma_start3A_377] : memref<2x64x128xf32, #tpu.memory_space<vmem>> -> memref<1x64x128xf32, #tpu.memory_space<vmem>>
      %dma_start3A_379 = tpu.memref_squeeze %dma_start3A_378 : memref<1x64x128xf32, #tpu.memory_space<vmem>> -> memref<64x128xf32, #tpu.memory_space<vmem>>
      %dma_start3A_380 = arith.constant 0 : i32
      %dma_start3A_381 = tpu.memref_slice %arg6[%dma_start3A_373, %dma_start3A_374, %dma_start3A_380] : memref<2x3x64xi32, #tpu.memory_space<vmem>> -> memref<1x1x64xi32, #tpu.memory_space<vmem>>
      %dma_start3A_382 = tpu.memref_squeeze %dma_start3A_381 : memref<1x1x64xi32, #tpu.memory_space<vmem>> -> memref<64xi32, #tpu.memory_space<vmem>>
      %dma_start3A_383 = arith.constant 0 : i32
      %dma_start3A_384 = arith.constant 0 : i32
      %dma_start3A_385 = tpu.memref_slice %arg2[%dma_start3A_383, %dma_start3A_384] : memref<10000x128xf32, #tpu.memory_space<hbm>> -> memref<10000x128xf32, #tpu.memory_space<hbm>>
      tpu.enqueue_indirect_dma source(%dma_start3A_385 : memref<10000x128xf32, #tpu.memory_space<hbm>>) target(%dma_start3A_379 : memref<64x128xf32, #tpu.memory_space<vmem>>) offsets(%dma_start3A_382 : memref<64xi32, #tpu.memory_space<vmem>>) semaphore(%arg11 : memref<!tpu.dma_semaphore, #tpu.memory_space<semaphore_mem>>)
      %dma_start3A_386 = arith.constant 0 : i32
      %dma_start3A_387 = arith.constant 2 : i32
      %dma_start3A_388 = arith.constant 0 : i32
      %dma_start3A_389 = arith.constant 0 : i32
      %dma_start3A_390 = arith.constant 0 : i32
      %dma_start3A_391 = tpu.memref_slice %arg8[%dma_start3A_388, %dma_start3A_389, %dma_start3A_390] : memref<2x64x128xf32, #tpu.memory_space<vmem>> -> memref<1x64x128xf32, #tpu.memory_space<vmem>>
      %dma_start3A_392 = tpu.memref_squeeze %dma_start3A_391 : memref<1x64x128xf32, #tpu.memory_space<vmem>> -> memref<64x128xf32, #tpu.memory_space<vmem>>
      %dma_start3A_393 = arith.constant 0 : i32
      %dma_start3A_394 = tpu.memref_slice %arg6[%dma_start3A_386, %dma_start3A_387, %dma_start3A_393] : memref<2x3x64xi32, #tpu.memory_space<vmem>> -> memref<1x1x64xi32, #tpu.memory_space<vmem>>
      %dma_start3A_395 = tpu.memref_squeeze %dma_start3A_394 : memref<1x1x64xi32, #tpu.memory_space<vmem>> -> memref<64xi32, #tpu.memory_space<vmem>>
      %dma_start3A_396 = arith.constant 0 : i32
      %dma_start3A_397 = arith.constant 0 : i32
      %dma_start3A_398 = tpu.memref_slice %arg3[%dma_start3A_396, %dma_start3A_397] : memref<512x128xf32, #tpu.memory_space<hbm>> -> memref<512x128xf32, #tpu.memory_space<hbm>>
      tpu.enqueue_indirect_dma source(%dma_start3A_398 : memref<512x128xf32, #tpu.memory_space<hbm>>) target(%dma_start3A_392 : memref<64x128xf32, #tpu.memory_space<vmem>>) offsets(%dma_start3A_395 : memref<64xi32, #tpu.memory_space<vmem>>) semaphore(%arg13 : memref<!tpu.dma_semaphore, #tpu.memory_space<semaphore_mem>>)
      %dma_start3A_399 = arith.constant 1 : i32
      %dma_start3A_400 = arith.constant 1 : i32
      %dma_start3A_401 = arith.constant 1 : i32
      %dma_start3A_402 = arith.constant 0 : i32
      %dma_start3A_403 = arith.constant 0 : i32
      %dma_start3A_404 = tpu.memref_slice %arg7[%dma_start3A_399, %dma_start3A_402, %dma_start3A_403] : memref<2x64x128xf32, #tpu.memory_space<vmem>> -> memref<1x64x128xf32, #tpu.memory_space<vmem>>
      %dma_start3A_405 = tpu.memref_squeeze %dma_start3A_404 : memref<1x64x128xf32, #tpu.memory_space<vmem>> -> memref<64x128xf32, #tpu.memory_space<vmem>>
      %dma_start3A_406 = arith.constant 0 : i32
      %dma_start3A_407 = tpu.memref_slice %arg6[%dma_start3A_400, %dma_start3A_401, %dma_start3A_406] : memref<2x3x64xi32, #tpu.memory_space<vmem>> -> memref<1x1x64xi32, #tpu.memory_space<vmem>>
      %dma_start3A_408 = tpu.memref_squeeze %dma_start3A_407 : memref<1x1x64xi32, #tpu.memory_space<vmem>> -> memref<64xi32, #tpu.memory_space<vmem>>
      %dma_start3A_409 = arith.constant 0 : i32
      %dma_start3A_410 = arith.constant 0 : i32
      %dma_start3A_411 = tpu.memref_slice %arg16[%dma_start3A_409, %dma_start3A_410] : memref<10112x128xf32, #tpu.memory_space<vmem_shared>> -> memref<10112x128xf32, #tpu.memory_space<vmem_shared>>
      tpu.enqueue_indirect_dma source(%dma_start3A_405 : memref<64x128xf32, #tpu.memory_space<vmem>>) target(%dma_start3A_411 : memref<10112x128xf32, #tpu.memory_space<vmem_shared>>) offsets(%dma_start3A_408 : memref<64xi32, #tpu.memory_space<vmem>>) semaphore(%arg15 : memref<!tpu.dma_semaphore, #tpu.memory_space<semaphore_mem>>) {add = true}
      %dma_start3A_412 = arith.constant 1 : i32
      %dma_start3A_413 = arith.constant 1 : i32
      %dma_start3A_414 = arith.constant 1 : i32
      %dma_start3A_415 = arith.constant 0 : i32
      %dma_start3A_416 = arith.constant 0 : i32
      %dma_start3A_417 = tpu.memref_slice %arg8[%dma_start3A_412, %dma_start3A_415, %dma_start3A_416] : memref<2x64x128xf32, #tpu.memory_space<vmem>> -> memref<1x64x128xf32, #tpu.memory_space<vmem>>
      %dma_start3A_418 = tpu.memref_squeeze %dma_start3A_417 : memref<1x64x128xf32, #tpu.memory_space<vmem>> -> memref<64x128xf32, #tpu.memory_space<vmem>>
      %dma_start3A_419 = arith.constant 0 : i32
      %dma_start3A_420 = tpu.memref_slice %arg6[%dma_start3A_413, %dma_start3A_414, %dma_start3A_419] : memref<2x3x64xi32, #tpu.memory_space<vmem>> -> memref<1x1x64xi32, #tpu.memory_space<vmem>>
      %dma_start3A_421 = tpu.memref_squeeze %dma_start3A_420 : memref<1x1x64xi32, #tpu.memory_space<vmem>> -> memref<64xi32, #tpu.memory_space<vmem>>
      %dma_start3A_422 = arith.constant 0 : i32
      %dma_start3A_423 = arith.constant 0 : i32
      %dma_start3A_424 = tpu.memref_slice %arg16[%dma_start3A_422, %dma_start3A_423] : memref<10112x128xf32, #tpu.memory_space<vmem_shared>> -> memref<10112x128xf32, #tpu.memory_space<vmem_shared>>
      tpu.enqueue_indirect_dma source(%dma_start3A_418 : memref<64x128xf32, #tpu.memory_space<vmem>>) target(%dma_start3A_424 : memref<10112x128xf32, #tpu.memory_space<vmem_shared>>) offsets(%dma_start3A_421 : memref<64xi32, #tpu.memory_space<vmem>>) semaphore(%arg15 : memref<!tpu.dma_semaphore, #tpu.memory_space<semaphore_mem>>) {add = true}
      %dma_wait3A_425 = arith.constant 1 : i32
      %dma_wait3A_426 = arith.constant 1 : i32
      %dma_wait3A_427 = arith.constant 1 : i32
      %dma_wait3A_428 = arith.constant 0 : i32
      %dma_wait3A_429 = arith.constant 0 : i32
      %dma_wait3A_430 = tpu.memref_slice %arg7[%dma_wait3A_425, %dma_wait3A_428, %dma_wait3A_429] : memref<2x64x128xf32, #tpu.memory_space<vmem>> -> memref<1x64x128xf32, #tpu.memory_space<vmem>>
      %dma_wait3A_431 = tpu.memref_squeeze %dma_wait3A_430 : memref<1x64x128xf32, #tpu.memory_space<vmem>> -> memref<64x128xf32, #tpu.memory_space<vmem>>
      %dma_wait3A_432 = arith.constant 0 : i32
      %dma_wait3A_433 = tpu.memref_slice %arg6[%dma_wait3A_426, %dma_wait3A_427, %dma_wait3A_432] : memref<2x3x64xi32, #tpu.memory_space<vmem>> -> memref<1x1x64xi32, #tpu.memory_space<vmem>>
      %dma_wait3A_434 = tpu.memref_squeeze %dma_wait3A_433 : memref<1x1x64xi32, #tpu.memory_space<vmem>> -> memref<64xi32, #tpu.memory_space<vmem>>
      %dma_wait3A_435 = arith.constant 0 : i32
      %dma_wait3A_436 = arith.constant 0 : i32
      %dma_wait3A_437 = tpu.memref_slice %arg16[%dma_wait3A_435, %dma_wait3A_436] : memref<10112x128xf32, #tpu.memory_space<vmem_shared>> -> memref<10112x128xf32, #tpu.memory_space<vmem_shared>>
      tpu.wait_indirect_dma semaphore(%arg15 : memref<!tpu.dma_semaphore, #tpu.memory_space<semaphore_mem>>) src(%dma_wait3A_431 : memref<64x128xf32, #tpu.memory_space<vmem>>) dst(%dma_wait3A_437 : memref<10112x128xf32, #tpu.memory_space<vmem_shared>>)
      %dma_wait3A_438 = arith.constant 1 : i32
      %dma_wait3A_439 = arith.constant 1 : i32
      %dma_wait3A_440 = arith.constant 1 : i32
      %dma_wait3A_441 = arith.constant 0 : i32
      %dma_wait3A_442 = arith.constant 0 : i32
      %dma_wait3A_443 = tpu.memref_slice %arg8[%dma_wait3A_438, %dma_wait3A_441, %dma_wait3A_442] : memref<2x64x128xf32, #tpu.memory_space<vmem>> -> memref<1x64x128xf32, #tpu.memory_space<vmem>>
      %dma_wait3A_444 = tpu.memref_squeeze %dma_wait3A_443 : memref<1x64x128xf32, #tpu.memory_space<vmem>> -> memref<64x128xf32, #tpu.memory_space<vmem>>
      %dma_wait3A_445 = arith.constant 0 : i32
      %dma_wait3A_446 = tpu.memref_slice %arg6[%dma_wait3A_439, %dma_wait3A_440, %dma_wait3A_445] : memref<2x3x64xi32, #tpu.memory_space<vmem>> -> memref<1x1x64xi32, #tpu.memory_space<vmem>>
      %dma_wait3A_447 = tpu.memref_squeeze %dma_wait3A_446 : memref<1x1x64xi32, #tpu.memory_space<vmem>> -> memref<64xi32, #tpu.memory_space<vmem>>
      %dma_wait3A_448 = arith.constant 0 : i32
      %dma_wait3A_449 = arith.constant 0 : i32
      %dma_wait3A_450 = tpu.memref_slice %arg16[%dma_wait3A_448, %dma_wait3A_449] : memref<10112x128xf32, #tpu.memory_space<vmem_shared>> -> memref<10112x128xf32, #tpu.memory_space<vmem_shared>>
      tpu.wait_indirect_dma semaphore(%arg15 : memref<!tpu.dma_semaphore, #tpu.memory_space<semaphore_mem>>) src(%dma_wait3A_444 : memref<64x128xf32, #tpu.memory_space<vmem>>) dst(%dma_wait3A_450 : memref<10112x128xf32, #tpu.memory_space<vmem_shared>>)
      %add3A_451 = arith.constant 2 : i32
      %add3A_452 = arith.addi %add3A_328, %add3A_451 : i32
      %dma_start3A_453 = arith.constant 1 : i32
      %dma_start3A_454 = arith.constant 0 : i32
      %dma_start3A_455 = arith.constant 0 : i32
      %dma_start3A_456 = tpu.memref_slice %arg6[%dma_start3A_453, %dma_start3A_454, %dma_start3A_455] : memref<2x3x64xi32, #tpu.memory_space<vmem>> -> memref<1x3x64xi32, #tpu.memory_space<vmem>>
      %dma_start3A_457 = tpu.memref_squeeze %dma_start3A_456 : memref<1x3x64xi32, #tpu.memory_space<vmem>> -> memref<3x64xi32, #tpu.memory_space<vmem>>
      %dma_start3A_458 = arith.constant 0 : i32
      %dma_start3A_459 = arith.constant 0 : i32
      %dma_start3A_460 = tpu.memref_slice %arg4[%add3A_452, %dma_start3A_458, %dma_start3A_459] : memref<5026x3x64xi32, #tpu.memory_space<hbm>> -> memref<1x3x64xi32, #tpu.memory_space<hbm>>
      %dma_start3A_461 = tpu.memref_squeeze %dma_start3A_460 : memref<1x3x64xi32, #tpu.memory_space<hbm>> -> memref<3x64xi32, #tpu.memory_space<hbm>>
      %dma_start3A_462 = arith.constant 0 : i32
      %dma_start3A_463 = arith.constant 0 : i32
      %dma_start3A_464 = tpu.memref_slice %arg6[%dma_start3A_453, %dma_start3A_462, %dma_start3A_463] : memref<2x3x64xi32, #tpu.memory_space<vmem>> -> memref<1x3x64xi32, #tpu.memory_space<vmem>>
      %dma_start3A_465 = tpu.memref_squeeze %dma_start3A_464 : memref<1x3x64xi32, #tpu.memory_space<vmem>> -> memref<3x64xi32, #tpu.memory_space<vmem>>
      %dma_start3A_466 = arith.constant 0 : i32
      %dma_start3A_467 = arith.constant 0 : i32
      %dma_start3A_468 = tpu.memref_slice %arg4[%add3A_452, %dma_start3A_466, %dma_start3A_467] : memref<5026x3x64xi32, #tpu.memory_space<hbm>> -> memref<1x3x64xi32, #tpu.memory_space<hbm>>
      %dma_start3A_469 = tpu.memref_squeeze %dma_start3A_468 : memref<1x3x64xi32, #tpu.memory_space<hbm>> -> memref<3x64xi32, #tpu.memory_space<hbm>>
      tpu.enqueue_dma source(%dma_start3A_469 : memref<3x64xi32, #tpu.memory_space<hbm>>) target(%dma_start3A_465 : memref<3x64xi32, #tpu.memory_space<vmem>>) target_semaphore(%arg10 : memref<!tpu.dma_semaphore, #tpu.memory_space<semaphore_mem>>)
    }
    %dma_wait3A_116 = arith.constant 0 : i32
    %dma_wait3A_117 = arith.constant 0 : i32
    %dma_wait3A_118 = arith.constant 0 : i32
    %dma_wait3A_119 = arith.constant 0 : i32
    %dma_wait3A_120 = arith.constant 0 : i32
    %dma_wait3A_121 = tpu.memref_slice %arg7[%dma_wait3A_118, %dma_wait3A_119, %dma_wait3A_120] : memref<2x64x128xf32, #tpu.memory_space<vmem>> -> memref<1x64x128xf32, #tpu.memory_space<vmem>>
    %dma_wait3A_122 = tpu.memref_squeeze %dma_wait3A_121 : memref<1x64x128xf32, #tpu.memory_space<vmem>> -> memref<64x128xf32, #tpu.memory_space<vmem>>
    %dma_wait3A_123 = arith.constant 0 : i32
    %dma_wait3A_124 = tpu.memref_slice %arg6[%dma_wait3A_116, %dma_wait3A_117, %dma_wait3A_123] : memref<2x3x64xi32, #tpu.memory_space<vmem>> -> memref<1x1x64xi32, #tpu.memory_space<vmem>>
    %dma_wait3A_125 = tpu.memref_squeeze %dma_wait3A_124 : memref<1x1x64xi32, #tpu.memory_space<vmem>> -> memref<64xi32, #tpu.memory_space<vmem>>
    %dma_wait3A_126 = arith.constant 0 : i32
    %dma_wait3A_127 = arith.constant 0 : i32
    %dma_wait3A_128 = tpu.memref_slice %arg2[%dma_wait3A_126, %dma_wait3A_127] : memref<10000x128xf32, #tpu.memory_space<hbm>> -> memref<10000x128xf32, #tpu.memory_space<hbm>>
    tpu.wait_indirect_dma semaphore(%arg11 : memref<!tpu.dma_semaphore, #tpu.memory_space<semaphore_mem>>) src(%dma_wait3A_128 : memref<10000x128xf32, #tpu.memory_space<hbm>>) dst(%dma_wait3A_122 : memref<64x128xf32, #tpu.memory_space<vmem>>)
    %dma_wait3A_129 = arith.constant 0 : i32
    %dma_wait3A_130 = arith.constant 2 : i32
    %dma_wait3A_131 = arith.constant 0 : i32
    %dma_wait3A_132 = arith.constant 0 : i32
    %dma_wait3A_133 = arith.constant 0 : i32
    %dma_wait3A_134 = tpu.memref_slice %arg8[%dma_wait3A_131, %dma_wait3A_132, %dma_wait3A_133] : memref<2x64x128xf32, #tpu.memory_space<vmem>> -> memref<1x64x128xf32, #tpu.memory_space<vmem>>
    %dma_wait3A_135 = tpu.memref_squeeze %dma_wait3A_134 : memref<1x64x128xf32, #tpu.memory_space<vmem>> -> memref<64x128xf32, #tpu.memory_space<vmem>>
    %dma_wait3A_136 = arith.constant 0 : i32
    %dma_wait3A_137 = tpu.memref_slice %arg6[%dma_wait3A_129, %dma_wait3A_130, %dma_wait3A_136] : memref<2x3x64xi32, #tpu.memory_space<vmem>> -> memref<1x1x64xi32, #tpu.memory_space<vmem>>
    %dma_wait3A_138 = tpu.memref_squeeze %dma_wait3A_137 : memref<1x1x64xi32, #tpu.memory_space<vmem>> -> memref<64xi32, #tpu.memory_space<vmem>>
    %dma_wait3A_139 = arith.constant 0 : i32
    %dma_wait3A_140 = arith.constant 0 : i32
    %dma_wait3A_141 = tpu.memref_slice %arg3[%dma_wait3A_139, %dma_wait3A_140] : memref<512x128xf32, #tpu.memory_space<hbm>> -> memref<512x128xf32, #tpu.memory_space<hbm>>
    tpu.wait_indirect_dma semaphore(%arg13 : memref<!tpu.dma_semaphore, #tpu.memory_space<semaphore_mem>>) src(%dma_wait3A_141 : memref<512x128xf32, #tpu.memory_space<hbm>>) dst(%dma_wait3A_135 : memref<64x128xf32, #tpu.memory_space<vmem>>)
    %dma_wait3A_142 = arith.constant 0 : i32
    %dma_wait3A_143 = arith.constant 1 : i32
    %dma_wait3A_144 = arith.constant 0 : i32
    %dma_wait3A_145 = arith.constant 0 : i32
    %dma_wait3A_146 = tpu.memref_slice %arg6[%dma_wait3A_143, %dma_wait3A_144, %dma_wait3A_145] : memref<2x3x64xi32, #tpu.memory_space<vmem>> -> memref<1x3x64xi32, #tpu.memory_space<vmem>>
    %dma_wait3A_147 = tpu.memref_squeeze %dma_wait3A_146 : memref<1x3x64xi32, #tpu.memory_space<vmem>> -> memref<3x64xi32, #tpu.memory_space<vmem>>
    %dma_wait3A_148 = arith.constant 0 : i32
    %dma_wait3A_149 = arith.constant 0 : i32
    %dma_wait3A_150 = tpu.memref_slice %arg4[%dma_wait3A_142, %dma_wait3A_148, %dma_wait3A_149] : memref<5026x3x64xi32, #tpu.memory_space<hbm>> -> memref<1x3x64xi32, #tpu.memory_space<hbm>>
    %dma_wait3A_151 = tpu.memref_squeeze %dma_wait3A_150 : memref<1x3x64xi32, #tpu.memory_space<hbm>> -> memref<3x64xi32, #tpu.memory_space<hbm>>
    %dma_wait3A_152 = arith.constant 0 : i32
    %dma_wait3A_153 = arith.constant 0 : i32
    %dma_wait3A_154 = tpu.memref_slice %arg6[%dma_wait3A_143, %dma_wait3A_152, %dma_wait3A_153] : memref<2x3x64xi32, #tpu.memory_space<vmem>> -> memref<1x3x64xi32, #tpu.memory_space<vmem>>
    %dma_wait3A_155 = tpu.memref_squeeze %dma_wait3A_154 : memref<1x3x64xi32, #tpu.memory_space<vmem>> -> memref<3x64xi32, #tpu.memory_space<vmem>>
    %dma_wait3A_156 = arith.constant 0 : i32
    %dma_wait3A_157 = arith.constant 0 : i32
    %dma_wait3A_158 = tpu.memref_slice %arg4[%dma_wait3A_142, %dma_wait3A_156, %dma_wait3A_157] : memref<5026x3x64xi32, #tpu.memory_space<hbm>> -> memref<1x3x64xi32, #tpu.memory_space<hbm>>
    %dma_wait3A_159 = tpu.memref_squeeze %dma_wait3A_158 : memref<1x3x64xi32, #tpu.memory_space<hbm>> -> memref<3x64xi32, #tpu.memory_space<hbm>>
    tpu.wait_dma2 semaphore(%arg10 : memref<!tpu.dma_semaphore, #tpu.memory_space<semaphore_mem>>) src(%dma_wait3A_159 : memref<3x64xi32, #tpu.memory_space<hbm>>) dst(%dma_wait3A_155 : memref<3x64xi32, #tpu.memory_space<vmem>>)
    %barrier3A_160 = arith.constant 0 : index
    tpu.barrier barrier_id(%barrier3A_160)
    %scan3A_161 = arith.constant 0 : i32
    %scan3A_162 = arith.constant 0 : i32
    %scan3A_163 = arith.constant 9 : i32
    %scan3A_164 = arith.addi %scan3A_162, %scan3A_163 : i32
    %scan3A_165 = arith.constant 1 : i32
    scf.for %scan3A_177 = %scan3A_162 to %scan3A_164 step %scan3A_165  : i32 {
      %mul3A_178 = arith.constant 632 : i32
      %mul3A_179 = arith.muli %arg1, %mul3A_178 : i32
      %mul3A_180 = arith.constant 64 : i32
      %mul3A_181 = arith.muli %scan3A_177, %mul3A_180 : i32
      %add3A_182 = arith.addi %mul3A_179, %mul3A_181 : i32
      %run_scoped3A_183 = arith.constant 0 : i32
      "tpu.region"() ({
        %run_scoped3A_190 = tpu.sem_alloc : memref<!tpu.dma_semaphore, #tpu.memory_space<semaphore_mem>>
        %dma_start3A_191 = arith.constant 0 : i32
        %dma_start3A_192 = arith.constant 0 : i32
        %dma_start3A_193 = tpu.memref_slice %arg7[%run_scoped3A_183, %dma_start3A_191, %dma_start3A_192] : memref<2x64x128xf32, #tpu.memory_space<vmem>> -> memref<1x64x128xf32, #tpu.memory_space<vmem>>
        %dma_start3A_194 = tpu.memref_squeeze %dma_start3A_193 : memref<1x64x128xf32, #tpu.memory_space<vmem>> -> memref<64x128xf32, #tpu.memory_space<vmem>>
        %dma_start3A_195 = arith.constant 0 : i32
        %dma_start3A_196 = tpu.memref_slice %arg16[%add3A_182, %dma_start3A_195] : memref<10112x128xf32, #tpu.memory_space<vmem_shared>> -> memref<64x128xf32, #tpu.memory_space<vmem_shared>>
        %dma_start3A_197 = arith.constant 0 : i32
        %dma_start3A_198 = arith.constant 0 : i32
        %dma_start3A_199 = tpu.memref_slice %arg7[%run_scoped3A_183, %dma_start3A_197, %dma_start3A_198] : memref<2x64x128xf32, #tpu.memory_space<vmem>> -> memref<1x64x128xf32, #tpu.memory_space<vmem>>
        %dma_start3A_200 = tpu.memref_squeeze %dma_start3A_199 : memref<1x64x128xf32, #tpu.memory_space<vmem>> -> memref<64x128xf32, #tpu.memory_space<vmem>>
        %dma_start3A_201 = arith.constant 0 : i32
        %dma_start3A_202 = tpu.memref_slice %arg16[%add3A_182, %dma_start3A_201] : memref<10112x128xf32, #tpu.memory_space<vmem_shared>> -> memref<64x128xf32, #tpu.memory_space<vmem_shared>>
        tpu.enqueue_dma source(%dma_start3A_202 : memref<64x128xf32, #tpu.memory_space<vmem_shared>>) target(%dma_start3A_200 : memref<64x128xf32, #tpu.memory_space<vmem>>) target_semaphore(%run_scoped3A_190 : memref<!tpu.dma_semaphore, #tpu.memory_space<semaphore_mem>>)
        %dma_wait3A_203 = arith.constant 0 : i32
        %dma_wait3A_204 = arith.constant 0 : i32
        %dma_wait3A_205 = tpu.memref_slice %arg7[%run_scoped3A_183, %dma_wait3A_203, %dma_wait3A_204] : memref<2x64x128xf32, #tpu.memory_space<vmem>> -> memref<1x64x128xf32, #tpu.memory_space<vmem>>
        %dma_wait3A_206 = tpu.memref_squeeze %dma_wait3A_205 : memref<1x64x128xf32, #tpu.memory_space<vmem>> -> memref<64x128xf32, #tpu.memory_space<vmem>>
        %dma_wait3A_207 = arith.constant 0 : i32
        %dma_wait3A_208 = tpu.memref_slice %arg16[%add3A_182, %dma_wait3A_207] : memref<10112x128xf32, #tpu.memory_space<vmem_shared>> -> memref<64x128xf32, #tpu.memory_space<vmem_shared>>
        %dma_wait3A_209 = arith.constant 0 : i32
        %dma_wait3A_210 = arith.constant 0 : i32
        %dma_wait3A_211 = tpu.memref_slice %arg7[%run_scoped3A_183, %dma_wait3A_209, %dma_wait3A_210] : memref<2x64x128xf32, #tpu.memory_space<vmem>> -> memref<1x64x128xf32, #tpu.memory_space<vmem>>
        %dma_wait3A_212 = tpu.memref_squeeze %dma_wait3A_211 : memref<1x64x128xf32, #tpu.memory_space<vmem>> -> memref<64x128xf32, #tpu.memory_space<vmem>>
        %dma_wait3A_213 = arith.constant 0 : i32
        %dma_wait3A_214 = tpu.memref_slice %arg16[%add3A_182, %dma_wait3A_213] : memref<10112x128xf32, #tpu.memory_space<vmem_shared>> -> memref<64x128xf32, #tpu.memory_space<vmem_shared>>
        tpu.wait_dma2 semaphore(%run_scoped3A_190 : memref<!tpu.dma_semaphore, #tpu.memory_space<semaphore_mem>>) src(%dma_wait3A_214 : memref<64x128xf32, #tpu.memory_space<vmem_shared>>) dst(%dma_wait3A_212 : memref<64x128xf32, #tpu.memory_space<vmem>>)
        tpu.yield
      }) : () -> ()
      %mul3A_184 = arith.constant 632 : i32
      %mul3A_185 = arith.muli %arg1, %mul3A_184 : i32
      %mul3A_186 = arith.constant 64 : i32
      %mul3A_187 = arith.muli %scan3A_177, %mul3A_186 : i32
      %add3A_188 = arith.addi %mul3A_185, %mul3A_187 : i32
      %run_scoped3A_189 = arith.constant 0 : i32
      "tpu.region"() ({
        %run_scoped3A_190 = tpu.sem_alloc : memref<!tpu.dma_semaphore, #tpu.memory_space<semaphore_mem>>
        %dma_start3A_191 = arith.constant 0 : i32
        %dma_start3A_192 = arith.constant 0 : i32
        %dma_start3A_193 = tpu.memref_slice %arg7[%run_scoped3A_189, %dma_start3A_191, %dma_start3A_192] : memref<2x64x128xf32, #tpu.memory_space<vmem>> -> memref<1x64x128xf32, #tpu.memory_space<vmem>>
        %dma_start3A_194 = tpu.memref_squeeze %dma_start3A_193 : memref<1x64x128xf32, #tpu.memory_space<vmem>> -> memref<64x128xf32, #tpu.memory_space<vmem>>
        %dma_start3A_195 = arith.constant 0 : i32
        %dma_start3A_196 = tpu.memref_slice %arg5[%arg0, %add3A_188, %dma_start3A_195] : memref<2x10112x128xf32, #tpu.memory_space<hbm>> -> memref<1x64x128xf32, #tpu.memory_space<hbm>>
        %dma_start3A_197 = tpu.memref_squeeze %dma_start3A_196 : memref<1x64x128xf32, #tpu.memory_space<hbm>> -> memref<64x128xf32, #tpu.memory_space<hbm>>
        %dma_start3A_198 = arith.constant 0 : i32
        %dma_start3A_199 = tpu.memref_slice %arg5[%arg0, %add3A_188, %dma_start3A_198] : memref<2x10112x128xf32, #tpu.memory_space<hbm>> -> memref<1x64x128xf32, #tpu.memory_space<hbm>>
        %dma_start3A_200 = tpu.memref_squeeze %dma_start3A_199 : memref<1x64x128xf32, #tpu.memory_space<hbm>> -> memref<64x128xf32, #tpu.memory_space<hbm>>
        %dma_start3A_201 = arith.constant 0 : i32
        %dma_start3A_202 = arith.constant 0 : i32
        %dma_start3A_203 = tpu.memref_slice %arg7[%run_scoped3A_189, %dma_start3A_201, %dma_start3A_202] : memref<2x64x128xf32, #tpu.memory_space<vmem>> -> memref<1x64x128xf32, #tpu.memory_space<vmem>>
        %dma_start3A_204 = tpu.memref_squeeze %dma_start3A_203 : memref<1x64x128xf32, #tpu.memory_space<vmem>> -> memref<64x128xf32, #tpu.memory_space<vmem>>
        tpu.enqueue_dma source(%dma_start3A_204 : memref<64x128xf32, #tpu.memory_space<vmem>>) target(%dma_start3A_200 : memref<64x128xf32, #tpu.memory_space<hbm>>) target_semaphore(%run_scoped3A_190 : memref<!tpu.dma_semaphore, #tpu.memory_space<semaphore_mem>>)
        %dma_wait3A_205 = arith.constant 0 : i32
        %dma_wait3A_206 = arith.constant 0 : i32
        %dma_wait3A_207 = tpu.memref_slice %arg7[%run_scoped3A_189, %dma_wait3A_205, %dma_wait3A_206] : memref<2x64x128xf32, #tpu.memory_space<vmem>> -> memref<1x64x128xf32, #tpu.memory_space<vmem>>
        %dma_wait3A_208 = tpu.memref_squeeze %dma_wait3A_207 : memref<1x64x128xf32, #tpu.memory_space<vmem>> -> memref<64x128xf32, #tpu.memory_space<vmem>>
        %dma_wait3A_209 = arith.constant 0 : i32
        %dma_wait3A_210 = tpu.memref_slice %arg5[%arg0, %add3A_188, %dma_wait3A_209] : memref<2x10112x128xf32, #tpu.memory_space<hbm>> -> memref<1x64x128xf32, #tpu.memory_space<hbm>>
        %dma_wait3A_211 = tpu.memref_squeeze %dma_wait3A_210 : memref<1x64x128xf32, #tpu.memory_space<hbm>> -> memref<64x128xf32, #tpu.memory_space<hbm>>
        %dma_wait3A_212 = arith.constant 0 : i32
        %dma_wait3A_213 = tpu.memref_slice %arg5[%arg0, %add3A_188, %dma_wait3A_212] : memref<2x10112x128xf32, #tpu.memory_space<hbm>> -> memref<1x64x128xf32, #tpu.memory_space<hbm>>
        %dma_wait3A_214 = tpu.memref_squeeze %dma_wait3A_213 : memref<1x64x128xf32, #tpu.memory_space<hbm>> -> memref<64x128xf32, #tpu.memory_space<hbm>>
        %dma_wait3A_215 = arith.constant 0 : i32
        %dma_wait3A_216 = arith.constant 0 : i32
        %dma_wait3A_217 = tpu.memref_slice %arg7[%run_scoped3A_189, %dma_wait3A_215, %dma_wait3A_216] : memref<2x64x128xf32, #tpu.memory_space<vmem>> -> memref<1x64x128xf32, #tpu.memory_space<vmem>>
        %dma_wait3A_218 = tpu.memref_squeeze %dma_wait3A_217 : memref<1x64x128xf32, #tpu.memory_space<vmem>> -> memref<64x128xf32, #tpu.memory_space<vmem>>
        tpu.wait_dma2 semaphore(%run_scoped3A_190 : memref<!tpu.dma_semaphore, #tpu.memory_space<semaphore_mem>>) src(%dma_wait3A_218 : memref<64x128xf32, #tpu.memory_space<vmem>>) dst(%dma_wait3A_214 : memref<64x128xf32, #tpu.memory_space<hbm>>)
        tpu.yield
      }) : () -> ()
    }
    %scan3A_166 = arith.constant 9 : i32
    %mul3A_167 = arith.constant 632 : i32
    %mul3A_168 = arith.muli %arg1, %mul3A_167 : i32
    %add3A_169 = arith.constant 576 : i32
    %add3A_170 = arith.addi %mul3A_168, %add3A_169 : i32
    %run_scoped3A_171 = arith.constant 0 : i32
    "tpu.region"() ({
      %run_scoped3A_177 = tpu.sem_alloc : memref<!tpu.dma_semaphore, #tpu.memory_space<semaphore_mem>>
      %dma_start3A_178 = arith.constant 0 : i32
      %dma_start3A_179 = arith.constant 0 : i32
      %dma_start3A_180 = tpu.memref_slice %arg7[%run_scoped3A_171, %dma_start3A_178, %dma_start3A_179] : memref<2x64x128xf32, #tpu.memory_space<vmem>> -> memref<1x56x128xf32, #tpu.memory_space<vmem>>
      %dma_start3A_181 = tpu.memref_squeeze %dma_start3A_180 : memref<1x56x128xf32, #tpu.memory_space<vmem>> -> memref<56x128xf32, #tpu.memory_space<vmem>>
      %dma_start3A_182 = arith.constant 0 : i32
      %dma_start3A_183 = tpu.memref_slice %arg16[%add3A_170, %dma_start3A_182] : memref<10112x128xf32, #tpu.memory_space<vmem_shared>> -> memref<56x128xf32, #tpu.memory_space<vmem_shared>>
      %dma_start3A_184 = arith.constant 0 : i32
      %dma_start3A_185 = arith.constant 0 : i32
      %dma_start3A_186 = tpu.memref_slice %arg7[%run_scoped3A_171, %dma_start3A_184, %dma_start3A_185] : memref<2x64x128xf32, #tpu.memory_space<vmem>> -> memref<1x56x128xf32, #tpu.memory_space<vmem>>
      %dma_start3A_187 = tpu.memref_squeeze %dma_start3A_186 : memref<1x56x128xf32, #tpu.memory_space<vmem>> -> memref<56x128xf32, #tpu.memory_space<vmem>>
      %dma_start3A_188 = arith.constant 0 : i32
      %dma_start3A_189 = tpu.memref_slice %arg16[%add3A_170, %dma_start3A_188] : memref<10112x128xf32, #tpu.memory_space<vmem_shared>> -> memref<56x128xf32, #tpu.memory_space<vmem_shared>>
      tpu.enqueue_dma source(%dma_start3A_189 : memref<56x128xf32, #tpu.memory_space<vmem_shared>>) target(%dma_start3A_187 : memref<56x128xf32, #tpu.memory_space<vmem>>) target_semaphore(%run_scoped3A_177 : memref<!tpu.dma_semaphore, #tpu.memory_space<semaphore_mem>>)
      %dma_wait3A_190 = arith.constant 0 : i32
      %dma_wait3A_191 = arith.constant 0 : i32
      %dma_wait3A_192 = tpu.memref_slice %arg7[%run_scoped3A_171, %dma_wait3A_190, %dma_wait3A_191] : memref<2x64x128xf32, #tpu.memory_space<vmem>> -> memref<1x56x128xf32, #tpu.memory_space<vmem>>
      %dma_wait3A_193 = tpu.memref_squeeze %dma_wait3A_192 : memref<1x56x128xf32, #tpu.memory_space<vmem>> -> memref<56x128xf32, #tpu.memory_space<vmem>>
      %dma_wait3A_194 = arith.constant 0 : i32
      %dma_wait3A_195 = tpu.memref_slice %arg16[%add3A_170, %dma_wait3A_194] : memref<10112x128xf32, #tpu.memory_space<vmem_shared>> -> memref<56x128xf32, #tpu.memory_space<vmem_shared>>
      %dma_wait3A_196 = arith.constant 0 : i32
      %dma_wait3A_197 = arith.constant 0 : i32
      %dma_wait3A_198 = tpu.memref_slice %arg7[%run_scoped3A_171, %dma_wait3A_196, %dma_wait3A_197] : memref<2x64x128xf32, #tpu.memory_space<vmem>> -> memref<1x56x128xf32, #tpu.memory_space<vmem>>
      %dma_wait3A_199 = tpu.memref_squeeze %dma_wait3A_198 : memref<1x56x128xf32, #tpu.memory_space<vmem>> -> memref<56x128xf32, #tpu.memory_space<vmem>>
      %dma_wait3A_200 = arith.constant 0 : i32
      %dma_wait3A_201 = tpu.memref_slice %arg16[%add3A_170, %dma_wait3A_200] : memref<10112x128xf32, #tpu.memory_space<vmem_shared>> -> memref<56x128xf32, #tpu.memory_space<vmem_shared>>
      tpu.wait_dma2 semaphore(%run_scoped3A_177 : memref<!tpu.dma_semaphore, #tpu.memory_space<semaphore_mem>>) src(%dma_wait3A_201 : memref<56x128xf32, #tpu.memory_space<vmem_shared>>) dst(%dma_wait3A_199 : memref<56x128xf32, #tpu.memory_space<vmem>>)
      tpu.yield
    }) : () -> ()
    %mul3A_172 = arith.constant 632 : i32
    %mul3A_173 = arith.muli %arg1, %mul3A_172 : i32
    %add3A_174 = arith.constant 576 : i32
    %add3A_175 = arith.addi %mul3A_173, %add3A_174 : i32
    %run_scoped3A_176 = arith.constant 0 : i32
    "tpu.region"() ({
      %run_scoped3A_177 = tpu.sem_alloc : memref<!tpu.dma_semaphore, #tpu.memory_space<semaphore_mem>>
      %dma_start3A_178 = arith.constant 0 : i32
      %dma_start3A_179 = arith.constant 0 : i32
      %dma_start3A_180 = tpu.memref_slice %arg7[%run_scoped3A_176, %dma_start3A_178, %dma_start3A_179] : memref<2x64x128xf32, #tpu.memory_space<vmem>> -> memref<1x56x128xf32, #tpu.memory_space<vmem>>
      %dma_start3A_181 = tpu.memref_squeeze %dma_start3A_180 : memref<1x56x128xf32, #tpu.memory_space<vmem>> -> memref<56x128xf32, #tpu.memory_space<vmem>>
      %dma_start3A_182 = arith.constant 0 : i32
      %dma_start3A_183 = tpu.memref_slice %arg5[%arg0, %add3A_175, %dma_start3A_182] : memref<2x10112x128xf32, #tpu.memory_space<hbm>> -> memref<1x56x128xf32, #tpu.memory_space<hbm>>
      %dma_start3A_184 = tpu.memref_squeeze %dma_start3A_183 : memref<1x56x128xf32, #tpu.memory_space<hbm>> -> memref<56x128xf32, #tpu.memory_space<hbm>>
      %dma_start3A_185 = arith.constant 0 : i32
      %dma_start3A_186 = tpu.memref_slice %arg5[%arg0, %add3A_175, %dma_start3A_185] : memref<2x10112x128xf32, #tpu.memory_space<hbm>> -> memref<1x56x128xf32, #tpu.memory_space<hbm>>
      %dma_start3A_187 = tpu.memref_squeeze %dma_start3A_186 : memref<1x56x128xf32, #tpu.memory_space<hbm>> -> memref<56x128xf32, #tpu.memory_space<hbm>>
      %dma_start3A_188 = arith.constant 0 : i32
      %dma_start3A_189 = arith.constant 0 : i32
      %dma_start3A_190 = tpu.memref_slice %arg7[%run_scoped3A_176, %dma_start3A_188, %dma_start3A_189] : memref<2x64x128xf32, #tpu.memory_space<vmem>> -> memref<1x56x128xf32, #tpu.memory_space<vmem>>
      %dma_start3A_191 = tpu.memref_squeeze %dma_start3A_190 : memref<1x56x128xf32, #tpu.memory_space<vmem>> -> memref<56x128xf32, #tpu.memory_space<vmem>>
      tpu.enqueue_dma source(%dma_start3A_191 : memref<56x128xf32, #tpu.memory_space<vmem>>) target(%dma_start3A_187 : memref<56x128xf32, #tpu.memory_space<hbm>>) target_semaphore(%run_scoped3A_177 : memref<!tpu.dma_semaphore, #tpu.memory_space<semaphore_mem>>)
      %dma_wait3A_192 = arith.constant 0 : i32
      %dma_wait3A_193 = arith.constant 0 : i32
      %dma_wait3A_194 = tpu.memref_slice %arg7[%run_scoped3A_176, %dma_wait3A_192, %dma_wait3A_193] : memref<2x64x128xf32, #tpu.memory_space<vmem>> -> memref<1x56x128xf32, #tpu.memory_space<vmem>>
      %dma_wait3A_195 = tpu.memref_squeeze %dma_wait3A_194 : memref<1x56x128xf32, #tpu.memory_space<vmem>> -> memref<56x128xf32, #tpu.memory_space<vmem>>
      %dma_wait3A_196 = arith.constant 0 : i32
      %dma_wait3A_197 = tpu.memref_slice %arg5[%arg0, %add3A_175, %dma_wait3A_196] : memref<2x10112x128xf32, #tpu.memory_space<hbm>> -> memref<1x56x128xf32, #tpu.memory_space<hbm>>
      %dma_wait3A_198 = tpu.memref_squeeze %dma_wait3A_197 : memref<1x56x128xf32, #tpu.memory_space<hbm>> -> memref<56x128xf32, #tpu.memory_space<hbm>>
      %dma_wait3A_199 = arith.constant 0 : i32
      %dma_wait3A_200 = tpu.memref_slice %arg5[%arg0, %add3A_175, %dma_wait3A_199] : memref<2x10112x128xf32, #tpu.memory_space<hbm>> -> memref<1x56x128xf32, #tpu.memory_space<hbm>>
      %dma_wait3A_201 = tpu.memref_squeeze %dma_wait3A_200 : memref<1x56x128xf32, #tpu.memory_space<hbm>> -> memref<56x128xf32, #tpu.memory_space<hbm>>
      %dma_wait3A_202 = arith.constant 0 : i32
      %dma_wait3A_203 = arith.constant 0 : i32
      %dma_wait3A_204 = tpu.memref_slice %arg7[%run_scoped3A_176, %dma_wait3A_202, %dma_wait3A_203] : memref<2x64x128xf32, #tpu.memory_space<vmem>> -> memref<1x56x128xf32, #tpu.memory_space<vmem>>
      %dma_wait3A_205 = tpu.memref_squeeze %dma_wait3A_204 : memref<1x56x128xf32, #tpu.memory_space<vmem>> -> memref<56x128xf32, #tpu.memory_space<vmem>>
      tpu.wait_dma2 semaphore(%run_scoped3A_177 : memref<!tpu.dma_semaphore, #tpu.memory_space<semaphore_mem>>) src(%dma_wait3A_205 : memref<56x128xf32, #tpu.memory_space<vmem>>) dst(%dma_wait3A_201 : memref<56x128xf32, #tpu.memory_space<hbm>>)
      tpu.yield
    }) : () -> ()
    return
  }
}

module attributes {stable_mosaic.version = 14 : i64} {
  func.func @_normalize_body(%arg0: memref<10000x128xf32, #tpu.memory_space<vmem>>, %arg1: memref<10000x128xf32, #tpu.memory_space<vmem>>) attributes {dimension_semantics = [], scalar_prefetch = 0 : i64, scratch_operands = 0 : i64, tpu.core_type = #tpu.core_type<tc>} {
    %get3A = arith.constant 0 : index
    %get3A_0 = arith.constant 0 : index
    %get3A_1 = vector.load %arg0[%get3A, %get3A_0] : memref<10000x128xf32, #tpu.memory_space<vmem>>, vector<10000x128xf32>
    %mul3A = arith.mulf %get3A_1, %get3A_1 : vector<10000x128xf32>
    %reduce_sum3A = arith.constant dense<0.000000e+00> : vector<10000xf32>
    %reduce_sum3A_2 = vector.multi_reduction <add>, %mul3A, %reduce_sum3A [1] : vector<10000x128xf32> to vector<10000xf32>
    %broadcast_in_dim3A = vector.shape_cast %reduce_sum3A_2 : vector<10000xf32> to vector<10000x1xf32>
    %sqrt3A = math.sqrt %broadcast_in_dim3A : vector<10000x1xf32>
    %max3A = arith.constant 9.99999996E-13 : f32
    %max3A_3 = vector.broadcast %max3A : f32 to vector<10000x1xf32>
    %max3A_4 = arith.maximumf %sqrt3A, %max3A_3 : vector<10000x1xf32>
    %div3A = vector.broadcast %max3A_4 : vector<10000x1xf32> to vector<10000x128xf32>
    %div3A_5 = arith.divf %get3A_1, %div3A : vector<10000x128xf32>
    %swap3A = arith.constant 0 : index
    %swap3A_6 = arith.constant 0 : index
    %swap3A_7 = vector.load %arg1[%swap3A, %swap3A_6] : memref<10000x128xf32, #tpu.memory_space<vmem>>, vector<10000x128xf32>
    tpu.vector_store %arg1[%swap3A, %swap3A_6], %div3A_5 {strides = array<i32>} : memref<10000x128xf32, #tpu.memory_space<vmem>>, vector<10000x128xf32>,
    return
  }
}

module attributes {stable_mosaic.version = 14 : i64} {
  func.func @_lstm_body(%arg0: memref<2x512x128xf32, #tpu.memory_space<vmem>>, %arg1: memref<512x1xf32, #tpu.memory_space<vmem>>, %arg2: memref<512x128xf32, #tpu.memory_space<vmem>>, %arg3: memref<512x256xf32, #tpu.memory_space<vmem>>, %arg4: memref<512x128xf32, #tpu.memory_space<vmem>>, %arg5: memref<1x512xf32, #tpu.memory_space<vmem>>, %arg6: memref<512x128xf32, #tpu.memory_space<vmem>>) attributes {dimension_semantics = [], scalar_prefetch = 0 : i64, scratch_operands = 0 : i64, tpu.core_type = #tpu.core_type<tc>} {
    %get3A = arith.constant 0 : index
    %get3A_0 = arith.constant 0 : index
    %get3A_1 = arith.constant 0 : index
    %get3A_2 = vector.load %arg0[%get3A, %get3A_0, %get3A_1] : memref<2x512x128xf32, #tpu.memory_space<vmem>>, vector<1x512x128xf32>
    %get3A_3 = vector.shape_cast %get3A_2 : vector<1x512x128xf32> to vector<512x128xf32>
    %get3A_4 = arith.constant 1 : index
    %get3A_5 = arith.constant 0 : index
    %get3A_6 = arith.constant 0 : index
    %get3A_7 = vector.load %arg0[%get3A_4, %get3A_5, %get3A_6] : memref<2x512x128xf32, #tpu.memory_space<vmem>>, vector<1x512x128xf32>
    %get3A_8 = vector.shape_cast %get3A_7 : vector<1x512x128xf32> to vector<512x128xf32>
    %add3A = arith.addf %get3A_3, %get3A_8 : vector<512x128xf32>
    %get3A_9 = arith.constant 0 : index
    %get3A_10 = arith.constant 0 : index
    %get3A_11 = vector.load %arg1[%get3A_9, %get3A_10] : memref<512x1xf32, #tpu.memory_space<vmem>>, vector<512x1xf32>
    %max3A = arith.constant 1.000000e+00 : f32
    %max3A_12 = vector.broadcast %max3A : f32 to vector<512x1xf32>
    %max3A_13 = arith.maximumf %get3A_11, %max3A_12 : vector<512x1xf32>
    %div3A = vector.broadcast %max3A_13 : vector<512x1xf32> to vector<512x128xf32>
    %div3A_14 = arith.divf %add3A, %div3A : vector<512x128xf32>
    %get3A_15 = arith.constant 0 : index
    %get3A_16 = arith.constant 0 : index
    %get3A_17 = vector.load %arg2[%get3A_15, %get3A_16] : memref<512x128xf32, #tpu.memory_space<vmem>>, vector<512x128xf32>
    %concatenate3A = tpu.concatenate %get3A_17, %div3A_14 in 1 : vector<512x128xf32>, vector<512x128xf32> -> vector<512x256xf32>
    %get3A_18 = arith.constant 0 : index
    %get3A_19 = arith.constant 0 : index
    %get3A_20 = vector.load %arg3[%get3A_18, %get3A_19] : memref<512x256xf32, #tpu.memory_space<vmem>>, vector<512x256xf32>
    %dot_general3A = arith.constant dense<0.000000e+00> : vector<512x512xf32>
    %dot_general3A_21 = tpu.matmul %concatenate3A, %get3A_20, %dot_general3A {dimension_numbers = #tpu.dot_dimension_numbers<[1], [1], [0], [0], [0, 0, 1, 0], [], []>, transpose_lhs_hint = false} : vector<512x256xf32>, vector<512x256xf32>, vector<512x512xf32> -> vector<512x512xf32>
    %get3A_22 = arith.constant 0 : index
    %get3A_23 = arith.constant 0 : index
    %get3A_24 = vector.load %arg4[%get3A_22, %get3A_23] : memref<512x128xf32, #tpu.memory_space<vmem>>, vector<512x128xf32>
    %dot_general3A_25 = arith.constant dense<0.000000e+00> : vector<512x512xf32>
    %dot_general3A_26 = tpu.matmul %get3A_17, %get3A_24, %dot_general3A_25 {dimension_numbers = #tpu.dot_dimension_numbers<[1], [1], [0], [0], [0, 0, 1, 0], [], []>, transpose_lhs_hint = false} : vector<512x128xf32>, vector<512x128xf32>, vector<512x512xf32> -> vector<512x512xf32>
    %add3A_27 = arith.addf %dot_general3A_21, %dot_general3A_26 : vector<512x512xf32>
    %get3A_28 = arith.constant 0 : index
    %get3A_29 = arith.constant 0 : index
    %get3A_30 = vector.load %arg5[%get3A_28, %get3A_29] : memref<1x512xf32, #tpu.memory_space<vmem>>, vector<1x512xf32>
    %add3A_31 = vector.broadcast %get3A_30 : vector<1x512xf32> to vector<512x512xf32>
    %add3A_32 = arith.addf %add3A_27, %add3A_31 : vector<512x512xf32>
    %slice3A = vector.extract_strided_slice %add3A_32 {offsets = [0, 0], sizes = [512, 128], strides = [1, 1]} : vector<512x512xf32> to vector<512x128xf32>
    %logistic3A = arith.negf %slice3A : vector<512x128xf32>
    %logistic3A_33 = math.exp %logistic3A : vector<512x128xf32>
    %logistic3A_34 = arith.constant 1.000000e+00 : f32
    %logistic3A_35 = vector.broadcast %logistic3A_34 : f32 to vector<512x128xf32>
    %logistic3A_36 = arith.addf %logistic3A_35, %logistic3A_33 : vector<512x128xf32>
    %logistic3A_37 = arith.divf %logistic3A_35, %logistic3A_36 : vector<512x128xf32>
    %slice3A_38 = vector.extract_strided_slice %add3A_32 {offsets = [0, 128], sizes = [512, 128], strides = [1, 1]} : vector<512x512xf32> to vector<512x128xf32>
    %logistic3A_39 = arith.negf %slice3A_38 : vector<512x128xf32>
    %logistic3A_40 = math.exp %logistic3A_39 : vector<512x128xf32>
    %logistic3A_41 = arith.constant 1.000000e+00 : f32
    %logistic3A_42 = vector.broadcast %logistic3A_41 : f32 to vector<512x128xf32>
    %logistic3A_43 = arith.addf %logistic3A_42, %logistic3A_40 : vector<512x128xf32>
    %logistic3A_44 = arith.divf %logistic3A_42, %logistic3A_43 : vector<512x128xf32>
    %slice3A_45 = vector.extract_strided_slice %add3A_32 {offsets = [0, 256], sizes = [512, 128], strides = [1, 1]} : vector<512x512xf32> to vector<512x128xf32>
    %tanh3A = math.tanh %slice3A_45 : vector<512x128xf32>
    %slice3A_46 = vector.extract_strided_slice %add3A_32 {offsets = [0, 384], sizes = [512, 128], strides = [1, 1]} : vector<512x512xf32> to vector<512x128xf32>
    %logistic3A_47 = arith.negf %slice3A_46 : vector<512x128xf32>
    %logistic3A_48 = math.exp %logistic3A_47 : vector<512x128xf32>
    %logistic3A_49 = arith.constant 1.000000e+00 : f32
    %logistic3A_50 = vector.broadcast %logistic3A_49 : f32 to vector<512x128xf32>
    %logistic3A_51 = arith.addf %logistic3A_50, %logistic3A_48 : vector<512x128xf32>
    %logistic3A_52 = arith.divf %logistic3A_50, %logistic3A_51 : vector<512x128xf32>
    %mul3A = arith.mulf %logistic3A_44, %div3A_14 : vector<512x128xf32>
    %mul3A_53 = arith.mulf %logistic3A_37, %tanh3A : vector<512x128xf32>
    %add3A_54 = arith.addf %mul3A, %mul3A_53 : vector<512x128xf32>
    %tanh3A_55 = math.tanh %add3A_54 : vector<512x128xf32>
    %mul3A_56 = arith.mulf %logistic3A_52, %tanh3A_55 : vector<512x128xf32>
    %mul3A_57 = arith.mulf %mul3A_56, %mul3A_56 : vector<512x128xf32>
    %reduce_sum3A = arith.constant dense<0.000000e+00> : vector<512xf32>
    %reduce_sum3A_58 = vector.multi_reduction <add>, %mul3A_57, %reduce_sum3A [1] : vector<512x128xf32> to vector<512xf32>
    %broadcast_in_dim3A = vector.shape_cast %reduce_sum3A_58 : vector<512xf32> to vector<512x1xf32>
    %sqrt3A = math.sqrt %broadcast_in_dim3A : vector<512x1xf32>
    %max3A_59 = arith.constant 9.99999996E-13 : f32
    %max3A_60 = vector.broadcast %max3A_59 : f32 to vector<512x1xf32>
    %max3A_61 = arith.maximumf %sqrt3A, %max3A_60 : vector<512x1xf32>
    %div3A_62 = vector.broadcast %max3A_61 : vector<512x1xf32> to vector<512x128xf32>
    %div3A_63 = arith.divf %mul3A_56, %div3A_62 : vector<512x128xf32>
    %swap3A = arith.constant 0 : index
    %swap3A_64 = arith.constant 0 : index
    %swap3A_65 = vector.load %arg6[%swap3A, %swap3A_64] : memref<512x128xf32, #tpu.memory_space<vmem>>, vector<512x128xf32>
    tpu.vector_store %arg6[%swap3A, %swap3A_64], %div3A_63 {strides = array<i32>} : memref<512x128xf32, #tpu.memory_space<vmem>>, vector<512x128xf32>,
    return
  }
}

module attributes {stable_mosaic.version = 14 : i64} {
  func.func @_final_body(%arg0: i32, %arg1: memref<2x2000x128xf32, #tpu.memory_space<vmem>>, %arg2: memref<2000x1xf32, #tpu.memory_space<vmem>>, %arg3: memref<2000x128xf32, #tpu.memory_space<vmem>>, %arg4: memref<128x128xf32, #tpu.memory_space<vmem>>, %arg5: memref<128x128xf32, #tpu.memory_space<vmem>>, %arg6: memref<384x128xf32, #tpu.memory_space<vmem>>, %arg7: memref<384x128xf32, #tpu.memory_space<vmem>>, %arg8: memref<1x384xf32, #tpu.memory_space<vmem>>, %arg9: memref<1x384xf32, #tpu.memory_space<vmem>>, %arg10: memref<2000x128xf32, #tpu.memory_space<vmem>>) attributes {dimension_semantics = [#tpu.dimension_semantics<arbitrary>], iteration_bounds = array<i64: 5>, scalar_prefetch = 0 : i64, scratch_operands = 0 : i64, tpu.core_type = #tpu.core_type<tc>, window_params = [{transform_indices = @transform_0, window_bounds = array<i64: 2, 2000, 128>}, {transform_indices = @transform_1, window_bounds = array<i64: 2000, 1>}, {transform_indices = @transform_2, window_bounds = array<i64: 2000, 128>}, {pipeline_mode = #tpu.pipeline_mode<synchronous>, transform_indices = @transform_3, window_bounds = array<i64: 128, 128>}, {pipeline_mode = #tpu.pipeline_mode<synchronous>, transform_indices = @transform_4, window_bounds = array<i64: 128, 128>}, {pipeline_mode = #tpu.pipeline_mode<synchronous>, transform_indices = @transform_5, window_bounds = array<i64: 384, 128>}, {pipeline_mode = #tpu.pipeline_mode<synchronous>, transform_indices = @transform_6, window_bounds = array<i64: 384, 128>}, {pipeline_mode = #tpu.pipeline_mode<synchronous>, transform_indices = @transform_7, window_bounds = array<i64: 1, 384>}, {pipeline_mode = #tpu.pipeline_mode<synchronous>, transform_indices = @transform_8, window_bounds = array<i64: 1, 384>}, {transform_indices = @transform_9, window_bounds = array<i64: 2000, 128>}]} {
    %get3A = arith.constant 0 : index
    %get3A_0 = arith.constant 0 : index
    %get3A_1 = arith.constant 0 : index
    %get3A_2 = vector.load %arg1[%get3A, %get3A_0, %get3A_1] : memref<2x2000x128xf32, #tpu.memory_space<vmem>>, vector<1x2000x128xf32>
    %get3A_3 = vector.shape_cast %get3A_2 : vector<1x2000x128xf32> to vector<2000x128xf32>
    %get3A_4 = arith.constant 1 : index
    %get3A_5 = arith.constant 0 : index
    %get3A_6 = arith.constant 0 : index
    %get3A_7 = vector.load %arg1[%get3A_4, %get3A_5, %get3A_6] : memref<2x2000x128xf32, #tpu.memory_space<vmem>>, vector<1x2000x128xf32>
    %get3A_8 = vector.shape_cast %get3A_7 : vector<1x2000x128xf32> to vector<2000x128xf32>
    %add3A = arith.addf %get3A_3, %get3A_8 : vector<2000x128xf32>
    %get3A_9 = arith.constant 0 : index
    %get3A_10 = arith.constant 0 : index
    %get3A_11 = vector.load %arg2[%get3A_9, %get3A_10] : memref<2000x1xf32, #tpu.memory_space<vmem>>, vector<2000x1xf32>
    %get3A_12 = arith.constant 0 : index
    %get3A_13 = arith.constant 0 : index
    %get3A_14 = vector.load %arg3[%get3A_12, %get3A_13] : memref<2000x128xf32, #tpu.memory_space<vmem>>, vector<2000x128xf32>
    %get3A_15 = arith.constant 0 : index
    %get3A_16 = arith.constant 0 : index
    %get3A_17 = vector.load %arg4[%get3A_15, %get3A_16] : memref<128x128xf32, #tpu.memory_space<vmem>>, vector<128x128xf32>
    %dot_general3A = arith.constant dense<0.000000e+00> : vector<2000x128xf32>
    %dot_general3A_18 = tpu.matmul %add3A, %get3A_17, %dot_general3A {dimension_numbers = #tpu.dot_dimension_numbers<[1], [0], [0], [1], [0, 0, 1, 1], [], []>, transpose_lhs_hint = false} : vector<2000x128xf32>, vector<128x128xf32>, vector<2000x128xf32> -> vector<2000x128xf32>
    %max3A = arith.constant 1.000000e+00 : f32
    %max3A_19 = vector.broadcast %max3A : f32 to vector<2000x1xf32>
    %max3A_20 = arith.maximumf %get3A_11, %max3A_19 : vector<2000x1xf32>
    %div3A = vector.broadcast %max3A_20 : vector<2000x1xf32> to vector<2000x128xf32>
    %div3A_21 = arith.divf %dot_general3A_18, %div3A : vector<2000x128xf32>
    %get3A_22 = arith.constant 0 : index
    %get3A_23 = arith.constant 0 : index
    %get3A_24 = vector.load %arg5[%get3A_22, %get3A_23] : memref<128x128xf32, #tpu.memory_space<vmem>>, vector<128x128xf32>
    %dot_general3A_25 = arith.constant dense<0.000000e+00> : vector<2000x128xf32>
    %dot_general3A_26 = tpu.matmul %get3A_14, %get3A_24, %dot_general3A_25 {dimension_numbers = #tpu.dot_dimension_numbers<[1], [0], [0], [1], [0, 0, 1, 1], [], []>, transpose_lhs_hint = false} : vector<2000x128xf32>, vector<128x128xf32>, vector<2000x128xf32> -> vector<2000x128xf32>
    %add3A_27 = arith.addf %div3A_21, %dot_general3A_26 : vector<2000x128xf32>
    %ge3A = arith.constant 0.000000e+00 : f32
    %ge3A_28 = vector.broadcast %ge3A : f32 to vector<2000x128xf32>
    %ge3A_29 = arith.cmpf oge, %add3A_27, %ge3A_28 : vector<2000x128xf32>
    %mul3A = arith.constant 0.229166672 : f32
    %mul3A_30 = vector.broadcast %mul3A : f32 to vector<2000x128xf32>
    %mul3A_31 = arith.mulf %mul3A_30, %add3A_27 : vector<2000x128xf32>
    %select_n3A = arith.select %ge3A_29, %add3A_27, %mul3A_31 : vector<2000x128xi1>, vector<2000x128xf32>
    %mul3A_32 = arith.mulf %select_n3A, %select_n3A : vector<2000x128xf32>
    %reduce_sum3A = arith.constant dense<0.000000e+00> : vector<2000xf32>
    %reduce_sum3A_33 = vector.multi_reduction <add>, %mul3A_32, %reduce_sum3A [1] : vector<2000x128xf32> to vector<2000xf32>
    %broadcast_in_dim3A = vector.shape_cast %reduce_sum3A_33 : vector<2000xf32> to vector<2000x1xf32>
    %sqrt3A = math.sqrt %broadcast_in_dim3A : vector<2000x1xf32>
    %max3A_34 = arith.constant 9.99999996E-13 : f32
    %max3A_35 = vector.broadcast %max3A_34 : f32 to vector<2000x1xf32>
    %max3A_36 = arith.maximumf %sqrt3A, %max3A_35 : vector<2000x1xf32>
    %div3A_37 = vector.broadcast %max3A_36 : vector<2000x1xf32> to vector<2000x128xf32>
    %div3A_38 = arith.divf %select_n3A, %div3A_37 : vector<2000x128xf32>
    %get3A_39 = arith.constant 0 : index
    %get3A_40 = arith.constant 0 : index
    %get3A_41 = vector.load %arg6[%get3A_39, %get3A_40] : memref<384x128xf32, #tpu.memory_space<vmem>>, vector<384x128xf32>
    %dot_general3A_42 = arith.constant dense<0.000000e+00> : vector<2000x384xf32>
    %dot_general3A_43 = tpu.matmul %div3A_38, %get3A_41, %dot_general3A_42 {dimension_numbers = #tpu.dot_dimension_numbers<[1], [1], [0], [0], [0, 0, 1, 0], [], []>, transpose_lhs_hint = false} : vector<2000x128xf32>, vector<384x128xf32>, vector<2000x384xf32> -> vector<2000x384xf32>
    %get3A_44 = arith.constant 0 : index
    %get3A_45 = arith.constant 0 : index
    %get3A_46 = vector.load %arg8[%get3A_44, %get3A_45] : memref<1x384xf32, #tpu.memory_space<vmem>>, vector<1x384xf32>
    %add3A_47 = vector.broadcast %get3A_46 : vector<1x384xf32> to vector<2000x384xf32>
    %add3A_48 = arith.addf %dot_general3A_43, %add3A_47 : vector<2000x384xf32>
    %get3A_49 = arith.constant 0 : index
    %get3A_50 = arith.constant 0 : index
    %get3A_51 = vector.load %arg7[%get3A_49, %get3A_50] : memref<384x128xf32, #tpu.memory_space<vmem>>, vector<384x128xf32>
    %dot_general3A_52 = arith.constant dense<0.000000e+00> : vector<2000x384xf32>
    %dot_general3A_53 = tpu.matmul %get3A_14, %get3A_51, %dot_general3A_52 {dimension_numbers = #tpu.dot_dimension_numbers<[1], [1], [0], [0], [0, 0, 1, 0], [], []>, transpose_lhs_hint = false} : vector<2000x128xf32>, vector<384x128xf32>, vector<2000x384xf32> -> vector<2000x384xf32>
    %get3A_54 = arith.constant 0 : index
    %get3A_55 = arith.constant 0 : index
    %get3A_56 = vector.load %arg9[%get3A_54, %get3A_55] : memref<1x384xf32, #tpu.memory_space<vmem>>, vector<1x384xf32>
    %add3A_57 = vector.broadcast %get3A_56 : vector<1x384xf32> to vector<2000x384xf32>
    %add3A_58 = arith.addf %dot_general3A_53, %add3A_57 : vector<2000x384xf32>
    %slice3A = vector.extract_strided_slice %add3A_48 {offsets = [0, 0], sizes = [2000, 128], strides = [1, 1]} : vector<2000x384xf32> to vector<2000x128xf32>
    %slice3A_59 = vector.extract_strided_slice %add3A_58 {offsets = [0, 0], sizes = [2000, 128], strides = [1, 1]} : vector<2000x384xf32> to vector<2000x128xf32>
    %add3A_60 = arith.addf %slice3A, %slice3A_59 : vector<2000x128xf32>
    %logistic3A = arith.negf %add3A_60 : vector<2000x128xf32>
    %logistic3A_61 = math.exp %logistic3A : vector<2000x128xf32>
    %logistic3A_62 = arith.constant 1.000000e+00 : f32
    %logistic3A_63 = vector.broadcast %logistic3A_62 : f32 to vector<2000x128xf32>
    %logistic3A_64 = arith.addf %logistic3A_63, %logistic3A_61 : vector<2000x128xf32>
    %logistic3A_65 = arith.divf %logistic3A_63, %logistic3A_64 : vector<2000x128xf32>
    %slice3A_66 = vector.extract_strided_slice %add3A_48 {offsets = [0, 128], sizes = [2000, 128], strides = [1, 1]} : vector<2000x384xf32> to vector<2000x128xf32>
    %slice3A_67 = vector.extract_strided_slice %add3A_58 {offsets = [0, 128], sizes = [2000, 128], strides = [1, 1]} : vector<2000x384xf32> to vector<2000x128xf32>
    %add3A_68 = arith.addf %slice3A_66, %slice3A_67 : vector<2000x128xf32>
    %logistic3A_69 = arith.negf %add3A_68 : vector<2000x128xf32>
    %logistic3A_70 = math.exp %logistic3A_69 : vector<2000x128xf32>
    %logistic3A_71 = arith.constant 1.000000e+00 : f32
    %logistic3A_72 = vector.broadcast %logistic3A_71 : f32 to vector<2000x128xf32>
    %logistic3A_73 = arith.addf %logistic3A_72, %logistic3A_70 : vector<2000x128xf32>
    %logistic3A_74 = arith.divf %logistic3A_72, %logistic3A_73 : vector<2000x128xf32>
    %slice3A_75 = vector.extract_strided_slice %add3A_48 {offsets = [0, 256], sizes = [2000, 128], strides = [1, 1]} : vector<2000x384xf32> to vector<2000x128xf32>
    %slice3A_76 = vector.extract_strided_slice %add3A_58 {offsets = [0, 256], sizes = [2000, 128], strides = [1, 1]} : vector<2000x384xf32> to vector<2000x128xf32>
    %mul3A_77 = arith.mulf %logistic3A_65, %slice3A_76 : vector<2000x128xf32>
    %add3A_78 = arith.addf %slice3A_75, %mul3A_77 : vector<2000x128xf32>
    %tanh3A = math.tanh %add3A_78 : vector<2000x128xf32>
    %sub3A = arith.constant 1.000000e+00 : f32
    %sub3A_79 = vector.broadcast %sub3A : f32 to vector<2000x128xf32>
    %sub3A_80 = arith.subf %sub3A_79, %logistic3A_74 : vector<2000x128xf32>
    %mul3A_81 = arith.mulf %sub3A_80, %tanh3A : vector<2000x128xf32>
    %mul3A_82 = arith.mulf %logistic3A_74, %get3A_14 : vector<2000x128xf32>
    %add3A_83 = arith.addf %mul3A_81, %mul3A_82 : vector<2000x128xf32>
    %swap3A = arith.constant 0 : index
    %swap3A_84 = arith.constant 0 : index
    %swap3A_85 = vector.load %arg10[%swap3A, %swap3A_84] : memref<2000x128xf32, #tpu.memory_space<vmem>>, vector<2000x128xf32>
    tpu.vector_store %arg10[%swap3A, %swap3A_84], %add3A_83 {strides = array<i32>} : memref<2000x128xf32, #tpu.memory_space<vmem>>, vector<2000x128xf32>,
    return
  }
  func.func @transform_0(%arg0: i32) -> (i32, i32, i32) {
    %c0_i32 = arith.constant 0 : i32
    %c0_i32_0 = arith.constant 0 : i32
    %c0_i32_1 = arith.constant 0 : i32
    return %c0_i32, %arg0, %c0_i32_0 : i32, i32, i32
  }
  func.func @transform_1(%arg0: i32) -> (i32, i32) {
    %c0_i32 = arith.constant 0 : i32
    %c0_i32_0 = arith.constant 0 : i32
    return %arg0, %c0_i32 : i32, i32
  }
  func.func @transform_2(%arg0: i32) -> (i32, i32) {
    %c0_i32 = arith.constant 0 : i32
    %c0_i32_0 = arith.constant 0 : i32
    return %arg0, %c0_i32 : i32, i32
  }
  func.func @transform_3(%arg0: i32) -> (i32, i32) {
    %c0_i32 = arith.constant 0 : i32
    %c0_i32_0 = arith.constant 0 : i32
    %c0_i32_1 = arith.constant 0 : i32
    return %c0_i32, %c0_i32_0 : i32, i32
  }
  func.func @transform_4(%arg0: i32) -> (i32, i32) {
    %c0_i32 = arith.constant 0 : i32
    %c0_i32_0 = arith.constant 0 : i32
    %c0_i32_1 = arith.constant 0 : i32
    return %c0_i32, %c0_i32_0 : i32, i32
  }
  func.func @transform_5(%arg0: i32) -> (i32, i32) {
    %c0_i32 = arith.constant 0 : i32
    %c0_i32_0 = arith.constant 0 : i32
    %c0_i32_1 = arith.constant 0 : i32
    return %c0_i32, %c0_i32_0 : i32, i32
  }
  func.func @transform_6(%arg0: i32) -> (i32, i32) {
    %c0_i32 = arith.constant 0 : i32
    %c0_i32_0 = arith.constant 0 : i32
    %c0_i32_1 = arith.constant 0 : i32
    return %c0_i32, %c0_i32_0 : i32, i32
  }
  func.func @transform_7(%arg0: i32) -> (i32, i32) {
    %c0_i32 = arith.constant 0 : i32
    %c0_i32_0 = arith.constant 0 : i32
    %c0_i32_1 = arith.constant 0 : i32
    return %c0_i32, %c0_i32_0 : i32, i32
  }
  func.func @transform_8(%arg0: i32) -> (i32, i32) {
    %c0_i32 = arith.constant 0 : i32
    %c0_i32_0 = arith.constant 0 : i32
    %c0_i32_1 = arith.constant 0 : i32
    return %c0_i32, %c0_i32_0 : i32, i32
  }
  func.func @transform_9(%arg0: i32) -> (i32, i32) {
    %c0_i32 = arith.constant 0 : i32
    %c0_i32_0 = arith.constant 0 : i32
    return %arg0, %c0_i32 : i32, i32
  }
}

</mosaic_0001>

<sc_bundles>
// kernel: kernel.10.cloned.1.call-start
scs
__scs_entry_jumppad:
0x0: {  	(pc) =	sbr.rel $0x88, $3  }
0x1: {  	(tag) =	ssettag $0x0;
	lr =	simm.s32 $0x1  }
0x2: {  	[smem:$0x3F94] =	sst lr;
	_ =	strace $0xD0000000  }
0x3: {  	_ = 	snop  }
0x4: {  	_ = 	snop  }
0x5: {  	_ = 	snop  }
0x6: {  	_ = 	snop  }
0x7: {  	_ = 	snop  }
__scs_overlays_trampoline_lowered:
0x8: {  	[smem:$0x3FA3] =	sst s0  }
0x9: {  	[smem:$0x3FA4] =	sst s1  }
0xa: {  	[smem:$0x3FA5] =	sst s2  }
0xb: {  	[smem:$0x3FA6] =	sst s3  }
0xc: {  	[smem:$0x3FA7] =	sst s4  }
0xd: {  	[smem:$0x3FA8] =	sst s5  }
0xe: {  	[smem:$0x3FA9] =	sst s6  }
0xf: {  	[smem:$0x3FAA] =	sst s7  }
0x10: {  	[smem:$0x3FAB] =	sst s8  }
0x11: {  	[smem:$0x3FAC] =	sst s9;
	s0 =	simm.s32 @!p0 $0x0  }
0x12: {  	s1 =	sld [smem:$0x3F92];
	s0 =	simm.s32 @p0 $0x1  }
0x13: {  	[smem:$0x3FAD] =	sst s0;
	s0 =	simm.s32 @!p1 $0x0  }
0x14: {  	s2 =	sld [smem:$0x3F91];
	s0 =	simm.s32 @p1 $0x1  }
0x15: {  	[smem:$0x3FAE] =	sst s0;
	s0 =	simm.s32 @!p2 $0x0  }
0x16: {  	s3 =	sld [smem:$0x3FDB];
	s0 =	simm.s32 @p2 $0x1  }
0x17: {  	s4 =	simm.s32 $0x1BF5;
	[smem:$0x3FB0] =	sst s0  }
0x18: {  	s0 =	sld [smem:$0x3F93];
	_ =	swait.ge [sflag:s4], $0x0  }
0x19: {  	s7 =	sld [smem:$0x3F94]  }
0x1a: {  	s8 =	sadd.s32 $0xFFFFE003, lr  }
0x1b: {  	s9 =	sadd.s32 $0xFFFFFEF7, lr;
	s5 =	simm.s32 $0xFFFFFFFF;
	p2 =	slt.u32 s8, $0xFFFFF086  }
0x1c: {  	p1 =	slt.u32 s9, $0xF7A;
	s5 =	simm.s32 @!p2 $0x0  }
0x1d: {  	s5 =	simm.s32 @p1 $0x1;
	p0 =	seq.s32 s7, s2  }
0x1e: {  	s7 =	smul.u32 @!p0 $0xF7A, s2;
	p2 =	seq.s32 @!p0 s5, $0x0  }
0x1f: {  	s9 =	smul.u32 $0xF7A, s1;
	s8 =	simm.s32 @!p0 $0x1BF5;
	p2 =	por !p2, p0  }
0x20: {  	[sflag:s8] =	ssyncset.s32 @!p0 $0xFFFFF086;
	s6 =	sadd.s32 @!p0 s3, s7;
	s7 =	simm.s32 @!p0 $0x108  }
0x21: {  	s3 =	sadd.s32 s3, s9;
	s6 =	sadd.s32 @!p0 $0x88, s6;
	s7 =	simm.s32 @p2 $0x1082  }
0x22: {  	[simem:s7], [sflag:s8] =	dma.local @!p0 [hbm:s6], $0xF7A  }
0x23: {  	s9 =	sor.u32 $0xD0000000, s2;
	s6 =	simm.s32 $0x108;
	_ =	swait.ge @!p0 [sflag:s8], $0x0  }
0x24: {  	s3 =	sadd.s32 $0x88, s3;
	s6 =	simm.s32 @!p1 $0x1082;
	[sflag:s4] =	ssyncset.s32 $0xFFFFF086  }
0x25: {  	[simem:s6], [sflag:s4] =	dma.local [hbm:s3], $0xF7A  }
0x26: {  	[smem:$0x3F94] =	sst s1;
	(tag) =	ssettag s2;
	_ =	strace s9  }
0x27: {  	s1 =	sld [smem:$0x3FA4]  }
0x28: {  	s2 =	sld [smem:$0x3FA5]  }
0x29: {  	s4 =	sld [smem:$0x3FA7]  }
0x2a: {  	p0 =	seq.s32 s5, $0x0;
	s5 =	sld [smem:$0x3FA8]  }
0x2b: {  	s6 =	sld [smem:$0x3FA9]  }
0x2c: {  	s7 =	sld [smem:$0x3FAA]  }
0x2d: {  	s3 =	simm.s32 $0x108;
	s8 =	sld [smem:$0x3FAB]  }
0x2e: {  	s3 =	simm.s32 @!p0 $0x1082;
	s9 =	sld [smem:$0x3FAC]  }
0x2f: {  	lr =	sadd.s32 s0, s3;
	s0 =	sld [smem:$0x3FA3]  }
0x30: {  	s3 =	sld [smem:$0x3FA6]  }
0x31: {  	[smem:$0x3FAF] =	sst s10  }
0x32: {  	s10 =	sld [smem:$0x3FAD];
	_ =	sdelay $0x3  }
0x33: {  	p0 =	seq.s32 s10, $0x1;
	s10 =	sld [smem:$0x3FAF];
	_ =	sdelay $0x3  }
0x34: {  	[smem:$0x3FAF] =	sst s10  }
0x35: {  	s10 =	sld [smem:$0x3FAE];
	_ =	sdelay $0x3  }
0x36: {  	p1 =	seq.s32 s10, $0x1;
	s10 =	sld [smem:$0x3FAF];
	_ =	sdelay $0x3  }
0x37: {  	[smem:$0x3FAF] =	sst s10  }
0x38: {  	s10 =	sld [smem:$0x3FB0]  }
0x39: {  	_ = 	snop;
	(pc) =	sbr.ind lr, $3  }
0x3a: {  	_ = 	snop  }
0x3b: {  	_ = 	snop  }
0x3c: {  	p2 =	seq.s32 s10, $0x1;
	s10 =	sld [smem:$0x3FAF]  }
0x3d: {  	_ =	shalt  }
0x3e: {  	_ =	shalt  }
0x3f: {  	_ =	shalt  }
0x40: {  	_ =	shalt  }
0x41: {  	_ =	shalt  }
0x42: {  	_ =	shalt  }
0x43: {  	_ =	shalt  }
0x44: {  	_ =	shalt  }
0x45: {  	_ =	shalt  }
0x46: {  	_ =	shalt  }
0x47: {  	_ =	shalt  }
0x48: {  	_ =	shalt  }
0x49: {  	_ =	shalt  }
0x4a: {  	_ =	shalt  }
0x4b: {  	_ =	shalt  }
0x4c: {  	_ =	shalt  }
0x4d: {  	_ =	shalt  }
0x4e: {  	_ =	shalt  }
0x4f: {  	_ =	shalt  }
0x50: {  	_ =	shalt  }
0x51: {  	_ =	shalt  }
0x52: {  	_ =	shalt  }
0x53: {  	_ =	shalt  }
0x54: {  	_ =	shalt  }
0x55: {  	_ =	shalt  }
0x56: {  	_ =	shalt  }
0x57: {  	_ =	shalt  }
0x58: {  	_ =	shalt  }
0x59: {  	_ =	shalt  }
0x5a: {  	_ =	shalt  }
0x5b: {  	_ =	shalt  }
0x5c: {  	_ =	shalt  }
0x5d: {  	_ =	shalt  }
0x5e: {  	_ =	shalt  }
0x5f: {  	_ =	shalt  }
0x60: {  	_ =	shalt  }
0x61: {  	_ =	shalt  }
0x62: {  	_ =	shalt  }
0x63: {  	_ =	shalt  }
0x64: {  	_ =	shalt  }
0x65: {  	_ =	shalt  }
0x66: {  	_ =	shalt  }
0x67: {  	_ =	shalt  }
0x68: {  	_ =	shalt  }
0x69: {  	_ =	shalt  }
0x6a: {  	_ =	shalt  }
0x6b: {  	_ =	shalt  }
0x6c: {  	_ =	shalt  }
0x6d: {  	_ =	shalt  }
0x6e: {  	_ =	shalt  }
0x6f: {  	_ =	shalt  }
0x70: {  	_ =	shalt  }
0x71: {  	_ =	shalt  }
0x72: {  	_ =	shalt  }
0x73: {  	_ =	shalt  }
0x74: {  	_ =	shalt  }
0x75: {  	_ =	shalt  }
0x76: {  	_ =	shalt  }
0x77: {  	_ =	shalt  }
0x78: {  	_ =	shalt  }
0x79: {  	_ =	shalt  }
0x7a: {  	_ =	shalt  }
0x7b: {  	_ =	shalt  }
0x7c: {  	_ =	shalt  }
0x7d: {  	_ =	shalt  }
0x7e: {  	_ =	shalt  }
0x7f: {  	_ =	shalt  }
0x80: {  	_ =	shalt  }
0x81: {  	_ =	shalt  }
0x82: {  	_ =	shalt  }
0x83: {  	_ =	shalt  }
0x84: {  	_ =	shalt  }
0x85: {  	_ =	shalt  }
0x86: {  	_ =	shalt  }
0x87: {  	_ =	shalt  }
.Lfunc_end0:
.L_simem_size_0:
called_computation.1_lowered:
.L_overlay_start_0:
0x88: {  	s2 =	sld [smem:$0x3FD9]  }
0x89: {  	s3 =	sld [smem:$0x3FFE];
	_ =	sdelay $0x1  }
0x8a: {  	s1 =	srdreg.scid  }
0x8b: {  	s0 =	sand.u32 $0x1, s1  }
0x8c: {  	s17 =	sshll.u32 s0, $0xA;
	s2 =	sadd.s32 s3, s2  }
0x8d: {  	s2 =	sadd.s32 s2, s17  }
0x8e: {  	[smem:$0x3FBB] =	sst s2  }
0x8f: {  	_ = 	snop  }
0x90: {  	s2 =	sld [smem:$0x3FD0];
	(tm) =	ssettm $0x1  }
0x91: {  	s18 =	sld [smem:$0x3FFB];
	_ =	sdelay $0x3  }
0x92: {  	_ =	strace s18  }
0x93: {  	s3 =	sld [smem:$0x3FFC];
	_ =	sdelay $0x3  }
0x94: {  	_ =	strace s3  }
0x95: {  	s3 =	sld [smem:$0x3FFD];
	_ =	sdelay $0x3  }
0x96: {  	_ =	strace s3  }
0x97: {  	_ =	strace $0x8FFFFFFF  }
0x98: {  	s19 =	sld [smem:$0x3FDB];
	_ =	sdelay $0x1  }
0x99: {  	s4 =	simm.s32 $_scs_section_size  }
0x9a: {  	s5 =	simm.s32 $_size__tile_overlayer_lowered;
	s6 =	simm.s32 $_tile_overlayer_lowered  }
0x9b: {  	s22 =	simm.s32 $0x1BFF;
	s21 =	sshll.u32 s6, $0x1;
	s3 =	sadd.s32 s4, s19  }
0x9c: {  	s7 =	simm.s32 $0x0;
	s20 =	sshll.u32 s5, $0x1;
	s5 =	sadd.s32 s21, s3  }
0x9d: {  	[timem:s7], [sflag:s22] =	dma.local [hbm:s5], s20  }
0x9e: {  	_ =	swait.ge [sflag:s22], s20  }
0x9f: {  	s4 =	ssub.s32 $0x0, s20;
	[sflag:s22] =	ssyncset.done $0x0  }
0xa0: {  	[sflag:s22] =	ssyncadd.s32 s4;
	_ =	sdelay $0x1  }
0xa1: {  	s23 =	simm.s32 $0x1B8B  }
0xa2: {  	_ =	swait.ge [sflag:s23], $0x1  }
0xa3: {  	[sflag:s23] =	ssyncset.done $0x0  }
0xa4: {  	s25 =	simm.s32 $0x1B8E;
	s24 =	sld [smem:$0x3FFE];
	[sflag:s23] =	ssyncadd.s32 $0xFFFFFFFF  }
0xa5: {  	s26 =	simm.s32 $execute0_lowered;
	[smem:$0x3FD2] =	sst s25  }
0xa6: {  	s5 =	sshll.u32 s26, $0x1;
	_ =	strace $0x80000049;
	[dreg:$0x1] =	wrdreg $0xFFFFFFFF  }
0xa7: {  	s28 =	simm.s32 $_size_execute0_lowered;
	s3 =	sadd.s32 s3, s5;
	[dreg:$0x0] =	wrdreg $0x0  }
0xa8: {  	s5 =	sshll.u32 s28, $0x1;
	[dreg:$0x2] =	wrdreg s3  }
0xa9: {  	[dreg:$0x3] =	wrdreg s5  }
0xaa: {  	[dreg:$0x4] =	wrdreg $0xC0  }
0xab: {  	_ =	task [dreg:s7], $0x5FFFF  }
0xac: {  	[dreg:$0x1] =	wrdreg $0xFFFFFFFF  }
0xad: {  	[dreg:$0x0] =	wrdreg $0x60  }
0xae: {  	[dreg:$0x2] =	wrdreg s2  }
0xaf: {  	[dreg:$0x3] =	wrdreg s24  }
0xb0: {  	[dreg:$0x4] =	wrdreg $0x84000  }
0xb1: {  	[dreg:$0x5] =	wrdreg $0x9  }
0xb2: {  	_ =	task.clear_ibuf [dreg:s7], $0x6FFFF;
	_ =	strace $0x90000049  }
0xb3: {  	s29 =	simm.s32 $0x9;
	_ =	strace $0x8000004B  }
0xb4: {  	_ =	swait.ge [sflag:s29], $0x1  }
0xb5: {  	[sflag:s29] =	ssyncadd.s32 $0xFFFFFFFF  }
0xb6: {  	_ =	strace $0x9000004B  }
0xb7: {  	_ =	sfence  }
0xb8: {  	s30 =	sld [smem:$0x0];
	_ =	sdelay $0x2  }
0xb9: {  	s31 =	sshll.u32 s1, $0xD;
	s1 =	sshrl.u32 s1, $0x2  }
0xba: {  	s3 =	sand.u32 $0x4000, s31;
	s1 =	sadd.s32 s1, s30  }
0xbb: {  	s0 =	sor.u32 s3, s0;
	s1 =	sshll.u32 s1, $0x11  }
0xbc: {  	s0 =	sor.u32 s1, s0  }
0xbd: {  	s0 =	sadd.s32 $0x8F2B, s0  }
0xbe: {  	[sflag:s0] =	ssyncadd.remote.s32 $0x1  }
0xbf: {  	_ =	sfence.sel $0xFFFF  }
0xc0: {  	[dreg:$0x0] =	wrdreg $0xFFFFFFFF;
	(pc) =	sbr.abs _section_cstart, $3  }
0xc1: {  	[dreg:$0x1] =	wrdreg $0xFFFFFFFF  }
0xc2: {  	_ =	task.clear_ibuf [dreg:s7], $0x2FFFF;
	_ =	strace $0x9FFFFFFF  }
0xc3: {  	(tm) =	ssettm $0x7FFFFFFF  }
tec
execute0_lowered:
.L_overlay_start_1:
0x0: {  	(tag) =	ssettag $0x1  }
0x1: {  	s1 =	rddreg [dreg:$0x0];
	s15 =	stileid.u32  }
0x2: {  	s0 =	rddreg [dreg:$0x1];
	s4 =	smul.u32 $0x72, s15  }
0x3: {  	s2 =	simm.s32 $0x0;
	s3 =	srdreg.scid;
	s5 =	smul.u32 $0xC8, s15  }
0x4: {  	[smem:$0x7FF] =	sst s2;
	s3 =	sand.u32 $0x1, s3;
	s6 =	smul.u32 $0x13C00, s15  }
0x5: {  	s9 =	sadd.s32 $0x56400, s0;
	p0 =	seq.s32 s3, $0x0;
	s20 =	ssub.s32 $0x2, s3  }
0x6: {  	s3 =	smul.u32 $0x13C000, s3;
	s4 =	sadd.s32 $0xC80, s4;
	s7 =	sshrl.u32 s20, $0x1  }
0x7: {  	s8 =	sadd.s32 $0x12000, s6;
	s11 =	sadd.s32 $0x2000, s6;
	s12 =	sadd.s32 $0x6000, s6  }
0x8: {  	s14 =	sadd.s32 $0x8000, s6;
	s19 =	sadd.s32 $0xA000, s6;
	s4 =	smov.u32 @p0 s5  }
0x9: {  	s5 =	ssub.s32 s20, s7;
	s21 =	sadd.s32 s3, s8;
	s10 =	sadd.s32 s3, s6  }
0xa: {  	s23 =	sadd.s32 s3, s11;
	s13 =	sadd.s32 s3, s12;
	s31 =	sadd.s32 s3, s14  }
0xb: {  	s16 =	sadd.s32 s3, s19;
	s20 =	sadd.s32 $0xC000, s6;
	s7 =	sshrl.u32 s21, $0x3  }
0xc: {  	s22 =	sshrl.u32 s10, $0x3;
	s24 =	sshrl.u32 s23, $0x3;
	s10 =	sadd.s32 $0x4000, s6  }
0xd: {  	s17 =	sadd.s32 s3, s20;
	s21 =	sadd.s32 $0xE000, s6;
	s7 =	sadd.s32 s9, s7  }
0xe: {  	s6 =	sadd.s32 $0x10000, s6;
	s25 =	sadd.s32 s3, s10;
	[dreg:$0x4] =	wrdreg s7  }
0xf: {  	s7 =	sadd.s32 s9, s22;
	s22 =	sadd.s32 s3, s21;
	s3 =	sadd.s32 s3, s6  }
0x10: {  	[dreg:$0x5] =	wrdreg s7;
	s7 =	sadd.s32 s9, s24;
	s3 =	sshrl.u32 s3, $0x3  }
0x11: {  	[dreg:$0x6] =	wrdreg s7;
	s7 =	sshrl.u32 s25, $0x3;
	s3 =	sadd.s32 s9, s3  }
0x12: {  	s26 =	sshrl.u32 s13, $0x3;
	s7 =	sadd.s32 s9, s7;
	[dreg:$0xd] =	wrdreg s3  }
0x13: {  	s13 =	sshrl.u32 s31, $0x3;
	[dreg:$0x7] =	wrdreg s7;
	s7 =	sadd.s32 s9, s26  }
0x14: {  	[dreg:$0x8] =	wrdreg s7;
	s7 =	sadd.s32 s9, s13  }
0x15: {  	[dreg:$0x9] =	wrdreg s7;
	s7 =	sshrl.u32 s16, $0x3  }
0x16: {  	s18 =	sshrl.u32 s17, $0x3;
	s13 =	rddreg [dreg:$0x2];
	s7 =	sadd.s32 s9, s7  }
0x17: {  	s23 =	sshrl.u32 s22, $0x3;
	[dreg:$0xa] =	wrdreg s7;
	s7 =	sadd.s32 s9, s18  }
0x18: {  	s4 =	sshll.u32 s4, $0x6;
	[dreg:$0xb] =	wrdreg s7;
	s7 =	sadd.s32 s9, s23  }
0x19: {  	s31 =	smax.u32 s5, $0x1;
	s25 =	sadd.s32 s4, s0;
	[dreg:$0xc] =	wrdreg s7  }
0x1a: {  	s4 =	sadd.s32 s11, s13;
	_ =	strace $0x8000004A;
	[dreg:$0xe] =	wrdreg s31  }
0x1b: {  	s5 =	sadd.s32 s10, s13;
	[dreg:$0xf] =	wrdreg s4  }
0x1c: {  	s28 =	simm.s32 $0x6400;
	s7 =	sadd.s32 s12, s13;
	[dreg:$0x10] =	wrdreg s5  }
0x1d: {  	s18 =	sadd.s32 s8, s13;
	s8 =	sadd.s32 s14, s13;
	[dreg:$0x11] =	wrdreg s7  }
0x1e: {  	s29 =	simm.s32 $0x80;
	s9 =	sadd.s32 s19, s13;
	[dreg:$0x12] =	wrdreg s8  }
0x1f: {  	s30 =	simm.s32 $0x7;
	s10 =	sadd.s32 s20, s13;
	[dreg:$0x13] =	wrdreg s9  }
0x20: {  	s24 =	smul.u32 $0x4F000, s15;
	s11 =	sadd.s32 s21, s13;
	[dreg:$0x14] =	wrdreg s10  }
0x21: {  	s15 =	sadd.s32 $0x51400, s0;
	s12 =	sadd.s32 s6, s13;
	[dreg:$0x15] =	wrdreg s11  }
0x22: {  	s26 =	sshrl.u32 s24, $0x2;
	s14 =	sadd.s32 $0x2A00, s25;
	[dreg:$0x16] =	wrdreg s12  }
0x23: {  	s17 =	sadd.s32 s26, s13;
	s19 =	sadd.s32 $0x2A40, s25;
	[dreg:$0x17] =	wrdreg s14  }
0x24: {  	s0 =	simm.s32 $0x6;
	s20 =	sadd.s32 $0x2000, s17;
	[dreg:$0x18] =	wrdreg s19  }
0x25: {  	s3 =	simm.s32 $0x280;
	s21 =	sadd.s32 $0x4000, s17;
	[dreg:$0x19] =	wrdreg s20  }
0x26: {  	s16 =	simm.s32 $0x64;
	s22 =	sadd.s32 $0x6000, s17;
	[dreg:$0x1a] =	wrdreg s21  }
0x27: {  	s16 =	simm.s32 @!p0 $0x39;
	s23 =	sadd.s32 $0x8000, s17;
	[dreg:$0x1b] =	wrdreg s22  }
0x28: {  	s24 =	sadd.s32 $0xA000, s17;
	s26 =	sadd.s32 $0xE000, s17;
	[dreg:$0x1c] =	wrdreg s23  }
0x29: {  	s7 =	sadd.s32 $0x2AC0, s25;
	[dreg:$0x1d] =	wrdreg s24;
	s25 =	sadd.s32 $0xC000, s17  }
0x2a: {  	[dreg:$0x1f] =	wrdreg s26;
	s31 =	sadd.s32 $0x10000, s17;
	s9 =	simm.s32 $0x400  }
0x2b: {  	s10 =	simm.s32 $0x8;
	s12 =	simm.s32 $0x200;
	s14 =	simm.s32 $0x1  }
0x2c: {  	s19 =	simm.s32 $0x40;
	s20 =	simm.s32 $0x100;
	s21 =	simm.s32 $0x4400  }
0x2d: {  	s22 =	simm.s32 $0x3;
	s23 =	simm.s32 $0x5;
	s24 =	simm.s32 $0x2  }
0x2e: {  	s26 =	simm.s32 $0x300;
	s11 =	simm.s32 $0x4;
	[dreg:$0x1e] =	wrdreg s25  }
0x2f: {  	v0 =	vimm.f32 $0.0e+00;
	s4 =	simm.s32 $0x0;
	[smem:$0x7FD] =	sst s31;
	s25 =	simm.s32 $0x2400  }
.LBB2_1:
0x30: {  	s5 =	simm.s32 $0x0;
	s6 =	simm.s32 $0x200  }
.LBB2_2:
0x31: {  	p0 =	sne.s32 s6, $0x7E00;
	[tilespmem:s5+$0x470] =	vst v0  }
0x32: {  	[tilespmem:s5+$0x400] =	vst v0  }
0x33: {  	[tilespmem:s5+$0x410] =	vst v0  }
.Ltmp0:
0x34: {  	[tilespmem:s5+$0x420] =	vst v0;
	(pc) =	sbr.rel @p0 .LBB2_2-.Ltmp0, $4  }
0x35: {  	[tilespmem:s5+$0x430] =	vst v0  }
0x36: {  	[tilespmem:s5+$0x440] =	vst v0  }
0x37: {  	[tilespmem:s5+$0x450] =	vst v0  }
0x38: {  	[tilespmem:s5+$0x460] =	vst v0;
	s5 =	sshra.s32 s6, $0x2;
	s6 =	sadd.s32 $0x200, s6  }
0x39: {  	[tilespmem:s5+$0x470] =	vst v0  }
0x3a: {  	[tilespmem:s5+$0x400] =	vst v0  }
0x3b: {  	[tilespmem:s5+$0x410] =	vst v0  }
0x3c: {  	[tilespmem:s5+$0x420] =	vst v0  }
0x3d: {  	[tilespmem:s5+$0x430] =	vst v0  }
0x3e: {  	[tilespmem:s5+$0x440] =	vst v0  }
0x3f: {  	[tilespmem:s5+$0x450] =	vst v0  }
0x40: {  	[tilespmem:s5+$0x460] =	vst v0  }
0x41: {  	[spmem:s17] =	stream.linear.scatter [tilespmem:s9], [sflag:$0x8], $0x2000, $0x38;
	[tilespmem:$0x1C000] =	vst v63  }
0x42: {  	_ =	swait.ge [sflag:s10], $0x2000  }
0x43: {  	[sflag:s10] =	ssyncset.done $0x0  }
0x44: {  	s8 =	rddreg [dreg:$0x19];
	[sflag:s10] =	ssyncadd.s32 $0xFFFFE000  }
0x45: {  	[spmem:s8] =	stream.linear.scatter [tilespmem:s9], [sflag:$0x8], $0x2000, $0x38;
	[tilespmem:$0x1C000] =	vst v63  }
0x46: {  	_ =	swait.ge [sflag:s10], $0x2000  }
0x47: {  	[sflag:s10] =	ssyncset.done $0x0  }
0x48: {  	s6 =	rddreg [dreg:$0x1a];
	[sflag:s10] =	ssyncadd.s32 $0xFFFFE000  }
0x49: {  	[spmem:s6] =	stream.linear.scatter [tilespmem:s9], [sflag:$0x8], $0x2000, $0x38;
	[tilespmem:$0x1C000] =	vst v63  }
0x4a: {  	_ =	swait.ge [sflag:s10], $0x2000  }
0x4b: {  	[sflag:s10] =	ssyncset.done $0x0  }
0x4c: {  	s8 =	rddreg [dreg:$0x1b];
	[sflag:s10] =	ssyncadd.s32 $0xFFFFE000  }
0x4d: {  	[spmem:s8] =	stream.linear.scatter [tilespmem:s9], [sflag:$0x8], $0x2000, $0x38;
	[tilespmem:$0x1C000] =	vst v63  }
0x4e: {  	_ =	swait.ge [sflag:s10], $0x2000  }
0x4f: {  	[sflag:s10] =	ssyncset.done $0x0  }
0x50: {  	s6 =	rddreg [dreg:$0x1c];
	[sflag:s10] =	ssyncadd.s32 $0xFFFFE000  }
0x51: {  	[spmem:s6] =	stream.linear.scatter [tilespmem:s9], [sflag:$0x8], $0x2000, $0x38;
	[tilespmem:$0x1C000] =	vst v63  }
0x52: {  	_ =	swait.ge [sflag:s10], $0x2000  }
0x53: {  	[sflag:s10] =	ssyncset.done $0x0  }
0x54: {  	s8 =	rddreg [dreg:$0x1d];
	[sflag:s10] =	ssyncadd.s32 $0xFFFFE000  }
0x55: {  	[spmem:s8] =	stream.linear.scatter [tilespmem:s9], [sflag:$0x8], $0x2000, $0x38;
	[tilespmem:$0x1C000] =	vst v63  }
0x56: {  	_ =	swait.ge [sflag:s10], $0x2000  }
0x57: {  	[sflag:s10] =	ssyncset.done $0x0  }
0x58: {  	s6 =	rddreg [dreg:$0x1e];
	[sflag:s10] =	ssyncadd.s32 $0xFFFFE000  }
0x59: {  	[spmem:s6] =	stream.linear.scatter [tilespmem:s9], [sflag:$0x8], $0x2000, $0x38;
	[tilespmem:$0x1C000] =	vst v63  }
0x5a: {  	_ =	swait.ge [sflag:s10], $0x2000  }
0x5b: {  	[sflag:s10] =	ssyncset.done $0x0  }
0x5c: {  	s8 =	rddreg [dreg:$0x1f];
	[sflag:s10] =	ssyncadd.s32 $0xFFFFE000  }
0x5d: {  	[spmem:s8] =	stream.linear.scatter [tilespmem:s9], [sflag:$0x8], $0x2000, $0x38;
	[tilespmem:$0x1C000] =	vst v63  }
0x5e: {  	_ =	swait.ge [sflag:s10], $0x2000  }
0x5f: {  	s6 =	sld [smem:$0x7FD]  }
0x60: {  	[sflag:s10] =	ssyncset.done $0x0  }
0x61: {  	[sflag:s10] =	ssyncadd.s32 $0xFFFFE000  }
0x62: {  	[spmem:s6] =	stream.linear.scatter [tilespmem:s9], [sflag:$0x8], $0x2000, $0x38;
	[tilespmem:$0x1C000] =	vst v63  }
0x63: {  	_ =	swait.ge [sflag:s10], $0x2000  }
0x64: {  	[sflag:s10] =	ssyncset.done $0x0  }
0x65: {  	[sflag:s10] =	ssyncadd.s32 $0xFFFFE000  }
0x66: {  	[spmem:s18] =	stream.linear.scatter [tilespmem:s9], [sflag:$0x8], $0x1C00, $0x38;
	[tilespmem:$0x1C000] =	vst v63  }
0x67: {  	_ =	swait.ge [sflag:s10], $0x1C00  }
0x68: {  	[sflag:s10] =	ssyncset.done $0x0  }
0x69: {  	[sflag:s10] =	ssyncadd.s32 $0xFFFFE400  }
0x6a: {  	[bflag:$0x0] =	sbarrier.arrive $0xFFFF  }
0x6b: {  	s8 =	rddreg [dreg:$0x17]  }
0x6c: {  	[tilespmem:s2], [sflag:$0x1] =	stream.linear.gather [hbm4b:s8+s2], $0x180, $0x38;
	[tilespmem:$0x1C000] =	vst v63  }
0x6d: {  	s6 =	rddreg [dreg:$0x18]  }
0x6e: {  	[tilespmem:s12], [sflag:$0x2] =	stream.linear.gather [hbm4b:s6+s2], $0x180, $0x38;
	[tilespmem:$0x1C000] =	vst v63  }
0x6f: {  	_ =	swait.ge [sflag:s14], $0x180  }
0x70: {  	[sflag:s14] =	ssyncset.done $0x0  }
0x71: {  	[sflag:s14] =	ssyncadd.s32 $0xFFFFFE80  }
0x72: {  	[tilespmem:s9], [sflag:$0x3] =	stream.indirect.gather [hbm4b:s1+s19], $0x80, s2, s19, $0xb8;
	[tilespmem:$0x1C000] =	vst v63  }
0x73: {  	_ = 	snop  }
0x74: {  	[tilespmem:s21], [sflag:$0x5] =	stream.indirect.gather [hbm4b:s15+s19], $0x80, s20, s19, $0xb8;
	[tilespmem:$0x1C000] =	vst v63  }
0x75: {  	_ =	swait.ge [sflag:s22], $0x2000  }
0x76: {  	[sflag:s22] =	ssyncset.done $0x0  }
0x77: {  	[sflag:s22] =	ssyncadd.s32 $0xFFFFE000  }
0x78: {  	_ =	swait.ge [sflag:s23], $0x2000  }
0x79: {  	[sflag:s23] =	ssyncset.done $0x0  }
0x7a: {  	[sflag:s23] =	ssyncadd.s32 $0xFFFFE000  }
0x7b: {  	_ =	swait.ge [sflag:s24], $0x180  }
0x7c: {  	[sflag:s24] =	ssyncset.done $0x0  }
0x7d: {  	[sflag:s24] =	ssyncadd.s32 $0xFFFFFE80  }
0x7e: {  	[tilespmem:s25], [sflag:$0x4] =	stream.indirect.gather [hbm4b:s1+s19], $0x80, s12, s19, $0xb8;
	[tilespmem:$0x1C000] =	vst v63  }
0x7f: {  	_ = 	snop  }
0x80: {  	[tilespmem:s28], [sflag:$0x6] =	stream.indirect.gather [hbm4b:s15+s19], $0x80, s26, s19, $0xb8;
	[tilespmem:$0x1C000] =	vst v63  }
0x81: {  	_ = 	snop  }
0x82: {  	[spmem:s13] =	stream.indirect.scatter.add.f32 [tilespmem:s9], [sflag:$0x7], $0x80, s29, s19, $0xb8;
	[tilespmem:$0x1C000] =	vst v63  }
0x83: {  	_ = 	snop  }
0x84: {  	[spmem:s13] =	stream.indirect.scatter.add.f32 [tilespmem:s21], [sflag:$0x7], $0x80, s29, s19, $0xb8;
	[tilespmem:$0x1C000] =	vst v63  }
0x85: {  	_ =	swait.ge [sflag:s30], $0x2000  }
0x86: {  	[sflag:s30] =	ssyncset.done $0x0  }
0x87: {  	[sflag:s30] =	ssyncadd.s32 $0xFFFFE000  }
0x88: {  	_ =	swait.ge [sflag:s30], $0x2000  }
0x89: {  	[sflag:s30] =	ssyncset.done $0x0  }
0x8a: {  	s8 =	sadd.s32 $0xFFFFFFC0, s7;
	[sflag:s30] =	ssyncadd.s32 $0xFFFFE000  }
0x8b: {  	[tilespmem:s2], [sflag:$0x1] =	stream.linear.gather [hbm4b:s8+s2], $0x180, $0x38;
	[tilespmem:$0x1C000] =	vst v63  }
0x8c: {  	_ =	swait.ge [sflag:s11], $0x2000  }
0x8d: {  	[sflag:s11] =	ssyncset.done $0x0  }
0x8e: {  	[sflag:s11] =	ssyncadd.s32 $0xFFFFE000  }
0x8f: {  	_ =	swait.ge [sflag:s0], $0x2000  }
0x90: {  	[sflag:s0] =	ssyncset.done $0x0  }
0x91: {  	[sflag:s0] =	ssyncadd.s32 $0xFFFFE000  }
0x92: {  	_ =	swait.ge [sflag:s14], $0x180  }
0x93: {  	[sflag:s14] =	ssyncset.done $0x0  }
0x94: {  	[sflag:s14] =	ssyncadd.s32 $0xFFFFFE80  }
0x95: {  	[tilespmem:s9], [sflag:$0x3] =	stream.indirect.gather [hbm4b:s1+s19], $0x80, s2, s19, $0xb8;
	[tilespmem:$0x1C000] =	vst v63  }
0x96: {  	_ = 	snop  }
0x97: {  	[tilespmem:s21], [sflag:$0x5] =	stream.indirect.gather [hbm4b:s15+s19], $0x80, s20, s19, $0xb8;
	[tilespmem:$0x1C000] =	vst v63  }
0x98: {  	_ = 	snop  }
0x99: {  	[spmem:s13] =	stream.indirect.scatter.add.f32 [tilespmem:s25], [sflag:$0x7], $0x80, s3, s19, $0xb8;
	[tilespmem:$0x1C000] =	vst v63  }
0x9a: {  	_ = 	snop  }
0x9b: {  	[spmem:s13] =	stream.indirect.scatter.add.f32 [tilespmem:s28], [sflag:$0x7], $0x80, s3, s19, $0xb8;
	[tilespmem:$0x1C000] =	vst v63  }
0x9c: {  	p0 =	sne.s32 s16, $0x1;
	_ =	swait.ge [sflag:s30], $0x2000  }
.Ltmp1:
0x9d: {  	[sflag:s30] =	ssyncset.done $0x0;
	(pc) =	sbr.rel @!p0 .LBB2_5-.Ltmp1, $4  }
0x9e: {  	[sflag:s30] =	ssyncadd.s32 $0xFFFFE000  }
0x9f: {  	_ =	swait.ge [sflag:s30], $0x2000  }
0xa0: {  	s5 =	sadd.s32 $0xFFFFFFFF, s16;
	[sflag:s30] =	ssyncset.done $0x0  }
0xa1: {  	s31 =	smov.u32 s7;
	s6 =	sadd.s32 $0x80, s7;
	[sflag:s30] =	ssyncadd.s32 $0xFFFFE000  }
.LBB2_4:
0xa2: {  	[tilespmem:s12], [sflag:$0x2] =	stream.linear.gather [hbm4b:s31+s2], $0x180, $0x38;
	[tilespmem:$0x1C000] =	vst v63  }
0xa3: {  	p0 =	sne.s32 s5, $0x1;
	s5 =	sadd.s32 $0xFFFFFFFF, s5;
	_ =	swait.ge [sflag:s22], $0x2000  }
0xa4: {  	s31 =	smov.u32 s6;
	[sflag:s22] =	ssyncset.done $0x0  }
0xa5: {  	[sflag:s22] =	ssyncadd.s32 $0xFFFFE000  }
0xa6: {  	_ =	swait.ge [sflag:s23], $0x2000  }
0xa7: {  	[sflag:s23] =	ssyncset.done $0x0  }
0xa8: {  	[sflag:s23] =	ssyncadd.s32 $0xFFFFE000  }
0xa9: {  	_ =	swait.ge [sflag:s24], $0x180  }
0xaa: {  	[sflag:s24] =	ssyncset.done $0x0  }
0xab: {  	[sflag:s24] =	ssyncadd.s32 $0xFFFFFE80  }
0xac: {  	[tilespmem:s25], [sflag:$0x4] =	stream.indirect.gather [hbm4b:s1+s19], $0x80, s12, s19, $0xb8;
	[tilespmem:$0x1C000] =	vst v63  }
0xad: {  	_ = 	snop  }
0xae: {  	[tilespmem:s28], [sflag:$0x6] =	stream.indirect.gather [hbm4b:s15+s19], $0x80, s26, s19, $0xb8;
	[tilespmem:$0x1C000] =	vst v63  }
0xaf: {  	_ = 	snop  }
0xb0: {  	[spmem:s13] =	stream.indirect.scatter.add.f32 [tilespmem:s9], [sflag:$0x7], $0x80, s29, s19, $0xb8;
	[tilespmem:$0x1C000] =	vst v63  }
0xb1: {  	_ = 	snop  }
0xb2: {  	[spmem:s13] =	stream.indirect.scatter.add.f32 [tilespmem:s21], [sflag:$0x7], $0x80, s29, s19, $0xb8;
	[tilespmem:$0x1C000] =	vst v63  }
0xb3: {  	_ =	swait.ge [sflag:s30], $0x2000  }
0xb4: {  	[sflag:s30] =	ssyncset.done $0x0  }
0xb5: {  	[sflag:s30] =	ssyncadd.s32 $0xFFFFE000  }
0xb6: {  	_ =	swait.ge [sflag:s30], $0x2000  }
0xb7: {  	[sflag:s30] =	ssyncset.done $0x0  }
0xb8: {  	s8 =	sadd.s32 $0xFFFFFFC0, s6;
	[sflag:s30] =	ssyncadd.s32 $0xFFFFE000  }
0xb9: {  	[tilespmem:s2], [sflag:$0x1] =	stream.linear.gather [hbm4b:s8+s2], $0x180, $0x38;
	[tilespmem:$0x1C000] =	vst v63  }
0xba: {  	_ =	swait.ge [sflag:s11], $0x2000  }
0xbb: {  	[sflag:s11] =	ssyncset.done $0x0  }
0xbc: {  	[sflag:s11] =	ssyncadd.s32 $0xFFFFE000  }
0xbd: {  	_ =	swait.ge [sflag:s0], $0x2000  }
0xbe: {  	[sflag:s0] =	ssyncset.done $0x0  }
0xbf: {  	[sflag:s0] =	ssyncadd.s32 $0xFFFFE000  }
0xc0: {  	_ =	swait.ge [sflag:s14], $0x180  }
0xc1: {  	[sflag:s14] =	ssyncset.done $0x0  }
0xc2: {  	[sflag:s14] =	ssyncadd.s32 $0xFFFFFE80  }
0xc3: {  	[tilespmem:s9], [sflag:$0x3] =	stream.indirect.gather [hbm4b:s1+s19], $0x80, s2, s19, $0xb8;
	[tilespmem:$0x1C000] =	vst v63  }
0xc4: {  	_ = 	snop  }
0xc5: {  	[tilespmem:s21], [sflag:$0x5] =	stream.indirect.gather [hbm4b:s15+s19], $0x80, s20, s19, $0xb8;
	[tilespmem:$0x1C000] =	vst v63  }
0xc6: {  	_ = 	snop  }
0xc7: {  	[spmem:s13] =	stream.indirect.scatter.add.f32 [tilespmem:s25], [sflag:$0x7], $0x80, s3, s19, $0xb8;
	[tilespmem:$0x1C000] =	vst v63  }
0xc8: {  	_ = 	snop  }
0xc9: {  	[spmem:s13] =	stream.indirect.scatter.add.f32 [tilespmem:s28], [sflag:$0x7], $0x80, s3, s19, $0xb8;
	[tilespmem:$0x1C000] =	vst v63  }
0xca: {  	_ =	swait.ge [sflag:s30], $0x2000  }
.Ltmp2:
0xcb: {  	[sflag:s30] =	ssyncset.done $0x0;
	(pc) =	sbr.rel @p0 .LBB2_4-.Ltmp2, $4  }
0xcc: {  	[sflag:s30] =	ssyncadd.s32 $0xFFFFE000  }
0xcd: {  	_ =	swait.ge [sflag:s30], $0x2000  }
0xce: {  	[sflag:s30] =	ssyncset.done $0x0  }
0xcf: {  	s6 =	sadd.s32 $0x80, s6;
	[sflag:s30] =	ssyncadd.s32 $0xFFFFE000  }
.LBB2_5:
0xd0: {  	[tilespmem:s12], [sflag:$0x2] =	stream.linear.gather [hbm4b:s31+s2], $0x180, $0x38;
	[tilespmem:$0x1C000] =	vst v63  }
0xd1: {  	_ =	swait.ge [sflag:s22], $0x2000  }
0xd2: {  	[sflag:s22] =	ssyncset.done $0x0  }
0xd3: {  	[sflag:s22] =	ssyncadd.s32 $0xFFFFE000  }
0xd4: {  	_ =	swait.ge [sflag:s23], $0x2000  }
0xd5: {  	[sflag:s23] =	ssyncset.done $0x0  }
0xd6: {  	[sflag:s23] =	ssyncadd.s32 $0xFFFFE000  }
0xd7: {  	_ =	swait.ge [sflag:s24], $0x180  }
0xd8: {  	[sflag:s24] =	ssyncset.done $0x0  }
0xd9: {  	[sflag:s24] =	ssyncadd.s32 $0xFFFFFE80  }
0xda: {  	[bflag:$0x0] =	sbarrier.arrive $0xFFFF  }
0xdb: {  	[tilespmem:s9], [sflag:$0x8] =	stream.linear.gather [spmem:s17], $0x2000, $0x38;
	[tilespmem:$0x1C000] =	vst v63  }
0xdc: {  	_ =	swait.ge [sflag:s10], $0x2000  }
0xdd: {  	[sflag:s10] =	ssyncset.done $0x0  }
0xde: {  	s5 =	rddreg [dreg:$0x5];
	[sflag:s10] =	ssyncadd.s32 $0xFFFFE000  }
0xdf: {  	[hbm4b:s5+s2] =	stream.linear.scatter [tilespmem:s9], [sflag:$0x8], $0x2000, $0x38;
	[tilespmem:$0x1C000] =	vst v63  }
0xe0: {  	_ =	swait.ge [sflag:s10], $0x2000  }
0xe1: {  	[sflag:s10] =	ssyncset.done $0x0  }
0xe2: {  	s6 =	rddreg [dreg:$0xf];
	[sflag:s10] =	ssyncadd.s32 $0xFFFFE000  }
0xe3: {  	[tilespmem:s9], [sflag:$0x8] =	stream.linear.gather [spmem:s6], $0x2000, $0x38;
	[tilespmem:$0x1C000] =	vst v63  }
0xe4: {  	_ =	swait.ge [sflag:s10], $0x2000  }
0xe5: {  	[sflag:s10] =	ssyncset.done $0x0  }
0xe6: {  	s8 =	rddreg [dreg:$0x6];
	[sflag:s10] =	ssyncadd.s32 $0xFFFFE000  }
0xe7: {  	[hbm4b:s8+s2] =	stream.linear.scatter [tilespmem:s9], [sflag:$0x8], $0x2000, $0x38;
	[tilespmem:$0x1C000] =	vst v63  }
0xe8: {  	_ =	swait.ge [sflag:s10], $0x2000  }
0xe9: {  	[sflag:s10] =	ssyncset.done $0x0  }
0xea: {  	s31 =	rddreg [dreg:$0x10];
	[sflag:s10] =	ssyncadd.s32 $0xFFFFE000  }
0xeb: {  	[tilespmem:s9], [sflag:$0x8] =	stream.linear.gather [spmem:s31], $0x2000, $0x38;
	[tilespmem:$0x1C000] =	vst v63  }
0xec: {  	_ =	swait.ge [sflag:s10], $0x2000  }
0xed: {  	[sflag:s10] =	ssyncset.done $0x0  }
0xee: {  	s6 =	rddreg [dreg:$0x7];
	[sflag:s10] =	ssyncadd.s32 $0xFFFFE000  }
0xef: {  	[hbm4b:s6+s2] =	stream.linear.scatter [tilespmem:s9], [sflag:$0x8], $0x2000, $0x38;
	[tilespmem:$0x1C000] =	vst v63  }
0xf0: {  	_ =	swait.ge [sflag:s10], $0x2000  }
0xf1: {  	[sflag:s10] =	ssyncset.done $0x0  }
0xf2: {  	s8 =	rddreg [dreg:$0x11];
	[sflag:s10] =	ssyncadd.s32 $0xFFFFE000  }
0xf3: {  	[tilespmem:s9], [sflag:$0x8] =	stream.linear.gather [spmem:s8], $0x2000, $0x38;
	[tilespmem:$0x1C000] =	vst v63  }
0xf4: {  	_ =	swait.ge [sflag:s10], $0x2000  }
0xf5: {  	[sflag:s10] =	ssyncset.done $0x0  }
0xf6: {  	s31 =	rddreg [dreg:$0x8];
	[sflag:s10] =	ssyncadd.s32 $0xFFFFE000  }
0xf7: {  	[hbm4b:s31+s2] =	stream.linear.scatter [tilespmem:s9], [sflag:$0x8], $0x2000, $0x38;
	[tilespmem:$0x1C000] =	vst v63  }
0xf8: {  	_ =	swait.ge [sflag:s10], $0x2000  }
0xf9: {  	[sflag:s10] =	ssyncset.done $0x0  }
0xfa: {  	s6 =	rddreg [dreg:$0x12];
	[sflag:s10] =	ssyncadd.s32 $0xFFFFE000  }
0xfb: {  	[tilespmem:s9], [sflag:$0x8] =	stream.linear.gather [spmem:s6], $0x2000, $0x38;
	[tilespmem:$0x1C000] =	vst v63  }
0xfc: {  	_ =	swait.ge [sflag:s10], $0x2000  }
0xfd: {  	[sflag:s10] =	ssyncset.done $0x0  }
0xfe: {  	s8 =	rddreg [dreg:$0x9];
	[sflag:s10] =	ssyncadd.s32 $0xFFFFE000  }
0xff: {  	[hbm4b:s8+s2] =	stream.linear.scatter [tilespmem:s9], [sflag:$0x8], $0x2000, $0x38;
	[tilespmem:$0x1C000] =	vst v63  }
0x100: {  	_ =	swait.ge [sflag:s10], $0x2000  }
0x101: {  	[sflag:s10] =	ssyncset.done $0x0  }
0x102: {  	s31 =	rddreg [dreg:$0x13];
	[sflag:s10] =	ssyncadd.s32 $0xFFFFE000  }
0x103: {  	[tilespmem:s9], [sflag:$0x8] =	stream.linear.gather [spmem:s31], $0x2000, $0x38;
	[tilespmem:$0x1C000] =	vst v63  }
0x104: {  	_ =	swait.ge [sflag:s10], $0x2000  }
0x105: {  	[sflag:s10] =	ssyncset.done $0x0  }
0x106: {  	s6 =	rddreg [dreg:$0xa];
	[sflag:s10] =	ssyncadd.s32 $0xFFFFE000  }
0x107: {  	[hbm4b:s6+s2] =	stream.linear.scatter [tilespmem:s9], [sflag:$0x8], $0x2000, $0x38;
	[tilespmem:$0x1C000] =	vst v63  }
0x108: {  	_ =	swait.ge [sflag:s10], $0x2000  }
0x109: {  	[sflag:s10] =	ssyncset.done $0x0  }
0x10a: {  	s8 =	rddreg [dreg:$0x14];
	[sflag:s10] =	ssyncadd.s32 $0xFFFFE000  }
0x10b: {  	[tilespmem:s9], [sflag:$0x8] =	stream.linear.gather [spmem:s8], $0x2000, $0x38;
	[tilespmem:$0x1C000] =	vst v63  }
0x10c: {  	_ =	swait.ge [sflag:s10], $0x2000  }
0x10d: {  	[sflag:s10] =	ssyncset.done $0x0  }
0x10e: {  	s31 =	rddreg [dreg:$0xb];
	[sflag:s10] =	ssyncadd.s32 $0xFFFFE000  }
0x10f: {  	[hbm4b:s31+s2] =	stream.linear.scatter [tilespmem:s9], [sflag:$0x8], $0x2000, $0x38;
	[tilespmem:$0x1C000] =	vst v63  }
0x110: {  	_ =	swait.ge [sflag:s10], $0x2000  }
0x111: {  	[sflag:s10] =	ssyncset.done $0x0  }
0x112: {  	s6 =	rddreg [dreg:$0x15];
	[sflag:s10] =	ssyncadd.s32 $0xFFFFE000  }
0x113: {  	[tilespmem:s9], [sflag:$0x8] =	stream.linear.gather [spmem:s6], $0x2000, $0x38;
	[tilespmem:$0x1C000] =	vst v63  }
0x114: {  	_ =	swait.ge [sflag:s10], $0x2000  }
0x115: {  	[sflag:s10] =	ssyncset.done $0x0  }
0x116: {  	s8 =	rddreg [dreg:$0xc];
	[sflag:s10] =	ssyncadd.s32 $0xFFFFE000  }
0x117: {  	[hbm4b:s8+s2] =	stream.linear.scatter [tilespmem:s9], [sflag:$0x8], $0x2000, $0x38;
	[tilespmem:$0x1C000] =	vst v63  }
0x118: {  	_ =	swait.ge [sflag:s10], $0x2000  }
0x119: {  	[sflag:s10] =	ssyncset.done $0x0  }
0x11a: {  	s31 =	rddreg [dreg:$0x16];
	[sflag:s10] =	ssyncadd.s32 $0xFFFFE000  }
0x11b: {  	[tilespmem:s9], [sflag:$0x8] =	stream.linear.gather [spmem:s31], $0x2000, $0x38;
	[tilespmem:$0x1C000] =	vst v63  }
0x11c: {  	_ =	swait.ge [sflag:s10], $0x2000  }
0x11d: {  	[sflag:s10] =	ssyncset.done $0x0  }
0x11e: {  	s6 =	rddreg [dreg:$0xd];
	[sflag:s10] =	ssyncadd.s32 $0xFFFFE000  }
0x11f: {  	[hbm4b:s6+s2] =	stream.linear.scatter [tilespmem:s9], [sflag:$0x8], $0x2000, $0x38;
	[tilespmem:$0x1C000] =	vst v63  }
0x120: {  	_ =	swait.ge [sflag:s10], $0x2000  }
0x121: {  	[sflag:s10] =	ssyncset.done $0x0  }
0x122: {  	[sflag:s10] =	ssyncadd.s32 $0xFFFFE000  }
0x123: {  	[tilespmem:s9], [sflag:$0x8] =	stream.linear.gather [spmem:s18], $0x1C00, $0x38;
	[tilespmem:$0x1C000] =	vst v63  }
0x124: {  	_ =	swait.ge [sflag:s10], $0x1C00  }
0x125: {  	[sflag:s10] =	ssyncset.done $0x0  }
0x126: {  	s8 =	rddreg [dreg:$0x4];
	[sflag:s10] =	ssyncadd.s32 $0xFFFFE400  }
0x127: {  	[hbm4b:s8+s2] =	stream.linear.scatter [tilespmem:s9], [sflag:$0x8], $0x1C00, $0x38;
	[tilespmem:$0x1C000] =	vst v63  }
0x128: {  	_ =	swait.ge [sflag:s10], $0x1C00  }
0x129: {  	s4 =	sadd.s32 $0x1, s4;
	s31 =	rddreg [dreg:$0xe]  }
0x12a: {  	p0 =	sne.s32 s4, s31  }
.Ltmp3:
0x12b: {  	_ = 	snop;
	(pc) =	sbr.rel @p0 .LBB2_1-.Ltmp3, $3  }
0x12c: {  	_ =	sdelay $0x1  }
0x12d: {  	[sflag:s10] =	ssyncset.done $0x0  }
0x12e: {  	[sflag:s10] =	ssyncadd.s32 $0xFFFFE400  }
0x12f: {  	_ =	sfence.sel $0x180000  }
0x130: {  	[bflag:$0x0] =	sbarrier.arrive $0xFFFF  }
0x131: {  	_ =	strace $0x9000004A  }
0x132: {  	s0 =	stileid.u32;
	[bflag:$0x2] =	sbarrier.arrive $0xFFFF  }
0x133: {  	p0 =	sne.s32 s0, $0x0;
	s0 =	rddreg [dreg:$0x3]  }
0x134: {  	s0 =	sadd.s32 @!p0 $0x100000, s0  }
0x135: {  	[sflag:s0] =	ssyncadd.tile.s32 @!p0 $0x1;
	_ =	shalt  }
.Lfunc_end2:
_tile_overlayer_lowered:
.L_overlay_start_2:
0x136: {  	(tag) =	ssettag $0x2  }
0x137: {  	s0 =	rddreg [dreg:$0x0];
	s2 =	stileid.u32  }
0x138: {  	s1 =	rddreg [dreg:$0x1];
	p0 =	sne.s32 s2, $0x0  }
0x139: {  	s3 =	rddreg [dreg:$0x2];
	[bflag:$0x3] =	sbarrier.arrive $0xFFFF;
	s2 =	simm.s32 @!p0 $0x1C08  }
0x13a: {  	[timem:s3], [sflag:s2] =	dma.local @!p0 [hbm:s0], s1  }
0x13b: {  	s0 =	simm.s32 @!p0 $0x8  }
0x13c: {  	_ =	swait.ge @!p0 [sflag:s0], s1  }
0x13d: {  	s1 =	ssub.s32 @!p0 $0x0, s1;
	[sflag:s0] =	ssyncset.done @!p0 $0x0  }
0x13e: {  	[sflag:s0] =	ssyncadd.s32 @!p0 s1  }
0x13f: {  	[bflag:$0x3] =	sbarrier.arrive $0xFFFF  }
0x140: {  	_ =	shalt  }

// kernel: kernel.7.cloned.1.call-start
scs
__scs_entry_jumppad:
0x0: {  	(pc) =	sbr.rel $0x88, $3  }
0x1: {  	(tag) =	ssettag $0x0;
	lr =	simm.s32 $0x1  }
0x2: {  	[smem:$0x3F94] =	sst lr;
	_ =	strace $0xD0000000  }
0x3: {  	_ = 	snop  }
0x4: {  	_ = 	snop  }
0x5: {  	_ = 	snop  }
0x6: {  	_ = 	snop  }
0x7: {  	_ = 	snop  }
__scs_overlays_trampoline_lowered:
0x8: {  	[smem:$0x3FA3] =	sst s0  }
0x9: {  	[smem:$0x3FA4] =	sst s1  }
0xa: {  	[smem:$0x3FA5] =	sst s2  }
0xb: {  	[smem:$0x3FA6] =	sst s3  }
0xc: {  	[smem:$0x3FA7] =	sst s4  }
0xd: {  	[smem:$0x3FA8] =	sst s5  }
0xe: {  	[smem:$0x3FA9] =	sst s6  }
0xf: {  	[smem:$0x3FAA] =	sst s7  }
0x10: {  	[smem:$0x3FAB] =	sst s8  }
0x11: {  	[smem:$0x3FAC] =	sst s9;
	s0 =	simm.s32 @!p0 $0x0  }
0x12: {  	s1 =	sld [smem:$0x3F92];
	s0 =	simm.s32 @p0 $0x1  }
0x13: {  	[smem:$0x3FAD] =	sst s0;
	s0 =	simm.s32 @!p1 $0x0  }
0x14: {  	s2 =	sld [smem:$0x3F91];
	s0 =	simm.s32 @p1 $0x1  }
0x15: {  	[smem:$0x3FAE] =	sst s0;
	s0 =	simm.s32 @!p2 $0x0  }
0x16: {  	s3 =	sld [smem:$0x3FDB];
	s0 =	simm.s32 @p2 $0x1  }
0x17: {  	s4 =	simm.s32 $0x1BF5;
	[smem:$0x3FB0] =	sst s0  }
0x18: {  	s0 =	sld [smem:$0x3F93];
	_ =	swait.ge [sflag:s4], $0x0  }
0x19: {  	s7 =	sld [smem:$0x3F94]  }
0x1a: {  	s8 =	sadd.s32 $0xFFFFE003, lr  }
0x1b: {  	s9 =	sadd.s32 $0xFFFFFEF7, lr;
	s5 =	simm.s32 $0xFFFFFFFF;
	p2 =	slt.u32 s8, $0xFFFFF086  }
0x1c: {  	p1 =	slt.u32 s9, $0xF7A;
	s5 =	simm.s32 @!p2 $0x0  }
0x1d: {  	s5 =	simm.s32 @p1 $0x1;
	p0 =	seq.s32 s7, s2  }
0x1e: {  	s7 =	smul.u32 @!p0 $0xF7A, s2;
	p2 =	seq.s32 @!p0 s5, $0x0  }
0x1f: {  	s9 =	smul.u32 $0xF7A, s1;
	s8 =	simm.s32 @!p0 $0x1BF5;
	p2 =	por !p2, p0  }
0x20: {  	[sflag:s8] =	ssyncset.s32 @!p0 $0xFFFFF086;
	s6 =	sadd.s32 @!p0 s3, s7;
	s7 =	simm.s32 @!p0 $0x108  }
0x21: {  	s3 =	sadd.s32 s3, s9;
	s6 =	sadd.s32 @!p0 $0x88, s6;
	s7 =	simm.s32 @p2 $0x1082  }
0x22: {  	[simem:s7], [sflag:s8] =	dma.local @!p0 [hbm:s6], $0xF7A  }
0x23: {  	s9 =	sor.u32 $0xD0000000, s2;
	s6 =	simm.s32 $0x108;
	_ =	swait.ge @!p0 [sflag:s8], $0x0  }
0x24: {  	s3 =	sadd.s32 $0x88, s3;
	s6 =	simm.s32 @!p1 $0x1082;
	[sflag:s4] =	ssyncset.s32 $0xFFFFF086  }
0x25: {  	[simem:s6], [sflag:s4] =	dma.local [hbm:s3], $0xF7A  }
0x26: {  	[smem:$0x3F94] =	sst s1;
	(tag) =	ssettag s2;
	_ =	strace s9  }
0x27: {  	s1 =	sld [smem:$0x3FA4]  }
0x28: {  	s2 =	sld [smem:$0x3FA5]  }
0x29: {  	s4 =	sld [smem:$0x3FA7]  }
0x2a: {  	p0 =	seq.s32 s5, $0x0;
	s5 =	sld [smem:$0x3FA8]  }
0x2b: {  	s6 =	sld [smem:$0x3FA9]  }
0x2c: {  	s7 =	sld [smem:$0x3FAA]  }
0x2d: {  	s3 =	simm.s32 $0x108;
	s8 =	sld [smem:$0x3FAB]  }
0x2e: {  	s3 =	simm.s32 @!p0 $0x1082;
	s9 =	sld [smem:$0x3FAC]  }
0x2f: {  	lr =	sadd.s32 s0, s3;
	s0 =	sld [smem:$0x3FA3]  }
0x30: {  	s3 =	sld [smem:$0x3FA6]  }
0x31: {  	[smem:$0x3FAF] =	sst s10  }
0x32: {  	s10 =	sld [smem:$0x3FAD];
	_ =	sdelay $0x3  }
0x33: {  	p0 =	seq.s32 s10, $0x1;
	s10 =	sld [smem:$0x3FAF];
	_ =	sdelay $0x3  }
0x34: {  	[smem:$0x3FAF] =	sst s10  }
0x35: {  	s10 =	sld [smem:$0x3FAE];
	_ =	sdelay $0x3  }
0x36: {  	p1 =	seq.s32 s10, $0x1;
	s10 =	sld [smem:$0x3FAF];
	_ =	sdelay $0x3  }
0x37: {  	[smem:$0x3FAF] =	sst s10  }
0x38: {  	s10 =	sld [smem:$0x3FB0]  }
0x39: {  	_ = 	snop;
	(pc) =	sbr.ind lr, $3  }
0x3a: {  	_ = 	snop  }
0x3b: {  	_ = 	snop  }
0x3c: {  	p2 =	seq.s32 s10, $0x1;
	s10 =	sld [smem:$0x3FAF]  }
0x3d: {  	_ =	shalt  }
0x3e: {  	_ =	shalt  }
0x3f: {  	_ =	shalt  }
0x40: {  	_ =	shalt  }
0x41: {  	_ =	shalt  }
0x42: {  	_ =	shalt  }
0x43: {  	_ =	shalt  }
0x44: {  	_ =	shalt  }
0x45: {  	_ =	shalt  }
0x46: {  	_ =	shalt  }
0x47: {  	_ =	shalt  }
0x48: {  	_ =	shalt  }
0x49: {  	_ =	shalt  }
0x4a: {  	_ =	shalt  }
0x4b: {  	_ =	shalt  }
0x4c: {  	_ =	shalt  }
0x4d: {  	_ =	shalt  }
0x4e: {  	_ =	shalt  }
0x4f: {  	_ =	shalt  }
0x50: {  	_ =	shalt  }
0x51: {  	_ =	shalt  }
0x52: {  	_ =	shalt  }
0x53: {  	_ =	shalt  }
0x54: {  	_ =	shalt  }
0x55: {  	_ =	shalt  }
0x56: {  	_ =	shalt  }
0x57: {  	_ =	shalt  }
0x58: {  	_ =	shalt  }
0x59: {  	_ =	shalt  }
0x5a: {  	_ =	shalt  }
0x5b: {  	_ =	shalt  }
0x5c: {  	_ =	shalt  }
0x5d: {  	_ =	shalt  }
0x5e: {  	_ =	shalt  }
0x5f: {  	_ =	shalt  }
0x60: {  	_ =	shalt  }
0x61: {  	_ =	shalt  }
0x62: {  	_ =	shalt  }
0x63: {  	_ =	shalt  }
0x64: {  	_ =	shalt  }
0x65: {  	_ =	shalt  }
0x66: {  	_ =	shalt  }
0x67: {  	_ =	shalt  }
0x68: {  	_ =	shalt  }
0x69: {  	_ =	shalt  }
0x6a: {  	_ =	shalt  }
0x6b: {  	_ =	shalt  }
0x6c: {  	_ =	shalt  }
0x6d: {  	_ =	shalt  }
0x6e: {  	_ =	shalt  }
0x6f: {  	_ =	shalt  }
0x70: {  	_ =	shalt  }
0x71: {  	_ =	shalt  }
0x72: {  	_ =	shalt  }
0x73: {  	_ =	shalt  }
0x74: {  	_ =	shalt  }
0x75: {  	_ =	shalt  }
0x76: {  	_ =	shalt  }
0x77: {  	_ =	shalt  }
0x78: {  	_ =	shalt  }
0x79: {  	_ =	shalt  }
0x7a: {  	_ =	shalt  }
0x7b: {  	_ =	shalt  }
0x7c: {  	_ =	shalt  }
0x7d: {  	_ =	shalt  }
0x7e: {  	_ =	shalt  }
0x7f: {  	_ =	shalt  }
0x80: {  	_ =	shalt  }
0x81: {  	_ =	shalt  }
0x82: {  	_ =	shalt  }
0x83: {  	_ =	shalt  }
0x84: {  	_ =	shalt  }
0x85: {  	_ =	shalt  }
0x86: {  	_ =	shalt  }
0x87: {  	_ =	shalt  }
.Lfunc_end0:
.L_simem_size_0:
called_computation_lowered:
.L_overlay_start_0:
0x88: {  	s2 =	sld [smem:$0x3FD9]  }
0x89: {  	s3 =	sld [smem:$0x3FFE];
	_ =	sdelay $0x1  }
0x8a: {  	s1 =	srdreg.scid  }
0x8b: {  	s0 =	sand.u32 $0x1, s1  }
0x8c: {  	s17 =	sshll.u32 s0, $0xA;
	s2 =	sadd.s32 s3, s2  }
0x8d: {  	s2 =	sadd.s32 s2, s17  }
0x8e: {  	[smem:$0x3FBB] =	sst s2  }
0x8f: {  	_ = 	snop  }
0x90: {  	s2 =	sld [smem:$0x3FD0];
	(tm) =	ssettm $0x1  }
0x91: {  	s18 =	sld [smem:$0x3FFB];
	_ =	sdelay $0x3  }
0x92: {  	_ =	strace s18  }
0x93: {  	s3 =	sld [smem:$0x3FFC];
	_ =	sdelay $0x3  }
0x94: {  	_ =	strace s3  }
0x95: {  	s3 =	sld [smem:$0x3FFD];
	_ =	sdelay $0x3  }
0x96: {  	_ =	strace s3  }
0x97: {  	_ =	strace $0x8FFFFFFF  }
0x98: {  	s19 =	sld [smem:$0x3FDB];
	_ =	sdelay $0x1  }
0x99: {  	s4 =	simm.s32 $_scs_section_size  }
0x9a: {  	s5 =	simm.s32 $_size__tile_overlayer_lowered;
	s6 =	simm.s32 $_tile_overlayer_lowered  }
0x9b: {  	s22 =	simm.s32 $0x1BFF;
	s21 =	sshll.u32 s6, $0x1;
	s3 =	sadd.s32 s4, s19  }
0x9c: {  	s7 =	simm.s32 $0x0;
	s20 =	sshll.u32 s5, $0x1;
	s5 =	sadd.s32 s21, s3  }
0x9d: {  	[timem:s7], [sflag:s22] =	dma.local [hbm:s5], s20  }
0x9e: {  	_ =	swait.ge [sflag:s22], s20  }
0x9f: {  	s4 =	ssub.s32 $0x0, s20;
	[sflag:s22] =	ssyncset.done $0x0  }
0xa0: {  	[sflag:s22] =	ssyncadd.s32 s4;
	_ =	sdelay $0x1  }
0xa1: {  	s23 =	simm.s32 $0x1B8B  }
0xa2: {  	_ =	swait.ge [sflag:s23], $0x1  }
0xa3: {  	[sflag:s23] =	ssyncset.done $0x0  }
0xa4: {  	s25 =	simm.s32 $0x1B8E;
	s24 =	sld [smem:$0x3FFE];
	[sflag:s23] =	ssyncadd.s32 $0xFFFFFFFF  }
0xa5: {  	s26 =	simm.s32 $execute0_lowered;
	[smem:$0x3FD2] =	sst s25  }
0xa6: {  	s5 =	sshll.u32 s26, $0x1;
	_ =	strace $0x80000046;
	[dreg:$0x1] =	wrdreg $0xFFFFFFFF  }
0xa7: {  	s28 =	simm.s32 $_size_execute0_lowered;
	s3 =	sadd.s32 s3, s5;
	[dreg:$0x0] =	wrdreg $0x0  }
0xa8: {  	s5 =	sshll.u32 s28, $0x1;
	[dreg:$0x2] =	wrdreg s3  }
0xa9: {  	[dreg:$0x3] =	wrdreg s5  }
0xaa: {  	[dreg:$0x4] =	wrdreg $0xC0  }
0xab: {  	_ =	task [dreg:s7], $0x5FFFF  }
0xac: {  	[dreg:$0x1] =	wrdreg $0xFFFFFFFF  }
0xad: {  	[dreg:$0x0] =	wrdreg $0x60  }
0xae: {  	[dreg:$0x2] =	wrdreg s2  }
0xaf: {  	[dreg:$0x3] =	wrdreg s24  }
0xb0: {  	[dreg:$0x4] =	wrdreg $0x25000  }
0xb1: {  	[dreg:$0x5] =	wrdreg $0x35000  }
0xb2: {  	[dreg:$0x6] =	wrdreg $0x35200  }
0xb3: {  	[dreg:$0x7] =	wrdreg $0x9  }
0xb4: {  	_ =	task.clear_ibuf [dreg:s7], $0x8FFFF;
	_ =	strace $0x90000046  }
0xb5: {  	s29 =	simm.s32 $0x9;
	_ =	strace $0x80000048  }
0xb6: {  	_ =	swait.ge [sflag:s29], $0x1  }
0xb7: {  	[sflag:s29] =	ssyncadd.s32 $0xFFFFFFFF  }
0xb8: {  	_ =	strace $0x90000048  }
0xb9: {  	_ =	sfence  }
0xba: {  	s30 =	sld [smem:$0x0];
	_ =	sdelay $0x2  }
0xbb: {  	s31 =	sshll.u32 s1, $0xD;
	s1 =	sshrl.u32 s1, $0x2  }
0xbc: {  	s3 =	sand.u32 $0x4000, s31;
	s1 =	sadd.s32 s1, s30  }
0xbd: {  	s0 =	sor.u32 s3, s0;
	s1 =	sshll.u32 s1, $0x11  }
0xbe: {  	s0 =	sor.u32 s1, s0  }
0xbf: {  	s0 =	sadd.s32 $0x8F2B, s0  }
0xc0: {  	[sflag:s0] =	ssyncadd.remote.s32 $0x1  }
0xc1: {  	_ =	sfence.sel $0xFFFF  }
0xc2: {  	[dreg:$0x0] =	wrdreg $0xFFFFFFFF;
	(pc) =	sbr.abs _section_cstart, $3  }
0xc3: {  	[dreg:$0x1] =	wrdreg $0xFFFFFFFF  }
0xc4: {  	_ =	task.clear_ibuf [dreg:s7], $0x2FFFF;
	_ =	strace $0x9FFFFFFF  }
0xc5: {  	(tm) =	ssettm $0x7FFFFFFF  }
tec
execute0_lowered:
.L_overlay_start_1:
0x0: {  	(tag) =	ssettag $0x1  }
0x1: {  	s1 =	rddreg [dreg:$0x0]  }
0x2: {  	s0 =	rddreg [dreg:$0x1]  }
0x3: {  	s2 =	rddreg [dreg:$0x2]  }
0x4: {  	s17 =	stileid.u32;
	s3 =	srdreg.scid  }
0x5: {  	s4 =	rddreg [dreg:$0x3];
	s6 =	smul.u32 $0x72, s17  }
0x6: {  	s5 =	rddreg [dreg:$0x4];
	s3 =	sand.u32 $0x1, s3;
	s7 =	smul.u32 $0xC8, s17  }
0x7: {  	s22 =	sadd.s32 $0x51600, s0;
	s23 =	sshll.u32 s17, $0x5;
	s13 =	smul.u32 $0x278, s17  }
0x8: {  	s10 =	sshll.u32 s17, $0x9;
	s12 =	sadd.s32 $0x51400, s0;
	s30 =	smul.u32 $0x9E0, s17  }
0x9: {  	p0 =	seq.s32 s3, $0x0;
	s9 =	sshll.u32 s3, $0x9;
	s11 =	smul.u32 $0x2780, s3  }
0xa: {  	s14 =	sadd.s32 s10, s0;
	s25 =	ssub.s32 $0x2, s3;
	s3 =	sshll.u32 s3, $0xD  }
0xb: {  	s8 =	sadd.s32 $0xC80, s6;
	s6 =	simm.s32 $0x0;
	s9 =	sor.u32 s23, s9  }
0xc: {  	s26 =	sshrl.u32 s25, $0x1;
	s3 =	sadd.s32 s3, s14;
	s8 =	smov.u32 @p0 s7  }
0xd: {  	[smem:$0x7FF] =	sst s6;
	s9 =	sshrl.u32 s9, $0x3;
	s24 =	sadd.s32 s13, s11  }
0xe: {  	s16 =	ssub.s32 s25, s26;
	s11 =	sshll.u32 s17, $0xC;
	s3 =	sadd.s32 $0x51A00, s3  }
0xf: {  	s7 =	sshll.u32 s8, $0x6;
	_ =	strace $0x80000047;
	[dreg:$0x6] =	wrdreg s22  }
0x10: {  	[dreg:$0x7] =	wrdreg s12;
	s15 =	sadd.s32 s9, s0;
	s9 =	sshrl.u32 s24, $0x3  }
0x11: {  	[dreg:$0x8] =	wrdreg s3;
	s17 =	smax.u32 s16, $0x1;
	s7 =	sadd.s32 s7, s0  }
0x12: {  	s0 =	sadd.s32 s9, s0;
	s14 =	sadd.s32 $0x51800, s15;
	[dreg:$0xb] =	wrdreg s17  }
0x13: {  	[dreg:$0x9] =	wrdreg s14;
	s15 =	sadd.s32 $0x55A48, s0  }
0x14: {  	s18 =	sadd.s32 $0x55A00, s0;
	[dreg:$0xa] =	wrdreg s15  }
0x15: {  	s19 =	sadd.s32 $0x55A08, s0;
	[dreg:$0xc] =	wrdreg s18  }
0x16: {  	s20 =	sadd.s32 $0x55A10, s0;
	[dreg:$0xd] =	wrdreg s19  }
0x17: {  	s21 =	sadd.s32 $0x55A18, s0;
	[dreg:$0xe] =	wrdreg s20  }
0x18: {  	s22 =	sadd.s32 $0x55A20, s0;
	[dreg:$0xf] =	wrdreg s21  }
0x19: {  	s10 =	sadd.s32 s23, s4;
	s23 =	sadd.s32 $0x55A28, s0;
	[dreg:$0x10] =	wrdreg s22  }
0x1a: {  	s24 =	sadd.s32 $0x55A30, s0;
	[dreg:$0x11] =	wrdreg s23  }
0x1b: {  	s25 =	sadd.s32 $0x55A38, s0;
	[dreg:$0x12] =	wrdreg s24  }
0x1c: {  	s12 =	sshrl.u32 s30, $0x2;
	s0 =	sadd.s32 $0x55A40, s0;
	[dreg:$0x13] =	wrdreg s25  }
0x1d: {  	s9 =	sadd.s32 s11, s2;
	s26 =	sadd.s32 $0x2A00, s7;
	[dreg:$0x14] =	wrdreg s0  }
0x1e: {  	s11 =	sadd.s32 s12, s5;
	s30 =	sadd.s32 $0x2A40, s7;
	[dreg:$0x15] =	wrdreg s26  }
0x1f: {  	s3 =	sadd.s32 $0x40, s11;
	[dreg:$0x16] =	wrdreg s30  }
0x20: {  	s8 =	sadd.s32 $0xC0, s11;
	[dreg:$0x17] =	wrdreg s3  }
0x21: {  	s14 =	sadd.s32 $0x100, s11;
	[dreg:$0x19] =	wrdreg s8  }
0x22: {  	s16 =	sadd.s32 $0x180, s11;
	[dreg:$0x1a] =	wrdreg s14  }
0x23: {  	s28 =	simm.s32 $0x5;
	s17 =	sadd.s32 $0x1C0, s11;
	[dreg:$0x1c] =	wrdreg s16  }
0x24: {  	s24 =	sadd.s32 $0x2AC0, s7;
	s7 =	sadd.s32 $0x80, s11;
	[dreg:$0x1d] =	wrdreg s17  }
0x25: {  	s29 =	simm.s32 $0x2480;
	s15 =	sadd.s32 $0x140, s11;
	[dreg:$0x18] =	wrdreg s7  }
0x26: {  	s13 =	sadd.s32 s13, s5;
	s18 =	sadd.s32 $0x200, s11;
	[dreg:$0x1b] =	wrdreg s15  }
0x27: {  	s31 =	sadd.s32 $0x240, s13;
	s19 =	sadd.s32 $0x40, s13;
	[dreg:$0x1e] =	wrdreg s18  }
0x28: {  	s12 =	simm.s32 $0x64;
	s20 =	sadd.s32 $0x80, s13;
	[dreg:$0x1f] =	wrdreg s19  }
0x29: {  	s12 =	simm.s32 @!p0 $0x39;
	s21 =	sadd.s32 $0xC0, s13;
	[smem:$0x7F7] =	sst s20  }
0x2a: {  	s22 =	sadd.s32 $0x100, s13;
	s23 =	sadd.s32 $0x140, s13;
	[smem:$0x7F8] =	sst s21  }
0x2b: {  	s25 =	sadd.s32 $0x180, s13;
	s26 =	sadd.s32 $0x1C0, s13;
	[smem:$0x7F9] =	sst s22  }
0x2c: {  	s30 =	sadd.s32 $0x200, s13;
	s3 =	simm.s32 $0x400;
	[smem:$0x7FA] =	sst s23  }
0x2d: {  	s0 =	simm.s32 $0x200;
	s8 =	simm.s32 $0x40;
	[smem:$0x7FB] =	sst s25  }
0x2e: {  	s14 =	simm.s32 $0x3;
	s16 =	simm.s32 $0x80;
	[smem:$0x7FC] =	sst s26  }
0x2f: {  	s17 =	simm.s32 $0x4;
	[smem:$0x7FD] =	sst s30;
	s26 =	simm.s32 $0x2400  }
0x30: {  	s7 =	simm.s32 $0x1;
	s15 =	simm.s32 $0x100;
	s18 =	simm.s32 $0x2  }
0x31: {  	v0 =	vimm.f32 $0.0e+00;
	s19 =	simm.s32 $0x300;
	s20 =	simm.s32 $0x280;
	s21 =	simm.s32 $0x0  }
.LBB2_1:
0x32: {  	s22 =	rddreg [dreg:$0x6]  }
0x33: {  	[tilespmem:s26], [sflag:$0x5] =	stream.linear.gather [hbm4b:s22+s6], $0x80, $0x38;
	[tilespmem:$0x3798] =	vst v63  }
0x34: {  	_ =	swait.ge [sflag:s28], $0x80  }
0x35: {  	[sflag:s28] =	ssyncset.done $0x0  }
0x36: {  	s30 =	rddreg [dreg:$0x7];
	[sflag:s28] =	ssyncadd.s32 $0xFFFFFF80  }
0x37: {  	[tilespmem:s29], [sflag:$0x5] =	stream.linear.gather [hbm4b:s30+s6], $0x80, $0x38;
	[tilespmem:$0x3798] =	vst v63  }
0x38: {  	_ =	swait.ge [sflag:s28], $0x80  }
0x39: {  	[sflag:s28] =	ssyncset.done $0x0  }
0x3a: {  	s23 =	simm.s32 $0x200;
	s22 =	simm.s32 $0x0;
	[sflag:s28] =	ssyncadd.s32 $0xFFFFFF80  }
.LBB2_2:
0x3b: {  	p0 =	sne.s32 s23, $0x7E00;
	[tilespmem:s22+$0x470] =	vst v0  }
0x3c: {  	[tilespmem:s22+$0x400] =	vst v0  }
0x3d: {  	[tilespmem:s22+$0x410] =	vst v0  }
.Ltmp0:
0x3e: {  	[tilespmem:s22+$0x420] =	vst v0;
	(pc) =	sbr.rel @p0 .LBB2_2-.Ltmp0, $4  }
0x3f: {  	[tilespmem:s22+$0x430] =	vst v0  }
0x40: {  	[tilespmem:s22+$0x440] =	vst v0  }
0x41: {  	[tilespmem:s22+$0x450] =	vst v0  }
0x42: {  	[tilespmem:s22+$0x460] =	vst v0;
	s22 =	sshra.s32 s23, $0x2;
	s23 =	sadd.s32 $0x200, s23  }
0x43: {  	[tilespmem:s22+$0x470] =	vst v0  }
0x44: {  	[tilespmem:s22+$0x400] =	vst v0  }
0x45: {  	[tilespmem:s22+$0x410] =	vst v0  }
0x46: {  	[tilespmem:s22+$0x420] =	vst v0  }
0x47: {  	[tilespmem:s22+$0x430] =	vst v0  }
0x48: {  	[tilespmem:s22+$0x440] =	vst v0  }
0x49: {  	[tilespmem:s22+$0x450] =	vst v0  }
0x4a: {  	[tilespmem:s22+$0x460] =	vst v0  }
0x4b: {  	[spmem:s9] =	stream.linear.scatter [tilespmem:s3], [sflag:$0x5], $0x1000, $0x38;
	[tilespmem:$0x3798] =	vst v63  }
0x4c: {  	_ =	swait.ge [sflag:s28], $0x1000  }
0x4d: {  	[sflag:s28] =	ssyncset.done $0x0  }
0x4e: {  	[sflag:s28] =	ssyncadd.s32 $0xFFFFF000  }
0x4f: {  	[spmem:s10] =	stream.linear.scatter [tilespmem:s29], [sflag:$0x5], $0x20, $0x38;
	[tilespmem:$0x3798] =	vst v63  }
0x50: {  	_ =	swait.ge [sflag:s28], $0x20  }
0x51: {  	[sflag:s28] =	ssyncset.done $0x0  }
0x52: {  	[sflag:s28] =	ssyncadd.s32 $0xFFFFFFE0  }
0x53: {  	[spmem:s11] =	stream.linear.scatter [tilespmem:s29], [sflag:$0x5], $0x40, $0x38;
	[tilespmem:$0x3798] =	vst v63  }
0x54: {  	_ =	swait.ge [sflag:s28], $0x40  }
0x55: {  	[sflag:s28] =	ssyncset.done $0x0  }
0x56: {  	s25 =	rddreg [dreg:$0x17];
	[sflag:s28] =	ssyncadd.s32 $0xFFFFFFC0  }
0x57: {  	[spmem:s25] =	stream.linear.scatter [tilespmem:s29], [sflag:$0x5], $0x40, $0x38;
	[tilespmem:$0x3798] =	vst v63  }
0x58: {  	_ =	swait.ge [sflag:s28], $0x40  }
0x59: {  	[sflag:s28] =	ssyncset.done $0x0  }
0x5a: {  	s23 =	rddreg [dreg:$0x18];
	[sflag:s28] =	ssyncadd.s32 $0xFFFFFFC0  }
0x5b: {  	[spmem:s23] =	stream.linear.scatter [tilespmem:s29], [sflag:$0x5], $0x40, $0x38;
	[tilespmem:$0x3798] =	vst v63  }
0x5c: {  	_ =	swait.ge [sflag:s28], $0x40  }
0x5d: {  	[sflag:s28] =	ssyncset.done $0x0  }
0x5e: {  	s25 =	rddreg [dreg:$0x19];
	[sflag:s28] =	ssyncadd.s32 $0xFFFFFFC0  }
0x5f: {  	[spmem:s25] =	stream.linear.scatter [tilespmem:s29], [sflag:$0x5], $0x40, $0x38;
	[tilespmem:$0x3798] =	vst v63  }
0x60: {  	_ =	swait.ge [sflag:s28], $0x40  }
0x61: {  	[sflag:s28] =	ssyncset.done $0x0  }
0x62: {  	s23 =	rddreg [dreg:$0x1a];
	[sflag:s28] =	ssyncadd.s32 $0xFFFFFFC0  }
0x63: {  	[spmem:s23] =	stream.linear.scatter [tilespmem:s29], [sflag:$0x5], $0x40, $0x38;
	[tilespmem:$0x3798] =	vst v63  }
0x64: {  	_ =	swait.ge [sflag:s28], $0x40  }
0x65: {  	[sflag:s28] =	ssyncset.done $0x0  }
0x66: {  	s25 =	rddreg [dreg:$0x1b];
	[sflag:s28] =	ssyncadd.s32 $0xFFFFFFC0  }
0x67: {  	[spmem:s25] =	stream.linear.scatter [tilespmem:s29], [sflag:$0x5], $0x40, $0x38;
	[tilespmem:$0x3798] =	vst v63  }
0x68: {  	_ =	swait.ge [sflag:s28], $0x40  }
0x69: {  	[sflag:s28] =	ssyncset.done $0x0  }
0x6a: {  	s23 =	rddreg [dreg:$0x1c];
	[sflag:s28] =	ssyncadd.s32 $0xFFFFFFC0  }
0x6b: {  	[spmem:s23] =	stream.linear.scatter [tilespmem:s29], [sflag:$0x5], $0x40, $0x38;
	[tilespmem:$0x3798] =	vst v63  }
0x6c: {  	_ =	swait.ge [sflag:s28], $0x40  }
0x6d: {  	[sflag:s28] =	ssyncset.done $0x0  }
0x6e: {  	s25 =	rddreg [dreg:$0x1d];
	[sflag:s28] =	ssyncadd.s32 $0xFFFFFFC0  }
0x6f: {  	[spmem:s25] =	stream.linear.scatter [tilespmem:s29], [sflag:$0x5], $0x40, $0x38;
	[tilespmem:$0x3798] =	vst v63  }
0x70: {  	_ =	swait.ge [sflag:s28], $0x40  }
0x71: {  	[sflag:s28] =	ssyncset.done $0x0  }
0x72: {  	s23 =	rddreg [dreg:$0x1e];
	[sflag:s28] =	ssyncadd.s32 $0xFFFFFFC0  }
0x73: {  	[spmem:s23] =	stream.linear.scatter [tilespmem:s29], [sflag:$0x5], $0x40, $0x38;
	[tilespmem:$0x3798] =	vst v63  }
0x74: {  	_ =	swait.ge [sflag:s28], $0x40  }
0x75: {  	[sflag:s28] =	ssyncset.done $0x0  }
0x76: {  	[sflag:s28] =	ssyncadd.s32 $0xFFFFFFC0  }
0x77: {  	[spmem:s31] =	stream.linear.scatter [tilespmem:s29], [sflag:$0x5], $0x38, $0x38;
	[tilespmem:$0x3798] =	vst v63  }
0x78: {  	_ =	swait.ge [sflag:s28], $0x38  }
0x79: {  	[sflag:s28] =	ssyncset.done $0x0  }
0x7a: {  	[sflag:s28] =	ssyncadd.s32 $0xFFFFFFC8  }
0x7b: {  	[bflag:$0x0] =	sbarrier.arrive $0xFFFF  }
0x7c: {  	s25 =	rddreg [dreg:$0x15]  }
0x7d: {  	[tilespmem:s6], [sflag:$0x1] =	stream.linear.gather [hbm4b:s25+s6], $0x180, $0x38;
	[tilespmem:$0x3798] =	vst v63  }
0x7e: {  	s23 =	rddreg [dreg:$0x16]  }
0x7f: {  	[tilespmem:s0], [sflag:$0x2] =	stream.linear.gather [hbm4b:s23+s6], $0x180, $0x38;
	[tilespmem:$0x3798] =	vst v63  }
0x80: {  	_ =	swait.ge [sflag:s7], $0x180  }
0x81: {  	[sflag:s7] =	ssyncset.done $0x0  }
0x82: {  	[sflag:s7] =	ssyncadd.s32 $0xFFFFFE80  }
0x83: {  	[tilespmem:s3], [sflag:$0x3] =	stream.indirect.gather [hbm4b:s1+s8], $0x80, s6, s8, $0xb8;
	[tilespmem:$0x3798] =	vst v63  }
0x84: {  	_ =	swait.ge [sflag:s14], $0x2000  }
0x85: {  	[sflag:s14] =	ssyncset.done $0x0  }
0x86: {  	[sflag:s14] =	ssyncadd.s32 $0xFFFFE000  }
0x87: {  	[spmem:s2] =	stream.indirect.scatter.add.f32 [tilespmem:s3], [sflag:$0x4], $0x80, s15, s8, $0xb8;
	[tilespmem:$0x3798] =	vst v63  }
0x88: {  	_ = 	snop  }
0x89: {  	[spmem:s4] =	stream.indirect.scatter.add.f32 [tilespmem:s26], [sflag:$0x4], $0x1, s15, s8, $0xb8;
	[tilespmem:$0x3798] =	vst v63  }
0x8a: {  	_ = 	snop  }
0x8b: {  	[spmem:s5] =	stream.indirect.scatter.add.f32 [tilespmem:s26], [sflag:$0x4], $0x1, s16, s8, $0xb8;
	[tilespmem:$0x3798] =	vst v63  }
0x8c: {  	_ =	swait.ge [sflag:s17], $0x2000  }
0x8d: {  	[sflag:s17] =	ssyncset.done $0x0  }
0x8e: {  	[sflag:s17] =	ssyncadd.s32 $0xFFFFE000  }
0x8f: {  	_ =	swait.ge [sflag:s17], $0x40  }
0x90: {  	[sflag:s17] =	ssyncset.done $0x0  }
0x91: {  	[sflag:s17] =	ssyncadd.s32 $0xFFFFFFC0  }
0x92: {  	_ =	swait.ge [sflag:s17], $0x40  }
0x93: {  	[sflag:s17] =	ssyncset.done $0x0  }
0x94: {  	s25 =	sadd.s32 $0xFFFFFFC0, s24;
	[sflag:s17] =	ssyncadd.s32 $0xFFFFFFC0  }
0x95: {  	[tilespmem:s6], [sflag:$0x1] =	stream.linear.gather [hbm4b:s25+s6], $0x180, $0x38;
	[tilespmem:$0x3798] =	vst v63  }
0x96: {  	_ =	swait.ge [sflag:s18], $0x180  }
0x97: {  	[sflag:s18] =	ssyncset.done $0x0  }
0x98: {  	[sflag:s18] =	ssyncadd.s32 $0xFFFFFE80  }
0x99: {  	[tilespmem:s3], [sflag:$0x3] =	stream.indirect.gather [hbm4b:s1+s8], $0x80, s0, s8, $0xb8;
	[tilespmem:$0x3798] =	vst v63  }
0x9a: {  	_ =	swait.ge [sflag:s14], $0x2000  }
0x9b: {  	[sflag:s14] =	ssyncset.done $0x0  }
0x9c: {  	[sflag:s14] =	ssyncadd.s32 $0xFFFFE000  }
0x9d: {  	[spmem:s2] =	stream.indirect.scatter.add.f32 [tilespmem:s3], [sflag:$0x4], $0x80, s19, s8, $0xb8;
	[tilespmem:$0x3798] =	vst v63  }
0x9e: {  	_ = 	snop  }
0x9f: {  	[spmem:s4] =	stream.indirect.scatter.add.f32 [tilespmem:s26], [sflag:$0x4], $0x1, s19, s8, $0xb8;
	[tilespmem:$0x3798] =	vst v63  }
0xa0: {  	_ = 	snop  }
0xa1: {  	[spmem:s5] =	stream.indirect.scatter.add.f32 [tilespmem:s26], [sflag:$0x4], $0x1, s20, s8, $0xb8;
	[tilespmem:$0x3798] =	vst v63  }
0xa2: {  	_ =	swait.ge [sflag:s17], $0x2000  }
0xa3: {  	[sflag:s17] =	ssyncset.done $0x0  }
0xa4: {  	[sflag:s17] =	ssyncadd.s32 $0xFFFFE000  }
0xa5: {  	p0 =	sne.s32 s12, $0x1;
	_ =	swait.ge [sflag:s17], $0x40  }
.Ltmp1:
0xa6: {  	[sflag:s17] =	ssyncset.done $0x0;
	(pc) =	sbr.rel @!p0 .LBB2_5-.Ltmp1, $4  }
0xa7: {  	[sflag:s17] =	ssyncadd.s32 $0xFFFFFFC0  }
0xa8: {  	_ =	swait.ge [sflag:s17], $0x40  }
0xa9: {  	s22 =	sadd.s32 $0xFFFFFFFF, s12;
	[sflag:s17] =	ssyncset.done $0x0  }
0xaa: {  	s30 =	smov.u32 s24;
	s23 =	sadd.s32 $0x80, s24;
	[sflag:s17] =	ssyncadd.s32 $0xFFFFFFC0  }
.LBB2_4:
0xab: {  	[tilespmem:s0], [sflag:$0x2] =	stream.linear.gather [hbm4b:s30+s6], $0x180, $0x38;
	[tilespmem:$0x3798] =	vst v63  }
0xac: {  	p0 =	sne.s32 s22, $0x1;
	s22 =	sadd.s32 $0xFFFFFFFF, s22;
	_ =	swait.ge [sflag:s7], $0x180  }
0xad: {  	s30 =	smov.u32 s23;
	[sflag:s7] =	ssyncset.done $0x0  }
0xae: {  	[sflag:s7] =	ssyncadd.s32 $0xFFFFFE80  }
0xaf: {  	[tilespmem:s3], [sflag:$0x3] =	stream.indirect.gather [hbm4b:s1+s8], $0x80, s6, s8, $0xb8;
	[tilespmem:$0x3798] =	vst v63  }
0xb0: {  	_ =	swait.ge [sflag:s14], $0x2000  }
0xb1: {  	[sflag:s14] =	ssyncset.done $0x0  }
0xb2: {  	[sflag:s14] =	ssyncadd.s32 $0xFFFFE000  }
0xb3: {  	[spmem:s2] =	stream.indirect.scatter.add.f32 [tilespmem:s3], [sflag:$0x4], $0x80, s15, s8, $0xb8;
	[tilespmem:$0x3798] =	vst v63  }
0xb4: {  	_ = 	snop  }
0xb5: {  	[spmem:s4] =	stream.indirect.scatter.add.f32 [tilespmem:s26], [sflag:$0x4], $0x1, s15, s8, $0xb8;
	[tilespmem:$0x3798] =	vst v63  }
0xb6: {  	_ = 	snop  }
0xb7: {  	[spmem:s5] =	stream.indirect.scatter.add.f32 [tilespmem:s26], [sflag:$0x4], $0x1, s16, s8, $0xb8;
	[tilespmem:$0x3798] =	vst v63  }
0xb8: {  	_ =	swait.ge [sflag:s17], $0x2000  }
0xb9: {  	[sflag:s17] =	ssyncset.done $0x0  }
0xba: {  	[sflag:s17] =	ssyncadd.s32 $0xFFFFE000  }
0xbb: {  	_ =	swait.ge [sflag:s17], $0x40  }
0xbc: {  	[sflag:s17] =	ssyncset.done $0x0  }
0xbd: {  	[sflag:s17] =	ssyncadd.s32 $0xFFFFFFC0  }
0xbe: {  	_ =	swait.ge [sflag:s17], $0x40  }
0xbf: {  	[sflag:s17] =	ssyncset.done $0x0  }
0xc0: {  	s25 =	sadd.s32 $0xFFFFFFC0, s23;
	[sflag:s17] =	ssyncadd.s32 $0xFFFFFFC0  }
0xc1: {  	[tilespmem:s6], [sflag:$0x1] =	stream.linear.gather [hbm4b:s25+s6], $0x180, $0x38;
	[tilespmem:$0x3798] =	vst v63  }
0xc2: {  	_ =	swait.ge [sflag:s18], $0x180  }
0xc3: {  	[sflag:s18] =	ssyncset.done $0x0  }
0xc4: {  	[sflag:s18] =	ssyncadd.s32 $0xFFFFFE80  }
0xc5: {  	[tilespmem:s3], [sflag:$0x3] =	stream.indirect.gather [hbm4b:s1+s8], $0x80, s0, s8, $0xb8;
	[tilespmem:$0x3798] =	vst v63  }
0xc6: {  	_ =	swait.ge [sflag:s14], $0x2000  }
0xc7: {  	[sflag:s14] =	ssyncset.done $0x0  }
0xc8: {  	[sflag:s14] =	ssyncadd.s32 $0xFFFFE000  }
0xc9: {  	[spmem:s2] =	stream.indirect.scatter.add.f32 [tilespmem:s3], [sflag:$0x4], $0x80, s19, s8, $0xb8;
	[tilespmem:$0x3798] =	vst v63  }
0xca: {  	_ = 	snop  }
0xcb: {  	[spmem:s4] =	stream.indirect.scatter.add.f32 [tilespmem:s26], [sflag:$0x4], $0x1, s19, s8, $0xb8;
	[tilespmem:$0x3798] =	vst v63  }
0xcc: {  	_ = 	snop  }
0xcd: {  	[spmem:s5] =	stream.indirect.scatter.add.f32 [tilespmem:s26], [sflag:$0x4], $0x1, s20, s8, $0xb8;
	[tilespmem:$0x3798] =	vst v63  }
0xce: {  	_ =	swait.ge [sflag:s17], $0x2000  }
0xcf: {  	[sflag:s17] =	ssyncset.done $0x0  }
0xd0: {  	[sflag:s17] =	ssyncadd.s32 $0xFFFFE000  }
0xd1: {  	_ =	swait.ge [sflag:s17], $0x40  }
.Ltmp2:
0xd2: {  	[sflag:s17] =	ssyncset.done $0x0;
	(pc) =	sbr.rel @p0 .LBB2_4-.Ltmp2, $4  }
0xd3: {  	[sflag:s17] =	ssyncadd.s32 $0xFFFFFFC0  }
0xd4: {  	_ =	swait.ge [sflag:s17], $0x40  }
0xd5: {  	[sflag:s17] =	ssyncset.done $0x0  }
0xd6: {  	s23 =	sadd.s32 $0x80, s23;
	[sflag:s17] =	ssyncadd.s32 $0xFFFFFFC0  }
.LBB2_5:
0xd7: {  	[tilespmem:s0], [sflag:$0x2] =	stream.linear.gather [hbm4b:s30+s6], $0x180, $0x38;
	[tilespmem:$0x3798] =	vst v63  }
0xd8: {  	_ =	swait.ge [sflag:s7], $0x180  }
0xd9: {  	[sflag:s7] =	ssyncset.done $0x0  }
0xda: {  	[sflag:s7] =	ssyncadd.s32 $0xFFFFFE80  }
0xdb: {  	_ =	swait.ge [sflag:s18], $0x180  }
0xdc: {  	[sflag:s18] =	ssyncset.done $0x0  }
0xdd: {  	[sflag:s18] =	ssyncadd.s32 $0xFFFFFE80  }
0xde: {  	[bflag:$0x0] =	sbarrier.arrive $0xFFFF  }
0xdf: {  	[tilespmem:s3], [sflag:$0x5] =	stream.linear.gather [spmem:s9], $0x1000, $0x38;
	[tilespmem:$0x3798] =	vst v63  }
0xe0: {  	_ =	swait.ge [sflag:s28], $0x1000  }
0xe1: {  	[sflag:s28] =	ssyncset.done $0x0  }
0xe2: {  	s22 =	rddreg [dreg:$0x8];
	[sflag:s28] =	ssyncadd.s32 $0xFFFFF000  }
0xe3: {  	[hbm4b:s22+s6] =	stream.linear.scatter [tilespmem:s3], [sflag:$0x5], $0x1000, $0x38;
	[tilespmem:$0x3798] =	vst v63  }
0xe4: {  	_ =	swait.ge [sflag:s28], $0x1000  }
0xe5: {  	[sflag:s28] =	ssyncset.done $0x0  }
0xe6: {  	[sflag:s28] =	ssyncadd.s32 $0xFFFFF000  }
0xe7: {  	[tilespmem:s29], [sflag:$0x5] =	stream.linear.gather [spmem:s10], $0x20, $0x38;
	[tilespmem:$0x3798] =	vst v63  }
0xe8: {  	_ =	swait.ge [sflag:s28], $0x20  }
0xe9: {  	[sflag:s28] =	ssyncset.done $0x0  }
0xea: {  	s25 =	rddreg [dreg:$0x9];
	[sflag:s28] =	ssyncadd.s32 $0xFFFFFFE0  }
0xeb: {  	[hbm4b:s25+s6] =	stream.linear.scatter [tilespmem:s29], [sflag:$0x5], $0x20, $0x38;
	[tilespmem:$0x3798] =	vst v63  }
0xec: {  	_ =	swait.ge [sflag:s28], $0x20  }
0xed: {  	[sflag:s28] =	ssyncset.done $0x0  }
0xee: {  	[sflag:s28] =	ssyncadd.s32 $0xFFFFFFE0  }
0xef: {  	[tilespmem:s29], [sflag:$0x5] =	stream.linear.gather [spmem:s13], $0x40, $0x38;
	[tilespmem:$0x3798] =	vst v63  }
0xf0: {  	_ =	swait.ge [sflag:s28], $0x40  }
0xf1: {  	[sflag:s28] =	ssyncset.done $0x0  }
0xf2: {  	s30 =	rddreg [dreg:$0xc];
	[sflag:s28] =	ssyncadd.s32 $0xFFFFFFC0  }
0xf3: {  	[hbm4b:s30+s6] =	stream.linear.scatter [tilespmem:s29], [sflag:$0x5], $0x40, $0x38;
	[tilespmem:$0x3798] =	vst v63  }
0xf4: {  	_ =	swait.ge [sflag:s28], $0x40  }
0xf5: {  	[sflag:s28] =	ssyncset.done $0x0  }
0xf6: {  	s23 =	rddreg [dreg:$0x1f];
	[sflag:s28] =	ssyncadd.s32 $0xFFFFFFC0  }
0xf7: {  	[tilespmem:s29], [sflag:$0x5] =	stream.linear.gather [spmem:s23], $0x40, $0x38;
	[tilespmem:$0x3798] =	vst v63  }
0xf8: {  	_ =	swait.ge [sflag:s28], $0x40  }
0xf9: {  	[sflag:s28] =	ssyncset.done $0x0  }
0xfa: {  	s25 =	rddreg [dreg:$0xd];
	[sflag:s28] =	ssyncadd.s32 $0xFFFFFFC0  }
0xfb: {  	[hbm4b:s25+s6] =	stream.linear.scatter [tilespmem:s29], [sflag:$0x5], $0x40, $0x38;
	[tilespmem:$0x3798] =	vst v63  }
0xfc: {  	_ =	swait.ge [sflag:s28], $0x40  }
0xfd: {  	s30 =	sld [smem:$0x7F7]  }
0xfe: {  	[sflag:s28] =	ssyncset.done $0x0  }
0xff: {  	[sflag:s28] =	ssyncadd.s32 $0xFFFFFFC0  }
0x100: {  	[tilespmem:s29], [sflag:$0x5] =	stream.linear.gather [spmem:s30], $0x40, $0x38;
	[tilespmem:$0x3798] =	vst v63  }
0x101: {  	_ =	swait.ge [sflag:s28], $0x40  }
0x102: {  	[sflag:s28] =	ssyncset.done $0x0  }
0x103: {  	s23 =	rddreg [dreg:$0xe];
	[sflag:s28] =	ssyncadd.s32 $0xFFFFFFC0  }
0x104: {  	[hbm4b:s23+s6] =	stream.linear.scatter [tilespmem:s29], [sflag:$0x5], $0x40, $0x38;
	[tilespmem:$0x3798] =	vst v63  }
0x105: {  	_ =	swait.ge [sflag:s28], $0x40  }
0x106: {  	s25 =	sld [smem:$0x7F8]  }
0x107: {  	[sflag:s28] =	ssyncset.done $0x0  }
0x108: {  	[sflag:s28] =	ssyncadd.s32 $0xFFFFFFC0  }
0x109: {  	[tilespmem:s29], [sflag:$0x5] =	stream.linear.gather [spmem:s25], $0x40, $0x38;
	[tilespmem:$0x3798] =	vst v63  }
0x10a: {  	_ =	swait.ge [sflag:s28], $0x40  }
0x10b: {  	[sflag:s28] =	ssyncset.done $0x0  }
0x10c: {  	s30 =	rddreg [dreg:$0xf];
	[sflag:s28] =	ssyncadd.s32 $0xFFFFFFC0  }
0x10d: {  	[hbm4b:s30+s6] =	stream.linear.scatter [tilespmem:s29], [sflag:$0x5], $0x40, $0x38;
	[tilespmem:$0x3798] =	vst v63  }
0x10e: {  	_ =	swait.ge [sflag:s28], $0x40  }
0x10f: {  	s23 =	sld [smem:$0x7F9]  }
0x110: {  	[sflag:s28] =	ssyncset.done $0x0  }
0x111: {  	[sflag:s28] =	ssyncadd.s32 $0xFFFFFFC0  }
0x112: {  	[tilespmem:s29], [sflag:$0x5] =	stream.linear.gather [spmem:s23], $0x40, $0x38;
	[tilespmem:$0x3798] =	vst v63  }
0x113: {  	_ =	swait.ge [sflag:s28], $0x40  }
0x114: {  	[sflag:s28] =	ssyncset.done $0x0  }
0x115: {  	s25 =	rddreg [dreg:$0x10];
	[sflag:s28] =	ssyncadd.s32 $0xFFFFFFC0  }
0x116: {  	[hbm4b:s25+s6] =	stream.linear.scatter [tilespmem:s29], [sflag:$0x5], $0x40, $0x38;
	[tilespmem:$0x3798] =	vst v63  }
0x117: {  	_ =	swait.ge [sflag:s28], $0x40  }
0x118: {  	s30 =	sld [smem:$0x7FA]  }
0x119: {  	[sflag:s28] =	ssyncset.done $0x0  }
0x11a: {  	[sflag:s28] =	ssyncadd.s32 $0xFFFFFFC0  }
0x11b: {  	[tilespmem:s29], [sflag:$0x5] =	stream.linear.gather [spmem:s30], $0x40, $0x38;
	[tilespmem:$0x3798] =	vst v63  }
0x11c: {  	_ =	swait.ge [sflag:s28], $0x40  }
0x11d: {  	[sflag:s28] =	ssyncset.done $0x0  }
0x11e: {  	s23 =	rddreg [dreg:$0x11];
	[sflag:s28] =	ssyncadd.s32 $0xFFFFFFC0  }
0x11f: {  	[hbm4b:s23+s6] =	stream.linear.scatter [tilespmem:s29], [sflag:$0x5], $0x40, $0x38;
	[tilespmem:$0x3798] =	vst v63  }
0x120: {  	_ =	swait.ge [sflag:s28], $0x40  }
0x121: {  	s25 =	sld [smem:$0x7FB]  }
0x122: {  	[sflag:s28] =	ssyncset.done $0x0  }
0x123: {  	[sflag:s28] =	ssyncadd.s32 $0xFFFFFFC0  }
0x124: {  	[tilespmem:s29], [sflag:$0x5] =	stream.linear.gather [spmem:s25], $0x40, $0x38;
	[tilespmem:$0x3798] =	vst v63  }
0x125: {  	_ =	swait.ge [sflag:s28], $0x40  }
0x126: {  	[sflag:s28] =	ssyncset.done $0x0  }
0x127: {  	s30 =	rddreg [dreg:$0x12];
	[sflag:s28] =	ssyncadd.s32 $0xFFFFFFC0  }
0x128: {  	[hbm4b:s30+s6] =	stream.linear.scatter [tilespmem:s29], [sflag:$0x5], $0x40, $0x38;
	[tilespmem:$0x3798] =	vst v63  }
0x129: {  	_ =	swait.ge [sflag:s28], $0x40  }
0x12a: {  	s23 =	sld [smem:$0x7FC]  }
0x12b: {  	[sflag:s28] =	ssyncset.done $0x0  }
0x12c: {  	[sflag:s28] =	ssyncadd.s32 $0xFFFFFFC0  }
0x12d: {  	[tilespmem:s29], [sflag:$0x5] =	stream.linear.gather [spmem:s23], $0x40, $0x38;
	[tilespmem:$0x3798] =	vst v63  }
0x12e: {  	_ =	swait.ge [sflag:s28], $0x40  }
0x12f: {  	[sflag:s28] =	ssyncset.done $0x0  }
0x130: {  	s25 =	rddreg [dreg:$0x13];
	[sflag:s28] =	ssyncadd.s32 $0xFFFFFFC0  }
0x131: {  	[hbm4b:s25+s6] =	stream.linear.scatter [tilespmem:s29], [sflag:$0x5], $0x40, $0x38;
	[tilespmem:$0x3798] =	vst v63  }
0x132: {  	_ =	swait.ge [sflag:s28], $0x40  }
0x133: {  	s30 =	sld [smem:$0x7FD]  }
0x134: {  	[sflag:s28] =	ssyncset.done $0x0  }
0x135: {  	[sflag:s28] =	ssyncadd.s32 $0xFFFFFFC0  }
0x136: {  	[tilespmem:s29], [sflag:$0x5] =	stream.linear.gather [spmem:s30], $0x40, $0x38;
	[tilespmem:$0x3798] =	vst v63  }
0x137: {  	_ =	swait.ge [sflag:s28], $0x40  }
0x138: {  	[sflag:s28] =	ssyncset.done $0x0  }
0x139: {  	s23 =	rddreg [dreg:$0x14];
	[sflag:s28] =	ssyncadd.s32 $0xFFFFFFC0  }
0x13a: {  	[hbm4b:s23+s6] =	stream.linear.scatter [tilespmem:s29], [sflag:$0x5], $0x40, $0x38;
	[tilespmem:$0x3798] =	vst v63  }
0x13b: {  	_ =	swait.ge [sflag:s28], $0x40  }
0x13c: {  	[sflag:s28] =	ssyncset.done $0x0  }
0x13d: {  	[sflag:s28] =	ssyncadd.s32 $0xFFFFFFC0  }
0x13e: {  	[tilespmem:s29], [sflag:$0x5] =	stream.linear.gather [spmem:s31], $0x38, $0x38;
	[tilespmem:$0x3798] =	vst v63  }
0x13f: {  	_ =	swait.ge [sflag:s28], $0x38  }
0x140: {  	[sflag:s28] =	ssyncset.done $0x0  }
0x141: {  	s25 =	rddreg [dreg:$0xa];
	[sflag:s28] =	ssyncadd.s32 $0xFFFFFFC8  }
0x142: {  	[hbm4b:s25+s6] =	stream.linear.scatter [tilespmem:s29], [sflag:$0x5], $0x38, $0x38;
	[tilespmem:$0x3798] =	vst v63  }
0x143: {  	_ =	swait.ge [sflag:s28], $0x38  }
0x144: {  	s21 =	sadd.s32 $0x1, s21;
	s30 =	rddreg [dreg:$0xb]  }
0x145: {  	p0 =	sne.s32 s21, s30  }
.Ltmp3:
0x146: {  	_ = 	snop;
	(pc) =	sbr.rel @p0 .LBB2_1-.Ltmp3, $3  }
0x147: {  	_ =	sdelay $0x1  }
0x148: {  	[sflag:s28] =	ssyncset.done $0x0  }
0x149: {  	[sflag:s28] =	ssyncadd.s32 $0xFFFFFFC8  }
0x14a: {  	_ =	sfence.sel $0x180000  }
0x14b: {  	[bflag:$0x0] =	sbarrier.arrive $0xFFFF  }
0x14c: {  	_ =	strace $0x90000047  }
0x14d: {  	s0 =	stileid.u32;
	[bflag:$0x2] =	sbarrier.arrive $0xFFFF  }
0x14e: {  	p0 =	sne.s32 s0, $0x0;
	s0 =	rddreg [dreg:$0x5]  }
0x14f: {  	s0 =	sadd.s32 @!p0 $0x100000, s0  }
0x150: {  	[sflag:s0] =	ssyncadd.tile.s32 @!p0 $0x1;
	_ =	shalt  }
.Lfunc_end2:
_tile_overlayer_lowered:
.L_overlay_start_2:
0x151: {  	(tag) =	ssettag $0x2  }
0x152: {  	s0 =	rddreg [dreg:$0x0];
	s2 =	stileid.u32  }
0x153: {  	s1 =	rddreg [dreg:$0x1];
	p0 =	sne.s32 s2, $0x0  }
0x154: {  	s3 =	rddreg [dreg:$0x2];
	[bflag:$0x3] =	sbarrier.arrive $0xFFFF;
	s2 =	simm.s32 @!p0 $0x1C05  }
0x155: {  	[timem:s3], [sflag:s2] =	dma.local @!p0 [hbm:s0], s1  }
0x156: {  	s0 =	simm.s32 @!p0 $0x5  }
0x157: {  	_ =	swait.ge @!p0 [sflag:s0], s1  }
0x158: {  	s1 =	ssub.s32 @!p0 $0x0, s1;
	[sflag:s0] =	ssyncset.done @!p0 $0x0  }
0x159: {  	[sflag:s0] =	ssyncadd.s32 @!p0 s1  }
0x15a: {  	[bflag:$0x3] =	sbarrier.arrive $0xFFFF  }
0x15b: {  	_ =	shalt  }

</sc_bundles>
